<compile_context>
chip_gen: v7x
topology: tpu7x:2x2x1
jax: 0.10.2.dev20260603
libtpu: 0.0.44.dev20260713+nightly
codegen_flags: <defaults>
</compile_context>

<pallas_src>
import jax
import jax.numpy as jnp
from jax import lax
from jax.experimental import pallas as pl
from jax.experimental.pallas import tpu as pltpu
from jax.experimental.pallas import tpu_sc as plsc

N = 50000
NP = 52000
E = 800000
NSUB = 16
RPT = 51200 // NSUB
NA = 50048
RPTA = NA // NSUB
ZR = 64
R = 2000
G = N // R
NPB = NP // R
F32 = jnp.float32
_SC_PARAMS = pltpu.CompilerParams(use_tc_tiling_on_sc=False)


def _zero_fill(buf, rows, d):
    z = jnp.zeros((16,), F32)

    def row(i, _):
        for j in range(d // 16):
            buf[i, pl.ds(16 * j, 16)] = z
        return 0

    lax.fori_loop(0, rows, row, 0)


def _zero_acc_slice(acc, zbuf, rlo, rows):
    for k in range(rows // ZR):
        pltpu.sync_copy(zbuf, acc.at[pl.ds(rlo + k * ZR, ZR)])
    rem = rows % ZR
    if rem:
        pltpu.sync_copy(zbuf.at[pl.ds(0, rem)],
                        acc.at[pl.ds(rlo + (rows // ZR) * ZR, rem)])


def _sel8(core, a, b):
    return pl.multiple_of(jnp.where(core == 0, a, b), 8)


def _sc_agg(n_g, n_out, D, B, rounds, ecount):
    mesh = plsc.VectorSubcoreMesh(core_axis_name="c", subcore_axis_name="s")
    out_type = jax.ShapeDtypeStruct((n_out * NP, D), F32)
    scratch = [
        pltpu.VMEM((B,), jnp.int32),
        pltpu.VMEM((B,), jnp.int32),
        pltpu.VMEM((B,), jnp.int32),
        pltpu.VMEM((B,), jnp.int32),
        pltpu.VMEM((B, D), F32),
        pltpu.VMEM((B, D), F32),
        pltpu.VMEM_SHARED((NA, D), F32),
    ] + [pltpu.SemaphoreType.DMA] * 6
    per = ecount // NSUB
    nblk = per // B
    assert nblk * B == per and B % 8 == 0
    pairs, odd = nblk // 2, nblk % 2

    def body(g_hbm, src_hbm, dst_hbm, out,
             srcb0, dstb0, srcb1, dstb1, msg0, msg1, acc,
             si0, si1, sg0, sg1, ss0, ss1):
        core = lax.axis_index("c")
        sub = lax.axis_index("s")
        rlo = sub * RPTA

        def idx_start(a, sb, db, sem):
            off = pl.multiple_of(a, 8)
            pltpu.async_copy(src_hbm.at[pl.ds(off, B)], sb, sem)
            pltpu.async_copy(dst_hbm.at[pl.ds(off, B)], db, sem)

        def idx_wait(sb, db, sem):
            pltpu.make_async_copy(src_hbm.at[pl.ds(0, B)], sb, sem).wait()
            pltpu.make_async_copy(dst_hbm.at[pl.ds(0, B)], db, sem).wait()

        for (c0, i0, o0, elo0), (c1, i1, o1, elo1) in rounds:
            cidx = jnp.where(core == 0, c0, c1)
            iidx = jnp.where(core == 0, i0, i1)
            obase = _sel8(core, o0 * NP, o1 * NP)
            elo = _sel8(core, elo0, elo1)
            pltpu.sync_copy(g_hbm.at[iidx].at[pl.ds(rlo, RPTA)],
                            acc.at[pl.ds(rlo, RPTA)])
            plsc.subcore_barrier()
            e0 = elo + sub * per

            def off(a):
                return e0 + jnp.minimum(a, nblk - 1) * B

            def gref(sb):
                return g_hbm.at[cidx].at[sb]

            def gat(sb, m, sem):
                pltpu.async_copy(gref(sb), m, sem)

            def gat_wait(sb, m, sem):
                pltpu.make_async_copy(gref(sb), m, sem).wait()

            def sca(m, db, sem):
                pltpu.async_copy(m, acc.at[db], sem, add=True)

            def sca_wait(m, db, sem):
                pltpu.make_async_copy(m, acc.at[db], sem).wait()

            idx_start(off(0), srcb0, dstb0, si0)
            idx_wait(srcb0, dstb0, si0)
            idx_start(off(1), srcb1, dstb1, si1)
            gat(srcb0, msg0, sg0)

            def pair(k, _):
                a = 2 * k
                gat_wait(srcb0, msg0, sg0)
                sca(msg0, dstb0, ss0)
                idx_wait(srcb1, dstb1, si1)
                gat(srcb1, msg1, sg1)
                sca_wait(msg0, dstb0, ss0)
                idx_start(off(a + 2), srcb0, dstb0, si0)
                gat_wait(srcb1, msg1, sg1)
                sca(msg1, dstb1, ss1)
                idx_wait(srcb0, dstb0, si0)
                gat(srcb0, msg0, sg0)
                sca_wait(msg1, dstb1, ss1)
                idx_start(off(a + 3), srcb1, dstb1, si1)
                return 0

            lax.fori_loop(0, pairs, pair, 0)
            gat_wait(srcb0, msg0, sg0)
            if odd:
                sca(msg0, dstb0, ss0)
                sca_wait(msg0, dstb0, ss0)
            idx_wait(srcb1, dstb1, si1)
            plsc.subcore_barrier()
            pltpu.sync_copy(acc.at[pl.ds(rlo, RPTA)],
                            out.at[pl.ds(obase + rlo, RPTA)])

    return pl.kernel(body, out_type=out_type, mesh=mesh,
                     scratch_types=scratch, compiler_params=_SC_PARAMS)


def _sc_hist(B=1000):
    D = 16
    mesh = plsc.VectorSubcoreMesh(core_axis_name="c", subcore_axis_name="s")
    out_type = jax.ShapeDtypeStruct((2 * NP, D), F32)
    scratch = [
        pltpu.VMEM((B,), jnp.int32),
        pltpu.VMEM((B, D), F32),
        pltpu.VMEM((ZR, D), F32),
        pltpu.VMEM_SHARED((RPT * NSUB, D), F32),
    ]
    per = (E // 2) // NSUB

    def body(dst_hbm, out, dstb, ones, zbuf, acc):
        core = lax.axis_index("c")
        sub = lax.axis_index("s")
        _zero_fill(zbuf, ZR, D)
        o = jnp.ones((16,), F32)

        def orow(i, _):
            ones[i, pl.ds(0, 16)] = o
            return 0

        lax.fori_loop(0, B, orow, 0)

        rlo = sub * RPT
        _zero_acc_slice(acc, zbuf, rlo, RPT)
        plsc.subcore_barrier()
        e0 = core * (E // 2) + sub * per

        def blk(i, _):
            off = pl.multiple_of(e0 + i * B, 8)
            pltpu.sync_copy(dst_hbm.at[pl.ds(off, B)], dstb)
            pltpu.sync_copy(ones, acc.at[dstb], add=True)
            return 0

        lax.fori_loop(0, per // B, blk, 0)
        plsc.subcore_barrier()
        obase = pl.multiple_of(core * NP, 8)
        pltpu.sync_copy(acc.at[pl.ds(rlo, RPT)],
                        out.at[pl.ds(obase + rlo, RPT)])

    return pl.kernel(body, out_type=out_type, mesh=mesh,
                     scratch_types=scratch, compiler_params=_SC_PARAMS)


def _rowspec(d, base_blocks=0):
    if base_blocks:
        return pl.BlockSpec((R, d), lambda i, b=base_blocks: (b + i, 0))
    return pl.BlockSpec((R, d), lambda i: (i, 0))


def _fullspec(r, c):
    return pl.BlockSpec((r, c), lambda i: (0, 0))


def _tc1(hist, x):

    def body(h0_, h1_, x_, dinv, g0):
        deg = h0_[:, 0:1] + h1_[:, 0:1] + 1.0
        di = lax.rsqrt(deg)
        dinv[...] = di
        g = x_[...] * di
        g0[...] = jnp.stack(
            [g[:, 0:32],
             jnp.concatenate([g[:, 32:58], jnp.zeros((R, 6), F32)], axis=1)])

    return pl.pallas_call(
        body,
        grid=(G,),
        in_specs=[_rowspec(16), _rowspec(16, NPB), _rowspec(58)],
        out_specs=[_rowspec(1), pl.BlockSpec((2, R, 32), lambda i: (0, i, 0))],
        out_shape=[jax.ShapeDtypeStruct((N, 1), F32),
                   jax.ShapeDtypeStruct((2, NA, 32), F32)],
    )(hist, hist, x)


def _tc2(s0, dinv, W1p, b1p, W2p):

    def body(s0a, s0b, di_, W1_, b1_, W2_, g1):
        di = di_[...]
        a = jnp.concatenate([s0a[...], s0b[...]], axis=1) * di
        h = jnp.maximum(
            jnp.dot(a, W1_[...], preferred_element_type=F32) + b1_[...], 0.0)
        p = jnp.dot(h, W2_[...], preferred_element_type=F32) * di
        g1[...] = jnp.stack([p[:, 32 * c:32 * c + 32] for c in range(4)])

    return pl.pallas_call(
        body,
        grid=(G,),
        in_specs=[_rowspec(32), _rowspec(32, NPB),
                  _rowspec(1), _fullspec(64, 384), _fullspec(1, 384),
                  _fullspec(384, 128)],
        out_specs=[pl.BlockSpec((4, R, 32), lambda i: (0, i, 0))],
        out_shape=[jax.ShapeDtypeStruct((4, NA, 32), F32)],
    )(s0, s0, dinv, W1p, b1p, W2p)


def _tc3(s1a, s1b, dinv, b2p, W3p):

    def body(sa, sb, sc, sd, di_, b2_, W3_, out):
        di = di_[...]
        a = jnp.concatenate(
            [sa[...], sb[...], sc[...], sd[...]], axis=1) * di
        h = jnp.maximum(a + b2_[...], 0.0)
        g2 = jnp.dot(h, W3_[...], preferred_element_type=F32) * di
        out[...] = jnp.stack([g2, jnp.zeros((R, 16), F32)])

    return pl.pallas_call(
        body,
        grid=(G,),
        in_specs=[_rowspec(32), _rowspec(32, NPB), _rowspec(32),
                  _rowspec(32, NPB),
                  _rowspec(1), _fullspec(1, 128), _fullspec(128, 16)],
        out_specs=[pl.BlockSpec((2, R, 16), lambda i: (0, i, 0))],
        out_shape=[jax.ShapeDtypeStruct((2, NA, 16), F32)],
    )(s1a, s1a, s1b, s1b, dinv, b2p, W3p)


def _tc4(s2, dinv, b3p):

    def body(sa, sb, di_, b3_, out):
        t = (sa[...] + sb[...]) * di_[...]
        out[...] = t[:, 0:1] + b3_[...]

    return pl.pallas_call(
        body,
        grid=(G,),
        in_specs=[_rowspec(16), _rowspec(16, NPB), _rowspec(1),
                  _fullspec(1, 1)],
        out_specs=[_rowspec(1)],
        out_shape=[jax.ShapeDtypeStruct((N, 1), F32)],
    )(s2, s2, dinv, b3p)


_hist = _sc_hist()
_agg1 = _sc_agg(n_g=2, n_out=2, D=32, B=400,
                rounds=[((0, 0, 0, 0), (1, 1, 1, 0))], ecount=E)
_agg2a = _sc_agg(n_g=4, n_out=2, D=32, B=400,
                 rounds=[((0, 0, 0, 0), (1, 1, 1, 0))], ecount=E)
_agg2b = _sc_agg(n_g=4, n_out=2, D=32, B=400,
                 rounds=[((2, 2, 0, 0), (3, 3, 1, 0))], ecount=E)
_agg3 = _sc_agg(n_g=2, n_out=2, D=16, B=1000,
                rounds=[((0, 0, 0, 0), (0, 1, 1, E // 2))], ecount=E // 2)


def kernel(x, edge_index, W1, b1, W2, b2, W3, b3):
    src = edge_index[0]
    dst = edge_index[1]
    W1p = jnp.zeros((64, 384), F32).at[:58, :300].set(W1)
    b1p = jnp.zeros((1, 384), F32).at[0, :300].set(b1)
    W2p = jnp.zeros((384, 128), F32).at[:300, :100].set(W2)
    b2p = jnp.zeros((1, 128), F32).at[0, :100].set(b2)
    W3p = jnp.zeros((128, 16), F32).at[:100, 0:1].set(W3)
    b3p = b3.reshape(1, 1)

    hist = _hist(dst)
    dinv, g0 = _tc1(hist, x)
    s0 = _agg1(g0, src, dst)
    (g1,) = _tc2(s0, dinv, W1p, b1p, W2p)
    s1a = _agg2a(g1, src, dst)
    s1b = _agg2b(g1, src, dst)
    (g2z,) = _tc3(s1a, s1b, dinv, b2p, W3p)
    s2 = _agg3(g2z, src, dst)
    (out,) = _tc4(s2, dinv, b3p)
    return out

# --- scband reference (transcript-rebuilt; emitter-appended) ---
"""Pipeline reference for scband-gcnnet-40956808135250 (READ-ONLY COPY).

The authoritative reference and input builder live on the scoring server;
editing this copy changes nothing except your own understanding.
"""

import jax, jax.numpy as jnp
import numpy as np

N_NODES = 50000
N_EDGES = 800000


def gcn_conv(x, edge_index, W, b):
    # Faithful PyG GCNConv: add self-loops, symmetric normalization, linear, scatter-add.
    N = x.shape[0]
    loops = jnp.arange(N, dtype=edge_index.dtype)
    src = jnp.concatenate([edge_index[0], loops])
    dst = jnp.concatenate([edge_index[1], loops])
    deg = jax.ops.segment_sum(jnp.ones(src.shape[0], dtype=x.dtype), dst, num_segments=N)
    dinv = jnp.where(deg > 0, jax.lax.rsqrt(deg), 0.0)
    norm = dinv[src] * dinv[dst]
    h = x @ W
    msg = h[src] * norm[:, None]
    out = jax.ops.segment_sum(msg, dst, num_segments=N)
    return out + b


def setup_inputs(seed: int = 0) -> dict:
    key = jax.random.key(seed)
    ks = jax.random.split(key, 9)
    x = jax.random.normal(ks[0], (N_NODES, 58), dtype=jnp.float32)
    edge_index = jax.random.randint(ks[1], (2, N_EDGES), 0, N_NODES, dtype=jnp.int32)
    # GCNConv(58, 300) -> GCNConv(300, 100) -> GCNConv(100, 1) parameters (glorot-scaled)
    W1 = jax.random.normal(ks[2], (58, 300), dtype=jnp.float32) * (1.0 / np.sqrt(58))
    b1 = jnp.zeros((300,), dtype=jnp.float32)
    W2 = jax.random.normal(ks[3], (300, 100), dtype=jnp.float32) * (1.0 / np.sqrt(300))
    b2 = jnp.zeros((100,), dtype=jnp.float32)
    W3 = jax.random.normal(ks[4], (100, 1), dtype=jnp.float32) * (1.0 / np.sqrt(100))
    b3 = jnp.zeros((1,), dtype=jnp.float32)
    return {"x": x, "edge_index": edge_index, "W1": W1, "b1": b1, "W2": W2, "b2": b2, "W3": W3, "b3": b3}


def reference(x, edge_index, W1, b1, W2, b2, W3, b3):
    # Dropout layers are identity in eval mode (inference reference).
    h = jnp.maximum(gcn_conv(x, edge_index, W1, b1), 0.0)
    h = jnp.maximum(gcn_conv(h, edge_index, W2, b2), 0.0)
    out = gcn_conv(h, edge_index, W3, b3)
    return out

if __name__ == "__main__":
    import jax
    _d = setup_inputs()
    print(jax.jit(kernel)(*tuple(_d.values())))

</pallas_src>

<mosaic_0001>
#map = affine_map<(d0, d1) -> (0)>
#map1 = affine_map<(d0, d1) -> (0, 0)>
module attributes {stable_mosaic.version = 14 : i64} {
  func.func @body(%arg0: i32, %arg1: i32, %arg2: memref<800000xi32, #tpu.memory_space<hbm>>, %arg3: memref<104000x16xf32, #tpu.memory_space<hbm>>, %arg4: memref<1000xi32, #tpu.memory_space<vmem>>, %arg5: memref<1000x16xf32, #tpu.memory_space<vmem>>, %arg6: memref<64x16xf32, #tpu.memory_space<vmem>>, %arg7: memref<51200x16xf32, #tpu.memory_space<vmem_shared>>) attributes {dimension_semantics = [#tpu.dimension_semantics<core_parallel>, #tpu.dimension_semantics<subcore_parallel>], iteration_bounds = array<i64: 2, 16>, scalar_prefetch = 0 : i64, scratch_operands = 4 : i64, tpu.core_type = #tpu.core_type<sc_vector_subcore>, window_params = [{transform_indices = #map}, {transform_indices = #map1}]} {
    %broadcast_in_dim3A = arith.constant 0.000000e+00 : f32
    %broadcast_in_dim3A_0 = vector.broadcast %broadcast_in_dim3A : f32 to vector<16xf32>
    %scan3A = arith.constant 0 : i32
    %scan3A_1 = arith.constant 0 : i32
    %scan3A_2 = arith.constant 64 : i32
    %scan3A_3 = arith.addi %scan3A_1, %scan3A_2 : i32
    %scan3A_4 = arith.constant 1 : i32
    %scan3A_5 = scf.for %scan3A_132 = %scan3A_1 to %scan3A_3 step %scan3A_4 iter_args(%scan3A_133 = %scan3A) -> (i32)  : i32 {
      %swap3A = arith.index_cast %scan3A_132 : i32 to index
      %swap3A_134 = arith.constant 0 : index
      %swap3A_135 = tpu.vector_load %arg6[%swap3A, %swap3A_134] {strides = array<i32>} : memref<64x16xf32, #tpu.memory_space<vmem>>, vector<1x16xf32>,
      %swap3A_136 = vector.shape_cast %swap3A_135 : vector<1x16xf32> to vector<16xf32>
      %swap3A_137 = vector.shape_cast %broadcast_in_dim3A_0 : vector<16xf32> to vector<1x16xf32>
      tpu.vector_store %arg6[%swap3A, %swap3A_134], %swap3A_137 {strides = array<i32>} : memref<64x16xf32, #tpu.memory_space<vmem>>, vector<1x16xf32>,
      %scan3A_138 = arith.constant 0 : i32
      scf.yield %scan3A_138 : i32
    }
    %scan3A_6 = arith.constant 64 : i32
    %broadcast_in_dim3A_7 = arith.constant 1.000000e+00 : f32
    %broadcast_in_dim3A_8 = vector.broadcast %broadcast_in_dim3A_7 : f32 to vector<16xf32>
    %scan3A_9 = arith.constant 0 : i32
    %scan3A_10 = arith.constant 0 : i32
    %scan3A_11 = arith.constant 1000 : i32
    %scan3A_12 = arith.addi %scan3A_10, %scan3A_11 : i32
    %scan3A_13 = arith.constant 1 : i32
    %scan3A_14 = scf.for %scan3A_132 = %scan3A_10 to %scan3A_12 step %scan3A_13 iter_args(%scan3A_133 = %scan3A_9) -> (i32)  : i32 {
      %swap3A = arith.index_cast %scan3A_132 : i32 to index
      %swap3A_134 = arith.constant 0 : index
      %swap3A_135 = tpu.vector_load %arg5[%swap3A, %swap3A_134] {strides = array<i32>} : memref<1000x16xf32, #tpu.memory_space<vmem>>, vector<1x16xf32>,
      %swap3A_136 = vector.shape_cast %swap3A_135 : vector<1x16xf32> to vector<16xf32>
      %swap3A_137 = vector.shape_cast %broadcast_in_dim3A_8 : vector<16xf32> to vector<1x16xf32>
      tpu.vector_store %arg5[%swap3A, %swap3A_134], %swap3A_137 {strides = array<i32>} : memref<1000x16xf32, #tpu.memory_space<vmem>>, vector<1x16xf32>,
      %scan3A_138 = arith.constant 0 : i32
      scf.yield %scan3A_138 : i32
    }
    %scan3A_15 = arith.constant 1000 : i32
    %mul3A = arith.constant 3200 : i32
    %mul3A_16 = arith.muli %arg1, %mul3A : i32
    %add3A = arith.constant 0 : i32
    %add3A_17 = arith.addi %mul3A_16, %add3A : i32
    "tpu.region"() ({
      %run_scoped3A = tpu.sem_alloc : memref<!tpu.dma_semaphore, #tpu.memory_space<semaphore_mem>>
      %dma_start3A = arith.constant 0 : i32
      %dma_start3A_132 = tpu.memref_slice %arg7[%add3A_17, %dma_start3A] : memref<51200x16xf32, #tpu.memory_space<vmem_shared>> -> memref<64x16xf32, #tpu.memory_space<vmem_shared>>
      %dma_start3A_133 = arith.constant 0 : i32
      %dma_start3A_134 = tpu.memref_slice %arg7[%add3A_17, %dma_start3A_133] : memref<51200x16xf32, #tpu.memory_space<vmem_shared>> -> memref<64x16xf32, #tpu.memory_space<vmem_shared>>
      tpu.enqueue_dma source(%arg6 : memref<64x16xf32, #tpu.memory_space<vmem>>) target(%dma_start3A_134 : memref<64x16xf32, #tpu.memory_space<vmem_shared>>) target_semaphore(%run_scoped3A : memref<!tpu.dma_semaphore, #tpu.memory_space<semaphore_mem>>)
      %dma_wait3A = arith.constant 0 : i32
      %dma_wait3A_135 = tpu.memref_slice %arg7[%add3A_17, %dma_wait3A] : memref<51200x16xf32, #tpu.memory_space<vmem_shared>> -> memref<64x16xf32, #tpu.memory_space<vmem_shared>>
      %dma_wait3A_136 = arith.constant 0 : i32
      %dma_wait3A_137 = tpu.memref_slice %arg7[%add3A_17, %dma_wait3A_136] : memref<51200x16xf32, #tpu.memory_space<vmem_shared>> -> memref<64x16xf32, #tpu.memory_space<vmem_shared>>
      tpu.wait_dma2 semaphore(%run_scoped3A : memref<!tpu.dma_semaphore, #tpu.memory_space<semaphore_mem>>) src(%arg6 : memref<64x16xf32, #tpu.memory_space<vmem>>) dst(%dma_wait3A_137 : memref<64x16xf32, #tpu.memory_space<vmem_shared>>)
      tpu.yield
    }) : () -> ()
    %add3A_18 = arith.constant 64 : i32
    %add3A_19 = arith.addi %mul3A_16, %add3A_18 : i32
    "tpu.region"() ({
      %run_scoped3A = tpu.sem_alloc : memref<!tpu.dma_semaphore, #tpu.memory_space<semaphore_mem>>
      %dma_start3A = arith.constant 0 : i32
      %dma_start3A_132 = tpu.memref_slice %arg7[%add3A_19, %dma_start3A] : memref<51200x16xf32, #tpu.memory_space<vmem_shared>> -> memref<64x16xf32, #tpu.memory_space<vmem_shared>>
      %dma_start3A_133 = arith.constant 0 : i32
      %dma_start3A_134 = tpu.memref_slice %arg7[%add3A_19, %dma_start3A_133] : memref<51200x16xf32, #tpu.memory_space<vmem_shared>> -> memref<64x16xf32, #tpu.memory_space<vmem_shared>>
      tpu.enqueue_dma source(%arg6 : memref<64x16xf32, #tpu.memory_space<vmem>>) target(%dma_start3A_134 : memref<64x16xf32, #tpu.memory_space<vmem_shared>>) target_semaphore(%run_scoped3A : memref<!tpu.dma_semaphore, #tpu.memory_space<semaphore_mem>>)
      %dma_wait3A = arith.constant 0 : i32
      %dma_wait3A_135 = tpu.memref_slice %arg7[%add3A_19, %dma_wait3A] : memref<51200x16xf32, #tpu.memory_space<vmem_shared>> -> memref<64x16xf32, #tpu.memory_space<vmem_shared>>
      %dma_wait3A_136 = arith.constant 0 : i32
      %dma_wait3A_137 = tpu.memref_slice %arg7[%add3A_19, %dma_wait3A_136] : memref<51200x16xf32, #tpu.memory_space<vmem_shared>> -> memref<64x16xf32, #tpu.memory_space<vmem_shared>>
      tpu.wait_dma2 semaphore(%run_scoped3A : memref<!tpu.dma_semaphore, #tpu.memory_space<semaphore_mem>>) src(%arg6 : memref<64x16xf32, #tpu.memory_space<vmem>>) dst(%dma_wait3A_137 : memref<64x16xf32, #tpu.memory_space<vmem_shared>>)
      tpu.yield
    }) : () -> ()
    %add3A_20 = arith.constant 128 : i32
    %add3A_21 = arith.addi %mul3A_16, %add3A_20 : i32
    "tpu.region"() ({
      %run_scoped3A = tpu.sem_alloc : memref<!tpu.dma_semaphore, #tpu.memory_space<semaphore_mem>>
      %dma_start3A = arith.constant 0 : i32
      %dma_start3A_132 = tpu.memref_slice %arg7[%add3A_21, %dma_start3A] : memref<51200x16xf32, #tpu.memory_space<vmem_shared>> -> memref<64x16xf32, #tpu.memory_space<vmem_shared>>
      %dma_start3A_133 = arith.constant 0 : i32
      %dma_start3A_134 = tpu.memref_slice %arg7[%add3A_21, %dma_start3A_133] : memref<51200x16xf32, #tpu.memory_space<vmem_shared>> -> memref<64x16xf32, #tpu.memory_space<vmem_shared>>
      tpu.enqueue_dma source(%arg6 : memref<64x16xf32, #tpu.memory_space<vmem>>) target(%dma_start3A_134 : memref<64x16xf32, #tpu.memory_space<vmem_shared>>) target_semaphore(%run_scoped3A : memref<!tpu.dma_semaphore, #tpu.memory_space<semaphore_mem>>)
      %dma_wait3A = arith.constant 0 : i32
      %dma_wait3A_135 = tpu.memref_slice %arg7[%add3A_21, %dma_wait3A] : memref<51200x16xf32, #tpu.memory_space<vmem_shared>> -> memref<64x16xf32, #tpu.memory_space<vmem_shared>>
      %dma_wait3A_136 = arith.constant 0 : i32
      %dma_wait3A_137 = tpu.memref_slice %arg7[%add3A_21, %dma_wait3A_136] : memref<51200x16xf32, #tpu.memory_space<vmem_shared>> -> memref<64x16xf32, #tpu.memory_space<vmem_shared>>
      tpu.wait_dma2 semaphore(%run_scoped3A : memref<!tpu.dma_semaphore, #tpu.memory_space<semaphore_mem>>) src(%arg6 : memref<64x16xf32, #tpu.memory_space<vmem>>) dst(%dma_wait3A_137 : memref<64x16xf32, #tpu.memory_space<vmem_shared>>)
      tpu.yield
    }) : () -> ()
    %add3A_22 = arith.constant 192 : i32
    %add3A_23 = arith.addi %mul3A_16, %add3A_22 : i32
    "tpu.region"() ({
      %run_scoped3A = tpu.sem_alloc : memref<!tpu.dma_semaphore, #tpu.memory_space<semaphore_mem>>
      %dma_start3A = arith.constant 0 : i32
      %dma_start3A_132 = tpu.memref_slice %arg7[%add3A_23, %dma_start3A] : memref<51200x16xf32, #tpu.memory_space<vmem_shared>> -> memref<64x16xf32, #tpu.memory_space<vmem_shared>>
      %dma_start3A_133 = arith.constant 0 : i32
      %dma_start3A_134 = tpu.memref_slice %arg7[%add3A_23, %dma_start3A_133] : memref<51200x16xf32, #tpu.memory_space<vmem_shared>> -> memref<64x16xf32, #tpu.memory_space<vmem_shared>>
      tpu.enqueue_dma source(%arg6 : memref<64x16xf32, #tpu.memory_space<vmem>>) target(%dma_start3A_134 : memref<64x16xf32, #tpu.memory_space<vmem_shared>>) target_semaphore(%run_scoped3A : memref<!tpu.dma_semaphore, #tpu.memory_space<semaphore_mem>>)
      %dma_wait3A = arith.constant 0 : i32
      %dma_wait3A_135 = tpu.memref_slice %arg7[%add3A_23, %dma_wait3A] : memref<51200x16xf32, #tpu.memory_space<vmem_shared>> -> memref<64x16xf32, #tpu.memory_space<vmem_shared>>
      %dma_wait3A_136 = arith.constant 0 : i32
      %dma_wait3A_137 = tpu.memref_slice %arg7[%add3A_23, %dma_wait3A_136] : memref<51200x16xf32, #tpu.memory_space<vmem_shared>> -> memref<64x16xf32, #tpu.memory_space<vmem_shared>>
      tpu.wait_dma2 semaphore(%run_scoped3A : memref<!tpu.dma_semaphore, #tpu.memory_space<semaphore_mem>>) src(%arg6 : memref<64x16xf32, #tpu.memory_space<vmem>>) dst(%dma_wait3A_137 : memref<64x16xf32, #tpu.memory_space<vmem_shared>>)
      tpu.yield
    }) : () -> ()
    %add3A_24 = arith.constant 256 : i32
    %add3A_25 = arith.addi %mul3A_16, %add3A_24 : i32
    "tpu.region"() ({
      %run_scoped3A = tpu.sem_alloc : memref<!tpu.dma_semaphore, #tpu.memory_space<semaphore_mem>>
      %dma_start3A = arith.constant 0 : i32
      %dma_start3A_132 = tpu.memref_slice %arg7[%add3A_25, %dma_start3A] : memref<51200x16xf32, #tpu.memory_space<vmem_shared>> -> memref<64x16xf32, #tpu.memory_space<vmem_shared>>
      %dma_start3A_133 = arith.constant 0 : i32
      %dma_start3A_134 = tpu.memref_slice %arg7[%add3A_25, %dma_start3A_133] : memref<51200x16xf32, #tpu.memory_space<vmem_shared>> -> memref<64x16xf32, #tpu.memory_space<vmem_shared>>
      tpu.enqueue_dma source(%arg6 : memref<64x16xf32, #tpu.memory_space<vmem>>) target(%dma_start3A_134 : memref<64x16xf32, #tpu.memory_space<vmem_shared>>) target_semaphore(%run_scoped3A : memref<!tpu.dma_semaphore, #tpu.memory_space<semaphore_mem>>)
      %dma_wait3A = arith.constant 0 : i32
      %dma_wait3A_135 = tpu.memref_slice %arg7[%add3A_25, %dma_wait3A] : memref<51200x16xf32, #tpu.memory_space<vmem_shared>> -> memref<64x16xf32, #tpu.memory_space<vmem_shared>>
      %dma_wait3A_136 = arith.constant 0 : i32
      %dma_wait3A_137 = tpu.memref_slice %arg7[%add3A_25, %dma_wait3A_136] : memref<51200x16xf32, #tpu.memory_space<vmem_shared>> -> memref<64x16xf32, #tpu.memory_space<vmem_shared>>
      tpu.wait_dma2 semaphore(%run_scoped3A : memref<!tpu.dma_semaphore, #tpu.memory_space<semaphore_mem>>) src(%arg6 : memref<64x16xf32, #tpu.memory_space<vmem>>) dst(%dma_wait3A_137 : memref<64x16xf32, #tpu.memory_space<vmem_shared>>)
      tpu.yield
    }) : () -> ()
    %add3A_26 = arith.constant 320 : i32
    %add3A_27 = arith.addi %mul3A_16, %add3A_26 : i32
    "tpu.region"() ({
      %run_scoped3A = tpu.sem_alloc : memref<!tpu.dma_semaphore, #tpu.memory_space<semaphore_mem>>
      %dma_start3A = arith.constant 0 : i32
      %dma_start3A_132 = tpu.memref_slice %arg7[%add3A_27, %dma_start3A] : memref<51200x16xf32, #tpu.memory_space<vmem_shared>> -> memref<64x16xf32, #tpu.memory_space<vmem_shared>>
      %dma_start3A_133 = arith.constant 0 : i32
      %dma_start3A_134 = tpu.memref_slice %arg7[%add3A_27, %dma_start3A_133] : memref<51200x16xf32, #tpu.memory_space<vmem_shared>> -> memref<64x16xf32, #tpu.memory_space<vmem_shared>>
      tpu.enqueue_dma source(%arg6 : memref<64x16xf32, #tpu.memory_space<vmem>>) target(%dma_start3A_134 : memref<64x16xf32, #tpu.memory_space<vmem_shared>>) target_semaphore(%run_scoped3A : memref<!tpu.dma_semaphore, #tpu.memory_space<semaphore_mem>>)
      %dma_wait3A = arith.constant 0 : i32
      %dma_wait3A_135 = tpu.memref_slice %arg7[%add3A_27, %dma_wait3A] : memref<51200x16xf32, #tpu.memory_space<vmem_shared>> -> memref<64x16xf32, #tpu.memory_space<vmem_shared>>
      %dma_wait3A_136 = arith.constant 0 : i32
      %dma_wait3A_137 = tpu.memref_slice %arg7[%add3A_27, %dma_wait3A_136] : memref<51200x16xf32, #tpu.memory_space<vmem_shared>> -> memref<64x16xf32, #tpu.memory_space<vmem_shared>>
      tpu.wait_dma2 semaphore(%run_scoped3A : memref<!tpu.dma_semaphore, #tpu.memory_space<semaphore_mem>>) src(%arg6 : memref<64x16xf32, #tpu.memory_space<vmem>>) dst(%dma_wait3A_137 : memref<64x16xf32, #tpu.memory_space<vmem_shared>>)
      tpu.yield
    }) : () -> ()
    %add3A_28 = arith.constant 384 : i32
    %add3A_29 = arith.addi %mul3A_16, %add3A_28 : i32
    "tpu.region"() ({
      %run_scoped3A = tpu.sem_alloc : memref<!tpu.dma_semaphore, #tpu.memory_space<semaphore_mem>>
      %dma_start3A = arith.constant 0 : i32
      %dma_start3A_132 = tpu.memref_slice %arg7[%add3A_29, %dma_start3A] : memref<51200x16xf32, #tpu.memory_space<vmem_shared>> -> memref<64x16xf32, #tpu.memory_space<vmem_shared>>
      %dma_start3A_133 = arith.constant 0 : i32
      %dma_start3A_134 = tpu.memref_slice %arg7[%add3A_29, %dma_start3A_133] : memref<51200x16xf32, #tpu.memory_space<vmem_shared>> -> memref<64x16xf32, #tpu.memory_space<vmem_shared>>
      tpu.enqueue_dma source(%arg6 : memref<64x16xf32, #tpu.memory_space<vmem>>) target(%dma_start3A_134 : memref<64x16xf32, #tpu.memory_space<vmem_shared>>) target_semaphore(%run_scoped3A : memref<!tpu.dma_semaphore, #tpu.memory_space<semaphore_mem>>)
      %dma_wait3A = arith.constant 0 : i32
      %dma_wait3A_135 = tpu.memref_slice %arg7[%add3A_29, %dma_wait3A] : memref<51200x16xf32, #tpu.memory_space<vmem_shared>> -> memref<64x16xf32, #tpu.memory_space<vmem_shared>>
      %dma_wait3A_136 = arith.constant 0 : i32
      %dma_wait3A_137 = tpu.memref_slice %arg7[%add3A_29, %dma_wait3A_136] : memref<51200x16xf32, #tpu.memory_space<vmem_shared>> -> memref<64x16xf32, #tpu.memory_space<vmem_shared>>
      tpu.wait_dma2 semaphore(%run_scoped3A : memref<!tpu.dma_semaphore, #tpu.memory_space<semaphore_mem>>) src(%arg6 : memref<64x16xf32, #tpu.memory_space<vmem>>) dst(%dma_wait3A_137 : memref<64x16xf32, #tpu.memory_space<vmem_shared>>)
      tpu.yield
    }) : () -> ()
    %add3A_30 = arith.constant 448 : i32
    %add3A_31 = arith.addi %mul3A_16, %add3A_30 : i32
    "tpu.region"() ({
      %run_scoped3A = tpu.sem_alloc : memref<!tpu.dma_semaphore, #tpu.memory_space<semaphore_mem>>
      %dma_start3A = arith.constant 0 : i32
      %dma_start3A_132 = tpu.memref_slice %arg7[%add3A_31, %dma_start3A] : memref<51200x16xf32, #tpu.memory_space<vmem_shared>> -> memref<64x16xf32, #tpu.memory_space<vmem_shared>>
      %dma_start3A_133 = arith.constant 0 : i32
      %dma_start3A_134 = tpu.memref_slice %arg7[%add3A_31, %dma_start3A_133] : memref<51200x16xf32, #tpu.memory_space<vmem_shared>> -> memref<64x16xf32, #tpu.memory_space<vmem_shared>>
      tpu.enqueue_dma source(%arg6 : memref<64x16xf32, #tpu.memory_space<vmem>>) target(%dma_start3A_134 : memref<64x16xf32, #tpu.memory_space<vmem_shared>>) target_semaphore(%run_scoped3A : memref<!tpu.dma_semaphore, #tpu.memory_space<semaphore_mem>>)
      %dma_wait3A = arith.constant 0 : i32
      %dma_wait3A_135 = tpu.memref_slice %arg7[%add3A_31, %dma_wait3A] : memref<51200x16xf32, #tpu.memory_space<vmem_shared>> -> memref<64x16xf32, #tpu.memory_space<vmem_shared>>
      %dma_wait3A_136 = arith.constant 0 : i32
      %dma_wait3A_137 = tpu.memref_slice %arg7[%add3A_31, %dma_wait3A_136] : memref<51200x16xf32, #tpu.memory_space<vmem_shared>> -> memref<64x16xf32, #tpu.memory_space<vmem_shared>>
      tpu.wait_dma2 semaphore(%run_scoped3A : memref<!tpu.dma_semaphore, #tpu.memory_space<semaphore_mem>>) src(%arg6 : memref<64x16xf32, #tpu.memory_space<vmem>>) dst(%dma_wait3A_137 : memref<64x16xf32, #tpu.memory_space<vmem_shared>>)
      tpu.yield
    }) : () -> ()
    %add3A_32 = arith.constant 512 : i32
    %add3A_33 = arith.addi %mul3A_16, %add3A_32 : i32
    "tpu.region"() ({
      %run_scoped3A = tpu.sem_alloc : memref<!tpu.dma_semaphore, #tpu.memory_space<semaphore_mem>>
      %dma_start3A = arith.constant 0 : i32
      %dma_start3A_132 = tpu.memref_slice %arg7[%add3A_33, %dma_start3A] : memref<51200x16xf32, #tpu.memory_space<vmem_shared>> -> memref<64x16xf32, #tpu.memory_space<vmem_shared>>
      %dma_start3A_133 = arith.constant 0 : i32
      %dma_start3A_134 = tpu.memref_slice %arg7[%add3A_33, %dma_start3A_133] : memref<51200x16xf32, #tpu.memory_space<vmem_shared>> -> memref<64x16xf32, #tpu.memory_space<vmem_shared>>
      tpu.enqueue_dma source(%arg6 : memref<64x16xf32, #tpu.memory_space<vmem>>) target(%dma_start3A_134 : memref<64x16xf32, #tpu.memory_space<vmem_shared>>) target_semaphore(%run_scoped3A : memref<!tpu.dma_semaphore, #tpu.memory_space<semaphore_mem>>)
      %dma_wait3A = arith.constant 0 : i32
      %dma_wait3A_135 = tpu.memref_slice %arg7[%add3A_33, %dma_wait3A] : memref<51200x16xf32, #tpu.memory_space<vmem_shared>> -> memref<64x16xf32, #tpu.memory_space<vmem_shared>>
      %dma_wait3A_136 = arith.constant 0 : i32
      %dma_wait3A_137 = tpu.memref_slice %arg7[%add3A_33, %dma_wait3A_136] : memref<51200x16xf32, #tpu.memory_space<vmem_shared>> -> memref<64x16xf32, #tpu.memory_space<vmem_shared>>
      tpu.wait_dma2 semaphore(%run_scoped3A : memref<!tpu.dma_semaphore, #tpu.memory_space<semaphore_mem>>) src(%arg6 : memref<64x16xf32, #tpu.memory_space<vmem>>) dst(%dma_wait3A_137 : memref<64x16xf32, #tpu.memory_space<vmem_shared>>)
      tpu.yield
    }) : () -> ()
    %add3A_34 = arith.constant 576 : i32
    %add3A_35 = arith.addi %mul3A_16, %add3A_34 : i32
    "tpu.region"() ({
      %run_scoped3A = tpu.sem_alloc : memref<!tpu.dma_semaphore, #tpu.memory_space<semaphore_mem>>
      %dma_start3A = arith.constant 0 : i32
      %dma_start3A_132 = tpu.memref_slice %arg7[%add3A_35, %dma_start3A] : memref<51200x16xf32, #tpu.memory_space<vmem_shared>> -> memref<64x16xf32, #tpu.memory_space<vmem_shared>>
      %dma_start3A_133 = arith.constant 0 : i32
      %dma_start3A_134 = tpu.memref_slice %arg7[%add3A_35, %dma_start3A_133] : memref<51200x16xf32, #tpu.memory_space<vmem_shared>> -> memref<64x16xf32, #tpu.memory_space<vmem_shared>>
      tpu.enqueue_dma source(%arg6 : memref<64x16xf32, #tpu.memory_space<vmem>>) target(%dma_start3A_134 : memref<64x16xf32, #tpu.memory_space<vmem_shared>>) target_semaphore(%run_scoped3A : memref<!tpu.dma_semaphore, #tpu.memory_space<semaphore_mem>>)
      %dma_wait3A = arith.constant 0 : i32
      %dma_wait3A_135 = tpu.memref_slice %arg7[%add3A_35, %dma_wait3A] : memref<51200x16xf32, #tpu.memory_space<vmem_shared>> -> memref<64x16xf32, #tpu.memory_space<vmem_shared>>
      %dma_wait3A_136 = arith.constant 0 : i32
      %dma_wait3A_137 = tpu.memref_slice %arg7[%add3A_35, %dma_wait3A_136] : memref<51200x16xf32, #tpu.memory_space<vmem_shared>> -> memref<64x16xf32, #tpu.memory_space<vmem_shared>>
      tpu.wait_dma2 semaphore(%run_scoped3A : memref<!tpu.dma_semaphore, #tpu.memory_space<semaphore_mem>>) src(%arg6 : memref<64x16xf32, #tpu.memory_space<vmem>>) dst(%dma_wait3A_137 : memref<64x16xf32, #tpu.memory_space<vmem_shared>>)
      tpu.yield
    }) : () -> ()
    %add3A_36 = arith.constant 640 : i32
    %add3A_37 = arith.addi %mul3A_16, %add3A_36 : i32
    "tpu.region"() ({
      %run_scoped3A = tpu.sem_alloc : memref<!tpu.dma_semaphore, #tpu.memory_space<semaphore_mem>>
      %dma_start3A = arith.constant 0 : i32
      %dma_start3A_132 = tpu.memref_slice %arg7[%add3A_37, %dma_start3A] : memref<51200x16xf32, #tpu.memory_space<vmem_shared>> -> memref<64x16xf32, #tpu.memory_space<vmem_shared>>
      %dma_start3A_133 = arith.constant 0 : i32
      %dma_start3A_134 = tpu.memref_slice %arg7[%add3A_37, %dma_start3A_133] : memref<51200x16xf32, #tpu.memory_space<vmem_shared>> -> memref<64x16xf32, #tpu.memory_space<vmem_shared>>
      tpu.enqueue_dma source(%arg6 : memref<64x16xf32, #tpu.memory_space<vmem>>) target(%dma_start3A_134 : memref<64x16xf32, #tpu.memory_space<vmem_shared>>) target_semaphore(%run_scoped3A : memref<!tpu.dma_semaphore, #tpu.memory_space<semaphore_mem>>)
      %dma_wait3A = arith.constant 0 : i32
      %dma_wait3A_135 = tpu.memref_slice %arg7[%add3A_37, %dma_wait3A] : memref<51200x16xf32, #tpu.memory_space<vmem_shared>> -> memref<64x16xf32, #tpu.memory_space<vmem_shared>>
      %dma_wait3A_136 = arith.constant 0 : i32
      %dma_wait3A_137 = tpu.memref_slice %arg7[%add3A_37, %dma_wait3A_136] : memref<51200x16xf32, #tpu.memory_space<vmem_shared>> -> memref<64x16xf32, #tpu.memory_space<vmem_shared>>
      tpu.wait_dma2 semaphore(%run_scoped3A : memref<!tpu.dma_semaphore, #tpu.memory_space<semaphore_mem>>) src(%arg6 : memref<64x16xf32, #tpu.memory_space<vmem>>) dst(%dma_wait3A_137 : memref<64x16xf32, #tpu.memory_space<vmem_shared>>)
      tpu.yield
    }) : () -> ()
    %add3A_38 = arith.constant 704 : i32
    %add3A_39 = arith.addi %mul3A_16, %add3A_38 : i32
    "tpu.region"() ({
      %run_scoped3A = tpu.sem_alloc : memref<!tpu.dma_semaphore, #tpu.memory_space<semaphore_mem>>
      %dma_start3A = arith.constant 0 : i32
      %dma_start3A_132 = tpu.memref_slice %arg7[%add3A_39, %dma_start3A] : memref<51200x16xf32, #tpu.memory_space<vmem_shared>> -> memref<64x16xf32, #tpu.memory_space<vmem_shared>>
      %dma_start3A_133 = arith.constant 0 : i32
      %dma_start3A_134 = tpu.memref_slice %arg7[%add3A_39, %dma_start3A_133] : memref<51200x16xf32, #tpu.memory_space<vmem_shared>> -> memref<64x16xf32, #tpu.memory_space<vmem_shared>>
      tpu.enqueue_dma source(%arg6 : memref<64x16xf32, #tpu.memory_space<vmem>>) target(%dma_start3A_134 : memref<64x16xf32, #tpu.memory_space<vmem_shared>>) target_semaphore(%run_scoped3A : memref<!tpu.dma_semaphore, #tpu.memory_space<semaphore_mem>>)
      %dma_wait3A = arith.constant 0 : i32
      %dma_wait3A_135 = tpu.memref_slice %arg7[%add3A_39, %dma_wait3A] : memref<51200x16xf32, #tpu.memory_space<vmem_shared>> -> memref<64x16xf32, #tpu.memory_space<vmem_shared>>
      %dma_wait3A_136 = arith.constant 0 : i32
      %dma_wait3A_137 = tpu.memref_slice %arg7[%add3A_39, %dma_wait3A_136] : memref<51200x16xf32, #tpu.memory_space<vmem_shared>> -> memref<64x16xf32, #tpu.memory_space<vmem_shared>>
      tpu.wait_dma2 semaphore(%run_scoped3A : memref<!tpu.dma_semaphore, #tpu.memory_space<semaphore_mem>>) src(%arg6 : memref<64x16xf32, #tpu.memory_space<vmem>>) dst(%dma_wait3A_137 : memref<64x16xf32, #tpu.memory_space<vmem_shared>>)
      tpu.yield
    }) : () -> ()
    %add3A_40 = arith.constant 768 : i32
    %add3A_41 = arith.addi %mul3A_16, %add3A_40 : i32
    "tpu.region"() ({
      %run_scoped3A = tpu.sem_alloc : memref<!tpu.dma_semaphore, #tpu.memory_space<semaphore_mem>>
      %dma_start3A = arith.constant 0 : i32
      %dma_start3A_132 = tpu.memref_slice %arg7[%add3A_41, %dma_start3A] : memref<51200x16xf32, #tpu.memory_space<vmem_shared>> -> memref<64x16xf32, #tpu.memory_space<vmem_shared>>
      %dma_start3A_133 = arith.constant 0 : i32
      %dma_start3A_134 = tpu.memref_slice %arg7[%add3A_41, %dma_start3A_133] : memref<51200x16xf32, #tpu.memory_space<vmem_shared>> -> memref<64x16xf32, #tpu.memory_space<vmem_shared>>
      tpu.enqueue_dma source(%arg6 : memref<64x16xf32, #tpu.memory_space<vmem>>) target(%dma_start3A_134 : memref<64x16xf32, #tpu.memory_space<vmem_shared>>) target_semaphore(%run_scoped3A : memref<!tpu.dma_semaphore, #tpu.memory_space<semaphore_mem>>)
      %dma_wait3A = arith.constant 0 : i32
      %dma_wait3A_135 = tpu.memref_slice %arg7[%add3A_41, %dma_wait3A] : memref<51200x16xf32, #tpu.memory_space<vmem_shared>> -> memref<64x16xf32, #tpu.memory_space<vmem_shared>>
      %dma_wait3A_136 = arith.constant 0 : i32
      %dma_wait3A_137 = tpu.memref_slice %arg7[%add3A_41, %dma_wait3A_136] : memref<51200x16xf32, #tpu.memory_space<vmem_shared>> -> memref<64x16xf32, #tpu.memory_space<vmem_shared>>
      tpu.wait_dma2 semaphore(%run_scoped3A : memref<!tpu.dma_semaphore, #tpu.memory_space<semaphore_mem>>) src(%arg6 : memref<64x16xf32, #tpu.memory_space<vmem>>) dst(%dma_wait3A_137 : memref<64x16xf32, #tpu.memory_space<vmem_shared>>)
      tpu.yield
    }) : () -> ()
    %add3A_42 = arith.constant 832 : i32
    %add3A_43 = arith.addi %mul3A_16, %add3A_42 : i32
    "tpu.region"() ({
      %run_scoped3A = tpu.sem_alloc : memref<!tpu.dma_semaphore, #tpu.memory_space<semaphore_mem>>
      %dma_start3A = arith.constant 0 : i32
      %dma_start3A_132 = tpu.memref_slice %arg7[%add3A_43, %dma_start3A] : memref<51200x16xf32, #tpu.memory_space<vmem_shared>> -> memref<64x16xf32, #tpu.memory_space<vmem_shared>>
      %dma_start3A_133 = arith.constant 0 : i32
      %dma_start3A_134 = tpu.memref_slice %arg7[%add3A_43, %dma_start3A_133] : memref<51200x16xf32, #tpu.memory_space<vmem_shared>> -> memref<64x16xf32, #tpu.memory_space<vmem_shared>>
      tpu.enqueue_dma source(%arg6 : memref<64x16xf32, #tpu.memory_space<vmem>>) target(%dma_start3A_134 : memref<64x16xf32, #tpu.memory_space<vmem_shared>>) target_semaphore(%run_scoped3A : memref<!tpu.dma_semaphore, #tpu.memory_space<semaphore_mem>>)
      %dma_wait3A = arith.constant 0 : i32
      %dma_wait3A_135 = tpu.memref_slice %arg7[%add3A_43, %dma_wait3A] : memref<51200x16xf32, #tpu.memory_space<vmem_shared>> -> memref<64x16xf32, #tpu.memory_space<vmem_shared>>
      %dma_wait3A_136 = arith.constant 0 : i32
      %dma_wait3A_137 = tpu.memref_slice %arg7[%add3A_43, %dma_wait3A_136] : memref<51200x16xf32, #tpu.memory_space<vmem_shared>> -> memref<64x16xf32, #tpu.memory_space<vmem_shared>>
      tpu.wait_dma2 semaphore(%run_scoped3A : memref<!tpu.dma_semaphore, #tpu.memory_space<semaphore_mem>>) src(%arg6 : memref<64x16xf32, #tpu.memory_space<vmem>>) dst(%dma_wait3A_137 : memref<64x16xf32, #tpu.memory_space<vmem_shared>>)
      tpu.yield
    }) : () -> ()
    %add3A_44 = arith.constant 896 : i32
    %add3A_45 = arith.addi %mul3A_16, %add3A_44 : i32
    "tpu.region"() ({
      %run_scoped3A = tpu.sem_alloc : memref<!tpu.dma_semaphore, #tpu.memory_space<semaphore_mem>>
      %dma_start3A = arith.constant 0 : i32
      %dma_start3A_132 = tpu.memref_slice %arg7[%add3A_45, %dma_start3A] : memref<51200x16xf32, #tpu.memory_space<vmem_shared>> -> memref<64x16xf32, #tpu.memory_space<vmem_shared>>
      %dma_start3A_133 = arith.constant 0 : i32
      %dma_start3A_134 = tpu.memref_slice %arg7[%add3A_45, %dma_start3A_133] : memref<51200x16xf32, #tpu.memory_space<vmem_shared>> -> memref<64x16xf32, #tpu.memory_space<vmem_shared>>
      tpu.enqueue_dma source(%arg6 : memref<64x16xf32, #tpu.memory_space<vmem>>) target(%dma_start3A_134 : memref<64x16xf32, #tpu.memory_space<vmem_shared>>) target_semaphore(%run_scoped3A : memref<!tpu.dma_semaphore, #tpu.memory_space<semaphore_mem>>)
      %dma_wait3A = arith.constant 0 : i32
      %dma_wait3A_135 = tpu.memref_slice %arg7[%add3A_45, %dma_wait3A] : memref<51200x16xf32, #tpu.memory_space<vmem_shared>> -> memref<64x16xf32, #tpu.memory_space<vmem_shared>>
      %dma_wait3A_136 = arith.constant 0 : i32
      %dma_wait3A_137 = tpu.memref_slice %arg7[%add3A_45, %dma_wait3A_136] : memref<51200x16xf32, #tpu.memory_space<vmem_shared>> -> memref<64x16xf32, #tpu.memory_space<vmem_shared>>
      tpu.wait_dma2 semaphore(%run_scoped3A : memref<!tpu.dma_semaphore, #tpu.memory_space<semaphore_mem>>) src(%arg6 : memref<64x16xf32, #tpu.memory_space<vmem>>) dst(%dma_wait3A_137 : memref<64x16xf32, #tpu.memory_space<vmem_shared>>)
      tpu.yield
    }) : () -> ()
    %add3A_46 = arith.constant 960 : i32
    %add3A_47 = arith.addi %mul3A_16, %add3A_46 : i32
    "tpu.region"() ({
      %run_scoped3A = tpu.sem_alloc : memref<!tpu.dma_semaphore, #tpu.memory_space<semaphore_mem>>
      %dma_start3A = arith.constant 0 : i32
      %dma_start3A_132 = tpu.memref_slice %arg7[%add3A_47, %dma_start3A] : memref<51200x16xf32, #tpu.memory_space<vmem_shared>> -> memref<64x16xf32, #tpu.memory_space<vmem_shared>>
      %dma_start3A_133 = arith.constant 0 : i32
      %dma_start3A_134 = tpu.memref_slice %arg7[%add3A_47, %dma_start3A_133] : memref<51200x16xf32, #tpu.memory_space<vmem_shared>> -> memref<64x16xf32, #tpu.memory_space<vmem_shared>>
      tpu.enqueue_dma source(%arg6 : memref<64x16xf32, #tpu.memory_space<vmem>>) target(%dma_start3A_134 : memref<64x16xf32, #tpu.memory_space<vmem_shared>>) target_semaphore(%run_scoped3A : memref<!tpu.dma_semaphore, #tpu.memory_space<semaphore_mem>>)
      %dma_wait3A = arith.constant 0 : i32
      %dma_wait3A_135 = tpu.memref_slice %arg7[%add3A_47, %dma_wait3A] : memref<51200x16xf32, #tpu.memory_space<vmem_shared>> -> memref<64x16xf32, #tpu.memory_space<vmem_shared>>
      %dma_wait3A_136 = arith.constant 0 : i32
      %dma_wait3A_137 = tpu.memref_slice %arg7[%add3A_47, %dma_wait3A_136] : memref<51200x16xf32, #tpu.memory_space<vmem_shared>> -> memref<64x16xf32, #tpu.memory_space<vmem_shared>>
      tpu.wait_dma2 semaphore(%run_scoped3A : memref<!tpu.dma_semaphore, #tpu.memory_space<semaphore_mem>>) src(%arg6 : memref<64x16xf32, #tpu.memory_space<vmem>>) dst(%dma_wait3A_137 : memref<64x16xf32, #tpu.memory_space<vmem_shared>>)
      tpu.yield
    }) : () -> ()
    %add3A_48 = arith.constant 1024 : i32
    %add3A_49 = arith.addi %mul3A_16, %add3A_48 : i32
    "tpu.region"() ({
      %run_scoped3A = tpu.sem_alloc : memref<!tpu.dma_semaphore, #tpu.memory_space<semaphore_mem>>
      %dma_start3A = arith.constant 0 : i32
      %dma_start3A_132 = tpu.memref_slice %arg7[%add3A_49, %dma_start3A] : memref<51200x16xf32, #tpu.memory_space<vmem_shared>> -> memref<64x16xf32, #tpu.memory_space<vmem_shared>>
      %dma_start3A_133 = arith.constant 0 : i32
      %dma_start3A_134 = tpu.memref_slice %arg7[%add3A_49, %dma_start3A_133] : memref<51200x16xf32, #tpu.memory_space<vmem_shared>> -> memref<64x16xf32, #tpu.memory_space<vmem_shared>>
      tpu.enqueue_dma source(%arg6 : memref<64x16xf32, #tpu.memory_space<vmem>>) target(%dma_start3A_134 : memref<64x16xf32, #tpu.memory_space<vmem_shared>>) target_semaphore(%run_scoped3A : memref<!tpu.dma_semaphore, #tpu.memory_space<semaphore_mem>>)
      %dma_wait3A = arith.constant 0 : i32
      %dma_wait3A_135 = tpu.memref_slice %arg7[%add3A_49, %dma_wait3A] : memref<51200x16xf32, #tpu.memory_space<vmem_shared>> -> memref<64x16xf32, #tpu.memory_space<vmem_shared>>
      %dma_wait3A_136 = arith.constant 0 : i32
      %dma_wait3A_137 = tpu.memref_slice %arg7[%add3A_49, %dma_wait3A_136] : memref<51200x16xf32, #tpu.memory_space<vmem_shared>> -> memref<64x16xf32, #tpu.memory_space<vmem_shared>>
      tpu.wait_dma2 semaphore(%run_scoped3A : memref<!tpu.dma_semaphore, #tpu.memory_space<semaphore_mem>>) src(%arg6 : memref<64x16xf32, #tpu.memory_space<vmem>>) dst(%dma_wait3A_137 : memref<64x16xf32, #tpu.memory_space<vmem_shared>>)
      tpu.yield
    }) : () -> ()
    %add3A_50 = arith.constant 1088 : i32
    %add3A_51 = arith.addi %mul3A_16, %add3A_50 : i32
    "tpu.region"() ({
      %run_scoped3A = tpu.sem_alloc : memref<!tpu.dma_semaphore, #tpu.memory_space<semaphore_mem>>
      %dma_start3A = arith.constant 0 : i32
      %dma_start3A_132 = tpu.memref_slice %arg7[%add3A_51, %dma_start3A] : memref<51200x16xf32, #tpu.memory_space<vmem_shared>> -> memref<64x16xf32, #tpu.memory_space<vmem_shared>>
      %dma_start3A_133 = arith.constant 0 : i32
      %dma_start3A_134 = tpu.memref_slice %arg7[%add3A_51, %dma_start3A_133] : memref<51200x16xf32, #tpu.memory_space<vmem_shared>> -> memref<64x16xf32, #tpu.memory_space<vmem_shared>>
      tpu.enqueue_dma source(%arg6 : memref<64x16xf32, #tpu.memory_space<vmem>>) target(%dma_start3A_134 : memref<64x16xf32, #tpu.memory_space<vmem_shared>>) target_semaphore(%run_scoped3A : memref<!tpu.dma_semaphore, #tpu.memory_space<semaphore_mem>>)
      %dma_wait3A = arith.constant 0 : i32
      %dma_wait3A_135 = tpu.memref_slice %arg7[%add3A_51, %dma_wait3A] : memref<51200x16xf32, #tpu.memory_space<vmem_shared>> -> memref<64x16xf32, #tpu.memory_space<vmem_shared>>
      %dma_wait3A_136 = arith.constant 0 : i32
      %dma_wait3A_137 = tpu.memref_slice %arg7[%add3A_51, %dma_wait3A_136] : memref<51200x16xf32, #tpu.memory_space<vmem_shared>> -> memref<64x16xf32, #tpu.memory_space<vmem_shared>>
      tpu.wait_dma2 semaphore(%run_scoped3A : memref<!tpu.dma_semaphore, #tpu.memory_space<semaphore_mem>>) src(%arg6 : memref<64x16xf32, #tpu.memory_space<vmem>>) dst(%dma_wait3A_137 : memref<64x16xf32, #tpu.memory_space<vmem_shared>>)
      tpu.yield
    }) : () -> ()
    %add3A_52 = arith.constant 1152 : i32
    %add3A_53 = arith.addi %mul3A_16, %add3A_52 : i32
    "tpu.region"() ({
      %run_scoped3A = tpu.sem_alloc : memref<!tpu.dma_semaphore, #tpu.memory_space<semaphore_mem>>
      %dma_start3A = arith.constant 0 : i32
      %dma_start3A_132 = tpu.memref_slice %arg7[%add3A_53, %dma_start3A] : memref<51200x16xf32, #tpu.memory_space<vmem_shared>> -> memref<64x16xf32, #tpu.memory_space<vmem_shared>>
      %dma_start3A_133 = arith.constant 0 : i32
      %dma_start3A_134 = tpu.memref_slice %arg7[%add3A_53, %dma_start3A_133] : memref<51200x16xf32, #tpu.memory_space<vmem_shared>> -> memref<64x16xf32, #tpu.memory_space<vmem_shared>>
      tpu.enqueue_dma source(%arg6 : memref<64x16xf32, #tpu.memory_space<vmem>>) target(%dma_start3A_134 : memref<64x16xf32, #tpu.memory_space<vmem_shared>>) target_semaphore(%run_scoped3A : memref<!tpu.dma_semaphore, #tpu.memory_space<semaphore_mem>>)
      %dma_wait3A = arith.constant 0 : i32
      %dma_wait3A_135 = tpu.memref_slice %arg7[%add3A_53, %dma_wait3A] : memref<51200x16xf32, #tpu.memory_space<vmem_shared>> -> memref<64x16xf32, #tpu.memory_space<vmem_shared>>
      %dma_wait3A_136 = arith.constant 0 : i32
      %dma_wait3A_137 = tpu.memref_slice %arg7[%add3A_53, %dma_wait3A_136] : memref<51200x16xf32, #tpu.memory_space<vmem_shared>> -> memref<64x16xf32, #tpu.memory_space<vmem_shared>>
      tpu.wait_dma2 semaphore(%run_scoped3A : memref<!tpu.dma_semaphore, #tpu.memory_space<semaphore_mem>>) src(%arg6 : memref<64x16xf32, #tpu.memory_space<vmem>>) dst(%dma_wait3A_137 : memref<64x16xf32, #tpu.memory_space<vmem_shared>>)
      tpu.yield
    }) : () -> ()
    %add3A_54 = arith.constant 1216 : i32
    %add3A_55 = arith.addi %mul3A_16, %add3A_54 : i32
    "tpu.region"() ({
      %run_scoped3A = tpu.sem_alloc : memref<!tpu.dma_semaphore, #tpu.memory_space<semaphore_mem>>
      %dma_start3A = arith.constant 0 : i32
      %dma_start3A_132 = tpu.memref_slice %arg7[%add3A_55, %dma_start3A] : memref<51200x16xf32, #tpu.memory_space<vmem_shared>> -> memref<64x16xf32, #tpu.memory_space<vmem_shared>>
      %dma_start3A_133 = arith.constant 0 : i32
      %dma_start3A_134 = tpu.memref_slice %arg7[%add3A_55, %dma_start3A_133] : memref<51200x16xf32, #tpu.memory_space<vmem_shared>> -> memref<64x16xf32, #tpu.memory_space<vmem_shared>>
      tpu.enqueue_dma source(%arg6 : memref<64x16xf32, #tpu.memory_space<vmem>>) target(%dma_start3A_134 : memref<64x16xf32, #tpu.memory_space<vmem_shared>>) target_semaphore(%run_scoped3A : memref<!tpu.dma_semaphore, #tpu.memory_space<semaphore_mem>>)
      %dma_wait3A = arith.constant 0 : i32
      %dma_wait3A_135 = tpu.memref_slice %arg7[%add3A_55, %dma_wait3A] : memref<51200x16xf32, #tpu.memory_space<vmem_shared>> -> memref<64x16xf32, #tpu.memory_space<vmem_shared>>
      %dma_wait3A_136 = arith.constant 0 : i32
      %dma_wait3A_137 = tpu.memref_slice %arg7[%add3A_55, %dma_wait3A_136] : memref<51200x16xf32, #tpu.memory_space<vmem_shared>> -> memref<64x16xf32, #tpu.memory_space<vmem_shared>>
      tpu.wait_dma2 semaphore(%run_scoped3A : memref<!tpu.dma_semaphore, #tpu.memory_space<semaphore_mem>>) src(%arg6 : memref<64x16xf32, #tpu.memory_space<vmem>>) dst(%dma_wait3A_137 : memref<64x16xf32, #tpu.memory_space<vmem_shared>>)
      tpu.yield
    }) : () -> ()
    %add3A_56 = arith.constant 1280 : i32
    %add3A_57 = arith.addi %mul3A_16, %add3A_56 : i32
    "tpu.region"() ({
      %run_scoped3A = tpu.sem_alloc : memref<!tpu.dma_semaphore, #tpu.memory_space<semaphore_mem>>
      %dma_start3A = arith.constant 0 : i32
      %dma_start3A_132 = tpu.memref_slice %arg7[%add3A_57, %dma_start3A] : memref<51200x16xf32, #tpu.memory_space<vmem_shared>> -> memref<64x16xf32, #tpu.memory_space<vmem_shared>>
      %dma_start3A_133 = arith.constant 0 : i32
      %dma_start3A_134 = tpu.memref_slice %arg7[%add3A_57, %dma_start3A_133] : memref<51200x16xf32, #tpu.memory_space<vmem_shared>> -> memref<64x16xf32, #tpu.memory_space<vmem_shared>>
      tpu.enqueue_dma source(%arg6 : memref<64x16xf32, #tpu.memory_space<vmem>>) target(%dma_start3A_134 : memref<64x16xf32, #tpu.memory_space<vmem_shared>>) target_semaphore(%run_scoped3A : memref<!tpu.dma_semaphore, #tpu.memory_space<semaphore_mem>>)
      %dma_wait3A = arith.constant 0 : i32
      %dma_wait3A_135 = tpu.memref_slice %arg7[%add3A_57, %dma_wait3A] : memref<51200x16xf32, #tpu.memory_space<vmem_shared>> -> memref<64x16xf32, #tpu.memory_space<vmem_shared>>
      %dma_wait3A_136 = arith.constant 0 : i32
      %dma_wait3A_137 = tpu.memref_slice %arg7[%add3A_57, %dma_wait3A_136] : memref<51200x16xf32, #tpu.memory_space<vmem_shared>> -> memref<64x16xf32, #tpu.memory_space<vmem_shared>>
      tpu.wait_dma2 semaphore(%run_scoped3A : memref<!tpu.dma_semaphore, #tpu.memory_space<semaphore_mem>>) src(%arg6 : memref<64x16xf32, #tpu.memory_space<vmem>>) dst(%dma_wait3A_137 : memref<64x16xf32, #tpu.memory_space<vmem_shared>>)
      tpu.yield
    }) : () -> ()
    %add3A_58 = arith.constant 1344 : i32
    %add3A_59 = arith.addi %mul3A_16, %add3A_58 : i32
    "tpu.region"() ({
      %run_scoped3A = tpu.sem_alloc : memref<!tpu.dma_semaphore, #tpu.memory_space<semaphore_mem>>
      %dma_start3A = arith.constant 0 : i32
      %dma_start3A_132 = tpu.memref_slice %arg7[%add3A_59, %dma_start3A] : memref<51200x16xf32, #tpu.memory_space<vmem_shared>> -> memref<64x16xf32, #tpu.memory_space<vmem_shared>>
      %dma_start3A_133 = arith.constant 0 : i32
      %dma_start3A_134 = tpu.memref_slice %arg7[%add3A_59, %dma_start3A_133] : memref<51200x16xf32, #tpu.memory_space<vmem_shared>> -> memref<64x16xf32, #tpu.memory_space<vmem_shared>>
      tpu.enqueue_dma source(%arg6 : memref<64x16xf32, #tpu.memory_space<vmem>>) target(%dma_start3A_134 : memref<64x16xf32, #tpu.memory_space<vmem_shared>>) target_semaphore(%run_scoped3A : memref<!tpu.dma_semaphore, #tpu.memory_space<semaphore_mem>>)
      %dma_wait3A = arith.constant 0 : i32
      %dma_wait3A_135 = tpu.memref_slice %arg7[%add3A_59, %dma_wait3A] : memref<51200x16xf32, #tpu.memory_space<vmem_shared>> -> memref<64x16xf32, #tpu.memory_space<vmem_shared>>
      %dma_wait3A_136 = arith.constant 0 : i32
      %dma_wait3A_137 = tpu.memref_slice %arg7[%add3A_59, %dma_wait3A_136] : memref<51200x16xf32, #tpu.memory_space<vmem_shared>> -> memref<64x16xf32, #tpu.memory_space<vmem_shared>>
      tpu.wait_dma2 semaphore(%run_scoped3A : memref<!tpu.dma_semaphore, #tpu.memory_space<semaphore_mem>>) src(%arg6 : memref<64x16xf32, #tpu.memory_space<vmem>>) dst(%dma_wait3A_137 : memref<64x16xf32, #tpu.memory_space<vmem_shared>>)
      tpu.yield
    }) : () -> ()
    %add3A_60 = arith.constant 1408 : i32
    %add3A_61 = arith.addi %mul3A_16, %add3A_60 : i32
    "tpu.region"() ({
      %run_scoped3A = tpu.sem_alloc : memref<!tpu.dma_semaphore, #tpu.memory_space<semaphore_mem>>
      %dma_start3A = arith.constant 0 : i32
      %dma_start3A_132 = tpu.memref_slice %arg7[%add3A_61, %dma_start3A] : memref<51200x16xf32, #tpu.memory_space<vmem_shared>> -> memref<64x16xf32, #tpu.memory_space<vmem_shared>>
      %dma_start3A_133 = arith.constant 0 : i32
      %dma_start3A_134 = tpu.memref_slice %arg7[%add3A_61, %dma_start3A_133] : memref<51200x16xf32, #tpu.memory_space<vmem_shared>> -> memref<64x16xf32, #tpu.memory_space<vmem_shared>>
      tpu.enqueue_dma source(%arg6 : memref<64x16xf32, #tpu.memory_space<vmem>>) target(%dma_start3A_134 : memref<64x16xf32, #tpu.memory_space<vmem_shared>>) target_semaphore(%run_scoped3A : memref<!tpu.dma_semaphore, #tpu.memory_space<semaphore_mem>>)
      %dma_wait3A = arith.constant 0 : i32
      %dma_wait3A_135 = tpu.memref_slice %arg7[%add3A_61, %dma_wait3A] : memref<51200x16xf32, #tpu.memory_space<vmem_shared>> -> memref<64x16xf32, #tpu.memory_space<vmem_shared>>
      %dma_wait3A_136 = arith.constant 0 : i32
      %dma_wait3A_137 = tpu.memref_slice %arg7[%add3A_61, %dma_wait3A_136] : memref<51200x16xf32, #tpu.memory_space<vmem_shared>> -> memref<64x16xf32, #tpu.memory_space<vmem_shared>>
      tpu.wait_dma2 semaphore(%run_scoped3A : memref<!tpu.dma_semaphore, #tpu.memory_space<semaphore_mem>>) src(%arg6 : memref<64x16xf32, #tpu.memory_space<vmem>>) dst(%dma_wait3A_137 : memref<64x16xf32, #tpu.memory_space<vmem_shared>>)
      tpu.yield
    }) : () -> ()
    %add3A_62 = arith.constant 1472 : i32
    %add3A_63 = arith.addi %mul3A_16, %add3A_62 : i32
    "tpu.region"() ({
      %run_scoped3A = tpu.sem_alloc : memref<!tpu.dma_semaphore, #tpu.memory_space<semaphore_mem>>
      %dma_start3A = arith.constant 0 : i32
      %dma_start3A_132 = tpu.memref_slice %arg7[%add3A_63, %dma_start3A] : memref<51200x16xf32, #tpu.memory_space<vmem_shared>> -> memref<64x16xf32, #tpu.memory_space<vmem_shared>>
      %dma_start3A_133 = arith.constant 0 : i32
      %dma_start3A_134 = tpu.memref_slice %arg7[%add3A_63, %dma_start3A_133] : memref<51200x16xf32, #tpu.memory_space<vmem_shared>> -> memref<64x16xf32, #tpu.memory_space<vmem_shared>>
      tpu.enqueue_dma source(%arg6 : memref<64x16xf32, #tpu.memory_space<vmem>>) target(%dma_start3A_134 : memref<64x16xf32, #tpu.memory_space<vmem_shared>>) target_semaphore(%run_scoped3A : memref<!tpu.dma_semaphore, #tpu.memory_space<semaphore_mem>>)
      %dma_wait3A = arith.constant 0 : i32
      %dma_wait3A_135 = tpu.memref_slice %arg7[%add3A_63, %dma_wait3A] : memref<51200x16xf32, #tpu.memory_space<vmem_shared>> -> memref<64x16xf32, #tpu.memory_space<vmem_shared>>
      %dma_wait3A_136 = arith.constant 0 : i32
      %dma_wait3A_137 = tpu.memref_slice %arg7[%add3A_63, %dma_wait3A_136] : memref<51200x16xf32, #tpu.memory_space<vmem_shared>> -> memref<64x16xf32, #tpu.memory_space<vmem_shared>>
      tpu.wait_dma2 semaphore(%run_scoped3A : memref<!tpu.dma_semaphore, #tpu.memory_space<semaphore_mem>>) src(%arg6 : memref<64x16xf32, #tpu.memory_space<vmem>>) dst(%dma_wait3A_137 : memref<64x16xf32, #tpu.memory_space<vmem_shared>>)
      tpu.yield
    }) : () -> ()
    %add3A_64 = arith.constant 1536 : i32
    %add3A_65 = arith.addi %mul3A_16, %add3A_64 : i32
    "tpu.region"() ({
      %run_scoped3A = tpu.sem_alloc : memref<!tpu.dma_semaphore, #tpu.memory_space<semaphore_mem>>
      %dma_start3A = arith.constant 0 : i32
      %dma_start3A_132 = tpu.memref_slice %arg7[%add3A_65, %dma_start3A] : memref<51200x16xf32, #tpu.memory_space<vmem_shared>> -> memref<64x16xf32, #tpu.memory_space<vmem_shared>>
      %dma_start3A_133 = arith.constant 0 : i32
      %dma_start3A_134 = tpu.memref_slice %arg7[%add3A_65, %dma_start3A_133] : memref<51200x16xf32, #tpu.memory_space<vmem_shared>> -> memref<64x16xf32, #tpu.memory_space<vmem_shared>>
      tpu.enqueue_dma source(%arg6 : memref<64x16xf32, #tpu.memory_space<vmem>>) target(%dma_start3A_134 : memref<64x16xf32, #tpu.memory_space<vmem_shared>>) target_semaphore(%run_scoped3A : memref<!tpu.dma_semaphore, #tpu.memory_space<semaphore_mem>>)
      %dma_wait3A = arith.constant 0 : i32
      %dma_wait3A_135 = tpu.memref_slice %arg7[%add3A_65, %dma_wait3A] : memref<51200x16xf32, #tpu.memory_space<vmem_shared>> -> memref<64x16xf32, #tpu.memory_space<vmem_shared>>
      %dma_wait3A_136 = arith.constant 0 : i32
      %dma_wait3A_137 = tpu.memref_slice %arg7[%add3A_65, %dma_wait3A_136] : memref<51200x16xf32, #tpu.memory_space<vmem_shared>> -> memref<64x16xf32, #tpu.memory_space<vmem_shared>>
      tpu.wait_dma2 semaphore(%run_scoped3A : memref<!tpu.dma_semaphore, #tpu.memory_space<semaphore_mem>>) src(%arg6 : memref<64x16xf32, #tpu.memory_space<vmem>>) dst(%dma_wait3A_137 : memref<64x16xf32, #tpu.memory_space<vmem_shared>>)
      tpu.yield
    }) : () -> ()
    %add3A_66 = arith.constant 1600 : i32
    %add3A_67 = arith.addi %mul3A_16, %add3A_66 : i32
    "tpu.region"() ({
      %run_scoped3A = tpu.sem_alloc : memref<!tpu.dma_semaphore, #tpu.memory_space<semaphore_mem>>
      %dma_start3A = arith.constant 0 : i32
      %dma_start3A_132 = tpu.memref_slice %arg7[%add3A_67, %dma_start3A] : memref<51200x16xf32, #tpu.memory_space<vmem_shared>> -> memref<64x16xf32, #tpu.memory_space<vmem_shared>>
      %dma_start3A_133 = arith.constant 0 : i32
      %dma_start3A_134 = tpu.memref_slice %arg7[%add3A_67, %dma_start3A_133] : memref<51200x16xf32, #tpu.memory_space<vmem_shared>> -> memref<64x16xf32, #tpu.memory_space<vmem_shared>>
      tpu.enqueue_dma source(%arg6 : memref<64x16xf32, #tpu.memory_space<vmem>>) target(%dma_start3A_134 : memref<64x16xf32, #tpu.memory_space<vmem_shared>>) target_semaphore(%run_scoped3A : memref<!tpu.dma_semaphore, #tpu.memory_space<semaphore_mem>>)
      %dma_wait3A = arith.constant 0 : i32
      %dma_wait3A_135 = tpu.memref_slice %arg7[%add3A_67, %dma_wait3A] : memref<51200x16xf32, #tpu.memory_space<vmem_shared>> -> memref<64x16xf32, #tpu.memory_space<vmem_shared>>
      %dma_wait3A_136 = arith.constant 0 : i32
      %dma_wait3A_137 = tpu.memref_slice %arg7[%add3A_67, %dma_wait3A_136] : memref<51200x16xf32, #tpu.memory_space<vmem_shared>> -> memref<64x16xf32, #tpu.memory_space<vmem_shared>>
      tpu.wait_dma2 semaphore(%run_scoped3A : memref<!tpu.dma_semaphore, #tpu.memory_space<semaphore_mem>>) src(%arg6 : memref<64x16xf32, #tpu.memory_space<vmem>>) dst(%dma_wait3A_137 : memref<64x16xf32, #tpu.memory_space<vmem_shared>>)
      tpu.yield
    }) : () -> ()
    %add3A_68 = arith.constant 1664 : i32
    %add3A_69 = arith.addi %mul3A_16, %add3A_68 : i32
    "tpu.region"() ({
      %run_scoped3A = tpu.sem_alloc : memref<!tpu.dma_semaphore, #tpu.memory_space<semaphore_mem>>
      %dma_start3A = arith.constant 0 : i32
      %dma_start3A_132 = tpu.memref_slice %arg7[%add3A_69, %dma_start3A] : memref<51200x16xf32, #tpu.memory_space<vmem_shared>> -> memref<64x16xf32, #tpu.memory_space<vmem_shared>>
      %dma_start3A_133 = arith.constant 0 : i32
      %dma_start3A_134 = tpu.memref_slice %arg7[%add3A_69, %dma_start3A_133] : memref<51200x16xf32, #tpu.memory_space<vmem_shared>> -> memref<64x16xf32, #tpu.memory_space<vmem_shared>>
      tpu.enqueue_dma source(%arg6 : memref<64x16xf32, #tpu.memory_space<vmem>>) target(%dma_start3A_134 : memref<64x16xf32, #tpu.memory_space<vmem_shared>>) target_semaphore(%run_scoped3A : memref<!tpu.dma_semaphore, #tpu.memory_space<semaphore_mem>>)
      %dma_wait3A = arith.constant 0 : i32
      %dma_wait3A_135 = tpu.memref_slice %arg7[%add3A_69, %dma_wait3A] : memref<51200x16xf32, #tpu.memory_space<vmem_shared>> -> memref<64x16xf32, #tpu.memory_space<vmem_shared>>
      %dma_wait3A_136 = arith.constant 0 : i32
      %dma_wait3A_137 = tpu.memref_slice %arg7[%add3A_69, %dma_wait3A_136] : memref<51200x16xf32, #tpu.memory_space<vmem_shared>> -> memref<64x16xf32, #tpu.memory_space<vmem_shared>>
      tpu.wait_dma2 semaphore(%run_scoped3A : memref<!tpu.dma_semaphore, #tpu.memory_space<semaphore_mem>>) src(%arg6 : memref<64x16xf32, #tpu.memory_space<vmem>>) dst(%dma_wait3A_137 : memref<64x16xf32, #tpu.memory_space<vmem_shared>>)
      tpu.yield
    }) : () -> ()
    %add3A_70 = arith.constant 1728 : i32
    %add3A_71 = arith.addi %mul3A_16, %add3A_70 : i32
    "tpu.region"() ({
      %run_scoped3A = tpu.sem_alloc : memref<!tpu.dma_semaphore, #tpu.memory_space<semaphore_mem>>
      %dma_start3A = arith.constant 0 : i32
      %dma_start3A_132 = tpu.memref_slice %arg7[%add3A_71, %dma_start3A] : memref<51200x16xf32, #tpu.memory_space<vmem_shared>> -> memref<64x16xf32, #tpu.memory_space<vmem_shared>>
      %dma_start3A_133 = arith.constant 0 : i32
      %dma_start3A_134 = tpu.memref_slice %arg7[%add3A_71, %dma_start3A_133] : memref<51200x16xf32, #tpu.memory_space<vmem_shared>> -> memref<64x16xf32, #tpu.memory_space<vmem_shared>>
      tpu.enqueue_dma source(%arg6 : memref<64x16xf32, #tpu.memory_space<vmem>>) target(%dma_start3A_134 : memref<64x16xf32, #tpu.memory_space<vmem_shared>>) target_semaphore(%run_scoped3A : memref<!tpu.dma_semaphore, #tpu.memory_space<semaphore_mem>>)
      %dma_wait3A = arith.constant 0 : i32
      %dma_wait3A_135 = tpu.memref_slice %arg7[%add3A_71, %dma_wait3A] : memref<51200x16xf32, #tpu.memory_space<vmem_shared>> -> memref<64x16xf32, #tpu.memory_space<vmem_shared>>
      %dma_wait3A_136 = arith.constant 0 : i32
      %dma_wait3A_137 = tpu.memref_slice %arg7[%add3A_71, %dma_wait3A_136] : memref<51200x16xf32, #tpu.memory_space<vmem_shared>> -> memref<64x16xf32, #tpu.memory_space<vmem_shared>>
      tpu.wait_dma2 semaphore(%run_scoped3A : memref<!tpu.dma_semaphore, #tpu.memory_space<semaphore_mem>>) src(%arg6 : memref<64x16xf32, #tpu.memory_space<vmem>>) dst(%dma_wait3A_137 : memref<64x16xf32, #tpu.memory_space<vmem_shared>>)
      tpu.yield
    }) : () -> ()
    %add3A_72 = arith.constant 1792 : i32
    %add3A_73 = arith.addi %mul3A_16, %add3A_72 : i32
    "tpu.region"() ({
      %run_scoped3A = tpu.sem_alloc : memref<!tpu.dma_semaphore, #tpu.memory_space<semaphore_mem>>
      %dma_start3A = arith.constant 0 : i32
      %dma_start3A_132 = tpu.memref_slice %arg7[%add3A_73, %dma_start3A] : memref<51200x16xf32, #tpu.memory_space<vmem_shared>> -> memref<64x16xf32, #tpu.memory_space<vmem_shared>>
      %dma_start3A_133 = arith.constant 0 : i32
      %dma_start3A_134 = tpu.memref_slice %arg7[%add3A_73, %dma_start3A_133] : memref<51200x16xf32, #tpu.memory_space<vmem_shared>> -> memref<64x16xf32, #tpu.memory_space<vmem_shared>>
      tpu.enqueue_dma source(%arg6 : memref<64x16xf32, #tpu.memory_space<vmem>>) target(%dma_start3A_134 : memref<64x16xf32, #tpu.memory_space<vmem_shared>>) target_semaphore(%run_scoped3A : memref<!tpu.dma_semaphore, #tpu.memory_space<semaphore_mem>>)
      %dma_wait3A = arith.constant 0 : i32
      %dma_wait3A_135 = tpu.memref_slice %arg7[%add3A_73, %dma_wait3A] : memref<51200x16xf32, #tpu.memory_space<vmem_shared>> -> memref<64x16xf32, #tpu.memory_space<vmem_shared>>
      %dma_wait3A_136 = arith.constant 0 : i32
      %dma_wait3A_137 = tpu.memref_slice %arg7[%add3A_73, %dma_wait3A_136] : memref<51200x16xf32, #tpu.memory_space<vmem_shared>> -> memref<64x16xf32, #tpu.memory_space<vmem_shared>>
      tpu.wait_dma2 semaphore(%run_scoped3A : memref<!tpu.dma_semaphore, #tpu.memory_space<semaphore_mem>>) src(%arg6 : memref<64x16xf32, #tpu.memory_space<vmem>>) dst(%dma_wait3A_137 : memref<64x16xf32, #tpu.memory_space<vmem_shared>>)
      tpu.yield
    }) : () -> ()
    %add3A_74 = arith.constant 1856 : i32
    %add3A_75 = arith.addi %mul3A_16, %add3A_74 : i32
    "tpu.region"() ({
      %run_scoped3A = tpu.sem_alloc : memref<!tpu.dma_semaphore, #tpu.memory_space<semaphore_mem>>
      %dma_start3A = arith.constant 0 : i32
      %dma_start3A_132 = tpu.memref_slice %arg7[%add3A_75, %dma_start3A] : memref<51200x16xf32, #tpu.memory_space<vmem_shared>> -> memref<64x16xf32, #tpu.memory_space<vmem_shared>>
      %dma_start3A_133 = arith.constant 0 : i32
      %dma_start3A_134 = tpu.memref_slice %arg7[%add3A_75, %dma_start3A_133] : memref<51200x16xf32, #tpu.memory_space<vmem_shared>> -> memref<64x16xf32, #tpu.memory_space<vmem_shared>>
      tpu.enqueue_dma source(%arg6 : memref<64x16xf32, #tpu.memory_space<vmem>>) target(%dma_start3A_134 : memref<64x16xf32, #tpu.memory_space<vmem_shared>>) target_semaphore(%run_scoped3A : memref<!tpu.dma_semaphore, #tpu.memory_space<semaphore_mem>>)
      %dma_wait3A = arith.constant 0 : i32
      %dma_wait3A_135 = tpu.memref_slice %arg7[%add3A_75, %dma_wait3A] : memref<51200x16xf32, #tpu.memory_space<vmem_shared>> -> memref<64x16xf32, #tpu.memory_space<vmem_shared>>
      %dma_wait3A_136 = arith.constant 0 : i32
      %dma_wait3A_137 = tpu.memref_slice %arg7[%add3A_75, %dma_wait3A_136] : memref<51200x16xf32, #tpu.memory_space<vmem_shared>> -> memref<64x16xf32, #tpu.memory_space<vmem_shared>>
      tpu.wait_dma2 semaphore(%run_scoped3A : memref<!tpu.dma_semaphore, #tpu.memory_space<semaphore_mem>>) src(%arg6 : memref<64x16xf32, #tpu.memory_space<vmem>>) dst(%dma_wait3A_137 : memref<64x16xf32, #tpu.memory_space<vmem_shared>>)
      tpu.yield
    }) : () -> ()
    %add3A_76 = arith.constant 1920 : i32
    %add3A_77 = arith.addi %mul3A_16, %add3A_76 : i32
    "tpu.region"() ({
      %run_scoped3A = tpu.sem_alloc : memref<!tpu.dma_semaphore, #tpu.memory_space<semaphore_mem>>
      %dma_start3A = arith.constant 0 : i32
      %dma_start3A_132 = tpu.memref_slice %arg7[%add3A_77, %dma_start3A] : memref<51200x16xf32, #tpu.memory_space<vmem_shared>> -> memref<64x16xf32, #tpu.memory_space<vmem_shared>>
      %dma_start3A_133 = arith.constant 0 : i32
      %dma_start3A_134 = tpu.memref_slice %arg7[%add3A_77, %dma_start3A_133] : memref<51200x16xf32, #tpu.memory_space<vmem_shared>> -> memref<64x16xf32, #tpu.memory_space<vmem_shared>>
      tpu.enqueue_dma source(%arg6 : memref<64x16xf32, #tpu.memory_space<vmem>>) target(%dma_start3A_134 : memref<64x16xf32, #tpu.memory_space<vmem_shared>>) target_semaphore(%run_scoped3A : memref<!tpu.dma_semaphore, #tpu.memory_space<semaphore_mem>>)
      %dma_wait3A = arith.constant 0 : i32
      %dma_wait3A_135 = tpu.memref_slice %arg7[%add3A_77, %dma_wait3A] : memref<51200x16xf32, #tpu.memory_space<vmem_shared>> -> memref<64x16xf32, #tpu.memory_space<vmem_shared>>
      %dma_wait3A_136 = arith.constant 0 : i32
      %dma_wait3A_137 = tpu.memref_slice %arg7[%add3A_77, %dma_wait3A_136] : memref<51200x16xf32, #tpu.memory_space<vmem_shared>> -> memref<64x16xf32, #tpu.memory_space<vmem_shared>>
      tpu.wait_dma2 semaphore(%run_scoped3A : memref<!tpu.dma_semaphore, #tpu.memory_space<semaphore_mem>>) src(%arg6 : memref<64x16xf32, #tpu.memory_space<vmem>>) dst(%dma_wait3A_137 : memref<64x16xf32, #tpu.memory_space<vmem_shared>>)
      tpu.yield
    }) : () -> ()
    %add3A_78 = arith.constant 1984 : i32
    %add3A_79 = arith.addi %mul3A_16, %add3A_78 : i32
    "tpu.region"() ({
      %run_scoped3A = tpu.sem_alloc : memref<!tpu.dma_semaphore, #tpu.memory_space<semaphore_mem>>
      %dma_start3A = arith.constant 0 : i32
      %dma_start3A_132 = tpu.memref_slice %arg7[%add3A_79, %dma_start3A] : memref<51200x16xf32, #tpu.memory_space<vmem_shared>> -> memref<64x16xf32, #tpu.memory_space<vmem_shared>>
      %dma_start3A_133 = arith.constant 0 : i32
      %dma_start3A_134 = tpu.memref_slice %arg7[%add3A_79, %dma_start3A_133] : memref<51200x16xf32, #tpu.memory_space<vmem_shared>> -> memref<64x16xf32, #tpu.memory_space<vmem_shared>>
      tpu.enqueue_dma source(%arg6 : memref<64x16xf32, #tpu.memory_space<vmem>>) target(%dma_start3A_134 : memref<64x16xf32, #tpu.memory_space<vmem_shared>>) target_semaphore(%run_scoped3A : memref<!tpu.dma_semaphore, #tpu.memory_space<semaphore_mem>>)
      %dma_wait3A = arith.constant 0 : i32
      %dma_wait3A_135 = tpu.memref_slice %arg7[%add3A_79, %dma_wait3A] : memref<51200x16xf32, #tpu.memory_space<vmem_shared>> -> memref<64x16xf32, #tpu.memory_space<vmem_shared>>
      %dma_wait3A_136 = arith.constant 0 : i32
      %dma_wait3A_137 = tpu.memref_slice %arg7[%add3A_79, %dma_wait3A_136] : memref<51200x16xf32, #tpu.memory_space<vmem_shared>> -> memref<64x16xf32, #tpu.memory_space<vmem_shared>>
      tpu.wait_dma2 semaphore(%run_scoped3A : memref<!tpu.dma_semaphore, #tpu.memory_space<semaphore_mem>>) src(%arg6 : memref<64x16xf32, #tpu.memory_space<vmem>>) dst(%dma_wait3A_137 : memref<64x16xf32, #tpu.memory_space<vmem_shared>>)
      tpu.yield
    }) : () -> ()
    %add3A_80 = arith.constant 2048 : i32
    %add3A_81 = arith.addi %mul3A_16, %add3A_80 : i32
    "tpu.region"() ({
      %run_scoped3A = tpu.sem_alloc : memref<!tpu.dma_semaphore, #tpu.memory_space<semaphore_mem>>
      %dma_start3A = arith.constant 0 : i32
      %dma_start3A_132 = tpu.memref_slice %arg7[%add3A_81, %dma_start3A] : memref<51200x16xf32, #tpu.memory_space<vmem_shared>> -> memref<64x16xf32, #tpu.memory_space<vmem_shared>>
      %dma_start3A_133 = arith.constant 0 : i32
      %dma_start3A_134 = tpu.memref_slice %arg7[%add3A_81, %dma_start3A_133] : memref<51200x16xf32, #tpu.memory_space<vmem_shared>> -> memref<64x16xf32, #tpu.memory_space<vmem_shared>>
      tpu.enqueue_dma source(%arg6 : memref<64x16xf32, #tpu.memory_space<vmem>>) target(%dma_start3A_134 : memref<64x16xf32, #tpu.memory_space<vmem_shared>>) target_semaphore(%run_scoped3A : memref<!tpu.dma_semaphore, #tpu.memory_space<semaphore_mem>>)
      %dma_wait3A = arith.constant 0 : i32
      %dma_wait3A_135 = tpu.memref_slice %arg7[%add3A_81, %dma_wait3A] : memref<51200x16xf32, #tpu.memory_space<vmem_shared>> -> memref<64x16xf32, #tpu.memory_space<vmem_shared>>
      %dma_wait3A_136 = arith.constant 0 : i32
      %dma_wait3A_137 = tpu.memref_slice %arg7[%add3A_81, %dma_wait3A_136] : memref<51200x16xf32, #tpu.memory_space<vmem_shared>> -> memref<64x16xf32, #tpu.memory_space<vmem_shared>>
      tpu.wait_dma2 semaphore(%run_scoped3A : memref<!tpu.dma_semaphore, #tpu.memory_space<semaphore_mem>>) src(%arg6 : memref<64x16xf32, #tpu.memory_space<vmem>>) dst(%dma_wait3A_137 : memref<64x16xf32, #tpu.memory_space<vmem_shared>>)
      tpu.yield
    }) : () -> ()
    %add3A_82 = arith.constant 2112 : i32
    %add3A_83 = arith.addi %mul3A_16, %add3A_82 : i32
    "tpu.region"() ({
      %run_scoped3A = tpu.sem_alloc : memref<!tpu.dma_semaphore, #tpu.memory_space<semaphore_mem>>
      %dma_start3A = arith.constant 0 : i32
      %dma_start3A_132 = tpu.memref_slice %arg7[%add3A_83, %dma_start3A] : memref<51200x16xf32, #tpu.memory_space<vmem_shared>> -> memref<64x16xf32, #tpu.memory_space<vmem_shared>>
      %dma_start3A_133 = arith.constant 0 : i32
      %dma_start3A_134 = tpu.memref_slice %arg7[%add3A_83, %dma_start3A_133] : memref<51200x16xf32, #tpu.memory_space<vmem_shared>> -> memref<64x16xf32, #tpu.memory_space<vmem_shared>>
      tpu.enqueue_dma source(%arg6 : memref<64x16xf32, #tpu.memory_space<vmem>>) target(%dma_start3A_134 : memref<64x16xf32, #tpu.memory_space<vmem_shared>>) target_semaphore(%run_scoped3A : memref<!tpu.dma_semaphore, #tpu.memory_space<semaphore_mem>>)
      %dma_wait3A = arith.constant 0 : i32
      %dma_wait3A_135 = tpu.memref_slice %arg7[%add3A_83, %dma_wait3A] : memref<51200x16xf32, #tpu.memory_space<vmem_shared>> -> memref<64x16xf32, #tpu.memory_space<vmem_shared>>
      %dma_wait3A_136 = arith.constant 0 : i32
      %dma_wait3A_137 = tpu.memref_slice %arg7[%add3A_83, %dma_wait3A_136] : memref<51200x16xf32, #tpu.memory_space<vmem_shared>> -> memref<64x16xf32, #tpu.memory_space<vmem_shared>>
      tpu.wait_dma2 semaphore(%run_scoped3A : memref<!tpu.dma_semaphore, #tpu.memory_space<semaphore_mem>>) src(%arg6 : memref<64x16xf32, #tpu.memory_space<vmem>>) dst(%dma_wait3A_137 : memref<64x16xf32, #tpu.memory_space<vmem_shared>>)
      tpu.yield
    }) : () -> ()
    %add3A_84 = arith.constant 2176 : i32
    %add3A_85 = arith.addi %mul3A_16, %add3A_84 : i32
    "tpu.region"() ({
      %run_scoped3A = tpu.sem_alloc : memref<!tpu.dma_semaphore, #tpu.memory_space<semaphore_mem>>
      %dma_start3A = arith.constant 0 : i32
      %dma_start3A_132 = tpu.memref_slice %arg7[%add3A_85, %dma_start3A] : memref<51200x16xf32, #tpu.memory_space<vmem_shared>> -> memref<64x16xf32, #tpu.memory_space<vmem_shared>>
      %dma_start3A_133 = arith.constant 0 : i32
      %dma_start3A_134 = tpu.memref_slice %arg7[%add3A_85, %dma_start3A_133] : memref<51200x16xf32, #tpu.memory_space<vmem_shared>> -> memref<64x16xf32, #tpu.memory_space<vmem_shared>>
      tpu.enqueue_dma source(%arg6 : memref<64x16xf32, #tpu.memory_space<vmem>>) target(%dma_start3A_134 : memref<64x16xf32, #tpu.memory_space<vmem_shared>>) target_semaphore(%run_scoped3A : memref<!tpu.dma_semaphore, #tpu.memory_space<semaphore_mem>>)
      %dma_wait3A = arith.constant 0 : i32
      %dma_wait3A_135 = tpu.memref_slice %arg7[%add3A_85, %dma_wait3A] : memref<51200x16xf32, #tpu.memory_space<vmem_shared>> -> memref<64x16xf32, #tpu.memory_space<vmem_shared>>
      %dma_wait3A_136 = arith.constant 0 : i32
      %dma_wait3A_137 = tpu.memref_slice %arg7[%add3A_85, %dma_wait3A_136] : memref<51200x16xf32, #tpu.memory_space<vmem_shared>> -> memref<64x16xf32, #tpu.memory_space<vmem_shared>>
      tpu.wait_dma2 semaphore(%run_scoped3A : memref<!tpu.dma_semaphore, #tpu.memory_space<semaphore_mem>>) src(%arg6 : memref<64x16xf32, #tpu.memory_space<vmem>>) dst(%dma_wait3A_137 : memref<64x16xf32, #tpu.memory_space<vmem_shared>>)
      tpu.yield
    }) : () -> ()
    %add3A_86 = arith.constant 2240 : i32
    %add3A_87 = arith.addi %mul3A_16, %add3A_86 : i32
    "tpu.region"() ({
      %run_scoped3A = tpu.sem_alloc : memref<!tpu.dma_semaphore, #tpu.memory_space<semaphore_mem>>
      %dma_start3A = arith.constant 0 : i32
      %dma_start3A_132 = tpu.memref_slice %arg7[%add3A_87, %dma_start3A] : memref<51200x16xf32, #tpu.memory_space<vmem_shared>> -> memref<64x16xf32, #tpu.memory_space<vmem_shared>>
      %dma_start3A_133 = arith.constant 0 : i32
      %dma_start3A_134 = tpu.memref_slice %arg7[%add3A_87, %dma_start3A_133] : memref<51200x16xf32, #tpu.memory_space<vmem_shared>> -> memref<64x16xf32, #tpu.memory_space<vmem_shared>>
      tpu.enqueue_dma source(%arg6 : memref<64x16xf32, #tpu.memory_space<vmem>>) target(%dma_start3A_134 : memref<64x16xf32, #tpu.memory_space<vmem_shared>>) target_semaphore(%run_scoped3A : memref<!tpu.dma_semaphore, #tpu.memory_space<semaphore_mem>>)
      %dma_wait3A = arith.constant 0 : i32
      %dma_wait3A_135 = tpu.memref_slice %arg7[%add3A_87, %dma_wait3A] : memref<51200x16xf32, #tpu.memory_space<vmem_shared>> -> memref<64x16xf32, #tpu.memory_space<vmem_shared>>
      %dma_wait3A_136 = arith.constant 0 : i32
      %dma_wait3A_137 = tpu.memref_slice %arg7[%add3A_87, %dma_wait3A_136] : memref<51200x16xf32, #tpu.memory_space<vmem_shared>> -> memref<64x16xf32, #tpu.memory_space<vmem_shared>>
      tpu.wait_dma2 semaphore(%run_scoped3A : memref<!tpu.dma_semaphore, #tpu.memory_space<semaphore_mem>>) src(%arg6 : memref<64x16xf32, #tpu.memory_space<vmem>>) dst(%dma_wait3A_137 : memref<64x16xf32, #tpu.memory_space<vmem_shared>>)
      tpu.yield
    }) : () -> ()
    %add3A_88 = arith.constant 2304 : i32
    %add3A_89 = arith.addi %mul3A_16, %add3A_88 : i32
    "tpu.region"() ({
      %run_scoped3A = tpu.sem_alloc : memref<!tpu.dma_semaphore, #tpu.memory_space<semaphore_mem>>
      %dma_start3A = arith.constant 0 : i32
      %dma_start3A_132 = tpu.memref_slice %arg7[%add3A_89, %dma_start3A] : memref<51200x16xf32, #tpu.memory_space<vmem_shared>> -> memref<64x16xf32, #tpu.memory_space<vmem_shared>>
      %dma_start3A_133 = arith.constant 0 : i32
      %dma_start3A_134 = tpu.memref_slice %arg7[%add3A_89, %dma_start3A_133] : memref<51200x16xf32, #tpu.memory_space<vmem_shared>> -> memref<64x16xf32, #tpu.memory_space<vmem_shared>>
      tpu.enqueue_dma source(%arg6 : memref<64x16xf32, #tpu.memory_space<vmem>>) target(%dma_start3A_134 : memref<64x16xf32, #tpu.memory_space<vmem_shared>>) target_semaphore(%run_scoped3A : memref<!tpu.dma_semaphore, #tpu.memory_space<semaphore_mem>>)
      %dma_wait3A = arith.constant 0 : i32
      %dma_wait3A_135 = tpu.memref_slice %arg7[%add3A_89, %dma_wait3A] : memref<51200x16xf32, #tpu.memory_space<vmem_shared>> -> memref<64x16xf32, #tpu.memory_space<vmem_shared>>
      %dma_wait3A_136 = arith.constant 0 : i32
      %dma_wait3A_137 = tpu.memref_slice %arg7[%add3A_89, %dma_wait3A_136] : memref<51200x16xf32, #tpu.memory_space<vmem_shared>> -> memref<64x16xf32, #tpu.memory_space<vmem_shared>>
      tpu.wait_dma2 semaphore(%run_scoped3A : memref<!tpu.dma_semaphore, #tpu.memory_space<semaphore_mem>>) src(%arg6 : memref<64x16xf32, #tpu.memory_space<vmem>>) dst(%dma_wait3A_137 : memref<64x16xf32, #tpu.memory_space<vmem_shared>>)
      tpu.yield
    }) : () -> ()
    %add3A_90 = arith.constant 2368 : i32
    %add3A_91 = arith.addi %mul3A_16, %add3A_90 : i32
    "tpu.region"() ({
      %run_scoped3A = tpu.sem_alloc : memref<!tpu.dma_semaphore, #tpu.memory_space<semaphore_mem>>
      %dma_start3A = arith.constant 0 : i32
      %dma_start3A_132 = tpu.memref_slice %arg7[%add3A_91, %dma_start3A] : memref<51200x16xf32, #tpu.memory_space<vmem_shared>> -> memref<64x16xf32, #tpu.memory_space<vmem_shared>>
      %dma_start3A_133 = arith.constant 0 : i32
      %dma_start3A_134 = tpu.memref_slice %arg7[%add3A_91, %dma_start3A_133] : memref<51200x16xf32, #tpu.memory_space<vmem_shared>> -> memref<64x16xf32, #tpu.memory_space<vmem_shared>>
      tpu.enqueue_dma source(%arg6 : memref<64x16xf32, #tpu.memory_space<vmem>>) target(%dma_start3A_134 : memref<64x16xf32, #tpu.memory_space<vmem_shared>>) target_semaphore(%run_scoped3A : memref<!tpu.dma_semaphore, #tpu.memory_space<semaphore_mem>>)
      %dma_wait3A = arith.constant 0 : i32
      %dma_wait3A_135 = tpu.memref_slice %arg7[%add3A_91, %dma_wait3A] : memref<51200x16xf32, #tpu.memory_space<vmem_shared>> -> memref<64x16xf32, #tpu.memory_space<vmem_shared>>
      %dma_wait3A_136 = arith.constant 0 : i32
      %dma_wait3A_137 = tpu.memref_slice %arg7[%add3A_91, %dma_wait3A_136] : memref<51200x16xf32, #tpu.memory_space<vmem_shared>> -> memref<64x16xf32, #tpu.memory_space<vmem_shared>>
      tpu.wait_dma2 semaphore(%run_scoped3A : memref<!tpu.dma_semaphore, #tpu.memory_space<semaphore_mem>>) src(%arg6 : memref<64x16xf32, #tpu.memory_space<vmem>>) dst(%dma_wait3A_137 : memref<64x16xf32, #tpu.memory_space<vmem_shared>>)
      tpu.yield
    }) : () -> ()
    %add3A_92 = arith.constant 2432 : i32
    %add3A_93 = arith.addi %mul3A_16, %add3A_92 : i32
    "tpu.region"() ({
      %run_scoped3A = tpu.sem_alloc : memref<!tpu.dma_semaphore, #tpu.memory_space<semaphore_mem>>
      %dma_start3A = arith.constant 0 : i32
      %dma_start3A_132 = tpu.memref_slice %arg7[%add3A_93, %dma_start3A] : memref<51200x16xf32, #tpu.memory_space<vmem_shared>> -> memref<64x16xf32, #tpu.memory_space<vmem_shared>>
      %dma_start3A_133 = arith.constant 0 : i32
      %dma_start3A_134 = tpu.memref_slice %arg7[%add3A_93, %dma_start3A_133] : memref<51200x16xf32, #tpu.memory_space<vmem_shared>> -> memref<64x16xf32, #tpu.memory_space<vmem_shared>>
      tpu.enqueue_dma source(%arg6 : memref<64x16xf32, #tpu.memory_space<vmem>>) target(%dma_start3A_134 : memref<64x16xf32, #tpu.memory_space<vmem_shared>>) target_semaphore(%run_scoped3A : memref<!tpu.dma_semaphore, #tpu.memory_space<semaphore_mem>>)
      %dma_wait3A = arith.constant 0 : i32
      %dma_wait3A_135 = tpu.memref_slice %arg7[%add3A_93, %dma_wait3A] : memref<51200x16xf32, #tpu.memory_space<vmem_shared>> -> memref<64x16xf32, #tpu.memory_space<vmem_shared>>
      %dma_wait3A_136 = arith.constant 0 : i32
      %dma_wait3A_137 = tpu.memref_slice %arg7[%add3A_93, %dma_wait3A_136] : memref<51200x16xf32, #tpu.memory_space<vmem_shared>> -> memref<64x16xf32, #tpu.memory_space<vmem_shared>>
      tpu.wait_dma2 semaphore(%run_scoped3A : memref<!tpu.dma_semaphore, #tpu.memory_space<semaphore_mem>>) src(%arg6 : memref<64x16xf32, #tpu.memory_space<vmem>>) dst(%dma_wait3A_137 : memref<64x16xf32, #tpu.memory_space<vmem_shared>>)
      tpu.yield
    }) : () -> ()
    %add3A_94 = arith.constant 2496 : i32
    %add3A_95 = arith.addi %mul3A_16, %add3A_94 : i32
    "tpu.region"() ({
      %run_scoped3A = tpu.sem_alloc : memref<!tpu.dma_semaphore, #tpu.memory_space<semaphore_mem>>
      %dma_start3A = arith.constant 0 : i32
      %dma_start3A_132 = tpu.memref_slice %arg7[%add3A_95, %dma_start3A] : memref<51200x16xf32, #tpu.memory_space<vmem_shared>> -> memref<64x16xf32, #tpu.memory_space<vmem_shared>>
      %dma_start3A_133 = arith.constant 0 : i32
      %dma_start3A_134 = tpu.memref_slice %arg7[%add3A_95, %dma_start3A_133] : memref<51200x16xf32, #tpu.memory_space<vmem_shared>> -> memref<64x16xf32, #tpu.memory_space<vmem_shared>>
      tpu.enqueue_dma source(%arg6 : memref<64x16xf32, #tpu.memory_space<vmem>>) target(%dma_start3A_134 : memref<64x16xf32, #tpu.memory_space<vmem_shared>>) target_semaphore(%run_scoped3A : memref<!tpu.dma_semaphore, #tpu.memory_space<semaphore_mem>>)
      %dma_wait3A = arith.constant 0 : i32
      %dma_wait3A_135 = tpu.memref_slice %arg7[%add3A_95, %dma_wait3A] : memref<51200x16xf32, #tpu.memory_space<vmem_shared>> -> memref<64x16xf32, #tpu.memory_space<vmem_shared>>
      %dma_wait3A_136 = arith.constant 0 : i32
      %dma_wait3A_137 = tpu.memref_slice %arg7[%add3A_95, %dma_wait3A_136] : memref<51200x16xf32, #tpu.memory_space<vmem_shared>> -> memref<64x16xf32, #tpu.memory_space<vmem_shared>>
      tpu.wait_dma2 semaphore(%run_scoped3A : memref<!tpu.dma_semaphore, #tpu.memory_space<semaphore_mem>>) src(%arg6 : memref<64x16xf32, #tpu.memory_space<vmem>>) dst(%dma_wait3A_137 : memref<64x16xf32, #tpu.memory_space<vmem_shared>>)
      tpu.yield
    }) : () -> ()
    %add3A_96 = arith.constant 2560 : i32
    %add3A_97 = arith.addi %mul3A_16, %add3A_96 : i32
    "tpu.region"() ({
      %run_scoped3A = tpu.sem_alloc : memref<!tpu.dma_semaphore, #tpu.memory_space<semaphore_mem>>
      %dma_start3A = arith.constant 0 : i32
      %dma_start3A_132 = tpu.memref_slice %arg7[%add3A_97, %dma_start3A] : memref<51200x16xf32, #tpu.memory_space<vmem_shared>> -> memref<64x16xf32, #tpu.memory_space<vmem_shared>>
      %dma_start3A_133 = arith.constant 0 : i32
      %dma_start3A_134 = tpu.memref_slice %arg7[%add3A_97, %dma_start3A_133] : memref<51200x16xf32, #tpu.memory_space<vmem_shared>> -> memref<64x16xf32, #tpu.memory_space<vmem_shared>>
      tpu.enqueue_dma source(%arg6 : memref<64x16xf32, #tpu.memory_space<vmem>>) target(%dma_start3A_134 : memref<64x16xf32, #tpu.memory_space<vmem_shared>>) target_semaphore(%run_scoped3A : memref<!tpu.dma_semaphore, #tpu.memory_space<semaphore_mem>>)
      %dma_wait3A = arith.constant 0 : i32
      %dma_wait3A_135 = tpu.memref_slice %arg7[%add3A_97, %dma_wait3A] : memref<51200x16xf32, #tpu.memory_space<vmem_shared>> -> memref<64x16xf32, #tpu.memory_space<vmem_shared>>
      %dma_wait3A_136 = arith.constant 0 : i32
      %dma_wait3A_137 = tpu.memref_slice %arg7[%add3A_97, %dma_wait3A_136] : memref<51200x16xf32, #tpu.memory_space<vmem_shared>> -> memref<64x16xf32, #tpu.memory_space<vmem_shared>>
      tpu.wait_dma2 semaphore(%run_scoped3A : memref<!tpu.dma_semaphore, #tpu.memory_space<semaphore_mem>>) src(%arg6 : memref<64x16xf32, #tpu.memory_space<vmem>>) dst(%dma_wait3A_137 : memref<64x16xf32, #tpu.memory_space<vmem_shared>>)
      tpu.yield
    }) : () -> ()
    %add3A_98 = arith.constant 2624 : i32
    %add3A_99 = arith.addi %mul3A_16, %add3A_98 : i32
    "tpu.region"() ({
      %run_scoped3A = tpu.sem_alloc : memref<!tpu.dma_semaphore, #tpu.memory_space<semaphore_mem>>
      %dma_start3A = arith.constant 0 : i32
      %dma_start3A_132 = tpu.memref_slice %arg7[%add3A_99, %dma_start3A] : memref<51200x16xf32, #tpu.memory_space<vmem_shared>> -> memref<64x16xf32, #tpu.memory_space<vmem_shared>>
      %dma_start3A_133 = arith.constant 0 : i32
      %dma_start3A_134 = tpu.memref_slice %arg7[%add3A_99, %dma_start3A_133] : memref<51200x16xf32, #tpu.memory_space<vmem_shared>> -> memref<64x16xf32, #tpu.memory_space<vmem_shared>>
      tpu.enqueue_dma source(%arg6 : memref<64x16xf32, #tpu.memory_space<vmem>>) target(%dma_start3A_134 : memref<64x16xf32, #tpu.memory_space<vmem_shared>>) target_semaphore(%run_scoped3A : memref<!tpu.dma_semaphore, #tpu.memory_space<semaphore_mem>>)
      %dma_wait3A = arith.constant 0 : i32
      %dma_wait3A_135 = tpu.memref_slice %arg7[%add3A_99, %dma_wait3A] : memref<51200x16xf32, #tpu.memory_space<vmem_shared>> -> memref<64x16xf32, #tpu.memory_space<vmem_shared>>
      %dma_wait3A_136 = arith.constant 0 : i32
      %dma_wait3A_137 = tpu.memref_slice %arg7[%add3A_99, %dma_wait3A_136] : memref<51200x16xf32, #tpu.memory_space<vmem_shared>> -> memref<64x16xf32, #tpu.memory_space<vmem_shared>>
      tpu.wait_dma2 semaphore(%run_scoped3A : memref<!tpu.dma_semaphore, #tpu.memory_space<semaphore_mem>>) src(%arg6 : memref<64x16xf32, #tpu.memory_space<vmem>>) dst(%dma_wait3A_137 : memref<64x16xf32, #tpu.memory_space<vmem_shared>>)
      tpu.yield
    }) : () -> ()
    %add3A_100 = arith.constant 2688 : i32
    %add3A_101 = arith.addi %mul3A_16, %add3A_100 : i32
    "tpu.region"() ({
      %run_scoped3A = tpu.sem_alloc : memref<!tpu.dma_semaphore, #tpu.memory_space<semaphore_mem>>
      %dma_start3A = arith.constant 0 : i32
      %dma_start3A_132 = tpu.memref_slice %arg7[%add3A_101, %dma_start3A] : memref<51200x16xf32, #tpu.memory_space<vmem_shared>> -> memref<64x16xf32, #tpu.memory_space<vmem_shared>>
      %dma_start3A_133 = arith.constant 0 : i32
      %dma_start3A_134 = tpu.memref_slice %arg7[%add3A_101, %dma_start3A_133] : memref<51200x16xf32, #tpu.memory_space<vmem_shared>> -> memref<64x16xf32, #tpu.memory_space<vmem_shared>>
      tpu.enqueue_dma source(%arg6 : memref<64x16xf32, #tpu.memory_space<vmem>>) target(%dma_start3A_134 : memref<64x16xf32, #tpu.memory_space<vmem_shared>>) target_semaphore(%run_scoped3A : memref<!tpu.dma_semaphore, #tpu.memory_space<semaphore_mem>>)
      %dma_wait3A = arith.constant 0 : i32
      %dma_wait3A_135 = tpu.memref_slice %arg7[%add3A_101, %dma_wait3A] : memref<51200x16xf32, #tpu.memory_space<vmem_shared>> -> memref<64x16xf32, #tpu.memory_space<vmem_shared>>
      %dma_wait3A_136 = arith.constant 0 : i32
      %dma_wait3A_137 = tpu.memref_slice %arg7[%add3A_101, %dma_wait3A_136] : memref<51200x16xf32, #tpu.memory_space<vmem_shared>> -> memref<64x16xf32, #tpu.memory_space<vmem_shared>>
      tpu.wait_dma2 semaphore(%run_scoped3A : memref<!tpu.dma_semaphore, #tpu.memory_space<semaphore_mem>>) src(%arg6 : memref<64x16xf32, #tpu.memory_space<vmem>>) dst(%dma_wait3A_137 : memref<64x16xf32, #tpu.memory_space<vmem_shared>>)
      tpu.yield
    }) : () -> ()
    %add3A_102 = arith.constant 2752 : i32
    %add3A_103 = arith.addi %mul3A_16, %add3A_102 : i32
    "tpu.region"() ({
      %run_scoped3A = tpu.sem_alloc : memref<!tpu.dma_semaphore, #tpu.memory_space<semaphore_mem>>
      %dma_start3A = arith.constant 0 : i32
      %dma_start3A_132 = tpu.memref_slice %arg7[%add3A_103, %dma_start3A] : memref<51200x16xf32, #tpu.memory_space<vmem_shared>> -> memref<64x16xf32, #tpu.memory_space<vmem_shared>>
      %dma_start3A_133 = arith.constant 0 : i32
      %dma_start3A_134 = tpu.memref_slice %arg7[%add3A_103, %dma_start3A_133] : memref<51200x16xf32, #tpu.memory_space<vmem_shared>> -> memref<64x16xf32, #tpu.memory_space<vmem_shared>>
      tpu.enqueue_dma source(%arg6 : memref<64x16xf32, #tpu.memory_space<vmem>>) target(%dma_start3A_134 : memref<64x16xf32, #tpu.memory_space<vmem_shared>>) target_semaphore(%run_scoped3A : memref<!tpu.dma_semaphore, #tpu.memory_space<semaphore_mem>>)
      %dma_wait3A = arith.constant 0 : i32
      %dma_wait3A_135 = tpu.memref_slice %arg7[%add3A_103, %dma_wait3A] : memref<51200x16xf32, #tpu.memory_space<vmem_shared>> -> memref<64x16xf32, #tpu.memory_space<vmem_shared>>
      %dma_wait3A_136 = arith.constant 0 : i32
      %dma_wait3A_137 = tpu.memref_slice %arg7[%add3A_103, %dma_wait3A_136] : memref<51200x16xf32, #tpu.memory_space<vmem_shared>> -> memref<64x16xf32, #tpu.memory_space<vmem_shared>>
      tpu.wait_dma2 semaphore(%run_scoped3A : memref<!tpu.dma_semaphore, #tpu.memory_space<semaphore_mem>>) src(%arg6 : memref<64x16xf32, #tpu.memory_space<vmem>>) dst(%dma_wait3A_137 : memref<64x16xf32, #tpu.memory_space<vmem_shared>>)
      tpu.yield
    }) : () -> ()
    %add3A_104 = arith.constant 2816 : i32
    %add3A_105 = arith.addi %mul3A_16, %add3A_104 : i32
    "tpu.region"() ({
      %run_scoped3A = tpu.sem_alloc : memref<!tpu.dma_semaphore, #tpu.memory_space<semaphore_mem>>
      %dma_start3A = arith.constant 0 : i32
      %dma_start3A_132 = tpu.memref_slice %arg7[%add3A_105, %dma_start3A] : memref<51200x16xf32, #tpu.memory_space<vmem_shared>> -> memref<64x16xf32, #tpu.memory_space<vmem_shared>>
      %dma_start3A_133 = arith.constant 0 : i32
      %dma_start3A_134 = tpu.memref_slice %arg7[%add3A_105, %dma_start3A_133] : memref<51200x16xf32, #tpu.memory_space<vmem_shared>> -> memref<64x16xf32, #tpu.memory_space<vmem_shared>>
      tpu.enqueue_dma source(%arg6 : memref<64x16xf32, #tpu.memory_space<vmem>>) target(%dma_start3A_134 : memref<64x16xf32, #tpu.memory_space<vmem_shared>>) target_semaphore(%run_scoped3A : memref<!tpu.dma_semaphore, #tpu.memory_space<semaphore_mem>>)
      %dma_wait3A = arith.constant 0 : i32
      %dma_wait3A_135 = tpu.memref_slice %arg7[%add3A_105, %dma_wait3A] : memref<51200x16xf32, #tpu.memory_space<vmem_shared>> -> memref<64x16xf32, #tpu.memory_space<vmem_shared>>
      %dma_wait3A_136 = arith.constant 0 : i32
      %dma_wait3A_137 = tpu.memref_slice %arg7[%add3A_105, %dma_wait3A_136] : memref<51200x16xf32, #tpu.memory_space<vmem_shared>> -> memref<64x16xf32, #tpu.memory_space<vmem_shared>>
      tpu.wait_dma2 semaphore(%run_scoped3A : memref<!tpu.dma_semaphore, #tpu.memory_space<semaphore_mem>>) src(%arg6 : memref<64x16xf32, #tpu.memory_space<vmem>>) dst(%dma_wait3A_137 : memref<64x16xf32, #tpu.memory_space<vmem_shared>>)
      tpu.yield
    }) : () -> ()
    %add3A_106 = arith.constant 2880 : i32
    %add3A_107 = arith.addi %mul3A_16, %add3A_106 : i32
    "tpu.region"() ({
      %run_scoped3A = tpu.sem_alloc : memref<!tpu.dma_semaphore, #tpu.memory_space<semaphore_mem>>
      %dma_start3A = arith.constant 0 : i32
      %dma_start3A_132 = tpu.memref_slice %arg7[%add3A_107, %dma_start3A] : memref<51200x16xf32, #tpu.memory_space<vmem_shared>> -> memref<64x16xf32, #tpu.memory_space<vmem_shared>>
      %dma_start3A_133 = arith.constant 0 : i32
      %dma_start3A_134 = tpu.memref_slice %arg7[%add3A_107, %dma_start3A_133] : memref<51200x16xf32, #tpu.memory_space<vmem_shared>> -> memref<64x16xf32, #tpu.memory_space<vmem_shared>>
      tpu.enqueue_dma source(%arg6 : memref<64x16xf32, #tpu.memory_space<vmem>>) target(%dma_start3A_134 : memref<64x16xf32, #tpu.memory_space<vmem_shared>>) target_semaphore(%run_scoped3A : memref<!tpu.dma_semaphore, #tpu.memory_space<semaphore_mem>>)
      %dma_wait3A = arith.constant 0 : i32
      %dma_wait3A_135 = tpu.memref_slice %arg7[%add3A_107, %dma_wait3A] : memref<51200x16xf32, #tpu.memory_space<vmem_shared>> -> memref<64x16xf32, #tpu.memory_space<vmem_shared>>
      %dma_wait3A_136 = arith.constant 0 : i32
      %dma_wait3A_137 = tpu.memref_slice %arg7[%add3A_107, %dma_wait3A_136] : memref<51200x16xf32, #tpu.memory_space<vmem_shared>> -> memref<64x16xf32, #tpu.memory_space<vmem_shared>>
      tpu.wait_dma2 semaphore(%run_scoped3A : memref<!tpu.dma_semaphore, #tpu.memory_space<semaphore_mem>>) src(%arg6 : memref<64x16xf32, #tpu.memory_space<vmem>>) dst(%dma_wait3A_137 : memref<64x16xf32, #tpu.memory_space<vmem_shared>>)
      tpu.yield
    }) : () -> ()
    %add3A_108 = arith.constant 2944 : i32
    %add3A_109 = arith.addi %mul3A_16, %add3A_108 : i32
    "tpu.region"() ({
      %run_scoped3A = tpu.sem_alloc : memref<!tpu.dma_semaphore, #tpu.memory_space<semaphore_mem>>
      %dma_start3A = arith.constant 0 : i32
      %dma_start3A_132 = tpu.memref_slice %arg7[%add3A_109, %dma_start3A] : memref<51200x16xf32, #tpu.memory_space<vmem_shared>> -> memref<64x16xf32, #tpu.memory_space<vmem_shared>>
      %dma_start3A_133 = arith.constant 0 : i32
      %dma_start3A_134 = tpu.memref_slice %arg7[%add3A_109, %dma_start3A_133] : memref<51200x16xf32, #tpu.memory_space<vmem_shared>> -> memref<64x16xf32, #tpu.memory_space<vmem_shared>>
      tpu.enqueue_dma source(%arg6 : memref<64x16xf32, #tpu.memory_space<vmem>>) target(%dma_start3A_134 : memref<64x16xf32, #tpu.memory_space<vmem_shared>>) target_semaphore(%run_scoped3A : memref<!tpu.dma_semaphore, #tpu.memory_space<semaphore_mem>>)
      %dma_wait3A = arith.constant 0 : i32
      %dma_wait3A_135 = tpu.memref_slice %arg7[%add3A_109, %dma_wait3A] : memref<51200x16xf32, #tpu.memory_space<vmem_shared>> -> memref<64x16xf32, #tpu.memory_space<vmem_shared>>
      %dma_wait3A_136 = arith.constant 0 : i32
      %dma_wait3A_137 = tpu.memref_slice %arg7[%add3A_109, %dma_wait3A_136] : memref<51200x16xf32, #tpu.memory_space<vmem_shared>> -> memref<64x16xf32, #tpu.memory_space<vmem_shared>>
      tpu.wait_dma2 semaphore(%run_scoped3A : memref<!tpu.dma_semaphore, #tpu.memory_space<semaphore_mem>>) src(%arg6 : memref<64x16xf32, #tpu.memory_space<vmem>>) dst(%dma_wait3A_137 : memref<64x16xf32, #tpu.memory_space<vmem_shared>>)
      tpu.yield
    }) : () -> ()
    %add3A_110 = arith.constant 3008 : i32
    %add3A_111 = arith.addi %mul3A_16, %add3A_110 : i32
    "tpu.region"() ({
      %run_scoped3A = tpu.sem_alloc : memref<!tpu.dma_semaphore, #tpu.memory_space<semaphore_mem>>
      %dma_start3A = arith.constant 0 : i32
      %dma_start3A_132 = tpu.memref_slice %arg7[%add3A_111, %dma_start3A] : memref<51200x16xf32, #tpu.memory_space<vmem_shared>> -> memref<64x16xf32, #tpu.memory_space<vmem_shared>>
      %dma_start3A_133 = arith.constant 0 : i32
      %dma_start3A_134 = tpu.memref_slice %arg7[%add3A_111, %dma_start3A_133] : memref<51200x16xf32, #tpu.memory_space<vmem_shared>> -> memref<64x16xf32, #tpu.memory_space<vmem_shared>>
      tpu.enqueue_dma source(%arg6 : memref<64x16xf32, #tpu.memory_space<vmem>>) target(%dma_start3A_134 : memref<64x16xf32, #tpu.memory_space<vmem_shared>>) target_semaphore(%run_scoped3A : memref<!tpu.dma_semaphore, #tpu.memory_space<semaphore_mem>>)
      %dma_wait3A = arith.constant 0 : i32
      %dma_wait3A_135 = tpu.memref_slice %arg7[%add3A_111, %dma_wait3A] : memref<51200x16xf32, #tpu.memory_space<vmem_shared>> -> memref<64x16xf32, #tpu.memory_space<vmem_shared>>
      %dma_wait3A_136 = arith.constant 0 : i32
      %dma_wait3A_137 = tpu.memref_slice %arg7[%add3A_111, %dma_wait3A_136] : memref<51200x16xf32, #tpu.memory_space<vmem_shared>> -> memref<64x16xf32, #tpu.memory_space<vmem_shared>>
      tpu.wait_dma2 semaphore(%run_scoped3A : memref<!tpu.dma_semaphore, #tpu.memory_space<semaphore_mem>>) src(%arg6 : memref<64x16xf32, #tpu.memory_space<vmem>>) dst(%dma_wait3A_137 : memref<64x16xf32, #tpu.memory_space<vmem_shared>>)
      tpu.yield
    }) : () -> ()
    %add3A_112 = arith.constant 3072 : i32
    %add3A_113 = arith.addi %mul3A_16, %add3A_112 : i32
    "tpu.region"() ({
      %run_scoped3A = tpu.sem_alloc : memref<!tpu.dma_semaphore, #tpu.memory_space<semaphore_mem>>
      %dma_start3A = arith.constant 0 : i32
      %dma_start3A_132 = tpu.memref_slice %arg7[%add3A_113, %dma_start3A] : memref<51200x16xf32, #tpu.memory_space<vmem_shared>> -> memref<64x16xf32, #tpu.memory_space<vmem_shared>>
      %dma_start3A_133 = arith.constant 0 : i32
      %dma_start3A_134 = tpu.memref_slice %arg7[%add3A_113, %dma_start3A_133] : memref<51200x16xf32, #tpu.memory_space<vmem_shared>> -> memref<64x16xf32, #tpu.memory_space<vmem_shared>>
      tpu.enqueue_dma source(%arg6 : memref<64x16xf32, #tpu.memory_space<vmem>>) target(%dma_start3A_134 : memref<64x16xf32, #tpu.memory_space<vmem_shared>>) target_semaphore(%run_scoped3A : memref<!tpu.dma_semaphore, #tpu.memory_space<semaphore_mem>>)
      %dma_wait3A = arith.constant 0 : i32
      %dma_wait3A_135 = tpu.memref_slice %arg7[%add3A_113, %dma_wait3A] : memref<51200x16xf32, #tpu.memory_space<vmem_shared>> -> memref<64x16xf32, #tpu.memory_space<vmem_shared>>
      %dma_wait3A_136 = arith.constant 0 : i32
      %dma_wait3A_137 = tpu.memref_slice %arg7[%add3A_113, %dma_wait3A_136] : memref<51200x16xf32, #tpu.memory_space<vmem_shared>> -> memref<64x16xf32, #tpu.memory_space<vmem_shared>>
      tpu.wait_dma2 semaphore(%run_scoped3A : memref<!tpu.dma_semaphore, #tpu.memory_space<semaphore_mem>>) src(%arg6 : memref<64x16xf32, #tpu.memory_space<vmem>>) dst(%dma_wait3A_137 : memref<64x16xf32, #tpu.memory_space<vmem_shared>>)
      tpu.yield
    }) : () -> ()
    %add3A_114 = arith.constant 3136 : i32
    %add3A_115 = arith.addi %mul3A_16, %add3A_114 : i32
    "tpu.region"() ({
      %run_scoped3A = tpu.sem_alloc : memref<!tpu.dma_semaphore, #tpu.memory_space<semaphore_mem>>
      %dma_start3A = arith.constant 0 : i32
      %dma_start3A_132 = tpu.memref_slice %arg7[%add3A_115, %dma_start3A] : memref<51200x16xf32, #tpu.memory_space<vmem_shared>> -> memref<64x16xf32, #tpu.memory_space<vmem_shared>>
      %dma_start3A_133 = arith.constant 0 : i32
      %dma_start3A_134 = tpu.memref_slice %arg7[%add3A_115, %dma_start3A_133] : memref<51200x16xf32, #tpu.memory_space<vmem_shared>> -> memref<64x16xf32, #tpu.memory_space<vmem_shared>>
      tpu.enqueue_dma source(%arg6 : memref<64x16xf32, #tpu.memory_space<vmem>>) target(%dma_start3A_134 : memref<64x16xf32, #tpu.memory_space<vmem_shared>>) target_semaphore(%run_scoped3A : memref<!tpu.dma_semaphore, #tpu.memory_space<semaphore_mem>>)
      %dma_wait3A = arith.constant 0 : i32
      %dma_wait3A_135 = tpu.memref_slice %arg7[%add3A_115, %dma_wait3A] : memref<51200x16xf32, #tpu.memory_space<vmem_shared>> -> memref<64x16xf32, #tpu.memory_space<vmem_shared>>
      %dma_wait3A_136 = arith.constant 0 : i32
      %dma_wait3A_137 = tpu.memref_slice %arg7[%add3A_115, %dma_wait3A_136] : memref<51200x16xf32, #tpu.memory_space<vmem_shared>> -> memref<64x16xf32, #tpu.memory_space<vmem_shared>>
      tpu.wait_dma2 semaphore(%run_scoped3A : memref<!tpu.dma_semaphore, #tpu.memory_space<semaphore_mem>>) src(%arg6 : memref<64x16xf32, #tpu.memory_space<vmem>>) dst(%dma_wait3A_137 : memref<64x16xf32, #tpu.memory_space<vmem_shared>>)
      tpu.yield
    }) : () -> ()
    %barrier3A = arith.constant 0 : index
    tpu.barrier barrier_id(%barrier3A)
    %mul3A_116 = arith.constant 400000 : i32
    %mul3A_117 = arith.muli %arg0, %mul3A_116 : i32
    %mul3A_118 = arith.constant 25000 : i32
    %mul3A_119 = arith.muli %arg1, %mul3A_118 : i32
    %add3A_120 = arith.addi %mul3A_117, %mul3A_119 : i32
    %scan3A_121 = arith.constant 0 : i32
    %scan3A_122 = arith.constant 0 : i32
    %scan3A_123 = arith.constant 25 : i32
    %scan3A_124 = arith.addi %scan3A_122, %scan3A_123 : i32
    %scan3A_125 = arith.constant 1 : i32
    %scan3A_126 = scf.for %scan3A_132 = %scan3A_122 to %scan3A_124 step %scan3A_125 iter_args(%scan3A_133 = %scan3A_121) -> (i32)  : i32 {
      %mul3A_134 = arith.constant 1000 : i32
      %mul3A_135 = arith.muli %scan3A_132, %mul3A_134 : i32
      %add3A_136 = arith.addi %add3A_120, %mul3A_135 : i32
      %multiple_of3A_137 = tpu.assume_multiple %add3A_136, 8 : i32
      "tpu.region"() ({
        %run_scoped3A = tpu.sem_alloc : memref<!tpu.dma_semaphore, #tpu.memory_space<semaphore_mem>>
        %dma_start3A = tpu.memref_slice %arg2[%multiple_of3A_137] : memref<800000xi32, #tpu.memory_space<hbm>> -> memref<1000xi32, #tpu.memory_space<hbm>>
        %dma_start3A_139 = tpu.memref_slice %arg2[%multiple_of3A_137] : memref<800000xi32, #tpu.memory_space<hbm>> -> memref<1000xi32, #tpu.memory_space<hbm>>
        tpu.enqueue_dma source(%dma_start3A_139 : memref<1000xi32, #tpu.memory_space<hbm>>) target(%arg4 : memref<1000xi32, #tpu.memory_space<vmem>>) target_semaphore(%run_scoped3A : memref<!tpu.dma_semaphore, #tpu.memory_space<semaphore_mem>>)
        %dma_wait3A = tpu.memref_slice %arg2[%multiple_of3A_137] : memref<800000xi32, #tpu.memory_space<hbm>> -> memref<1000xi32, #tpu.memory_space<hbm>>
        %dma_wait3A_140 = tpu.memref_slice %arg2[%multiple_of3A_137] : memref<800000xi32, #tpu.memory_space<hbm>> -> memref<1000xi32, #tpu.memory_space<hbm>>
        tpu.wait_dma2 semaphore(%run_scoped3A : memref<!tpu.dma_semaphore, #tpu.memory_space<semaphore_mem>>) src(%dma_wait3A_140 : memref<1000xi32, #tpu.memory_space<hbm>>) dst(%arg4 : memref<1000xi32, #tpu.memory_space<vmem>>)
        tpu.yield
      }) : () -> ()
      "tpu.region"() ({
        %run_scoped3A = tpu.sem_alloc : memref<!tpu.dma_semaphore, #tpu.memory_space<semaphore_mem>>
        %dma_start3A = arith.constant 0 : i32
        %dma_start3A_139 = arith.constant 0 : i32
        %dma_start3A_140 = tpu.memref_slice %arg7[%dma_start3A, %dma_start3A_139] : memref<51200x16xf32, #tpu.memory_space<vmem_shared>> -> memref<51200x16xf32, #tpu.memory_space<vmem_shared>>
        tpu.enqueue_indirect_dma source(%arg5 : memref<1000x16xf32, #tpu.memory_space<vmem>>) target(%dma_start3A_140 : memref<51200x16xf32, #tpu.memory_space<vmem_shared>>) offsets(%arg4 : memref<1000xi32, #tpu.memory_space<vmem>>) semaphore(%run_scoped3A : memref<!tpu.dma_semaphore, #tpu.memory_space<semaphore_mem>>) {add = true}
        %dma_wait3A = arith.constant 0 : i32
        %dma_wait3A_141 = arith.constant 0 : i32
        %dma_wait3A_142 = tpu.memref_slice %arg7[%dma_wait3A, %dma_wait3A_141] : memref<51200x16xf32, #tpu.memory_space<vmem_shared>> -> memref<51200x16xf32, #tpu.memory_space<vmem_shared>>
        tpu.wait_indirect_dma semaphore(%run_scoped3A : memref<!tpu.dma_semaphore, #tpu.memory_space<semaphore_mem>>) src(%arg5 : memref<1000x16xf32, #tpu.memory_space<vmem>>) dst(%dma_wait3A_142 : memref<51200x16xf32, #tpu.memory_space<vmem_shared>>)
        tpu.yield
      }) : () -> ()
      %scan3A_138 = arith.constant 0 : i32
      scf.yield %scan3A_138 : i32
    }
    %scan3A_127 = arith.constant 25 : i32
    %barrier3A_128 = arith.constant 0 : index
    tpu.barrier barrier_id(%barrier3A_128)
    %mul3A_129 = arith.constant 52000 : i32
    %mul3A_130 = arith.muli %arg0, %mul3A_129 : i32
    %multiple_of3A = tpu.assume_multiple %mul3A_130, 8 : i32
    %add3A_131 = arith.addi %multiple_of3A, %mul3A_16 : i32
    "tpu.region"() ({
      %run_scoped3A = tpu.sem_alloc : memref<!tpu.dma_semaphore, #tpu.memory_space<semaphore_mem>>
      %dma_start3A = arith.constant 0 : i32
      %dma_start3A_132 = tpu.memref_slice %arg3[%add3A_131, %dma_start3A] : memref<104000x16xf32, #tpu.memory_space<hbm>> -> memref<3200x16xf32, #tpu.memory_space<hbm>>
      %dma_start3A_133 = arith.constant 0 : i32
      %dma_start3A_134 = tpu.memref_slice %arg7[%mul3A_16, %dma_start3A_133] : memref<51200x16xf32, #tpu.memory_space<vmem_shared>> -> memref<3200x16xf32, #tpu.memory_space<vmem_shared>>
      tpu.enqueue_dma source(%dma_start3A_134 : memref<3200x16xf32, #tpu.memory_space<vmem_shared>>) target(%dma_start3A_132 : memref<3200x16xf32, #tpu.memory_space<hbm>>) target_semaphore(%run_scoped3A : memref<!tpu.dma_semaphore, #tpu.memory_space<semaphore_mem>>)
      %dma_wait3A = arith.constant 0 : i32
      %dma_wait3A_135 = tpu.memref_slice %arg3[%add3A_131, %dma_wait3A] : memref<104000x16xf32, #tpu.memory_space<hbm>> -> memref<3200x16xf32, #tpu.memory_space<hbm>>
      %dma_wait3A_136 = arith.constant 0 : i32
      %dma_wait3A_137 = tpu.memref_slice %arg7[%mul3A_16, %dma_wait3A_136] : memref<51200x16xf32, #tpu.memory_space<vmem_shared>> -> memref<3200x16xf32, #tpu.memory_space<vmem_shared>>
      tpu.wait_dma2 semaphore(%run_scoped3A : memref<!tpu.dma_semaphore, #tpu.memory_space<semaphore_mem>>) src(%dma_wait3A_137 : memref<3200x16xf32, #tpu.memory_space<vmem_shared>>) dst(%dma_wait3A_135 : memref<3200x16xf32, #tpu.memory_space<hbm>>)
      tpu.yield
    }) : () -> ()
    return
  }
}

#map = affine_map<(d0, d1) -> (0, 0, 0)>
#map1 = affine_map<(d0, d1) -> (0)>
#map2 = affine_map<(d0, d1) -> (0, 0)>
module attributes {stable_mosaic.version = 14 : i64} {
  func.func @body(%arg0: i32, %arg1: i32, %arg2: memref<4x50048x32xf32, #tpu.memory_space<hbm>>, %arg3: memref<800000xi32, #tpu.memory_space<hbm>>, %arg4: memref<800000xi32, #tpu.memory_space<hbm>>, %arg5: memref<104000x32xf32, #tpu.memory_space<hbm>>, %arg6: memref<400xi32, #tpu.memory_space<vmem>>, %arg7: memref<400xi32, #tpu.memory_space<vmem>>, %arg8: memref<400xi32, #tpu.memory_space<vmem>>, %arg9: memref<400xi32, #tpu.memory_space<vmem>>, %arg10: memref<400x32xf32, #tpu.memory_space<vmem>>, %arg11: memref<400x32xf32, #tpu.memory_space<vmem>>, %arg12: memref<50048x32xf32, #tpu.memory_space<vmem_shared>>, %arg13: memref<!tpu.dma_semaphore, #tpu.memory_space<semaphore_mem>>, %arg14: memref<!tpu.dma_semaphore, #tpu.memory_space<semaphore_mem>>, %arg15: memref<!tpu.dma_semaphore, #tpu.memory_space<semaphore_mem>>, %arg16: memref<!tpu.dma_semaphore, #tpu.memory_space<semaphore_mem>>, %arg17: memref<!tpu.dma_semaphore, #tpu.memory_space<semaphore_mem>>, %arg18: memref<!tpu.dma_semaphore, #tpu.memory_space<semaphore_mem>>) attributes {dimension_semantics = [#tpu.dimension_semantics<core_parallel>, #tpu.dimension_semantics<subcore_parallel>], iteration_bounds = array<i64: 2, 16>, scalar_prefetch = 0 : i64, scratch_operands = 13 : i64, tpu.core_type = #tpu.core_type<sc_vector_subcore>, window_params = [{transform_indices = #map}, {transform_indices = #map1}, {transform_indices = #map1}, {transform_indices = #map2}]} {
    %mul3A = arith.constant 3128 : i32
    %mul3A_0 = arith.muli %arg1, %mul3A : i32
    %eq3A = arith.constant 0 : i32
    %eq3A_1 = arith.cmpi eq, %arg0, %eq3A : i32
    %jit3A = arith.constant 2 : i32
    %jit3A_2 = arith.constant 3 : i32
    %select_n3A = arith.select %eq3A_1, %jit3A, %jit3A_2 : i32
    %eq3A_3 = arith.constant 0 : i32
    %eq3A_4 = arith.cmpi eq, %arg0, %eq3A_3 : i32
    %jit3A_5 = arith.constant 2 : i32
    %jit3A_6 = arith.constant 3 : i32
    %select_n3A_7 = arith.select %eq3A_4, %jit3A_5, %jit3A_6 : i32
    %eq3A_8 = arith.constant 0 : i32
    %eq3A_9 = arith.cmpi eq, %arg0, %eq3A_8 : i32
    %jit3A_10 = arith.constant 0 : i32
    %jit3A_11 = arith.constant 52000 : i32
    %select_n3A_12 = arith.select %eq3A_9, %jit3A_10, %jit3A_11 : i32
    %multiple_of3A = tpu.assume_multiple %select_n3A_12, 8 : i32
    %eq3A_13 = arith.constant 0 : i32
    %eq3A_14 = arith.cmpi eq, %arg0, %eq3A_13 : i32
    %jit3A_15 = arith.constant 0 : i32
    %jit3A_16 = arith.constant 0 : i32
    %select_n3A_17 = arith.select %eq3A_14, %jit3A_15, %jit3A_16 : i32
    %multiple_of3A_18 = tpu.assume_multiple %select_n3A_17, 8 : i32
    "tpu.region"() ({
      %run_scoped3A = tpu.sem_alloc : memref<!tpu.dma_semaphore, #tpu.memory_space<semaphore_mem>>
      %dma_start3A_84 = arith.constant 0 : i32
      %dma_start3A_85 = tpu.memref_slice %arg12[%mul3A_0, %dma_start3A_84] : memref<50048x32xf32, #tpu.memory_space<vmem_shared>> -> memref<3128x32xf32, #tpu.memory_space<vmem_shared>>
      %dma_start3A_86 = arith.constant 0 : i32
      %dma_start3A_87 = arith.constant 0 : i32
      %dma_start3A_88 = tpu.memref_slice %arg2[%select_n3A_7, %dma_start3A_86, %dma_start3A_87] : memref<4x50048x32xf32, #tpu.memory_space<hbm>> -> memref<1x50048x32xf32, #tpu.memory_space<hbm>>
      %dma_start3A_89 = tpu.memref_squeeze %dma_start3A_88 : memref<1x50048x32xf32, #tpu.memory_space<hbm>> -> memref<50048x32xf32, #tpu.memory_space<hbm>>
      %dma_start3A_90 = arith.constant 0 : i32
      %dma_start3A_91 = tpu.memref_slice %dma_start3A_89[%mul3A_0, %dma_start3A_90] : memref<50048x32xf32, #tpu.memory_space<hbm>> -> memref<3128x32xf32, #tpu.memory_space<hbm>>
      tpu.enqueue_dma source(%dma_start3A_91 : memref<3128x32xf32, #tpu.memory_space<hbm>>) target(%dma_start3A_85 : memref<3128x32xf32, #tpu.memory_space<vmem_shared>>) target_semaphore(%run_scoped3A : memref<!tpu.dma_semaphore, #tpu.memory_space<semaphore_mem>>)
      %dma_wait3A_92 = arith.constant 0 : i32
      %dma_wait3A_93 = tpu.memref_slice %arg12[%mul3A_0, %dma_wait3A_92] : memref<50048x32xf32, #tpu.memory_space<vmem_shared>> -> memref<3128x32xf32, #tpu.memory_space<vmem_shared>>
      %dma_wait3A_94 = arith.constant 0 : i32
      %dma_wait3A_95 = arith.constant 0 : i32
      %dma_wait3A_96 = tpu.memref_slice %arg2[%select_n3A_7, %dma_wait3A_94, %dma_wait3A_95] : memref<4x50048x32xf32, #tpu.memory_space<hbm>> -> memref<1x50048x32xf32, #tpu.memory_space<hbm>>
      %dma_wait3A_97 = tpu.memref_squeeze %dma_wait3A_96 : memref<1x50048x32xf32, #tpu.memory_space<hbm>> -> memref<50048x32xf32, #tpu.memory_space<hbm>>
      %dma_wait3A_98 = arith.constant 0 : i32
      %dma_wait3A_99 = tpu.memref_slice %dma_wait3A_97[%mul3A_0, %dma_wait3A_98] : memref<50048x32xf32, #tpu.memory_space<hbm>> -> memref<3128x32xf32, #tpu.memory_space<hbm>>
      tpu.wait_dma2 semaphore(%run_scoped3A : memref<!tpu.dma_semaphore, #tpu.memory_space<semaphore_mem>>) src(%dma_wait3A_99 : memref<3128x32xf32, #tpu.memory_space<hbm>>) dst(%dma_wait3A_93 : memref<3128x32xf32, #tpu.memory_space<vmem_shared>>)
      tpu.yield
    }) : () -> ()
    %barrier3A = arith.constant 0 : index
    tpu.barrier barrier_id(%barrier3A)
    %mul3A_19 = arith.constant 50000 : i32
    %mul3A_20 = arith.muli %arg1, %mul3A_19 : i32
    %add3A = arith.addi %multiple_of3A_18, %mul3A_20 : i32
    %min3A = arith.constant 0 : i32
    %min3A_21 = arith.constant 124 : i32
    %min3A_22 = arith.minsi %min3A, %min3A_21 : i32
    %mul3A_23 = arith.constant 400 : i32
    %mul3A_24 = arith.muli %min3A_22, %mul3A_23 : i32
    %add3A_25 = arith.addi %add3A, %mul3A_24 : i32
    %multiple_of3A_26 = tpu.assume_multiple %add3A_25, 8 : i32
    %dma_start3A = tpu.memref_slice %arg3[%multiple_of3A_26] : memref<800000xi32, #tpu.memory_space<hbm>> -> memref<400xi32, #tpu.memory_space<hbm>>
    %dma_start3A_27 = tpu.memref_slice %arg3[%multiple_of3A_26] : memref<800000xi32, #tpu.memory_space<hbm>> -> memref<400xi32, #tpu.memory_space<hbm>>
    tpu.enqueue_dma source(%dma_start3A_27 : memref<400xi32, #tpu.memory_space<hbm>>) target(%arg6 : memref<400xi32, #tpu.memory_space<vmem>>) target_semaphore(%arg13 : memref<!tpu.dma_semaphore, #tpu.memory_space<semaphore_mem>>)
    %dma_start3A_28 = tpu.memref_slice %arg4[%multiple_of3A_26] : memref<800000xi32, #tpu.memory_space<hbm>> -> memref<400xi32, #tpu.memory_space<hbm>>
    %dma_start3A_29 = tpu.memref_slice %arg4[%multiple_of3A_26] : memref<800000xi32, #tpu.memory_space<hbm>> -> memref<400xi32, #tpu.memory_space<hbm>>
    tpu.enqueue_dma source(%dma_start3A_29 : memref<400xi32, #tpu.memory_space<hbm>>) target(%arg7 : memref<400xi32, #tpu.memory_space<vmem>>) target_semaphore(%arg13 : memref<!tpu.dma_semaphore, #tpu.memory_space<semaphore_mem>>)
    %dma_wait3A = arith.constant 0 : i32
    %dma_wait3A_30 = tpu.memref_slice %arg3[%dma_wait3A] : memref<800000xi32, #tpu.memory_space<hbm>> -> memref<400xi32, #tpu.memory_space<hbm>>
    %dma_wait3A_31 = arith.constant 0 : i32
    %dma_wait3A_32 = tpu.memref_slice %arg3[%dma_wait3A_31] : memref<800000xi32, #tpu.memory_space<hbm>> -> memref<400xi32, #tpu.memory_space<hbm>>
    tpu.wait_dma2 semaphore(%arg13 : memref<!tpu.dma_semaphore, #tpu.memory_space<semaphore_mem>>) src(%dma_wait3A_32 : memref<400xi32, #tpu.memory_space<hbm>>) dst(%arg6 : memref<400xi32, #tpu.memory_space<vmem>>)
    %dma_wait3A_33 = arith.constant 0 : i32
    %dma_wait3A_34 = tpu.memref_slice %arg4[%dma_wait3A_33] : memref<800000xi32, #tpu.memory_space<hbm>> -> memref<400xi32, #tpu.memory_space<hbm>>
    %dma_wait3A_35 = arith.constant 0 : i32
    %dma_wait3A_36 = tpu.memref_slice %arg4[%dma_wait3A_35] : memref<800000xi32, #tpu.memory_space<hbm>> -> memref<400xi32, #tpu.memory_space<hbm>>
    tpu.wait_dma2 semaphore(%arg13 : memref<!tpu.dma_semaphore, #tpu.memory_space<semaphore_mem>>) src(%dma_wait3A_36 : memref<400xi32, #tpu.memory_space<hbm>>) dst(%arg7 : memref<400xi32, #tpu.memory_space<vmem>>)
    %min3A_37 = arith.constant 1 : i32
    %min3A_38 = arith.constant 124 : i32
    %min3A_39 = arith.minsi %min3A_37, %min3A_38 : i32
    %mul3A_40 = arith.constant 400 : i32
    %mul3A_41 = arith.muli %min3A_39, %mul3A_40 : i32
    %add3A_42 = arith.addi %add3A, %mul3A_41 : i32
    %multiple_of3A_43 = tpu.assume_multiple %add3A_42, 8 : i32
    %dma_start3A_44 = tpu.memref_slice %arg3[%multiple_of3A_43] : memref<800000xi32, #tpu.memory_space<hbm>> -> memref<400xi32, #tpu.memory_space<hbm>>
    %dma_start3A_45 = tpu.memref_slice %arg3[%multiple_of3A_43] : memref<800000xi32, #tpu.memory_space<hbm>> -> memref<400xi32, #tpu.memory_space<hbm>>
    tpu.enqueue_dma source(%dma_start3A_45 : memref<400xi32, #tpu.memory_space<hbm>>) target(%arg8 : memref<400xi32, #tpu.memory_space<vmem>>) target_semaphore(%arg14 : memref<!tpu.dma_semaphore, #tpu.memory_space<semaphore_mem>>)
    %dma_start3A_46 = tpu.memref_slice %arg4[%multiple_of3A_43] : memref<800000xi32, #tpu.memory_space<hbm>> -> memref<400xi32, #tpu.memory_space<hbm>>
    %dma_start3A_47 = tpu.memref_slice %arg4[%multiple_of3A_43] : memref<800000xi32, #tpu.memory_space<hbm>> -> memref<400xi32, #tpu.memory_space<hbm>>
    tpu.enqueue_dma source(%dma_start3A_47 : memref<400xi32, #tpu.memory_space<hbm>>) target(%arg9 : memref<400xi32, #tpu.memory_space<vmem>>) target_semaphore(%arg14 : memref<!tpu.dma_semaphore, #tpu.memory_space<semaphore_mem>>)
    %dma_start3A_48 = arith.constant 0 : i32
    %dma_start3A_49 = arith.constant 0 : i32
    %dma_start3A_50 = tpu.memref_slice %arg2[%select_n3A, %dma_start3A_48, %dma_start3A_49] : memref<4x50048x32xf32, #tpu.memory_space<hbm>> -> memref<1x50048x32xf32, #tpu.memory_space<hbm>>
    %dma_start3A_51 = tpu.memref_squeeze %dma_start3A_50 : memref<1x50048x32xf32, #tpu.memory_space<hbm>> -> memref<50048x32xf32, #tpu.memory_space<hbm>>
    %dma_start3A_52 = arith.constant 0 : i32
    %dma_start3A_53 = arith.constant 0 : i32
    %dma_start3A_54 = tpu.memref_slice %dma_start3A_51[%dma_start3A_52, %dma_start3A_53] : memref<50048x32xf32, #tpu.memory_space<hbm>> -> memref<50048x32xf32, #tpu.memory_space<hbm>>
    tpu.enqueue_indirect_dma source(%dma_start3A_54 : memref<50048x32xf32, #tpu.memory_space<hbm>>) target(%arg10 : memref<400x32xf32, #tpu.memory_space<vmem>>) offsets(%arg6 : memref<400xi32, #tpu.memory_space<vmem>>) semaphore(%arg15 : memref<!tpu.dma_semaphore, #tpu.memory_space<semaphore_mem>>)
    %scan3A = arith.constant 0 : i32
    %scan3A_55 = arith.constant 0 : i32
    %scan3A_56 = arith.constant 62 : i32
    %scan3A_57 = arith.addi %scan3A_55, %scan3A_56 : i32
    %scan3A_58 = arith.constant 1 : i32
    %scan3A_59 = scf.for %scan3A_84 = %scan3A_55 to %scan3A_57 step %scan3A_58 iter_args(%scan3A_85 = %scan3A) -> (i32)  : i32 {
      %mul3A_86 = arith.constant 2 : i32
      %mul3A_87 = arith.muli %mul3A_86, %scan3A_84 : i32
      %dma_wait3A_88 = arith.constant 0 : i32
      %dma_wait3A_89 = arith.constant 0 : i32
      %dma_wait3A_90 = tpu.memref_slice %arg2[%select_n3A, %dma_wait3A_88, %dma_wait3A_89] : memref<4x50048x32xf32, #tpu.memory_space<hbm>> -> memref<1x50048x32xf32, #tpu.memory_space<hbm>>
      %dma_wait3A_91 = tpu.memref_squeeze %dma_wait3A_90 : memref<1x50048x32xf32, #tpu.memory_space<hbm>> -> memref<50048x32xf32, #tpu.memory_space<hbm>>
      %dma_wait3A_92 = arith.constant 0 : i32
      %dma_wait3A_93 = arith.constant 0 : i32
      %dma_wait3A_94 = tpu.memref_slice %dma_wait3A_91[%dma_wait3A_92, %dma_wait3A_93] : memref<50048x32xf32, #tpu.memory_space<hbm>> -> memref<50048x32xf32, #tpu.memory_space<hbm>>
      tpu.wait_indirect_dma semaphore(%arg15 : memref<!tpu.dma_semaphore, #tpu.memory_space<semaphore_mem>>) src(%dma_wait3A_94 : memref<50048x32xf32, #tpu.memory_space<hbm>>) dst(%arg10 : memref<400x32xf32, #tpu.memory_space<vmem>>)
      %dma_start3A_95 = arith.constant 0 : i32
      %dma_start3A_96 = arith.constant 0 : i32
      %dma_start3A_97 = tpu.memref_slice %arg12[%dma_start3A_95, %dma_start3A_96] : memref<50048x32xf32, #tpu.memory_space<vmem_shared>> -> memref<50048x32xf32, #tpu.memory_space<vmem_shared>>
      tpu.enqueue_indirect_dma source(%arg10 : memref<400x32xf32, #tpu.memory_space<vmem>>) target(%dma_start3A_97 : memref<50048x32xf32, #tpu.memory_space<vmem_shared>>) offsets(%arg7 : memref<400xi32, #tpu.memory_space<vmem>>) semaphore(%arg17 : memref<!tpu.dma_semaphore, #tpu.memory_space<semaphore_mem>>) {add = true}
      %dma_wait3A_98 = arith.constant 0 : i32
      %dma_wait3A_99 = tpu.memref_slice %arg3[%dma_wait3A_98] : memref<800000xi32, #tpu.memory_space<hbm>> -> memref<400xi32, #tpu.memory_space<hbm>>
      %dma_wait3A_100 = arith.constant 0 : i32
      %dma_wait3A_101 = tpu.memref_slice %arg3[%dma_wait3A_100] : memref<800000xi32, #tpu.memory_space<hbm>> -> memref<400xi32, #tpu.memory_space<hbm>>
      tpu.wait_dma2 semaphore(%arg14 : memref<!tpu.dma_semaphore, #tpu.memory_space<semaphore_mem>>) src(%dma_wait3A_101 : memref<400xi32, #tpu.memory_space<hbm>>) dst(%arg8 : memref<400xi32, #tpu.memory_space<vmem>>)
      %dma_wait3A_102 = arith.constant 0 : i32
      %dma_wait3A_103 = tpu.memref_slice %arg4[%dma_wait3A_102] : memref<800000xi32, #tpu.memory_space<hbm>> -> memref<400xi32, #tpu.memory_space<hbm>>
      %dma_wait3A_104 = arith.constant 0 : i32
      %dma_wait3A_105 = tpu.memref_slice %arg4[%dma_wait3A_104] : memref<800000xi32, #tpu.memory_space<hbm>> -> memref<400xi32, #tpu.memory_space<hbm>>
      tpu.wait_dma2 semaphore(%arg14 : memref<!tpu.dma_semaphore, #tpu.memory_space<semaphore_mem>>) src(%dma_wait3A_105 : memref<400xi32, #tpu.memory_space<hbm>>) dst(%arg9 : memref<400xi32, #tpu.memory_space<vmem>>)
      %dma_start3A_106 = arith.constant 0 : i32
      %dma_start3A_107 = arith.constant 0 : i32
      %dma_start3A_108 = tpu.memref_slice %arg2[%select_n3A, %dma_start3A_106, %dma_start3A_107] : memref<4x50048x32xf32, #tpu.memory_space<hbm>> -> memref<1x50048x32xf32, #tpu.memory_space<hbm>>
      %dma_start3A_109 = tpu.memref_squeeze %dma_start3A_108 : memref<1x50048x32xf32, #tpu.memory_space<hbm>> -> memref<50048x32xf32, #tpu.memory_space<hbm>>
      %dma_start3A_110 = arith.constant 0 : i32
      %dma_start3A_111 = arith.constant 0 : i32
      %dma_start3A_112 = tpu.memref_slice %dma_start3A_109[%dma_start3A_110, %dma_start3A_111] : memref<50048x32xf32, #tpu.memory_space<hbm>> -> memref<50048x32xf32, #tpu.memory_space<hbm>>
      tpu.enqueue_indirect_dma source(%dma_start3A_112 : memref<50048x32xf32, #tpu.memory_space<hbm>>) target(%arg11 : memref<400x32xf32, #tpu.memory_space<vmem>>) offsets(%arg8 : memref<400xi32, #tpu.memory_space<vmem>>) semaphore(%arg16 : memref<!tpu.dma_semaphore, #tpu.memory_space<semaphore_mem>>)
      %dma_wait3A_113 = arith.constant 0 : i32
      %dma_wait3A_114 = arith.constant 0 : i32
      %dma_wait3A_115 = tpu.memref_slice %arg12[%dma_wait3A_113, %dma_wait3A_114] : memref<50048x32xf32, #tpu.memory_space<vmem_shared>> -> memref<50048x32xf32, #tpu.memory_space<vmem_shared>>
      tpu.wait_indirect_dma semaphore(%arg17 : memref<!tpu.dma_semaphore, #tpu.memory_space<semaphore_mem>>) src(%arg10 : memref<400x32xf32, #tpu.memory_space<vmem>>) dst(%dma_wait3A_115 : memref<50048x32xf32, #tpu.memory_space<vmem_shared>>)
      %add3A_116 = arith.constant 2 : i32
      %add3A_117 = arith.addi %mul3A_87, %add3A_116 : i32
      %min3A_118 = arith.constant 124 : i32
      %min3A_119 = arith.minsi %add3A_117, %min3A_118 : i32
      %mul3A_120 = arith.constant 400 : i32
      %mul3A_121 = arith.muli %min3A_119, %mul3A_120 : i32
      %add3A_122 = arith.addi %add3A, %mul3A_121 : i32
      %multiple_of3A_123 = tpu.assume_multiple %add3A_122, 8 : i32
      %dma_start3A_124 = tpu.memref_slice %arg3[%multiple_of3A_123] : memref<800000xi32, #tpu.memory_space<hbm>> -> memref<400xi32, #tpu.memory_space<hbm>>
      %dma_start3A_125 = tpu.memref_slice %arg3[%multiple_of3A_123] : memref<800000xi32, #tpu.memory_space<hbm>> -> memref<400xi32, #tpu.memory_space<hbm>>
      tpu.enqueue_dma source(%dma_start3A_125 : memref<400xi32, #tpu.memory_space<hbm>>) target(%arg6 : memref<400xi32, #tpu.memory_space<vmem>>) target_semaphore(%arg13 : memref<!tpu.dma_semaphore, #tpu.memory_space<semaphore_mem>>)
      %dma_start3A_126 = tpu.memref_slice %arg4[%multiple_of3A_123] : memref<800000xi32, #tpu.memory_space<hbm>> -> memref<400xi32, #tpu.memory_space<hbm>>
      %dma_start3A_127 = tpu.memref_slice %arg4[%multiple_of3A_123] : memref<800000xi32, #tpu.memory_space<hbm>> -> memref<400xi32, #tpu.memory_space<hbm>>
      tpu.enqueue_dma source(%dma_start3A_127 : memref<400xi32, #tpu.memory_space<hbm>>) target(%arg7 : memref<400xi32, #tpu.memory_space<vmem>>) target_semaphore(%arg13 : memref<!tpu.dma_semaphore, #tpu.memory_space<semaphore_mem>>)
      %dma_wait3A_128 = arith.constant 0 : i32
      %dma_wait3A_129 = arith.constant 0 : i32
      %dma_wait3A_130 = tpu.memref_slice %arg2[%select_n3A, %dma_wait3A_128, %dma_wait3A_129] : memref<4x50048x32xf32, #tpu.memory_space<hbm>> -> memref<1x50048x32xf32, #tpu.memory_space<hbm>>
      %dma_wait3A_131 = tpu.memref_squeeze %dma_wait3A_130 : memref<1x50048x32xf32, #tpu.memory_space<hbm>> -> memref<50048x32xf32, #tpu.memory_space<hbm>>
      %dma_wait3A_132 = arith.constant 0 : i32
      %dma_wait3A_133 = arith.constant 0 : i32
      %dma_wait3A_134 = tpu.memref_slice %dma_wait3A_131[%dma_wait3A_132, %dma_wait3A_133] : memref<50048x32xf32, #tpu.memory_space<hbm>> -> memref<50048x32xf32, #tpu.memory_space<hbm>>
      tpu.wait_indirect_dma semaphore(%arg16 : memref<!tpu.dma_semaphore, #tpu.memory_space<semaphore_mem>>) src(%dma_wait3A_134 : memref<50048x32xf32, #tpu.memory_space<hbm>>) dst(%arg11 : memref<400x32xf32, #tpu.memory_space<vmem>>)
      %dma_start3A_135 = arith.constant 0 : i32
      %dma_start3A_136 = arith.constant 0 : i32
      %dma_start3A_137 = tpu.memref_slice %arg12[%dma_start3A_135, %dma_start3A_136] : memref<50048x32xf32, #tpu.memory_space<vmem_shared>> -> memref<50048x32xf32, #tpu.memory_space<vmem_shared>>
      tpu.enqueue_indirect_dma source(%arg11 : memref<400x32xf32, #tpu.memory_space<vmem>>) target(%dma_start3A_137 : memref<50048x32xf32, #tpu.memory_space<vmem_shared>>) offsets(%arg9 : memref<400xi32, #tpu.memory_space<vmem>>) semaphore(%arg18 : memref<!tpu.dma_semaphore, #tpu.memory_space<semaphore_mem>>) {add = true}
      %dma_wait3A_138 = arith.constant 0 : i32
      %dma_wait3A_139 = tpu.memref_slice %arg3[%dma_wait3A_138] : memref<800000xi32, #tpu.memory_space<hbm>> -> memref<400xi32, #tpu.memory_space<hbm>>
      %dma_wait3A_140 = arith.constant 0 : i32
      %dma_wait3A_141 = tpu.memref_slice %arg3[%dma_wait3A_140] : memref<800000xi32, #tpu.memory_space<hbm>> -> memref<400xi32, #tpu.memory_space<hbm>>
      tpu.wait_dma2 semaphore(%arg13 : memref<!tpu.dma_semaphore, #tpu.memory_space<semaphore_mem>>) src(%dma_wait3A_141 : memref<400xi32, #tpu.memory_space<hbm>>) dst(%arg6 : memref<400xi32, #tpu.memory_space<vmem>>)
      %dma_wait3A_142 = arith.constant 0 : i32
      %dma_wait3A_143 = tpu.memref_slice %arg4[%dma_wait3A_142] : memref<800000xi32, #tpu.memory_space<hbm>> -> memref<400xi32, #tpu.memory_space<hbm>>
      %dma_wait3A_144 = arith.constant 0 : i32
      %dma_wait3A_145 = tpu.memref_slice %arg4[%dma_wait3A_144] : memref<800000xi32, #tpu.memory_space<hbm>> -> memref<400xi32, #tpu.memory_space<hbm>>
      tpu.wait_dma2 semaphore(%arg13 : memref<!tpu.dma_semaphore, #tpu.memory_space<semaphore_mem>>) src(%dma_wait3A_145 : memref<400xi32, #tpu.memory_space<hbm>>) dst(%arg7 : memref<400xi32, #tpu.memory_space<vmem>>)
      %dma_start3A_146 = arith.constant 0 : i32
      %dma_start3A_147 = arith.constant 0 : i32
      %dma_start3A_148 = tpu.memref_slice %arg2[%select_n3A, %dma_start3A_146, %dma_start3A_147] : memref<4x50048x32xf32, #tpu.memory_space<hbm>> -> memref<1x50048x32xf32, #tpu.memory_space<hbm>>
      %dma_start3A_149 = tpu.memref_squeeze %dma_start3A_148 : memref<1x50048x32xf32, #tpu.memory_space<hbm>> -> memref<50048x32xf32, #tpu.memory_space<hbm>>
      %dma_start3A_150 = arith.constant 0 : i32
      %dma_start3A_151 = arith.constant 0 : i32
      %dma_start3A_152 = tpu.memref_slice %dma_start3A_149[%dma_start3A_150, %dma_start3A_151] : memref<50048x32xf32, #tpu.memory_space<hbm>> -> memref<50048x32xf32, #tpu.memory_space<hbm>>
      tpu.enqueue_indirect_dma source(%dma_start3A_152 : memref<50048x32xf32, #tpu.memory_space<hbm>>) target(%arg10 : memref<400x32xf32, #tpu.memory_space<vmem>>) offsets(%arg6 : memref<400xi32, #tpu.memory_space<vmem>>) semaphore(%arg15 : memref<!tpu.dma_semaphore, #tpu.memory_space<semaphore_mem>>)
      %dma_wait3A_153 = arith.constant 0 : i32
      %dma_wait3A_154 = arith.constant 0 : i32
      %dma_wait3A_155 = tpu.memref_slice %arg12[%dma_wait3A_153, %dma_wait3A_154] : memref<50048x32xf32, #tpu.memory_space<vmem_shared>> -> memref<50048x32xf32, #tpu.memory_space<vmem_shared>>
      tpu.wait_indirect_dma semaphore(%arg18 : memref<!tpu.dma_semaphore, #tpu.memory_space<semaphore_mem>>) src(%arg11 : memref<400x32xf32, #tpu.memory_space<vmem>>) dst(%dma_wait3A_155 : memref<50048x32xf32, #tpu.memory_space<vmem_shared>>)
      %add3A_156 = arith.constant 3 : i32
      %add3A_157 = arith.addi %mul3A_87, %add3A_156 : i32
      %min3A_158 = arith.constant 124 : i32
      %min3A_159 = arith.minsi %add3A_157, %min3A_158 : i32
      %mul3A_160 = arith.constant 400 : i32
      %mul3A_161 = arith.muli %min3A_159, %mul3A_160 : i32
      %add3A_162 = arith.addi %add3A, %mul3A_161 : i32
      %multiple_of3A_163 = tpu.assume_multiple %add3A_162, 8 : i32
      %dma_start3A_164 = tpu.memref_slice %arg3[%multiple_of3A_163] : memref<800000xi32, #tpu.memory_space<hbm>> -> memref<400xi32, #tpu.memory_space<hbm>>
      %dma_start3A_165 = tpu.memref_slice %arg3[%multiple_of3A_163] : memref<800000xi32, #tpu.memory_space<hbm>> -> memref<400xi32, #tpu.memory_space<hbm>>
      tpu.enqueue_dma source(%dma_start3A_165 : memref<400xi32, #tpu.memory_space<hbm>>) target(%arg8 : memref<400xi32, #tpu.memory_space<vmem>>) target_semaphore(%arg14 : memref<!tpu.dma_semaphore, #tpu.memory_space<semaphore_mem>>)
      %dma_start3A_166 = tpu.memref_slice %arg4[%multiple_of3A_163] : memref<800000xi32, #tpu.memory_space<hbm>> -> memref<400xi32, #tpu.memory_space<hbm>>
      %dma_start3A_167 = tpu.memref_slice %arg4[%multiple_of3A_163] : memref<800000xi32, #tpu.memory_space<hbm>> -> memref<400xi32, #tpu.memory_space<hbm>>
      tpu.enqueue_dma source(%dma_start3A_167 : memref<400xi32, #tpu.memory_space<hbm>>) target(%arg9 : memref<400xi32, #tpu.memory_space<vmem>>) target_semaphore(%arg14 : memref<!tpu.dma_semaphore, #tpu.memory_space<semaphore_mem>>)
      %scan3A_168 = arith.constant 0 : i32
      scf.yield %scan3A_168 : i32
    }
    %scan3A_60 = arith.constant 62 : i32
    %dma_wait3A_61 = arith.constant 0 : i32
    %dma_wait3A_62 = arith.constant 0 : i32
    %dma_wait3A_63 = tpu.memref_slice %arg2[%select_n3A, %dma_wait3A_61, %dma_wait3A_62] : memref<4x50048x32xf32, #tpu.memory_space<hbm>> -> memref<1x50048x32xf32, #tpu.memory_space<hbm>>
    %dma_wait3A_64 = tpu.memref_squeeze %dma_wait3A_63 : memref<1x50048x32xf32, #tpu.memory_space<hbm>> -> memref<50048x32xf32, #tpu.memory_space<hbm>>
    %dma_wait3A_65 = arith.constant 0 : i32
    %dma_wait3A_66 = arith.constant 0 : i32
    %dma_wait3A_67 = tpu.memref_slice %dma_wait3A_64[%dma_wait3A_65, %dma_wait3A_66] : memref<50048x32xf32, #tpu.memory_space<hbm>> -> memref<50048x32xf32, #tpu.memory_space<hbm>>
    tpu.wait_indirect_dma semaphore(%arg15 : memref<!tpu.dma_semaphore, #tpu.memory_space<semaphore_mem>>) src(%dma_wait3A_67 : memref<50048x32xf32, #tpu.memory_space<hbm>>) dst(%arg10 : memref<400x32xf32, #tpu.memory_space<vmem>>)
    %dma_start3A_68 = arith.constant 0 : i32
    %dma_start3A_69 = arith.constant 0 : i32
    %dma_start3A_70 = tpu.memref_slice %arg12[%dma_start3A_68, %dma_start3A_69] : memref<50048x32xf32, #tpu.memory_space<vmem_shared>> -> memref<50048x32xf32, #tpu.memory_space<vmem_shared>>
    tpu.enqueue_indirect_dma source(%arg10 : memref<400x32xf32, #tpu.memory_space<vmem>>) target(%dma_start3A_70 : memref<50048x32xf32, #tpu.memory_space<vmem_shared>>) offsets(%arg7 : memref<400xi32, #tpu.memory_space<vmem>>) semaphore(%arg17 : memref<!tpu.dma_semaphore, #tpu.memory_space<semaphore_mem>>) {add = true}
    %dma_wait3A_71 = arith.constant 0 : i32
    %dma_wait3A_72 = arith.constant 0 : i32
    %dma_wait3A_73 = tpu.memref_slice %arg12[%dma_wait3A_71, %dma_wait3A_72] : memref<50048x32xf32, #tpu.memory_space<vmem_shared>> -> memref<50048x32xf32, #tpu.memory_space<vmem_shared>>
    tpu.wait_indirect_dma semaphore(%arg17 : memref<!tpu.dma_semaphore, #tpu.memory_space<semaphore_mem>>) src(%arg10 : memref<400x32xf32, #tpu.memory_space<vmem>>) dst(%dma_wait3A_73 : memref<50048x32xf32, #tpu.memory_space<vmem_shared>>)
    %dma_wait3A_74 = arith.constant 0 : i32
    %dma_wait3A_75 = tpu.memref_slice %arg3[%dma_wait3A_74] : memref<800000xi32, #tpu.memory_space<hbm>> -> memref<400xi32, #tpu.memory_space<hbm>>
    %dma_wait3A_76 = arith.constant 0 : i32
    %dma_wait3A_77 = tpu.memref_slice %arg3[%dma_wait3A_76] : memref<800000xi32, #tpu.memory_space<hbm>> -> memref<400xi32, #tpu.memory_space<hbm>>
    tpu.wait_dma2 semaphore(%arg14 : memref<!tpu.dma_semaphore, #tpu.memory_space<semaphore_mem>>) src(%dma_wait3A_77 : memref<400xi32, #tpu.memory_space<hbm>>) dst(%arg8 : memref<400xi32, #tpu.memory_space<vmem>>)
    %dma_wait3A_78 = arith.constant 0 : i32
    %dma_wait3A_79 = tpu.memref_slice %arg4[%dma_wait3A_78] : memref<800000xi32, #tpu.memory_space<hbm>> -> memref<400xi32, #tpu.memory_space<hbm>>
    %dma_wait3A_80 = arith.constant 0 : i32
    %dma_wait3A_81 = tpu.memref_slice %arg4[%dma_wait3A_80] : memref<800000xi32, #tpu.memory_space<hbm>> -> memref<400xi32, #tpu.memory_space<hbm>>
    tpu.wait_dma2 semaphore(%arg14 : memref<!tpu.dma_semaphore, #tpu.memory_space<semaphore_mem>>) src(%dma_wait3A_81 : memref<400xi32, #tpu.memory_space<hbm>>) dst(%arg9 : memref<400xi32, #tpu.memory_space<vmem>>)
    %barrier3A_82 = arith.constant 0 : index
    tpu.barrier barrier_id(%barrier3A_82)
    %add3A_83 = arith.addi %multiple_of3A, %mul3A_0 : i32
    "tpu.region"() ({
      %run_scoped3A = tpu.sem_alloc : memref<!tpu.dma_semaphore, #tpu.memory_space<semaphore_mem>>
      %dma_start3A_84 = arith.constant 0 : i32
      %dma_start3A_85 = tpu.memref_slice %arg5[%add3A_83, %dma_start3A_84] : memref<104000x32xf32, #tpu.memory_space<hbm>> -> memref<3128x32xf32, #tpu.memory_space<hbm>>
      %dma_start3A_86 = arith.constant 0 : i32
      %dma_start3A_87 = tpu.memref_slice %arg12[%mul3A_0, %dma_start3A_86] : memref<50048x32xf32, #tpu.memory_space<vmem_shared>> -> memref<3128x32xf32, #tpu.memory_space<vmem_shared>>
      tpu.enqueue_dma source(%dma_start3A_87 : memref<3128x32xf32, #tpu.memory_space<vmem_shared>>) target(%dma_start3A_85 : memref<3128x32xf32, #tpu.memory_space<hbm>>) target_semaphore(%run_scoped3A : memref<!tpu.dma_semaphore, #tpu.memory_space<semaphore_mem>>)
      %dma_wait3A_88 = arith.constant 0 : i32
      %dma_wait3A_89 = tpu.memref_slice %arg5[%add3A_83, %dma_wait3A_88] : memref<104000x32xf32, #tpu.memory_space<hbm>> -> memref<3128x32xf32, #tpu.memory_space<hbm>>
      %dma_wait3A_90 = arith.constant 0 : i32
      %dma_wait3A_91 = tpu.memref_slice %arg12[%mul3A_0, %dma_wait3A_90] : memref<50048x32xf32, #tpu.memory_space<vmem_shared>> -> memref<3128x32xf32, #tpu.memory_space<vmem_shared>>
      tpu.wait_dma2 semaphore(%run_scoped3A : memref<!tpu.dma_semaphore, #tpu.memory_space<semaphore_mem>>) src(%dma_wait3A_91 : memref<3128x32xf32, #tpu.memory_space<vmem_shared>>) dst(%dma_wait3A_89 : memref<3128x32xf32, #tpu.memory_space<hbm>>)
      tpu.yield
    }) : () -> ()
    return
  }
}

#map = affine_map<(d0, d1) -> (0, 0, 0)>
#map1 = affine_map<(d0, d1) -> (0)>
#map2 = affine_map<(d0, d1) -> (0, 0)>
module attributes {stable_mosaic.version = 14 : i64} {
  func.func @body(%arg0: i32, %arg1: i32, %arg2: memref<2x50048x32xf32, #tpu.memory_space<hbm>>, %arg3: memref<800000xi32, #tpu.memory_space<hbm>>, %arg4: memref<800000xi32, #tpu.memory_space<hbm>>, %arg5: memref<104000x32xf32, #tpu.memory_space<hbm>>, %arg6: memref<400xi32, #tpu.memory_space<vmem>>, %arg7: memref<400xi32, #tpu.memory_space<vmem>>, %arg8: memref<400xi32, #tpu.memory_space<vmem>>, %arg9: memref<400xi32, #tpu.memory_space<vmem>>, %arg10: memref<400x32xf32, #tpu.memory_space<vmem>>, %arg11: memref<400x32xf32, #tpu.memory_space<vmem>>, %arg12: memref<50048x32xf32, #tpu.memory_space<vmem_shared>>, %arg13: memref<!tpu.dma_semaphore, #tpu.memory_space<semaphore_mem>>, %arg14: memref<!tpu.dma_semaphore, #tpu.memory_space<semaphore_mem>>, %arg15: memref<!tpu.dma_semaphore, #tpu.memory_space<semaphore_mem>>, %arg16: memref<!tpu.dma_semaphore, #tpu.memory_space<semaphore_mem>>, %arg17: memref<!tpu.dma_semaphore, #tpu.memory_space<semaphore_mem>>, %arg18: memref<!tpu.dma_semaphore, #tpu.memory_space<semaphore_mem>>) attributes {dimension_semantics = [#tpu.dimension_semantics<core_parallel>, #tpu.dimension_semantics<subcore_parallel>], iteration_bounds = array<i64: 2, 16>, scalar_prefetch = 0 : i64, scratch_operands = 13 : i64, tpu.core_type = #tpu.core_type<sc_vector_subcore>, window_params = [{transform_indices = #map}, {transform_indices = #map1}, {transform_indices = #map1}, {transform_indices = #map2}]} {
    %mul3A = arith.constant 3128 : i32
    %mul3A_0 = arith.muli %arg1, %mul3A : i32
    %eq3A = arith.constant 0 : i32
    %eq3A_1 = arith.cmpi eq, %arg0, %eq3A : i32
    %jit3A = arith.constant 0 : i32
    %jit3A_2 = arith.constant 1 : i32
    %select_n3A = arith.select %eq3A_1, %jit3A, %jit3A_2 : i32
    %eq3A_3 = arith.constant 0 : i32
    %eq3A_4 = arith.cmpi eq, %arg0, %eq3A_3 : i32
    %jit3A_5 = arith.constant 0 : i32
    %jit3A_6 = arith.constant 1 : i32
    %select_n3A_7 = arith.select %eq3A_4, %jit3A_5, %jit3A_6 : i32
    %eq3A_8 = arith.constant 0 : i32
    %eq3A_9 = arith.cmpi eq, %arg0, %eq3A_8 : i32
    %jit3A_10 = arith.constant 0 : i32
    %jit3A_11 = arith.constant 52000 : i32
    %select_n3A_12 = arith.select %eq3A_9, %jit3A_10, %jit3A_11 : i32
    %multiple_of3A = tpu.assume_multiple %select_n3A_12, 8 : i32
    %eq3A_13 = arith.constant 0 : i32
    %eq3A_14 = arith.cmpi eq, %arg0, %eq3A_13 : i32
    %jit3A_15 = arith.constant 0 : i32
    %jit3A_16 = arith.constant 0 : i32
    %select_n3A_17 = arith.select %eq3A_14, %jit3A_15, %jit3A_16 : i32
    %multiple_of3A_18 = tpu.assume_multiple %select_n3A_17, 8 : i32
    "tpu.region"() ({
      %run_scoped3A = tpu.sem_alloc : memref<!tpu.dma_semaphore, #tpu.memory_space<semaphore_mem>>
      %dma_start3A_84 = arith.constant 0 : i32
      %dma_start3A_85 = tpu.memref_slice %arg12[%mul3A_0, %dma_start3A_84] : memref<50048x32xf32, #tpu.memory_space<vmem_shared>> -> memref<3128x32xf32, #tpu.memory_space<vmem_shared>>
      %dma_start3A_86 = arith.constant 0 : i32
      %dma_start3A_87 = arith.constant 0 : i32
      %dma_start3A_88 = tpu.memref_slice %arg2[%select_n3A_7, %dma_start3A_86, %dma_start3A_87] : memref<2x50048x32xf32, #tpu.memory_space<hbm>> -> memref<1x50048x32xf32, #tpu.memory_space<hbm>>
      %dma_start3A_89 = tpu.memref_squeeze %dma_start3A_88 : memref<1x50048x32xf32, #tpu.memory_space<hbm>> -> memref<50048x32xf32, #tpu.memory_space<hbm>>
      %dma_start3A_90 = arith.constant 0 : i32
      %dma_start3A_91 = tpu.memref_slice %dma_start3A_89[%mul3A_0, %dma_start3A_90] : memref<50048x32xf32, #tpu.memory_space<hbm>> -> memref<3128x32xf32, #tpu.memory_space<hbm>>
      tpu.enqueue_dma source(%dma_start3A_91 : memref<3128x32xf32, #tpu.memory_space<hbm>>) target(%dma_start3A_85 : memref<3128x32xf32, #tpu.memory_space<vmem_shared>>) target_semaphore(%run_scoped3A : memref<!tpu.dma_semaphore, #tpu.memory_space<semaphore_mem>>)
      %dma_wait3A_92 = arith.constant 0 : i32
      %dma_wait3A_93 = tpu.memref_slice %arg12[%mul3A_0, %dma_wait3A_92] : memref<50048x32xf32, #tpu.memory_space<vmem_shared>> -> memref<3128x32xf32, #tpu.memory_space<vmem_shared>>
      %dma_wait3A_94 = arith.constant 0 : i32
      %dma_wait3A_95 = arith.constant 0 : i32
      %dma_wait3A_96 = tpu.memref_slice %arg2[%select_n3A_7, %dma_wait3A_94, %dma_wait3A_95] : memref<2x50048x32xf32, #tpu.memory_space<hbm>> -> memref<1x50048x32xf32, #tpu.memory_space<hbm>>
      %dma_wait3A_97 = tpu.memref_squeeze %dma_wait3A_96 : memref<1x50048x32xf32, #tpu.memory_space<hbm>> -> memref<50048x32xf32, #tpu.memory_space<hbm>>
      %dma_wait3A_98 = arith.constant 0 : i32
      %dma_wait3A_99 = tpu.memref_slice %dma_wait3A_97[%mul3A_0, %dma_wait3A_98] : memref<50048x32xf32, #tpu.memory_space<hbm>> -> memref<3128x32xf32, #tpu.memory_space<hbm>>
      tpu.wait_dma2 semaphore(%run_scoped3A : memref<!tpu.dma_semaphore, #tpu.memory_space<semaphore_mem>>) src(%dma_wait3A_99 : memref<3128x32xf32, #tpu.memory_space<hbm>>) dst(%dma_wait3A_93 : memref<3128x32xf32, #tpu.memory_space<vmem_shared>>)
      tpu.yield
    }) : () -> ()
    %barrier3A = arith.constant 0 : index
    tpu.barrier barrier_id(%barrier3A)
    %mul3A_19 = arith.constant 50000 : i32
    %mul3A_20 = arith.muli %arg1, %mul3A_19 : i32
    %add3A = arith.addi %multiple_of3A_18, %mul3A_20 : i32
    %min3A = arith.constant 0 : i32
    %min3A_21 = arith.constant 124 : i32
    %min3A_22 = arith.minsi %min3A, %min3A_21 : i32
    %mul3A_23 = arith.constant 400 : i32
    %mul3A_24 = arith.muli %min3A_22, %mul3A_23 : i32
    %add3A_25 = arith.addi %add3A, %mul3A_24 : i32
    %multiple_of3A_26 = tpu.assume_multiple %add3A_25, 8 : i32
    %dma_start3A = tpu.memref_slice %arg3[%multiple_of3A_26] : memref<800000xi32, #tpu.memory_space<hbm>> -> memref<400xi32, #tpu.memory_space<hbm>>
    %dma_start3A_27 = tpu.memref_slice %arg3[%multiple_of3A_26] : memref<800000xi32, #tpu.memory_space<hbm>> -> memref<400xi32, #tpu.memory_space<hbm>>
    tpu.enqueue_dma source(%dma_start3A_27 : memref<400xi32, #tpu.memory_space<hbm>>) target(%arg6 : memref<400xi32, #tpu.memory_space<vmem>>) target_semaphore(%arg13 : memref<!tpu.dma_semaphore, #tpu.memory_space<semaphore_mem>>)
    %dma_start3A_28 = tpu.memref_slice %arg4[%multiple_of3A_26] : memref<800000xi32, #tpu.memory_space<hbm>> -> memref<400xi32, #tpu.memory_space<hbm>>
    %dma_start3A_29 = tpu.memref_slice %arg4[%multiple_of3A_26] : memref<800000xi32, #tpu.memory_space<hbm>> -> memref<400xi32, #tpu.memory_space<hbm>>
    tpu.enqueue_dma source(%dma_start3A_29 : memref<400xi32, #tpu.memory_space<hbm>>) target(%arg7 : memref<400xi32, #tpu.memory_space<vmem>>) target_semaphore(%arg13 : memref<!tpu.dma_semaphore, #tpu.memory_space<semaphore_mem>>)
    %dma_wait3A = arith.constant 0 : i32
    %dma_wait3A_30 = tpu.memref_slice %arg3[%dma_wait3A] : memref<800000xi32, #tpu.memory_space<hbm>> -> memref<400xi32, #tpu.memory_space<hbm>>
    %dma_wait3A_31 = arith.constant 0 : i32
    %dma_wait3A_32 = tpu.memref_slice %arg3[%dma_wait3A_31] : memref<800000xi32, #tpu.memory_space<hbm>> -> memref<400xi32, #tpu.memory_space<hbm>>
    tpu.wait_dma2 semaphore(%arg13 : memref<!tpu.dma_semaphore, #tpu.memory_space<semaphore_mem>>) src(%dma_wait3A_32 : memref<400xi32, #tpu.memory_space<hbm>>) dst(%arg6 : memref<400xi32, #tpu.memory_space<vmem>>)
    %dma_wait3A_33 = arith.constant 0 : i32
    %dma_wait3A_34 = tpu.memref_slice %arg4[%dma_wait3A_33] : memref<800000xi32, #tpu.memory_space<hbm>> -> memref<400xi32, #tpu.memory_space<hbm>>
    %dma_wait3A_35 = arith.constant 0 : i32
    %dma_wait3A_36 = tpu.memref_slice %arg4[%dma_wait3A_35] : memref<800000xi32, #tpu.memory_space<hbm>> -> memref<400xi32, #tpu.memory_space<hbm>>
    tpu.wait_dma2 semaphore(%arg13 : memref<!tpu.dma_semaphore, #tpu.memory_space<semaphore_mem>>) src(%dma_wait3A_36 : memref<400xi32, #tpu.memory_space<hbm>>) dst(%arg7 : memref<400xi32, #tpu.memory_space<vmem>>)
    %min3A_37 = arith.constant 1 : i32
    %min3A_38 = arith.constant 124 : i32
    %min3A_39 = arith.minsi %min3A_37, %min3A_38 : i32
    %mul3A_40 = arith.constant 400 : i32
    %mul3A_41 = arith.muli %min3A_39, %mul3A_40 : i32
    %add3A_42 = arith.addi %add3A, %mul3A_41 : i32
    %multiple_of3A_43 = tpu.assume_multiple %add3A_42, 8 : i32
    %dma_start3A_44 = tpu.memref_slice %arg3[%multiple_of3A_43] : memref<800000xi32, #tpu.memory_space<hbm>> -> memref<400xi32, #tpu.memory_space<hbm>>
    %dma_start3A_45 = tpu.memref_slice %arg3[%multiple_of3A_43] : memref<800000xi32, #tpu.memory_space<hbm>> -> memref<400xi32, #tpu.memory_space<hbm>>
    tpu.enqueue_dma source(%dma_start3A_45 : memref<400xi32, #tpu.memory_space<hbm>>) target(%arg8 : memref<400xi32, #tpu.memory_space<vmem>>) target_semaphore(%arg14 : memref<!tpu.dma_semaphore, #tpu.memory_space<semaphore_mem>>)
    %dma_start3A_46 = tpu.memref_slice %arg4[%multiple_of3A_43] : memref<800000xi32, #tpu.memory_space<hbm>> -> memref<400xi32, #tpu.memory_space<hbm>>
    %dma_start3A_47 = tpu.memref_slice %arg4[%multiple_of3A_43] : memref<800000xi32, #tpu.memory_space<hbm>> -> memref<400xi32, #tpu.memory_space<hbm>>
    tpu.enqueue_dma source(%dma_start3A_47 : memref<400xi32, #tpu.memory_space<hbm>>) target(%arg9 : memref<400xi32, #tpu.memory_space<vmem>>) target_semaphore(%arg14 : memref<!tpu.dma_semaphore, #tpu.memory_space<semaphore_mem>>)
    %dma_start3A_48 = arith.constant 0 : i32
    %dma_start3A_49 = arith.constant 0 : i32
    %dma_start3A_50 = tpu.memref_slice %arg2[%select_n3A, %dma_start3A_48, %dma_start3A_49] : memref<2x50048x32xf32, #tpu.memory_space<hbm>> -> memref<1x50048x32xf32, #tpu.memory_space<hbm>>
    %dma_start3A_51 = tpu.memref_squeeze %dma_start3A_50 : memref<1x50048x32xf32, #tpu.memory_space<hbm>> -> memref<50048x32xf32, #tpu.memory_space<hbm>>
    %dma_start3A_52 = arith.constant 0 : i32
    %dma_start3A_53 = arith.constant 0 : i32
    %dma_start3A_54 = tpu.memref_slice %dma_start3A_51[%dma_start3A_52, %dma_start3A_53] : memref<50048x32xf32, #tpu.memory_space<hbm>> -> memref<50048x32xf32, #tpu.memory_space<hbm>>
    tpu.enqueue_indirect_dma source(%dma_start3A_54 : memref<50048x32xf32, #tpu.memory_space<hbm>>) target(%arg10 : memref<400x32xf32, #tpu.memory_space<vmem>>) offsets(%arg6 : memref<400xi32, #tpu.memory_space<vmem>>) semaphore(%arg15 : memref<!tpu.dma_semaphore, #tpu.memory_space<semaphore_mem>>)
    %scan3A = arith.constant 0 : i32
    %scan3A_55 = arith.constant 0 : i32
    %scan3A_56 = arith.constant 62 : i32
    %scan3A_57 = arith.addi %scan3A_55, %scan3A_56 : i32
    %scan3A_58 = arith.constant 1 : i32
    %scan3A_59 = scf.for %scan3A_84 = %scan3A_55 to %scan3A_57 step %scan3A_58 iter_args(%scan3A_85 = %scan3A) -> (i32)  : i32 {
      %mul3A_86 = arith.constant 2 : i32
      %mul3A_87 = arith.muli %mul3A_86, %scan3A_84 : i32
      %dma_wait3A_88 = arith.constant 0 : i32
      %dma_wait3A_89 = arith.constant 0 : i32
      %dma_wait3A_90 = tpu.memref_slice %arg2[%select_n3A, %dma_wait3A_88, %dma_wait3A_89] : memref<2x50048x32xf32, #tpu.memory_space<hbm>> -> memref<1x50048x32xf32, #tpu.memory_space<hbm>>
      %dma_wait3A_91 = tpu.memref_squeeze %dma_wait3A_90 : memref<1x50048x32xf32, #tpu.memory_space<hbm>> -> memref<50048x32xf32, #tpu.memory_space<hbm>>
      %dma_wait3A_92 = arith.constant 0 : i32
      %dma_wait3A_93 = arith.constant 0 : i32
      %dma_wait3A_94 = tpu.memref_slice %dma_wait3A_91[%dma_wait3A_92, %dma_wait3A_93] : memref<50048x32xf32, #tpu.memory_space<hbm>> -> memref<50048x32xf32, #tpu.memory_space<hbm>>
      tpu.wait_indirect_dma semaphore(%arg15 : memref<!tpu.dma_semaphore, #tpu.memory_space<semaphore_mem>>) src(%dma_wait3A_94 : memref<50048x32xf32, #tpu.memory_space<hbm>>) dst(%arg10 : memref<400x32xf32, #tpu.memory_space<vmem>>)
      %dma_start3A_95 = arith.constant 0 : i32
      %dma_start3A_96 = arith.constant 0 : i32
      %dma_start3A_97 = tpu.memref_slice %arg12[%dma_start3A_95, %dma_start3A_96] : memref<50048x32xf32, #tpu.memory_space<vmem_shared>> -> memref<50048x32xf32, #tpu.memory_space<vmem_shared>>
      tpu.enqueue_indirect_dma source(%arg10 : memref<400x32xf32, #tpu.memory_space<vmem>>) target(%dma_start3A_97 : memref<50048x32xf32, #tpu.memory_space<vmem_shared>>) offsets(%arg7 : memref<400xi32, #tpu.memory_space<vmem>>) semaphore(%arg17 : memref<!tpu.dma_semaphore, #tpu.memory_space<semaphore_mem>>) {add = true}
      %dma_wait3A_98 = arith.constant 0 : i32
      %dma_wait3A_99 = tpu.memref_slice %arg3[%dma_wait3A_98] : memref<800000xi32, #tpu.memory_space<hbm>> -> memref<400xi32, #tpu.memory_space<hbm>>
      %dma_wait3A_100 = arith.constant 0 : i32
      %dma_wait3A_101 = tpu.memref_slice %arg3[%dma_wait3A_100] : memref<800000xi32, #tpu.memory_space<hbm>> -> memref<400xi32, #tpu.memory_space<hbm>>
      tpu.wait_dma2 semaphore(%arg14 : memref<!tpu.dma_semaphore, #tpu.memory_space<semaphore_mem>>) src(%dma_wait3A_101 : memref<400xi32, #tpu.memory_space<hbm>>) dst(%arg8 : memref<400xi32, #tpu.memory_space<vmem>>)
      %dma_wait3A_102 = arith.constant 0 : i32
      %dma_wait3A_103 = tpu.memref_slice %arg4[%dma_wait3A_102] : memref<800000xi32, #tpu.memory_space<hbm>> -> memref<400xi32, #tpu.memory_space<hbm>>
      %dma_wait3A_104 = arith.constant 0 : i32
      %dma_wait3A_105 = tpu.memref_slice %arg4[%dma_wait3A_104] : memref<800000xi32, #tpu.memory_space<hbm>> -> memref<400xi32, #tpu.memory_space<hbm>>
      tpu.wait_dma2 semaphore(%arg14 : memref<!tpu.dma_semaphore, #tpu.memory_space<semaphore_mem>>) src(%dma_wait3A_105 : memref<400xi32, #tpu.memory_space<hbm>>) dst(%arg9 : memref<400xi32, #tpu.memory_space<vmem>>)
      %dma_start3A_106 = arith.constant 0 : i32
      %dma_start3A_107 = arith.constant 0 : i32
      %dma_start3A_108 = tpu.memref_slice %arg2[%select_n3A, %dma_start3A_106, %dma_start3A_107] : memref<2x50048x32xf32, #tpu.memory_space<hbm>> -> memref<1x50048x32xf32, #tpu.memory_space<hbm>>
      %dma_start3A_109 = tpu.memref_squeeze %dma_start3A_108 : memref<1x50048x32xf32, #tpu.memory_space<hbm>> -> memref<50048x32xf32, #tpu.memory_space<hbm>>
      %dma_start3A_110 = arith.constant 0 : i32
      %dma_start3A_111 = arith.constant 0 : i32
      %dma_start3A_112 = tpu.memref_slice %dma_start3A_109[%dma_start3A_110, %dma_start3A_111] : memref<50048x32xf32, #tpu.memory_space<hbm>> -> memref<50048x32xf32, #tpu.memory_space<hbm>>
      tpu.enqueue_indirect_dma source(%dma_start3A_112 : memref<50048x32xf32, #tpu.memory_space<hbm>>) target(%arg11 : memref<400x32xf32, #tpu.memory_space<vmem>>) offsets(%arg8 : memref<400xi32, #tpu.memory_space<vmem>>) semaphore(%arg16 : memref<!tpu.dma_semaphore, #tpu.memory_space<semaphore_mem>>)
      %dma_wait3A_113 = arith.constant 0 : i32
      %dma_wait3A_114 = arith.constant 0 : i32
      %dma_wait3A_115 = tpu.memref_slice %arg12[%dma_wait3A_113, %dma_wait3A_114] : memref<50048x32xf32, #tpu.memory_space<vmem_shared>> -> memref<50048x32xf32, #tpu.memory_space<vmem_shared>>
      tpu.wait_indirect_dma semaphore(%arg17 : memref<!tpu.dma_semaphore, #tpu.memory_space<semaphore_mem>>) src(%arg10 : memref<400x32xf32, #tpu.memory_space<vmem>>) dst(%dma_wait3A_115 : memref<50048x32xf32, #tpu.memory_space<vmem_shared>>)
      %add3A_116 = arith.constant 2 : i32
      %add3A_117 = arith.addi %mul3A_87, %add3A_116 : i32
      %min3A_118 = arith.constant 124 : i32
      %min3A_119 = arith.minsi %add3A_117, %min3A_118 : i32
      %mul3A_120 = arith.constant 400 : i32
      %mul3A_121 = arith.muli %min3A_119, %mul3A_120 : i32
      %add3A_122 = arith.addi %add3A, %mul3A_121 : i32
      %multiple_of3A_123 = tpu.assume_multiple %add3A_122, 8 : i32
      %dma_start3A_124 = tpu.memref_slice %arg3[%multiple_of3A_123] : memref<800000xi32, #tpu.memory_space<hbm>> -> memref<400xi32, #tpu.memory_space<hbm>>
      %dma_start3A_125 = tpu.memref_slice %arg3[%multiple_of3A_123] : memref<800000xi32, #tpu.memory_space<hbm>> -> memref<400xi32, #tpu.memory_space<hbm>>
      tpu.enqueue_dma source(%dma_start3A_125 : memref<400xi32, #tpu.memory_space<hbm>>) target(%arg6 : memref<400xi32, #tpu.memory_space<vmem>>) target_semaphore(%arg13 : memref<!tpu.dma_semaphore, #tpu.memory_space<semaphore_mem>>)
      %dma_start3A_126 = tpu.memref_slice %arg4[%multiple_of3A_123] : memref<800000xi32, #tpu.memory_space<hbm>> -> memref<400xi32, #tpu.memory_space<hbm>>
      %dma_start3A_127 = tpu.memref_slice %arg4[%multiple_of3A_123] : memref<800000xi32, #tpu.memory_space<hbm>> -> memref<400xi32, #tpu.memory_space<hbm>>
      tpu.enqueue_dma source(%dma_start3A_127 : memref<400xi32, #tpu.memory_space<hbm>>) target(%arg7 : memref<400xi32, #tpu.memory_space<vmem>>) target_semaphore(%arg13 : memref<!tpu.dma_semaphore, #tpu.memory_space<semaphore_mem>>)
      %dma_wait3A_128 = arith.constant 0 : i32
      %dma_wait3A_129 = arith.constant 0 : i32
      %dma_wait3A_130 = tpu.memref_slice %arg2[%select_n3A, %dma_wait3A_128, %dma_wait3A_129] : memref<2x50048x32xf32, #tpu.memory_space<hbm>> -> memref<1x50048x32xf32, #tpu.memory_space<hbm>>
      %dma_wait3A_131 = tpu.memref_squeeze %dma_wait3A_130 : memref<1x50048x32xf32, #tpu.memory_space<hbm>> -> memref<50048x32xf32, #tpu.memory_space<hbm>>
      %dma_wait3A_132 = arith.constant 0 : i32
      %dma_wait3A_133 = arith.constant 0 : i32
      %dma_wait3A_134 = tpu.memref_slice %dma_wait3A_131[%dma_wait3A_132, %dma_wait3A_133] : memref<50048x32xf32, #tpu.memory_space<hbm>> -> memref<50048x32xf32, #tpu.memory_space<hbm>>
      tpu.wait_indirect_dma semaphore(%arg16 : memref<!tpu.dma_semaphore, #tpu.memory_space<semaphore_mem>>) src(%dma_wait3A_134 : memref<50048x32xf32, #tpu.memory_space<hbm>>) dst(%arg11 : memref<400x32xf32, #tpu.memory_space<vmem>>)
      %dma_start3A_135 = arith.constant 0 : i32
      %dma_start3A_136 = arith.constant 0 : i32
      %dma_start3A_137 = tpu.memref_slice %arg12[%dma_start3A_135, %dma_start3A_136] : memref<50048x32xf32, #tpu.memory_space<vmem_shared>> -> memref<50048x32xf32, #tpu.memory_space<vmem_shared>>
      tpu.enqueue_indirect_dma source(%arg11 : memref<400x32xf32, #tpu.memory_space<vmem>>) target(%dma_start3A_137 : memref<50048x32xf32, #tpu.memory_space<vmem_shared>>) offsets(%arg9 : memref<400xi32, #tpu.memory_space<vmem>>) semaphore(%arg18 : memref<!tpu.dma_semaphore, #tpu.memory_space<semaphore_mem>>) {add = true}
      %dma_wait3A_138 = arith.constant 0 : i32
      %dma_wait3A_139 = tpu.memref_slice %arg3[%dma_wait3A_138] : memref<800000xi32, #tpu.memory_space<hbm>> -> memref<400xi32, #tpu.memory_space<hbm>>
      %dma_wait3A_140 = arith.constant 0 : i32
      %dma_wait3A_141 = tpu.memref_slice %arg3[%dma_wait3A_140] : memref<800000xi32, #tpu.memory_space<hbm>> -> memref<400xi32, #tpu.memory_space<hbm>>
      tpu.wait_dma2 semaphore(%arg13 : memref<!tpu.dma_semaphore, #tpu.memory_space<semaphore_mem>>) src(%dma_wait3A_141 : memref<400xi32, #tpu.memory_space<hbm>>) dst(%arg6 : memref<400xi32, #tpu.memory_space<vmem>>)
      %dma_wait3A_142 = arith.constant 0 : i32
      %dma_wait3A_143 = tpu.memref_slice %arg4[%dma_wait3A_142] : memref<800000xi32, #tpu.memory_space<hbm>> -> memref<400xi32, #tpu.memory_space<hbm>>
      %dma_wait3A_144 = arith.constant 0 : i32
      %dma_wait3A_145 = tpu.memref_slice %arg4[%dma_wait3A_144] : memref<800000xi32, #tpu.memory_space<hbm>> -> memref<400xi32, #tpu.memory_space<hbm>>
      tpu.wait_dma2 semaphore(%arg13 : memref<!tpu.dma_semaphore, #tpu.memory_space<semaphore_mem>>) src(%dma_wait3A_145 : memref<400xi32, #tpu.memory_space<hbm>>) dst(%arg7 : memref<400xi32, #tpu.memory_space<vmem>>)
      %dma_start3A_146 = arith.constant 0 : i32
      %dma_start3A_147 = arith.constant 0 : i32
      %dma_start3A_148 = tpu.memref_slice %arg2[%select_n3A, %dma_start3A_146, %dma_start3A_147] : memref<2x50048x32xf32, #tpu.memory_space<hbm>> -> memref<1x50048x32xf32, #tpu.memory_space<hbm>>
      %dma_start3A_149 = tpu.memref_squeeze %dma_start3A_148 : memref<1x50048x32xf32, #tpu.memory_space<hbm>> -> memref<50048x32xf32, #tpu.memory_space<hbm>>
      %dma_start3A_150 = arith.constant 0 : i32
      %dma_start3A_151 = arith.constant 0 : i32
      %dma_start3A_152 = tpu.memref_slice %dma_start3A_149[%dma_start3A_150, %dma_start3A_151] : memref<50048x32xf32, #tpu.memory_space<hbm>> -> memref<50048x32xf32, #tpu.memory_space<hbm>>
      tpu.enqueue_indirect_dma source(%dma_start3A_152 : memref<50048x32xf32, #tpu.memory_space<hbm>>) target(%arg10 : memref<400x32xf32, #tpu.memory_space<vmem>>) offsets(%arg6 : memref<400xi32, #tpu.memory_space<vmem>>) semaphore(%arg15 : memref<!tpu.dma_semaphore, #tpu.memory_space<semaphore_mem>>)
      %dma_wait3A_153 = arith.constant 0 : i32
      %dma_wait3A_154 = arith.constant 0 : i32
      %dma_wait3A_155 = tpu.memref_slice %arg12[%dma_wait3A_153, %dma_wait3A_154] : memref<50048x32xf32, #tpu.memory_space<vmem_shared>> -> memref<50048x32xf32, #tpu.memory_space<vmem_shared>>
      tpu.wait_indirect_dma semaphore(%arg18 : memref<!tpu.dma_semaphore, #tpu.memory_space<semaphore_mem>>) src(%arg11 : memref<400x32xf32, #tpu.memory_space<vmem>>) dst(%dma_wait3A_155 : memref<50048x32xf32, #tpu.memory_space<vmem_shared>>)
      %add3A_156 = arith.constant 3 : i32
      %add3A_157 = arith.addi %mul3A_87, %add3A_156 : i32
      %min3A_158 = arith.constant 124 : i32
      %min3A_159 = arith.minsi %add3A_157, %min3A_158 : i32
      %mul3A_160 = arith.constant 400 : i32
      %mul3A_161 = arith.muli %min3A_159, %mul3A_160 : i32
      %add3A_162 = arith.addi %add3A, %mul3A_161 : i32
      %multiple_of3A_163 = tpu.assume_multiple %add3A_162, 8 : i32
      %dma_start3A_164 = tpu.memref_slice %arg3[%multiple_of3A_163] : memref<800000xi32, #tpu.memory_space<hbm>> -> memref<400xi32, #tpu.memory_space<hbm>>
      %dma_start3A_165 = tpu.memref_slice %arg3[%multiple_of3A_163] : memref<800000xi32, #tpu.memory_space<hbm>> -> memref<400xi32, #tpu.memory_space<hbm>>
      tpu.enqueue_dma source(%dma_start3A_165 : memref<400xi32, #tpu.memory_space<hbm>>) target(%arg8 : memref<400xi32, #tpu.memory_space<vmem>>) target_semaphore(%arg14 : memref<!tpu.dma_semaphore, #tpu.memory_space<semaphore_mem>>)
      %dma_start3A_166 = tpu.memref_slice %arg4[%multiple_of3A_163] : memref<800000xi32, #tpu.memory_space<hbm>> -> memref<400xi32, #tpu.memory_space<hbm>>
      %dma_start3A_167 = tpu.memref_slice %arg4[%multiple_of3A_163] : memref<800000xi32, #tpu.memory_space<hbm>> -> memref<400xi32, #tpu.memory_space<hbm>>
      tpu.enqueue_dma source(%dma_start3A_167 : memref<400xi32, #tpu.memory_space<hbm>>) target(%arg9 : memref<400xi32, #tpu.memory_space<vmem>>) target_semaphore(%arg14 : memref<!tpu.dma_semaphore, #tpu.memory_space<semaphore_mem>>)
      %scan3A_168 = arith.constant 0 : i32
      scf.yield %scan3A_168 : i32
    }
    %scan3A_60 = arith.constant 62 : i32
    %dma_wait3A_61 = arith.constant 0 : i32
    %dma_wait3A_62 = arith.constant 0 : i32
    %dma_wait3A_63 = tpu.memref_slice %arg2[%select_n3A, %dma_wait3A_61, %dma_wait3A_62] : memref<2x50048x32xf32, #tpu.memory_space<hbm>> -> memref<1x50048x32xf32, #tpu.memory_space<hbm>>
    %dma_wait3A_64 = tpu.memref_squeeze %dma_wait3A_63 : memref<1x50048x32xf32, #tpu.memory_space<hbm>> -> memref<50048x32xf32, #tpu.memory_space<hbm>>
    %dma_wait3A_65 = arith.constant 0 : i32
    %dma_wait3A_66 = arith.constant 0 : i32
    %dma_wait3A_67 = tpu.memref_slice %dma_wait3A_64[%dma_wait3A_65, %dma_wait3A_66] : memref<50048x32xf32, #tpu.memory_space<hbm>> -> memref<50048x32xf32, #tpu.memory_space<hbm>>
    tpu.wait_indirect_dma semaphore(%arg15 : memref<!tpu.dma_semaphore, #tpu.memory_space<semaphore_mem>>) src(%dma_wait3A_67 : memref<50048x32xf32, #tpu.memory_space<hbm>>) dst(%arg10 : memref<400x32xf32, #tpu.memory_space<vmem>>)
    %dma_start3A_68 = arith.constant 0 : i32
    %dma_start3A_69 = arith.constant 0 : i32
    %dma_start3A_70 = tpu.memref_slice %arg12[%dma_start3A_68, %dma_start3A_69] : memref<50048x32xf32, #tpu.memory_space<vmem_shared>> -> memref<50048x32xf32, #tpu.memory_space<vmem_shared>>
    tpu.enqueue_indirect_dma source(%arg10 : memref<400x32xf32, #tpu.memory_space<vmem>>) target(%dma_start3A_70 : memref<50048x32xf32, #tpu.memory_space<vmem_shared>>) offsets(%arg7 : memref<400xi32, #tpu.memory_space<vmem>>) semaphore(%arg17 : memref<!tpu.dma_semaphore, #tpu.memory_space<semaphore_mem>>) {add = true}
    %dma_wait3A_71 = arith.constant 0 : i32
    %dma_wait3A_72 = arith.constant 0 : i32
    %dma_wait3A_73 = tpu.memref_slice %arg12[%dma_wait3A_71, %dma_wait3A_72] : memref<50048x32xf32, #tpu.memory_space<vmem_shared>> -> memref<50048x32xf32, #tpu.memory_space<vmem_shared>>
    tpu.wait_indirect_dma semaphore(%arg17 : memref<!tpu.dma_semaphore, #tpu.memory_space<semaphore_mem>>) src(%arg10 : memref<400x32xf32, #tpu.memory_space<vmem>>) dst(%dma_wait3A_73 : memref<50048x32xf32, #tpu.memory_space<vmem_shared>>)
    %dma_wait3A_74 = arith.constant 0 : i32
    %dma_wait3A_75 = tpu.memref_slice %arg3[%dma_wait3A_74] : memref<800000xi32, #tpu.memory_space<hbm>> -> memref<400xi32, #tpu.memory_space<hbm>>
    %dma_wait3A_76 = arith.constant 0 : i32
    %dma_wait3A_77 = tpu.memref_slice %arg3[%dma_wait3A_76] : memref<800000xi32, #tpu.memory_space<hbm>> -> memref<400xi32, #tpu.memory_space<hbm>>
    tpu.wait_dma2 semaphore(%arg14 : memref<!tpu.dma_semaphore, #tpu.memory_space<semaphore_mem>>) src(%dma_wait3A_77 : memref<400xi32, #tpu.memory_space<hbm>>) dst(%arg8 : memref<400xi32, #tpu.memory_space<vmem>>)
    %dma_wait3A_78 = arith.constant 0 : i32
    %dma_wait3A_79 = tpu.memref_slice %arg4[%dma_wait3A_78] : memref<800000xi32, #tpu.memory_space<hbm>> -> memref<400xi32, #tpu.memory_space<hbm>>
    %dma_wait3A_80 = arith.constant 0 : i32
    %dma_wait3A_81 = tpu.memref_slice %arg4[%dma_wait3A_80] : memref<800000xi32, #tpu.memory_space<hbm>> -> memref<400xi32, #tpu.memory_space<hbm>>
    tpu.wait_dma2 semaphore(%arg14 : memref<!tpu.dma_semaphore, #tpu.memory_space<semaphore_mem>>) src(%dma_wait3A_81 : memref<400xi32, #tpu.memory_space<hbm>>) dst(%arg9 : memref<400xi32, #tpu.memory_space<vmem>>)
    %barrier3A_82 = arith.constant 0 : index
    tpu.barrier barrier_id(%barrier3A_82)
    %add3A_83 = arith.addi %multiple_of3A, %mul3A_0 : i32
    "tpu.region"() ({
      %run_scoped3A = tpu.sem_alloc : memref<!tpu.dma_semaphore, #tpu.memory_space<semaphore_mem>>
      %dma_start3A_84 = arith.constant 0 : i32
      %dma_start3A_85 = tpu.memref_slice %arg5[%add3A_83, %dma_start3A_84] : memref<104000x32xf32, #tpu.memory_space<hbm>> -> memref<3128x32xf32, #tpu.memory_space<hbm>>
      %dma_start3A_86 = arith.constant 0 : i32
      %dma_start3A_87 = tpu.memref_slice %arg12[%mul3A_0, %dma_start3A_86] : memref<50048x32xf32, #tpu.memory_space<vmem_shared>> -> memref<3128x32xf32, #tpu.memory_space<vmem_shared>>
      tpu.enqueue_dma source(%dma_start3A_87 : memref<3128x32xf32, #tpu.memory_space<vmem_shared>>) target(%dma_start3A_85 : memref<3128x32xf32, #tpu.memory_space<hbm>>) target_semaphore(%run_scoped3A : memref<!tpu.dma_semaphore, #tpu.memory_space<semaphore_mem>>)
      %dma_wait3A_88 = arith.constant 0 : i32
      %dma_wait3A_89 = tpu.memref_slice %arg5[%add3A_83, %dma_wait3A_88] : memref<104000x32xf32, #tpu.memory_space<hbm>> -> memref<3128x32xf32, #tpu.memory_space<hbm>>
      %dma_wait3A_90 = arith.constant 0 : i32
      %dma_wait3A_91 = tpu.memref_slice %arg12[%mul3A_0, %dma_wait3A_90] : memref<50048x32xf32, #tpu.memory_space<vmem_shared>> -> memref<3128x32xf32, #tpu.memory_space<vmem_shared>>
      tpu.wait_dma2 semaphore(%run_scoped3A : memref<!tpu.dma_semaphore, #tpu.memory_space<semaphore_mem>>) src(%dma_wait3A_91 : memref<3128x32xf32, #tpu.memory_space<vmem_shared>>) dst(%dma_wait3A_89 : memref<3128x32xf32, #tpu.memory_space<hbm>>)
      tpu.yield
    }) : () -> ()
    return
  }
}

#map = affine_map<(d0, d1) -> (0, 0, 0)>
#map1 = affine_map<(d0, d1) -> (0)>
#map2 = affine_map<(d0, d1) -> (0, 0)>
module attributes {stable_mosaic.version = 14 : i64} {
  func.func @body(%arg0: i32, %arg1: i32, %arg2: memref<4x50048x32xf32, #tpu.memory_space<hbm>>, %arg3: memref<800000xi32, #tpu.memory_space<hbm>>, %arg4: memref<800000xi32, #tpu.memory_space<hbm>>, %arg5: memref<104000x32xf32, #tpu.memory_space<hbm>>, %arg6: memref<400xi32, #tpu.memory_space<vmem>>, %arg7: memref<400xi32, #tpu.memory_space<vmem>>, %arg8: memref<400xi32, #tpu.memory_space<vmem>>, %arg9: memref<400xi32, #tpu.memory_space<vmem>>, %arg10: memref<400x32xf32, #tpu.memory_space<vmem>>, %arg11: memref<400x32xf32, #tpu.memory_space<vmem>>, %arg12: memref<50048x32xf32, #tpu.memory_space<vmem_shared>>, %arg13: memref<!tpu.dma_semaphore, #tpu.memory_space<semaphore_mem>>, %arg14: memref<!tpu.dma_semaphore, #tpu.memory_space<semaphore_mem>>, %arg15: memref<!tpu.dma_semaphore, #tpu.memory_space<semaphore_mem>>, %arg16: memref<!tpu.dma_semaphore, #tpu.memory_space<semaphore_mem>>, %arg17: memref<!tpu.dma_semaphore, #tpu.memory_space<semaphore_mem>>, %arg18: memref<!tpu.dma_semaphore, #tpu.memory_space<semaphore_mem>>) attributes {dimension_semantics = [#tpu.dimension_semantics<core_parallel>, #tpu.dimension_semantics<subcore_parallel>], iteration_bounds = array<i64: 2, 16>, scalar_prefetch = 0 : i64, scratch_operands = 13 : i64, tpu.core_type = #tpu.core_type<sc_vector_subcore>, window_params = [{transform_indices = #map}, {transform_indices = #map1}, {transform_indices = #map1}, {transform_indices = #map2}]} {
    %mul3A = arith.constant 3128 : i32
    %mul3A_0 = arith.muli %arg1, %mul3A : i32
    %eq3A = arith.constant 0 : i32
    %eq3A_1 = arith.cmpi eq, %arg0, %eq3A : i32
    %jit3A = arith.constant 0 : i32
    %jit3A_2 = arith.constant 1 : i32
    %select_n3A = arith.select %eq3A_1, %jit3A, %jit3A_2 : i32
    %eq3A_3 = arith.constant 0 : i32
    %eq3A_4 = arith.cmpi eq, %arg0, %eq3A_3 : i32
    %jit3A_5 = arith.constant 0 : i32
    %jit3A_6 = arith.constant 1 : i32
    %select_n3A_7 = arith.select %eq3A_4, %jit3A_5, %jit3A_6 : i32
    %eq3A_8 = arith.constant 0 : i32
    %eq3A_9 = arith.cmpi eq, %arg0, %eq3A_8 : i32
    %jit3A_10 = arith.constant 0 : i32
    %jit3A_11 = arith.constant 52000 : i32
    %select_n3A_12 = arith.select %eq3A_9, %jit3A_10, %jit3A_11 : i32
    %multiple_of3A = tpu.assume_multiple %select_n3A_12, 8 : i32
    %eq3A_13 = arith.constant 0 : i32
    %eq3A_14 = arith.cmpi eq, %arg0, %eq3A_13 : i32
    %jit3A_15 = arith.constant 0 : i32
    %jit3A_16 = arith.constant 0 : i32
    %select_n3A_17 = arith.select %eq3A_14, %jit3A_15, %jit3A_16 : i32
    %multiple_of3A_18 = tpu.assume_multiple %select_n3A_17, 8 : i32
    "tpu.region"() ({
      %run_scoped3A = tpu.sem_alloc : memref<!tpu.dma_semaphore, #tpu.memory_space<semaphore_mem>>
      %dma_start3A_84 = arith.constant 0 : i32
      %dma_start3A_85 = tpu.memref_slice %arg12[%mul3A_0, %dma_start3A_84] : memref<50048x32xf32, #tpu.memory_space<vmem_shared>> -> memref<3128x32xf32, #tpu.memory_space<vmem_shared>>
      %dma_start3A_86 = arith.constant 0 : i32
      %dma_start3A_87 = arith.constant 0 : i32
      %dma_start3A_88 = tpu.memref_slice %arg2[%select_n3A_7, %dma_start3A_86, %dma_start3A_87] : memref<4x50048x32xf32, #tpu.memory_space<hbm>> -> memref<1x50048x32xf32, #tpu.memory_space<hbm>>
      %dma_start3A_89 = tpu.memref_squeeze %dma_start3A_88 : memref<1x50048x32xf32, #tpu.memory_space<hbm>> -> memref<50048x32xf32, #tpu.memory_space<hbm>>
      %dma_start3A_90 = arith.constant 0 : i32
      %dma_start3A_91 = tpu.memref_slice %dma_start3A_89[%mul3A_0, %dma_start3A_90] : memref<50048x32xf32, #tpu.memory_space<hbm>> -> memref<3128x32xf32, #tpu.memory_space<hbm>>
      tpu.enqueue_dma source(%dma_start3A_91 : memref<3128x32xf32, #tpu.memory_space<hbm>>) target(%dma_start3A_85 : memref<3128x32xf32, #tpu.memory_space<vmem_shared>>) target_semaphore(%run_scoped3A : memref<!tpu.dma_semaphore, #tpu.memory_space<semaphore_mem>>)
      %dma_wait3A_92 = arith.constant 0 : i32
      %dma_wait3A_93 = tpu.memref_slice %arg12[%mul3A_0, %dma_wait3A_92] : memref<50048x32xf32, #tpu.memory_space<vmem_shared>> -> memref<3128x32xf32, #tpu.memory_space<vmem_shared>>
      %dma_wait3A_94 = arith.constant 0 : i32
      %dma_wait3A_95 = arith.constant 0 : i32
      %dma_wait3A_96 = tpu.memref_slice %arg2[%select_n3A_7, %dma_wait3A_94, %dma_wait3A_95] : memref<4x50048x32xf32, #tpu.memory_space<hbm>> -> memref<1x50048x32xf32, #tpu.memory_space<hbm>>
      %dma_wait3A_97 = tpu.memref_squeeze %dma_wait3A_96 : memref<1x50048x32xf32, #tpu.memory_space<hbm>> -> memref<50048x32xf32, #tpu.memory_space<hbm>>
      %dma_wait3A_98 = arith.constant 0 : i32
      %dma_wait3A_99 = tpu.memref_slice %dma_wait3A_97[%mul3A_0, %dma_wait3A_98] : memref<50048x32xf32, #tpu.memory_space<hbm>> -> memref<3128x32xf32, #tpu.memory_space<hbm>>
      tpu.wait_dma2 semaphore(%run_scoped3A : memref<!tpu.dma_semaphore, #tpu.memory_space<semaphore_mem>>) src(%dma_wait3A_99 : memref<3128x32xf32, #tpu.memory_space<hbm>>) dst(%dma_wait3A_93 : memref<3128x32xf32, #tpu.memory_space<vmem_shared>>)
      tpu.yield
    }) : () -> ()
    %barrier3A = arith.constant 0 : index
    tpu.barrier barrier_id(%barrier3A)
    %mul3A_19 = arith.constant 50000 : i32
    %mul3A_20 = arith.muli %arg1, %mul3A_19 : i32
    %add3A = arith.addi %multiple_of3A_18, %mul3A_20 : i32
    %min3A = arith.constant 0 : i32
    %min3A_21 = arith.constant 124 : i32
    %min3A_22 = arith.minsi %min3A, %min3A_21 : i32
    %mul3A_23 = arith.constant 400 : i32
    %mul3A_24 = arith.muli %min3A_22, %mul3A_23 : i32
    %add3A_25 = arith.addi %add3A, %mul3A_24 : i32
    %multiple_of3A_26 = tpu.assume_multiple %add3A_25, 8 : i32
    %dma_start3A = tpu.memref_slice %arg3[%multiple_of3A_26] : memref<800000xi32, #tpu.memory_space<hbm>> -> memref<400xi32, #tpu.memory_space<hbm>>
    %dma_start3A_27 = tpu.memref_slice %arg3[%multiple_of3A_26] : memref<800000xi32, #tpu.memory_space<hbm>> -> memref<400xi32, #tpu.memory_space<hbm>>
    tpu.enqueue_dma source(%dma_start3A_27 : memref<400xi32, #tpu.memory_space<hbm>>) target(%arg6 : memref<400xi32, #tpu.memory_space<vmem>>) target_semaphore(%arg13 : memref<!tpu.dma_semaphore, #tpu.memory_space<semaphore_mem>>)
    %dma_start3A_28 = tpu.memref_slice %arg4[%multiple_of3A_26] : memref<800000xi32, #tpu.memory_space<hbm>> -> memref<400xi32, #tpu.memory_space<hbm>>
    %dma_start3A_29 = tpu.memref_slice %arg4[%multiple_of3A_26] : memref<800000xi32, #tpu.memory_space<hbm>> -> memref<400xi32, #tpu.memory_space<hbm>>
    tpu.enqueue_dma source(%dma_start3A_29 : memref<400xi32, #tpu.memory_space<hbm>>) target(%arg7 : memref<400xi32, #tpu.memory_space<vmem>>) target_semaphore(%arg13 : memref<!tpu.dma_semaphore, #tpu.memory_space<semaphore_mem>>)
    %dma_wait3A = arith.constant 0 : i32
    %dma_wait3A_30 = tpu.memref_slice %arg3[%dma_wait3A] : memref<800000xi32, #tpu.memory_space<hbm>> -> memref<400xi32, #tpu.memory_space<hbm>>
    %dma_wait3A_31 = arith.constant 0 : i32
    %dma_wait3A_32 = tpu.memref_slice %arg3[%dma_wait3A_31] : memref<800000xi32, #tpu.memory_space<hbm>> -> memref<400xi32, #tpu.memory_space<hbm>>
    tpu.wait_dma2 semaphore(%arg13 : memref<!tpu.dma_semaphore, #tpu.memory_space<semaphore_mem>>) src(%dma_wait3A_32 : memref<400xi32, #tpu.memory_space<hbm>>) dst(%arg6 : memref<400xi32, #tpu.memory_space<vmem>>)
    %dma_wait3A_33 = arith.constant 0 : i32
    %dma_wait3A_34 = tpu.memref_slice %arg4[%dma_wait3A_33] : memref<800000xi32, #tpu.memory_space<hbm>> -> memref<400xi32, #tpu.memory_space<hbm>>
    %dma_wait3A_35 = arith.constant 0 : i32
    %dma_wait3A_36 = tpu.memref_slice %arg4[%dma_wait3A_35] : memref<800000xi32, #tpu.memory_space<hbm>> -> memref<400xi32, #tpu.memory_space<hbm>>
    tpu.wait_dma2 semaphore(%arg13 : memref<!tpu.dma_semaphore, #tpu.memory_space<semaphore_mem>>) src(%dma_wait3A_36 : memref<400xi32, #tpu.memory_space<hbm>>) dst(%arg7 : memref<400xi32, #tpu.memory_space<vmem>>)
    %min3A_37 = arith.constant 1 : i32
    %min3A_38 = arith.constant 124 : i32
    %min3A_39 = arith.minsi %min3A_37, %min3A_38 : i32
    %mul3A_40 = arith.constant 400 : i32
    %mul3A_41 = arith.muli %min3A_39, %mul3A_40 : i32
    %add3A_42 = arith.addi %add3A, %mul3A_41 : i32
    %multiple_of3A_43 = tpu.assume_multiple %add3A_42, 8 : i32
    %dma_start3A_44 = tpu.memref_slice %arg3[%multiple_of3A_43] : memref<800000xi32, #tpu.memory_space<hbm>> -> memref<400xi32, #tpu.memory_space<hbm>>
    %dma_start3A_45 = tpu.memref_slice %arg3[%multiple_of3A_43] : memref<800000xi32, #tpu.memory_space<hbm>> -> memref<400xi32, #tpu.memory_space<hbm>>
    tpu.enqueue_dma source(%dma_start3A_45 : memref<400xi32, #tpu.memory_space<hbm>>) target(%arg8 : memref<400xi32, #tpu.memory_space<vmem>>) target_semaphore(%arg14 : memref<!tpu.dma_semaphore, #tpu.memory_space<semaphore_mem>>)
    %dma_start3A_46 = tpu.memref_slice %arg4[%multiple_of3A_43] : memref<800000xi32, #tpu.memory_space<hbm>> -> memref<400xi32, #tpu.memory_space<hbm>>
    %dma_start3A_47 = tpu.memref_slice %arg4[%multiple_of3A_43] : memref<800000xi32, #tpu.memory_space<hbm>> -> memref<400xi32, #tpu.memory_space<hbm>>
    tpu.enqueue_dma source(%dma_start3A_47 : memref<400xi32, #tpu.memory_space<hbm>>) target(%arg9 : memref<400xi32, #tpu.memory_space<vmem>>) target_semaphore(%arg14 : memref<!tpu.dma_semaphore, #tpu.memory_space<semaphore_mem>>)
    %dma_start3A_48 = arith.constant 0 : i32
    %dma_start3A_49 = arith.constant 0 : i32
    %dma_start3A_50 = tpu.memref_slice %arg2[%select_n3A, %dma_start3A_48, %dma_start3A_49] : memref<4x50048x32xf32, #tpu.memory_space<hbm>> -> memref<1x50048x32xf32, #tpu.memory_space<hbm>>
    %dma_start3A_51 = tpu.memref_squeeze %dma_start3A_50 : memref<1x50048x32xf32, #tpu.memory_space<hbm>> -> memref<50048x32xf32, #tpu.memory_space<hbm>>
    %dma_start3A_52 = arith.constant 0 : i32
    %dma_start3A_53 = arith.constant 0 : i32
    %dma_start3A_54 = tpu.memref_slice %dma_start3A_51[%dma_start3A_52, %dma_start3A_53] : memref<50048x32xf32, #tpu.memory_space<hbm>> -> memref<50048x32xf32, #tpu.memory_space<hbm>>
    tpu.enqueue_indirect_dma source(%dma_start3A_54 : memref<50048x32xf32, #tpu.memory_space<hbm>>) target(%arg10 : memref<400x32xf32, #tpu.memory_space<vmem>>) offsets(%arg6 : memref<400xi32, #tpu.memory_space<vmem>>) semaphore(%arg15 : memref<!tpu.dma_semaphore, #tpu.memory_space<semaphore_mem>>)
    %scan3A = arith.constant 0 : i32
    %scan3A_55 = arith.constant 0 : i32
    %scan3A_56 = arith.constant 62 : i32
    %scan3A_57 = arith.addi %scan3A_55, %scan3A_56 : i32
    %scan3A_58 = arith.constant 1 : i32
    %scan3A_59 = scf.for %scan3A_84 = %scan3A_55 to %scan3A_57 step %scan3A_58 iter_args(%scan3A_85 = %scan3A) -> (i32)  : i32 {
      %mul3A_86 = arith.constant 2 : i32
      %mul3A_87 = arith.muli %mul3A_86, %scan3A_84 : i32
      %dma_wait3A_88 = arith.constant 0 : i32
      %dma_wait3A_89 = arith.constant 0 : i32
      %dma_wait3A_90 = tpu.memref_slice %arg2[%select_n3A, %dma_wait3A_88, %dma_wait3A_89] : memref<4x50048x32xf32, #tpu.memory_space<hbm>> -> memref<1x50048x32xf32, #tpu.memory_space<hbm>>
      %dma_wait3A_91 = tpu.memref_squeeze %dma_wait3A_90 : memref<1x50048x32xf32, #tpu.memory_space<hbm>> -> memref<50048x32xf32, #tpu.memory_space<hbm>>
      %dma_wait3A_92 = arith.constant 0 : i32
      %dma_wait3A_93 = arith.constant 0 : i32
      %dma_wait3A_94 = tpu.memref_slice %dma_wait3A_91[%dma_wait3A_92, %dma_wait3A_93] : memref<50048x32xf32, #tpu.memory_space<hbm>> -> memref<50048x32xf32, #tpu.memory_space<hbm>>
      tpu.wait_indirect_dma semaphore(%arg15 : memref<!tpu.dma_semaphore, #tpu.memory_space<semaphore_mem>>) src(%dma_wait3A_94 : memref<50048x32xf32, #tpu.memory_space<hbm>>) dst(%arg10 : memref<400x32xf32, #tpu.memory_space<vmem>>)
      %dma_start3A_95 = arith.constant 0 : i32
      %dma_start3A_96 = arith.constant 0 : i32
      %dma_start3A_97 = tpu.memref_slice %arg12[%dma_start3A_95, %dma_start3A_96] : memref<50048x32xf32, #tpu.memory_space<vmem_shared>> -> memref<50048x32xf32, #tpu.memory_space<vmem_shared>>
      tpu.enqueue_indirect_dma source(%arg10 : memref<400x32xf32, #tpu.memory_space<vmem>>) target(%dma_start3A_97 : memref<50048x32xf32, #tpu.memory_space<vmem_shared>>) offsets(%arg7 : memref<400xi32, #tpu.memory_space<vmem>>) semaphore(%arg17 : memref<!tpu.dma_semaphore, #tpu.memory_space<semaphore_mem>>) {add = true}
      %dma_wait3A_98 = arith.constant 0 : i32
      %dma_wait3A_99 = tpu.memref_slice %arg3[%dma_wait3A_98] : memref<800000xi32, #tpu.memory_space<hbm>> -> memref<400xi32, #tpu.memory_space<hbm>>
      %dma_wait3A_100 = arith.constant 0 : i32
      %dma_wait3A_101 = tpu.memref_slice %arg3[%dma_wait3A_100] : memref<800000xi32, #tpu.memory_space<hbm>> -> memref<400xi32, #tpu.memory_space<hbm>>
      tpu.wait_dma2 semaphore(%arg14 : memref<!tpu.dma_semaphore, #tpu.memory_space<semaphore_mem>>) src(%dma_wait3A_101 : memref<400xi32, #tpu.memory_space<hbm>>) dst(%arg8 : memref<400xi32, #tpu.memory_space<vmem>>)
      %dma_wait3A_102 = arith.constant 0 : i32
      %dma_wait3A_103 = tpu.memref_slice %arg4[%dma_wait3A_102] : memref<800000xi32, #tpu.memory_space<hbm>> -> memref<400xi32, #tpu.memory_space<hbm>>
      %dma_wait3A_104 = arith.constant 0 : i32
      %dma_wait3A_105 = tpu.memref_slice %arg4[%dma_wait3A_104] : memref<800000xi32, #tpu.memory_space<hbm>> -> memref<400xi32, #tpu.memory_space<hbm>>
      tpu.wait_dma2 semaphore(%arg14 : memref<!tpu.dma_semaphore, #tpu.memory_space<semaphore_mem>>) src(%dma_wait3A_105 : memref<400xi32, #tpu.memory_space<hbm>>) dst(%arg9 : memref<400xi32, #tpu.memory_space<vmem>>)
      %dma_start3A_106 = arith.constant 0 : i32
      %dma_start3A_107 = arith.constant 0 : i32
      %dma_start3A_108 = tpu.memref_slice %arg2[%select_n3A, %dma_start3A_106, %dma_start3A_107] : memref<4x50048x32xf32, #tpu.memory_space<hbm>> -> memref<1x50048x32xf32, #tpu.memory_space<hbm>>
      %dma_start3A_109 = tpu.memref_squeeze %dma_start3A_108 : memref<1x50048x32xf32, #tpu.memory_space<hbm>> -> memref<50048x32xf32, #tpu.memory_space<hbm>>
      %dma_start3A_110 = arith.constant 0 : i32
      %dma_start3A_111 = arith.constant 0 : i32
      %dma_start3A_112 = tpu.memref_slice %dma_start3A_109[%dma_start3A_110, %dma_start3A_111] : memref<50048x32xf32, #tpu.memory_space<hbm>> -> memref<50048x32xf32, #tpu.memory_space<hbm>>
      tpu.enqueue_indirect_dma source(%dma_start3A_112 : memref<50048x32xf32, #tpu.memory_space<hbm>>) target(%arg11 : memref<400x32xf32, #tpu.memory_space<vmem>>) offsets(%arg8 : memref<400xi32, #tpu.memory_space<vmem>>) semaphore(%arg16 : memref<!tpu.dma_semaphore, #tpu.memory_space<semaphore_mem>>)
      %dma_wait3A_113 = arith.constant 0 : i32
      %dma_wait3A_114 = arith.constant 0 : i32
      %dma_wait3A_115 = tpu.memref_slice %arg12[%dma_wait3A_113, %dma_wait3A_114] : memref<50048x32xf32, #tpu.memory_space<vmem_shared>> -> memref<50048x32xf32, #tpu.memory_space<vmem_shared>>
      tpu.wait_indirect_dma semaphore(%arg17 : memref<!tpu.dma_semaphore, #tpu.memory_space<semaphore_mem>>) src(%arg10 : memref<400x32xf32, #tpu.memory_space<vmem>>) dst(%dma_wait3A_115 : memref<50048x32xf32, #tpu.memory_space<vmem_shared>>)
      %add3A_116 = arith.constant 2 : i32
      %add3A_117 = arith.addi %mul3A_87, %add3A_116 : i32
      %min3A_118 = arith.constant 124 : i32
      %min3A_119 = arith.minsi %add3A_117, %min3A_118 : i32
      %mul3A_120 = arith.constant 400 : i32
      %mul3A_121 = arith.muli %min3A_119, %mul3A_120 : i32
      %add3A_122 = arith.addi %add3A, %mul3A_121 : i32
      %multiple_of3A_123 = tpu.assume_multiple %add3A_122, 8 : i32
      %dma_start3A_124 = tpu.memref_slice %arg3[%multiple_of3A_123] : memref<800000xi32, #tpu.memory_space<hbm>> -> memref<400xi32, #tpu.memory_space<hbm>>
      %dma_start3A_125 = tpu.memref_slice %arg3[%multiple_of3A_123] : memref<800000xi32, #tpu.memory_space<hbm>> -> memref<400xi32, #tpu.memory_space<hbm>>
      tpu.enqueue_dma source(%dma_start3A_125 : memref<400xi32, #tpu.memory_space<hbm>>) target(%arg6 : memref<400xi32, #tpu.memory_space<vmem>>) target_semaphore(%arg13 : memref<!tpu.dma_semaphore, #tpu.memory_space<semaphore_mem>>)
      %dma_start3A_126 = tpu.memref_slice %arg4[%multiple_of3A_123] : memref<800000xi32, #tpu.memory_space<hbm>> -> memref<400xi32, #tpu.memory_space<hbm>>
      %dma_start3A_127 = tpu.memref_slice %arg4[%multiple_of3A_123] : memref<800000xi32, #tpu.memory_space<hbm>> -> memref<400xi32, #tpu.memory_space<hbm>>
      tpu.enqueue_dma source(%dma_start3A_127 : memref<400xi32, #tpu.memory_space<hbm>>) target(%arg7 : memref<400xi32, #tpu.memory_space<vmem>>) target_semaphore(%arg13 : memref<!tpu.dma_semaphore, #tpu.memory_space<semaphore_mem>>)
      %dma_wait3A_128 = arith.constant 0 : i32
      %dma_wait3A_129 = arith.constant 0 : i32
      %dma_wait3A_130 = tpu.memref_slice %arg2[%select_n3A, %dma_wait3A_128, %dma_wait3A_129] : memref<4x50048x32xf32, #tpu.memory_space<hbm>> -> memref<1x50048x32xf32, #tpu.memory_space<hbm>>
      %dma_wait3A_131 = tpu.memref_squeeze %dma_wait3A_130 : memref<1x50048x32xf32, #tpu.memory_space<hbm>> -> memref<50048x32xf32, #tpu.memory_space<hbm>>
      %dma_wait3A_132 = arith.constant 0 : i32
      %dma_wait3A_133 = arith.constant 0 : i32
      %dma_wait3A_134 = tpu.memref_slice %dma_wait3A_131[%dma_wait3A_132, %dma_wait3A_133] : memref<50048x32xf32, #tpu.memory_space<hbm>> -> memref<50048x32xf32, #tpu.memory_space<hbm>>
      tpu.wait_indirect_dma semaphore(%arg16 : memref<!tpu.dma_semaphore, #tpu.memory_space<semaphore_mem>>) src(%dma_wait3A_134 : memref<50048x32xf32, #tpu.memory_space<hbm>>) dst(%arg11 : memref<400x32xf32, #tpu.memory_space<vmem>>)
      %dma_start3A_135 = arith.constant 0 : i32
      %dma_start3A_136 = arith.constant 0 : i32
      %dma_start3A_137 = tpu.memref_slice %arg12[%dma_start3A_135, %dma_start3A_136] : memref<50048x32xf32, #tpu.memory_space<vmem_shared>> -> memref<50048x32xf32, #tpu.memory_space<vmem_shared>>
      tpu.enqueue_indirect_dma source(%arg11 : memref<400x32xf32, #tpu.memory_space<vmem>>) target(%dma_start3A_137 : memref<50048x32xf32, #tpu.memory_space<vmem_shared>>) offsets(%arg9 : memref<400xi32, #tpu.memory_space<vmem>>) semaphore(%arg18 : memref<!tpu.dma_semaphore, #tpu.memory_space<semaphore_mem>>) {add = true}
      %dma_wait3A_138 = arith.constant 0 : i32
      %dma_wait3A_139 = tpu.memref_slice %arg3[%dma_wait3A_138] : memref<800000xi32, #tpu.memory_space<hbm>> -> memref<400xi32, #tpu.memory_space<hbm>>
      %dma_wait3A_140 = arith.constant 0 : i32
      %dma_wait3A_141 = tpu.memref_slice %arg3[%dma_wait3A_140] : memref<800000xi32, #tpu.memory_space<hbm>> -> memref<400xi32, #tpu.memory_space<hbm>>
      tpu.wait_dma2 semaphore(%arg13 : memref<!tpu.dma_semaphore, #tpu.memory_space<semaphore_mem>>) src(%dma_wait3A_141 : memref<400xi32, #tpu.memory_space<hbm>>) dst(%arg6 : memref<400xi32, #tpu.memory_space<vmem>>)
      %dma_wait3A_142 = arith.constant 0 : i32
      %dma_wait3A_143 = tpu.memref_slice %arg4[%dma_wait3A_142] : memref<800000xi32, #tpu.memory_space<hbm>> -> memref<400xi32, #tpu.memory_space<hbm>>
      %dma_wait3A_144 = arith.constant 0 : i32
      %dma_wait3A_145 = tpu.memref_slice %arg4[%dma_wait3A_144] : memref<800000xi32, #tpu.memory_space<hbm>> -> memref<400xi32, #tpu.memory_space<hbm>>
      tpu.wait_dma2 semaphore(%arg13 : memref<!tpu.dma_semaphore, #tpu.memory_space<semaphore_mem>>) src(%dma_wait3A_145 : memref<400xi32, #tpu.memory_space<hbm>>) dst(%arg7 : memref<400xi32, #tpu.memory_space<vmem>>)
      %dma_start3A_146 = arith.constant 0 : i32
      %dma_start3A_147 = arith.constant 0 : i32
      %dma_start3A_148 = tpu.memref_slice %arg2[%select_n3A, %dma_start3A_146, %dma_start3A_147] : memref<4x50048x32xf32, #tpu.memory_space<hbm>> -> memref<1x50048x32xf32, #tpu.memory_space<hbm>>
      %dma_start3A_149 = tpu.memref_squeeze %dma_start3A_148 : memref<1x50048x32xf32, #tpu.memory_space<hbm>> -> memref<50048x32xf32, #tpu.memory_space<hbm>>
      %dma_start3A_150 = arith.constant 0 : i32
      %dma_start3A_151 = arith.constant 0 : i32
      %dma_start3A_152 = tpu.memref_slice %dma_start3A_149[%dma_start3A_150, %dma_start3A_151] : memref<50048x32xf32, #tpu.memory_space<hbm>> -> memref<50048x32xf32, #tpu.memory_space<hbm>>
      tpu.enqueue_indirect_dma source(%dma_start3A_152 : memref<50048x32xf32, #tpu.memory_space<hbm>>) target(%arg10 : memref<400x32xf32, #tpu.memory_space<vmem>>) offsets(%arg6 : memref<400xi32, #tpu.memory_space<vmem>>) semaphore(%arg15 : memref<!tpu.dma_semaphore, #tpu.memory_space<semaphore_mem>>)
      %dma_wait3A_153 = arith.constant 0 : i32
      %dma_wait3A_154 = arith.constant 0 : i32
      %dma_wait3A_155 = tpu.memref_slice %arg12[%dma_wait3A_153, %dma_wait3A_154] : memref<50048x32xf32, #tpu.memory_space<vmem_shared>> -> memref<50048x32xf32, #tpu.memory_space<vmem_shared>>
      tpu.wait_indirect_dma semaphore(%arg18 : memref<!tpu.dma_semaphore, #tpu.memory_space<semaphore_mem>>) src(%arg11 : memref<400x32xf32, #tpu.memory_space<vmem>>) dst(%dma_wait3A_155 : memref<50048x32xf32, #tpu.memory_space<vmem_shared>>)
      %add3A_156 = arith.constant 3 : i32
      %add3A_157 = arith.addi %mul3A_87, %add3A_156 : i32
      %min3A_158 = arith.constant 124 : i32
      %min3A_159 = arith.minsi %add3A_157, %min3A_158 : i32
      %mul3A_160 = arith.constant 400 : i32
      %mul3A_161 = arith.muli %min3A_159, %mul3A_160 : i32
      %add3A_162 = arith.addi %add3A, %mul3A_161 : i32
      %multiple_of3A_163 = tpu.assume_multiple %add3A_162, 8 : i32
      %dma_start3A_164 = tpu.memref_slice %arg3[%multiple_of3A_163] : memref<800000xi32, #tpu.memory_space<hbm>> -> memref<400xi32, #tpu.memory_space<hbm>>
      %dma_start3A_165 = tpu.memref_slice %arg3[%multiple_of3A_163] : memref<800000xi32, #tpu.memory_space<hbm>> -> memref<400xi32, #tpu.memory_space<hbm>>
      tpu.enqueue_dma source(%dma_start3A_165 : memref<400xi32, #tpu.memory_space<hbm>>) target(%arg8 : memref<400xi32, #tpu.memory_space<vmem>>) target_semaphore(%arg14 : memref<!tpu.dma_semaphore, #tpu.memory_space<semaphore_mem>>)
      %dma_start3A_166 = tpu.memref_slice %arg4[%multiple_of3A_163] : memref<800000xi32, #tpu.memory_space<hbm>> -> memref<400xi32, #tpu.memory_space<hbm>>
      %dma_start3A_167 = tpu.memref_slice %arg4[%multiple_of3A_163] : memref<800000xi32, #tpu.memory_space<hbm>> -> memref<400xi32, #tpu.memory_space<hbm>>
      tpu.enqueue_dma source(%dma_start3A_167 : memref<400xi32, #tpu.memory_space<hbm>>) target(%arg9 : memref<400xi32, #tpu.memory_space<vmem>>) target_semaphore(%arg14 : memref<!tpu.dma_semaphore, #tpu.memory_space<semaphore_mem>>)
      %scan3A_168 = arith.constant 0 : i32
      scf.yield %scan3A_168 : i32
    }
    %scan3A_60 = arith.constant 62 : i32
    %dma_wait3A_61 = arith.constant 0 : i32
    %dma_wait3A_62 = arith.constant 0 : i32
    %dma_wait3A_63 = tpu.memref_slice %arg2[%select_n3A, %dma_wait3A_61, %dma_wait3A_62] : memref<4x50048x32xf32, #tpu.memory_space<hbm>> -> memref<1x50048x32xf32, #tpu.memory_space<hbm>>
    %dma_wait3A_64 = tpu.memref_squeeze %dma_wait3A_63 : memref<1x50048x32xf32, #tpu.memory_space<hbm>> -> memref<50048x32xf32, #tpu.memory_space<hbm>>
    %dma_wait3A_65 = arith.constant 0 : i32
    %dma_wait3A_66 = arith.constant 0 : i32
    %dma_wait3A_67 = tpu.memref_slice %dma_wait3A_64[%dma_wait3A_65, %dma_wait3A_66] : memref<50048x32xf32, #tpu.memory_space<hbm>> -> memref<50048x32xf32, #tpu.memory_space<hbm>>
    tpu.wait_indirect_dma semaphore(%arg15 : memref<!tpu.dma_semaphore, #tpu.memory_space<semaphore_mem>>) src(%dma_wait3A_67 : memref<50048x32xf32, #tpu.memory_space<hbm>>) dst(%arg10 : memref<400x32xf32, #tpu.memory_space<vmem>>)
    %dma_start3A_68 = arith.constant 0 : i32
    %dma_start3A_69 = arith.constant 0 : i32
    %dma_start3A_70 = tpu.memref_slice %arg12[%dma_start3A_68, %dma_start3A_69] : memref<50048x32xf32, #tpu.memory_space<vmem_shared>> -> memref<50048x32xf32, #tpu.memory_space<vmem_shared>>
    tpu.enqueue_indirect_dma source(%arg10 : memref<400x32xf32, #tpu.memory_space<vmem>>) target(%dma_start3A_70 : memref<50048x32xf32, #tpu.memory_space<vmem_shared>>) offsets(%arg7 : memref<400xi32, #tpu.memory_space<vmem>>) semaphore(%arg17 : memref<!tpu.dma_semaphore, #tpu.memory_space<semaphore_mem>>) {add = true}
    %dma_wait3A_71 = arith.constant 0 : i32
    %dma_wait3A_72 = arith.constant 0 : i32
    %dma_wait3A_73 = tpu.memref_slice %arg12[%dma_wait3A_71, %dma_wait3A_72] : memref<50048x32xf32, #tpu.memory_space<vmem_shared>> -> memref<50048x32xf32, #tpu.memory_space<vmem_shared>>
    tpu.wait_indirect_dma semaphore(%arg17 : memref<!tpu.dma_semaphore, #tpu.memory_space<semaphore_mem>>) src(%arg10 : memref<400x32xf32, #tpu.memory_space<vmem>>) dst(%dma_wait3A_73 : memref<50048x32xf32, #tpu.memory_space<vmem_shared>>)
    %dma_wait3A_74 = arith.constant 0 : i32
    %dma_wait3A_75 = tpu.memref_slice %arg3[%dma_wait3A_74] : memref<800000xi32, #tpu.memory_space<hbm>> -> memref<400xi32, #tpu.memory_space<hbm>>
    %dma_wait3A_76 = arith.constant 0 : i32
    %dma_wait3A_77 = tpu.memref_slice %arg3[%dma_wait3A_76] : memref<800000xi32, #tpu.memory_space<hbm>> -> memref<400xi32, #tpu.memory_space<hbm>>
    tpu.wait_dma2 semaphore(%arg14 : memref<!tpu.dma_semaphore, #tpu.memory_space<semaphore_mem>>) src(%dma_wait3A_77 : memref<400xi32, #tpu.memory_space<hbm>>) dst(%arg8 : memref<400xi32, #tpu.memory_space<vmem>>)
    %dma_wait3A_78 = arith.constant 0 : i32
    %dma_wait3A_79 = tpu.memref_slice %arg4[%dma_wait3A_78] : memref<800000xi32, #tpu.memory_space<hbm>> -> memref<400xi32, #tpu.memory_space<hbm>>
    %dma_wait3A_80 = arith.constant 0 : i32
    %dma_wait3A_81 = tpu.memref_slice %arg4[%dma_wait3A_80] : memref<800000xi32, #tpu.memory_space<hbm>> -> memref<400xi32, #tpu.memory_space<hbm>>
    tpu.wait_dma2 semaphore(%arg14 : memref<!tpu.dma_semaphore, #tpu.memory_space<semaphore_mem>>) src(%dma_wait3A_81 : memref<400xi32, #tpu.memory_space<hbm>>) dst(%arg9 : memref<400xi32, #tpu.memory_space<vmem>>)
    %barrier3A_82 = arith.constant 0 : index
    tpu.barrier barrier_id(%barrier3A_82)
    %add3A_83 = arith.addi %multiple_of3A, %mul3A_0 : i32
    "tpu.region"() ({
      %run_scoped3A = tpu.sem_alloc : memref<!tpu.dma_semaphore, #tpu.memory_space<semaphore_mem>>
      %dma_start3A_84 = arith.constant 0 : i32
      %dma_start3A_85 = tpu.memref_slice %arg5[%add3A_83, %dma_start3A_84] : memref<104000x32xf32, #tpu.memory_space<hbm>> -> memref<3128x32xf32, #tpu.memory_space<hbm>>
      %dma_start3A_86 = arith.constant 0 : i32
      %dma_start3A_87 = tpu.memref_slice %arg12[%mul3A_0, %dma_start3A_86] : memref<50048x32xf32, #tpu.memory_space<vmem_shared>> -> memref<3128x32xf32, #tpu.memory_space<vmem_shared>>
      tpu.enqueue_dma source(%dma_start3A_87 : memref<3128x32xf32, #tpu.memory_space<vmem_shared>>) target(%dma_start3A_85 : memref<3128x32xf32, #tpu.memory_space<hbm>>) target_semaphore(%run_scoped3A : memref<!tpu.dma_semaphore, #tpu.memory_space<semaphore_mem>>)
      %dma_wait3A_88 = arith.constant 0 : i32
      %dma_wait3A_89 = tpu.memref_slice %arg5[%add3A_83, %dma_wait3A_88] : memref<104000x32xf32, #tpu.memory_space<hbm>> -> memref<3128x32xf32, #tpu.memory_space<hbm>>
      %dma_wait3A_90 = arith.constant 0 : i32
      %dma_wait3A_91 = tpu.memref_slice %arg12[%mul3A_0, %dma_wait3A_90] : memref<50048x32xf32, #tpu.memory_space<vmem_shared>> -> memref<3128x32xf32, #tpu.memory_space<vmem_shared>>
      tpu.wait_dma2 semaphore(%run_scoped3A : memref<!tpu.dma_semaphore, #tpu.memory_space<semaphore_mem>>) src(%dma_wait3A_91 : memref<3128x32xf32, #tpu.memory_space<vmem_shared>>) dst(%dma_wait3A_89 : memref<3128x32xf32, #tpu.memory_space<hbm>>)
      tpu.yield
    }) : () -> ()
    return
  }
}

#map = affine_map<(d0, d1) -> (0, 0, 0)>
#map1 = affine_map<(d0, d1) -> (0)>
#map2 = affine_map<(d0, d1) -> (0, 0)>
module attributes {stable_mosaic.version = 14 : i64} {
  func.func @body(%arg0: i32, %arg1: i32, %arg2: memref<2x50048x16xf32, #tpu.memory_space<hbm>>, %arg3: memref<800000xi32, #tpu.memory_space<hbm>>, %arg4: memref<800000xi32, #tpu.memory_space<hbm>>, %arg5: memref<104000x16xf32, #tpu.memory_space<hbm>>, %arg6: memref<1000xi32, #tpu.memory_space<vmem>>, %arg7: memref<1000xi32, #tpu.memory_space<vmem>>, %arg8: memref<1000xi32, #tpu.memory_space<vmem>>, %arg9: memref<1000xi32, #tpu.memory_space<vmem>>, %arg10: memref<1000x16xf32, #tpu.memory_space<vmem>>, %arg11: memref<1000x16xf32, #tpu.memory_space<vmem>>, %arg12: memref<50048x16xf32, #tpu.memory_space<vmem_shared>>, %arg13: memref<!tpu.dma_semaphore, #tpu.memory_space<semaphore_mem>>, %arg14: memref<!tpu.dma_semaphore, #tpu.memory_space<semaphore_mem>>, %arg15: memref<!tpu.dma_semaphore, #tpu.memory_space<semaphore_mem>>, %arg16: memref<!tpu.dma_semaphore, #tpu.memory_space<semaphore_mem>>, %arg17: memref<!tpu.dma_semaphore, #tpu.memory_space<semaphore_mem>>, %arg18: memref<!tpu.dma_semaphore, #tpu.memory_space<semaphore_mem>>) attributes {dimension_semantics = [#tpu.dimension_semantics<core_parallel>, #tpu.dimension_semantics<subcore_parallel>], iteration_bounds = array<i64: 2, 16>, scalar_prefetch = 0 : i64, scratch_operands = 13 : i64, tpu.core_type = #tpu.core_type<sc_vector_subcore>, window_params = [{transform_indices = #map}, {transform_indices = #map1}, {transform_indices = #map1}, {transform_indices = #map2}]} {
    %mul3A = arith.constant 3128 : i32
    %mul3A_0 = arith.muli %arg1, %mul3A : i32
    %eq3A = arith.constant 0 : i32
    %eq3A_1 = arith.cmpi eq, %arg0, %eq3A : i32
    %jit3A = arith.constant 0 : i32
    %jit3A_2 = arith.constant 0 : i32
    %select_n3A = arith.select %eq3A_1, %jit3A, %jit3A_2 : i32
    %eq3A_3 = arith.constant 0 : i32
    %eq3A_4 = arith.cmpi eq, %arg0, %eq3A_3 : i32
    %jit3A_5 = arith.constant 0 : i32
    %jit3A_6 = arith.constant 1 : i32
    %select_n3A_7 = arith.select %eq3A_4, %jit3A_5, %jit3A_6 : i32
    %eq3A_8 = arith.constant 0 : i32
    %eq3A_9 = arith.cmpi eq, %arg0, %eq3A_8 : i32
    %jit3A_10 = arith.constant 0 : i32
    %jit3A_11 = arith.constant 52000 : i32
    %select_n3A_12 = arith.select %eq3A_9, %jit3A_10, %jit3A_11 : i32
    %multiple_of3A = tpu.assume_multiple %select_n3A_12, 8 : i32
    %eq3A_13 = arith.constant 0 : i32
    %eq3A_14 = arith.cmpi eq, %arg0, %eq3A_13 : i32
    %jit3A_15 = arith.constant 0 : i32
    %jit3A_16 = arith.constant 400000 : i32
    %select_n3A_17 = arith.select %eq3A_14, %jit3A_15, %jit3A_16 : i32
    %multiple_of3A_18 = tpu.assume_multiple %select_n3A_17, 8 : i32
    "tpu.region"() ({
      %run_scoped3A = tpu.sem_alloc : memref<!tpu.dma_semaphore, #tpu.memory_space<semaphore_mem>>
      %dma_start3A_84 = arith.constant 0 : i32
      %dma_start3A_85 = tpu.memref_slice %arg12[%mul3A_0, %dma_start3A_84] : memref<50048x16xf32, #tpu.memory_space<vmem_shared>> -> memref<3128x16xf32, #tpu.memory_space<vmem_shared>>
      %dma_start3A_86 = arith.constant 0 : i32
      %dma_start3A_87 = arith.constant 0 : i32
      %dma_start3A_88 = tpu.memref_slice %arg2[%select_n3A_7, %dma_start3A_86, %dma_start3A_87] : memref<2x50048x16xf32, #tpu.memory_space<hbm>> -> memref<1x50048x16xf32, #tpu.memory_space<hbm>>
      %dma_start3A_89 = tpu.memref_squeeze %dma_start3A_88 : memref<1x50048x16xf32, #tpu.memory_space<hbm>> -> memref<50048x16xf32, #tpu.memory_space<hbm>>
      %dma_start3A_90 = arith.constant 0 : i32
      %dma_start3A_91 = tpu.memref_slice %dma_start3A_89[%mul3A_0, %dma_start3A_90] : memref<50048x16xf32, #tpu.memory_space<hbm>> -> memref<3128x16xf32, #tpu.memory_space<hbm>>
      tpu.enqueue_dma source(%dma_start3A_91 : memref<3128x16xf32, #tpu.memory_space<hbm>>) target(%dma_start3A_85 : memref<3128x16xf32, #tpu.memory_space<vmem_shared>>) target_semaphore(%run_scoped3A : memref<!tpu.dma_semaphore, #tpu.memory_space<semaphore_mem>>)
      %dma_wait3A_92 = arith.constant 0 : i32
      %dma_wait3A_93 = tpu.memref_slice %arg12[%mul3A_0, %dma_wait3A_92] : memref<50048x16xf32, #tpu.memory_space<vmem_shared>> -> memref<3128x16xf32, #tpu.memory_space<vmem_shared>>
      %dma_wait3A_94 = arith.constant 0 : i32
      %dma_wait3A_95 = arith.constant 0 : i32
      %dma_wait3A_96 = tpu.memref_slice %arg2[%select_n3A_7, %dma_wait3A_94, %dma_wait3A_95] : memref<2x50048x16xf32, #tpu.memory_space<hbm>> -> memref<1x50048x16xf32, #tpu.memory_space<hbm>>
      %dma_wait3A_97 = tpu.memref_squeeze %dma_wait3A_96 : memref<1x50048x16xf32, #tpu.memory_space<hbm>> -> memref<50048x16xf32, #tpu.memory_space<hbm>>
      %dma_wait3A_98 = arith.constant 0 : i32
      %dma_wait3A_99 = tpu.memref_slice %dma_wait3A_97[%mul3A_0, %dma_wait3A_98] : memref<50048x16xf32, #tpu.memory_space<hbm>> -> memref<3128x16xf32, #tpu.memory_space<hbm>>
      tpu.wait_dma2 semaphore(%run_scoped3A : memref<!tpu.dma_semaphore, #tpu.memory_space<semaphore_mem>>) src(%dma_wait3A_99 : memref<3128x16xf32, #tpu.memory_space<hbm>>) dst(%dma_wait3A_93 : memref<3128x16xf32, #tpu.memory_space<vmem_shared>>)
      tpu.yield
    }) : () -> ()
    %barrier3A = arith.constant 0 : index
    tpu.barrier barrier_id(%barrier3A)
    %mul3A_19 = arith.constant 25000 : i32
    %mul3A_20 = arith.muli %arg1, %mul3A_19 : i32
    %add3A = arith.addi %multiple_of3A_18, %mul3A_20 : i32
    %min3A = arith.constant 0 : i32
    %min3A_21 = arith.constant 24 : i32
    %min3A_22 = arith.minsi %min3A, %min3A_21 : i32
    %mul3A_23 = arith.constant 1000 : i32
    %mul3A_24 = arith.muli %min3A_22, %mul3A_23 : i32
    %add3A_25 = arith.addi %add3A, %mul3A_24 : i32
    %multiple_of3A_26 = tpu.assume_multiple %add3A_25, 8 : i32
    %dma_start3A = tpu.memref_slice %arg3[%multiple_of3A_26] : memref<800000xi32, #tpu.memory_space<hbm>> -> memref<1000xi32, #tpu.memory_space<hbm>>
    %dma_start3A_27 = tpu.memref_slice %arg3[%multiple_of3A_26] : memref<800000xi32, #tpu.memory_space<hbm>> -> memref<1000xi32, #tpu.memory_space<hbm>>
    tpu.enqueue_dma source(%dma_start3A_27 : memref<1000xi32, #tpu.memory_space<hbm>>) target(%arg6 : memref<1000xi32, #tpu.memory_space<vmem>>) target_semaphore(%arg13 : memref<!tpu.dma_semaphore, #tpu.memory_space<semaphore_mem>>)
    %dma_start3A_28 = tpu.memref_slice %arg4[%multiple_of3A_26] : memref<800000xi32, #tpu.memory_space<hbm>> -> memref<1000xi32, #tpu.memory_space<hbm>>
    %dma_start3A_29 = tpu.memref_slice %arg4[%multiple_of3A_26] : memref<800000xi32, #tpu.memory_space<hbm>> -> memref<1000xi32, #tpu.memory_space<hbm>>
    tpu.enqueue_dma source(%dma_start3A_29 : memref<1000xi32, #tpu.memory_space<hbm>>) target(%arg7 : memref<1000xi32, #tpu.memory_space<vmem>>) target_semaphore(%arg13 : memref<!tpu.dma_semaphore, #tpu.memory_space<semaphore_mem>>)
    %dma_wait3A = arith.constant 0 : i32
    %dma_wait3A_30 = tpu.memref_slice %arg3[%dma_wait3A] : memref<800000xi32, #tpu.memory_space<hbm>> -> memref<1000xi32, #tpu.memory_space<hbm>>
    %dma_wait3A_31 = arith.constant 0 : i32
    %dma_wait3A_32 = tpu.memref_slice %arg3[%dma_wait3A_31] : memref<800000xi32, #tpu.memory_space<hbm>> -> memref<1000xi32, #tpu.memory_space<hbm>>
    tpu.wait_dma2 semaphore(%arg13 : memref<!tpu.dma_semaphore, #tpu.memory_space<semaphore_mem>>) src(%dma_wait3A_32 : memref<1000xi32, #tpu.memory_space<hbm>>) dst(%arg6 : memref<1000xi32, #tpu.memory_space<vmem>>)
    %dma_wait3A_33 = arith.constant 0 : i32
    %dma_wait3A_34 = tpu.memref_slice %arg4[%dma_wait3A_33] : memref<800000xi32, #tpu.memory_space<hbm>> -> memref<1000xi32, #tpu.memory_space<hbm>>
    %dma_wait3A_35 = arith.constant 0 : i32
    %dma_wait3A_36 = tpu.memref_slice %arg4[%dma_wait3A_35] : memref<800000xi32, #tpu.memory_space<hbm>> -> memref<1000xi32, #tpu.memory_space<hbm>>
    tpu.wait_dma2 semaphore(%arg13 : memref<!tpu.dma_semaphore, #tpu.memory_space<semaphore_mem>>) src(%dma_wait3A_36 : memref<1000xi32, #tpu.memory_space<hbm>>) dst(%arg7 : memref<1000xi32, #tpu.memory_space<vmem>>)
    %min3A_37 = arith.constant 1 : i32
    %min3A_38 = arith.constant 24 : i32
    %min3A_39 = arith.minsi %min3A_37, %min3A_38 : i32
    %mul3A_40 = arith.constant 1000 : i32
    %mul3A_41 = arith.muli %min3A_39, %mul3A_40 : i32
    %add3A_42 = arith.addi %add3A, %mul3A_41 : i32
    %multiple_of3A_43 = tpu.assume_multiple %add3A_42, 8 : i32
    %dma_start3A_44 = tpu.memref_slice %arg3[%multiple_of3A_43] : memref<800000xi32, #tpu.memory_space<hbm>> -> memref<1000xi32, #tpu.memory_space<hbm>>
    %dma_start3A_45 = tpu.memref_slice %arg3[%multiple_of3A_43] : memref<800000xi32, #tpu.memory_space<hbm>> -> memref<1000xi32, #tpu.memory_space<hbm>>
    tpu.enqueue_dma source(%dma_start3A_45 : memref<1000xi32, #tpu.memory_space<hbm>>) target(%arg8 : memref<1000xi32, #tpu.memory_space<vmem>>) target_semaphore(%arg14 : memref<!tpu.dma_semaphore, #tpu.memory_space<semaphore_mem>>)
    %dma_start3A_46 = tpu.memref_slice %arg4[%multiple_of3A_43] : memref<800000xi32, #tpu.memory_space<hbm>> -> memref<1000xi32, #tpu.memory_space<hbm>>
    %dma_start3A_47 = tpu.memref_slice %arg4[%multiple_of3A_43] : memref<800000xi32, #tpu.memory_space<hbm>> -> memref<1000xi32, #tpu.memory_space<hbm>>
    tpu.enqueue_dma source(%dma_start3A_47 : memref<1000xi32, #tpu.memory_space<hbm>>) target(%arg9 : memref<1000xi32, #tpu.memory_space<vmem>>) target_semaphore(%arg14 : memref<!tpu.dma_semaphore, #tpu.memory_space<semaphore_mem>>)
    %dma_start3A_48 = arith.constant 0 : i32
    %dma_start3A_49 = arith.constant 0 : i32
    %dma_start3A_50 = tpu.memref_slice %arg2[%select_n3A, %dma_start3A_48, %dma_start3A_49] : memref<2x50048x16xf32, #tpu.memory_space<hbm>> -> memref<1x50048x16xf32, #tpu.memory_space<hbm>>
    %dma_start3A_51 = tpu.memref_squeeze %dma_start3A_50 : memref<1x50048x16xf32, #tpu.memory_space<hbm>> -> memref<50048x16xf32, #tpu.memory_space<hbm>>
    %dma_start3A_52 = arith.constant 0 : i32
    %dma_start3A_53 = arith.constant 0 : i32
    %dma_start3A_54 = tpu.memref_slice %dma_start3A_51[%dma_start3A_52, %dma_start3A_53] : memref<50048x16xf32, #tpu.memory_space<hbm>> -> memref<50048x16xf32, #tpu.memory_space<hbm>>
    tpu.enqueue_indirect_dma source(%dma_start3A_54 : memref<50048x16xf32, #tpu.memory_space<hbm>>) target(%arg10 : memref<1000x16xf32, #tpu.memory_space<vmem>>) offsets(%arg6 : memref<1000xi32, #tpu.memory_space<vmem>>) semaphore(%arg15 : memref<!tpu.dma_semaphore, #tpu.memory_space<semaphore_mem>>)
    %scan3A = arith.constant 0 : i32
    %scan3A_55 = arith.constant 0 : i32
    %scan3A_56 = arith.constant 12 : i32
    %scan3A_57 = arith.addi %scan3A_55, %scan3A_56 : i32
    %scan3A_58 = arith.constant 1 : i32
    %scan3A_59 = scf.for %scan3A_84 = %scan3A_55 to %scan3A_57 step %scan3A_58 iter_args(%scan3A_85 = %scan3A) -> (i32)  : i32 {
      %mul3A_86 = arith.constant 2 : i32
      %mul3A_87 = arith.muli %mul3A_86, %scan3A_84 : i32
      %dma_wait3A_88 = arith.constant 0 : i32
      %dma_wait3A_89 = arith.constant 0 : i32
      %dma_wait3A_90 = tpu.memref_slice %arg2[%select_n3A, %dma_wait3A_88, %dma_wait3A_89] : memref<2x50048x16xf32, #tpu.memory_space<hbm>> -> memref<1x50048x16xf32, #tpu.memory_space<hbm>>
      %dma_wait3A_91 = tpu.memref_squeeze %dma_wait3A_90 : memref<1x50048x16xf32, #tpu.memory_space<hbm>> -> memref<50048x16xf32, #tpu.memory_space<hbm>>
      %dma_wait3A_92 = arith.constant 0 : i32
      %dma_wait3A_93 = arith.constant 0 : i32
      %dma_wait3A_94 = tpu.memref_slice %dma_wait3A_91[%dma_wait3A_92, %dma_wait3A_93] : memref<50048x16xf32, #tpu.memory_space<hbm>> -> memref<50048x16xf32, #tpu.memory_space<hbm>>
      tpu.wait_indirect_dma semaphore(%arg15 : memref<!tpu.dma_semaphore, #tpu.memory_space<semaphore_mem>>) src(%dma_wait3A_94 : memref<50048x16xf32, #tpu.memory_space<hbm>>) dst(%arg10 : memref<1000x16xf32, #tpu.memory_space<vmem>>)
      %dma_start3A_95 = arith.constant 0 : i32
      %dma_start3A_96 = arith.constant 0 : i32
      %dma_start3A_97 = tpu.memref_slice %arg12[%dma_start3A_95, %dma_start3A_96] : memref<50048x16xf32, #tpu.memory_space<vmem_shared>> -> memref<50048x16xf32, #tpu.memory_space<vmem_shared>>
      tpu.enqueue_indirect_dma source(%arg10 : memref<1000x16xf32, #tpu.memory_space<vmem>>) target(%dma_start3A_97 : memref<50048x16xf32, #tpu.memory_space<vmem_shared>>) offsets(%arg7 : memref<1000xi32, #tpu.memory_space<vmem>>) semaphore(%arg17 : memref<!tpu.dma_semaphore, #tpu.memory_space<semaphore_mem>>) {add = true}
      %dma_wait3A_98 = arith.constant 0 : i32
      %dma_wait3A_99 = tpu.memref_slice %arg3[%dma_wait3A_98] : memref<800000xi32, #tpu.memory_space<hbm>> -> memref<1000xi32, #tpu.memory_space<hbm>>
      %dma_wait3A_100 = arith.constant 0 : i32
      %dma_wait3A_101 = tpu.memref_slice %arg3[%dma_wait3A_100] : memref<800000xi32, #tpu.memory_space<hbm>> -> memref<1000xi32, #tpu.memory_space<hbm>>
      tpu.wait_dma2 semaphore(%arg14 : memref<!tpu.dma_semaphore, #tpu.memory_space<semaphore_mem>>) src(%dma_wait3A_101 : memref<1000xi32, #tpu.memory_space<hbm>>) dst(%arg8 : memref<1000xi32, #tpu.memory_space<vmem>>)
      %dma_wait3A_102 = arith.constant 0 : i32
      %dma_wait3A_103 = tpu.memref_slice %arg4[%dma_wait3A_102] : memref<800000xi32, #tpu.memory_space<hbm>> -> memref<1000xi32, #tpu.memory_space<hbm>>
      %dma_wait3A_104 = arith.constant 0 : i32
      %dma_wait3A_105 = tpu.memref_slice %arg4[%dma_wait3A_104] : memref<800000xi32, #tpu.memory_space<hbm>> -> memref<1000xi32, #tpu.memory_space<hbm>>
      tpu.wait_dma2 semaphore(%arg14 : memref<!tpu.dma_semaphore, #tpu.memory_space<semaphore_mem>>) src(%dma_wait3A_105 : memref<1000xi32, #tpu.memory_space<hbm>>) dst(%arg9 : memref<1000xi32, #tpu.memory_space<vmem>>)
      %dma_start3A_106 = arith.constant 0 : i32
      %dma_start3A_107 = arith.constant 0 : i32
      %dma_start3A_108 = tpu.memref_slice %arg2[%select_n3A, %dma_start3A_106, %dma_start3A_107] : memref<2x50048x16xf32, #tpu.memory_space<hbm>> -> memref<1x50048x16xf32, #tpu.memory_space<hbm>>
      %dma_start3A_109 = tpu.memref_squeeze %dma_start3A_108 : memref<1x50048x16xf32, #tpu.memory_space<hbm>> -> memref<50048x16xf32, #tpu.memory_space<hbm>>
      %dma_start3A_110 = arith.constant 0 : i32
      %dma_start3A_111 = arith.constant 0 : i32
      %dma_start3A_112 = tpu.memref_slice %dma_start3A_109[%dma_start3A_110, %dma_start3A_111] : memref<50048x16xf32, #tpu.memory_space<hbm>> -> memref<50048x16xf32, #tpu.memory_space<hbm>>
      tpu.enqueue_indirect_dma source(%dma_start3A_112 : memref<50048x16xf32, #tpu.memory_space<hbm>>) target(%arg11 : memref<1000x16xf32, #tpu.memory_space<vmem>>) offsets(%arg8 : memref<1000xi32, #tpu.memory_space<vmem>>) semaphore(%arg16 : memref<!tpu.dma_semaphore, #tpu.memory_space<semaphore_mem>>)
      %dma_wait3A_113 = arith.constant 0 : i32
      %dma_wait3A_114 = arith.constant 0 : i32
      %dma_wait3A_115 = tpu.memref_slice %arg12[%dma_wait3A_113, %dma_wait3A_114] : memref<50048x16xf32, #tpu.memory_space<vmem_shared>> -> memref<50048x16xf32, #tpu.memory_space<vmem_shared>>
      tpu.wait_indirect_dma semaphore(%arg17 : memref<!tpu.dma_semaphore, #tpu.memory_space<semaphore_mem>>) src(%arg10 : memref<1000x16xf32, #tpu.memory_space<vmem>>) dst(%dma_wait3A_115 : memref<50048x16xf32, #tpu.memory_space<vmem_shared>>)
      %add3A_116 = arith.constant 2 : i32
      %add3A_117 = arith.addi %mul3A_87, %add3A_116 : i32
      %min3A_118 = arith.constant 24 : i32
      %min3A_119 = arith.minsi %add3A_117, %min3A_118 : i32
      %mul3A_120 = arith.constant 1000 : i32
      %mul3A_121 = arith.muli %min3A_119, %mul3A_120 : i32
      %add3A_122 = arith.addi %add3A, %mul3A_121 : i32
      %multiple_of3A_123 = tpu.assume_multiple %add3A_122, 8 : i32
      %dma_start3A_124 = tpu.memref_slice %arg3[%multiple_of3A_123] : memref<800000xi32, #tpu.memory_space<hbm>> -> memref<1000xi32, #tpu.memory_space<hbm>>
      %dma_start3A_125 = tpu.memref_slice %arg3[%multiple_of3A_123] : memref<800000xi32, #tpu.memory_space<hbm>> -> memref<1000xi32, #tpu.memory_space<hbm>>
      tpu.enqueue_dma source(%dma_start3A_125 : memref<1000xi32, #tpu.memory_space<hbm>>) target(%arg6 : memref<1000xi32, #tpu.memory_space<vmem>>) target_semaphore(%arg13 : memref<!tpu.dma_semaphore, #tpu.memory_space<semaphore_mem>>)
      %dma_start3A_126 = tpu.memref_slice %arg4[%multiple_of3A_123] : memref<800000xi32, #tpu.memory_space<hbm>> -> memref<1000xi32, #tpu.memory_space<hbm>>
      %dma_start3A_127 = tpu.memref_slice %arg4[%multiple_of3A_123] : memref<800000xi32, #tpu.memory_space<hbm>> -> memref<1000xi32, #tpu.memory_space<hbm>>
      tpu.enqueue_dma source(%dma_start3A_127 : memref<1000xi32, #tpu.memory_space<hbm>>) target(%arg7 : memref<1000xi32, #tpu.memory_space<vmem>>) target_semaphore(%arg13 : memref<!tpu.dma_semaphore, #tpu.memory_space<semaphore_mem>>)
      %dma_wait3A_128 = arith.constant 0 : i32
      %dma_wait3A_129 = arith.constant 0 : i32
      %dma_wait3A_130 = tpu.memref_slice %arg2[%select_n3A, %dma_wait3A_128, %dma_wait3A_129] : memref<2x50048x16xf32, #tpu.memory_space<hbm>> -> memref<1x50048x16xf32, #tpu.memory_space<hbm>>
      %dma_wait3A_131 = tpu.memref_squeeze %dma_wait3A_130 : memref<1x50048x16xf32, #tpu.memory_space<hbm>> -> memref<50048x16xf32, #tpu.memory_space<hbm>>
      %dma_wait3A_132 = arith.constant 0 : i32
      %dma_wait3A_133 = arith.constant 0 : i32
      %dma_wait3A_134 = tpu.memref_slice %dma_wait3A_131[%dma_wait3A_132, %dma_wait3A_133] : memref<50048x16xf32, #tpu.memory_space<hbm>> -> memref<50048x16xf32, #tpu.memory_space<hbm>>
      tpu.wait_indirect_dma semaphore(%arg16 : memref<!tpu.dma_semaphore, #tpu.memory_space<semaphore_mem>>) src(%dma_wait3A_134 : memref<50048x16xf32, #tpu.memory_space<hbm>>) dst(%arg11 : memref<1000x16xf32, #tpu.memory_space<vmem>>)
      %dma_start3A_135 = arith.constant 0 : i32
      %dma_start3A_136 = arith.constant 0 : i32
      %dma_start3A_137 = tpu.memref_slice %arg12[%dma_start3A_135, %dma_start3A_136] : memref<50048x16xf32, #tpu.memory_space<vmem_shared>> -> memref<50048x16xf32, #tpu.memory_space<vmem_shared>>
      tpu.enqueue_indirect_dma source(%arg11 : memref<1000x16xf32, #tpu.memory_space<vmem>>) target(%dma_start3A_137 : memref<50048x16xf32, #tpu.memory_space<vmem_shared>>) offsets(%arg9 : memref<1000xi32, #tpu.memory_space<vmem>>) semaphore(%arg18 : memref<!tpu.dma_semaphore, #tpu.memory_space<semaphore_mem>>) {add = true}
      %dma_wait3A_138 = arith.constant 0 : i32
      %dma_wait3A_139 = tpu.memref_slice %arg3[%dma_wait3A_138] : memref<800000xi32, #tpu.memory_space<hbm>> -> memref<1000xi32, #tpu.memory_space<hbm>>
      %dma_wait3A_140 = arith.constant 0 : i32
      %dma_wait3A_141 = tpu.memref_slice %arg3[%dma_wait3A_140] : memref<800000xi32, #tpu.memory_space<hbm>> -> memref<1000xi32, #tpu.memory_space<hbm>>
      tpu.wait_dma2 semaphore(%arg13 : memref<!tpu.dma_semaphore, #tpu.memory_space<semaphore_mem>>) src(%dma_wait3A_141 : memref<1000xi32, #tpu.memory_space<hbm>>) dst(%arg6 : memref<1000xi32, #tpu.memory_space<vmem>>)
      %dma_wait3A_142 = arith.constant 0 : i32
      %dma_wait3A_143 = tpu.memref_slice %arg4[%dma_wait3A_142] : memref<800000xi32, #tpu.memory_space<hbm>> -> memref<1000xi32, #tpu.memory_space<hbm>>
      %dma_wait3A_144 = arith.constant 0 : i32
      %dma_wait3A_145 = tpu.memref_slice %arg4[%dma_wait3A_144] : memref<800000xi32, #tpu.memory_space<hbm>> -> memref<1000xi32, #tpu.memory_space<hbm>>
      tpu.wait_dma2 semaphore(%arg13 : memref<!tpu.dma_semaphore, #tpu.memory_space<semaphore_mem>>) src(%dma_wait3A_145 : memref<1000xi32, #tpu.memory_space<hbm>>) dst(%arg7 : memref<1000xi32, #tpu.memory_space<vmem>>)
      %dma_start3A_146 = arith.constant 0 : i32
      %dma_start3A_147 = arith.constant 0 : i32
      %dma_start3A_148 = tpu.memref_slice %arg2[%select_n3A, %dma_start3A_146, %dma_start3A_147] : memref<2x50048x16xf32, #tpu.memory_space<hbm>> -> memref<1x50048x16xf32, #tpu.memory_space<hbm>>
      %dma_start3A_149 = tpu.memref_squeeze %dma_start3A_148 : memref<1x50048x16xf32, #tpu.memory_space<hbm>> -> memref<50048x16xf32, #tpu.memory_space<hbm>>
      %dma_start3A_150 = arith.constant 0 : i32
      %dma_start3A_151 = arith.constant 0 : i32
      %dma_start3A_152 = tpu.memref_slice %dma_start3A_149[%dma_start3A_150, %dma_start3A_151] : memref<50048x16xf32, #tpu.memory_space<hbm>> -> memref<50048x16xf32, #tpu.memory_space<hbm>>
      tpu.enqueue_indirect_dma source(%dma_start3A_152 : memref<50048x16xf32, #tpu.memory_space<hbm>>) target(%arg10 : memref<1000x16xf32, #tpu.memory_space<vmem>>) offsets(%arg6 : memref<1000xi32, #tpu.memory_space<vmem>>) semaphore(%arg15 : memref<!tpu.dma_semaphore, #tpu.memory_space<semaphore_mem>>)
      %dma_wait3A_153 = arith.constant 0 : i32
      %dma_wait3A_154 = arith.constant 0 : i32
      %dma_wait3A_155 = tpu.memref_slice %arg12[%dma_wait3A_153, %dma_wait3A_154] : memref<50048x16xf32, #tpu.memory_space<vmem_shared>> -> memref<50048x16xf32, #tpu.memory_space<vmem_shared>>
      tpu.wait_indirect_dma semaphore(%arg18 : memref<!tpu.dma_semaphore, #tpu.memory_space<semaphore_mem>>) src(%arg11 : memref<1000x16xf32, #tpu.memory_space<vmem>>) dst(%dma_wait3A_155 : memref<50048x16xf32, #tpu.memory_space<vmem_shared>>)
      %add3A_156 = arith.constant 3 : i32
      %add3A_157 = arith.addi %mul3A_87, %add3A_156 : i32
      %min3A_158 = arith.constant 24 : i32
      %min3A_159 = arith.minsi %add3A_157, %min3A_158 : i32
      %mul3A_160 = arith.constant 1000 : i32
      %mul3A_161 = arith.muli %min3A_159, %mul3A_160 : i32
      %add3A_162 = arith.addi %add3A, %mul3A_161 : i32
      %multiple_of3A_163 = tpu.assume_multiple %add3A_162, 8 : i32
      %dma_start3A_164 = tpu.memref_slice %arg3[%multiple_of3A_163] : memref<800000xi32, #tpu.memory_space<hbm>> -> memref<1000xi32, #tpu.memory_space<hbm>>
      %dma_start3A_165 = tpu.memref_slice %arg3[%multiple_of3A_163] : memref<800000xi32, #tpu.memory_space<hbm>> -> memref<1000xi32, #tpu.memory_space<hbm>>
      tpu.enqueue_dma source(%dma_start3A_165 : memref<1000xi32, #tpu.memory_space<hbm>>) target(%arg8 : memref<1000xi32, #tpu.memory_space<vmem>>) target_semaphore(%arg14 : memref<!tpu.dma_semaphore, #tpu.memory_space<semaphore_mem>>)
      %dma_start3A_166 = tpu.memref_slice %arg4[%multiple_of3A_163] : memref<800000xi32, #tpu.memory_space<hbm>> -> memref<1000xi32, #tpu.memory_space<hbm>>
      %dma_start3A_167 = tpu.memref_slice %arg4[%multiple_of3A_163] : memref<800000xi32, #tpu.memory_space<hbm>> -> memref<1000xi32, #tpu.memory_space<hbm>>
      tpu.enqueue_dma source(%dma_start3A_167 : memref<1000xi32, #tpu.memory_space<hbm>>) target(%arg9 : memref<1000xi32, #tpu.memory_space<vmem>>) target_semaphore(%arg14 : memref<!tpu.dma_semaphore, #tpu.memory_space<semaphore_mem>>)
      %scan3A_168 = arith.constant 0 : i32
      scf.yield %scan3A_168 : i32
    }
    %scan3A_60 = arith.constant 12 : i32
    %dma_wait3A_61 = arith.constant 0 : i32
    %dma_wait3A_62 = arith.constant 0 : i32
    %dma_wait3A_63 = tpu.memref_slice %arg2[%select_n3A, %dma_wait3A_61, %dma_wait3A_62] : memref<2x50048x16xf32, #tpu.memory_space<hbm>> -> memref<1x50048x16xf32, #tpu.memory_space<hbm>>
    %dma_wait3A_64 = tpu.memref_squeeze %dma_wait3A_63 : memref<1x50048x16xf32, #tpu.memory_space<hbm>> -> memref<50048x16xf32, #tpu.memory_space<hbm>>
    %dma_wait3A_65 = arith.constant 0 : i32
    %dma_wait3A_66 = arith.constant 0 : i32
    %dma_wait3A_67 = tpu.memref_slice %dma_wait3A_64[%dma_wait3A_65, %dma_wait3A_66] : memref<50048x16xf32, #tpu.memory_space<hbm>> -> memref<50048x16xf32, #tpu.memory_space<hbm>>
    tpu.wait_indirect_dma semaphore(%arg15 : memref<!tpu.dma_semaphore, #tpu.memory_space<semaphore_mem>>) src(%dma_wait3A_67 : memref<50048x16xf32, #tpu.memory_space<hbm>>) dst(%arg10 : memref<1000x16xf32, #tpu.memory_space<vmem>>)
    %dma_start3A_68 = arith.constant 0 : i32
    %dma_start3A_69 = arith.constant 0 : i32
    %dma_start3A_70 = tpu.memref_slice %arg12[%dma_start3A_68, %dma_start3A_69] : memref<50048x16xf32, #tpu.memory_space<vmem_shared>> -> memref<50048x16xf32, #tpu.memory_space<vmem_shared>>
    tpu.enqueue_indirect_dma source(%arg10 : memref<1000x16xf32, #tpu.memory_space<vmem>>) target(%dma_start3A_70 : memref<50048x16xf32, #tpu.memory_space<vmem_shared>>) offsets(%arg7 : memref<1000xi32, #tpu.memory_space<vmem>>) semaphore(%arg17 : memref<!tpu.dma_semaphore, #tpu.memory_space<semaphore_mem>>) {add = true}
    %dma_wait3A_71 = arith.constant 0 : i32
    %dma_wait3A_72 = arith.constant 0 : i32
    %dma_wait3A_73 = tpu.memref_slice %arg12[%dma_wait3A_71, %dma_wait3A_72] : memref<50048x16xf32, #tpu.memory_space<vmem_shared>> -> memref<50048x16xf32, #tpu.memory_space<vmem_shared>>
    tpu.wait_indirect_dma semaphore(%arg17 : memref<!tpu.dma_semaphore, #tpu.memory_space<semaphore_mem>>) src(%arg10 : memref<1000x16xf32, #tpu.memory_space<vmem>>) dst(%dma_wait3A_73 : memref<50048x16xf32, #tpu.memory_space<vmem_shared>>)
    %dma_wait3A_74 = arith.constant 0 : i32
    %dma_wait3A_75 = tpu.memref_slice %arg3[%dma_wait3A_74] : memref<800000xi32, #tpu.memory_space<hbm>> -> memref<1000xi32, #tpu.memory_space<hbm>>
    %dma_wait3A_76 = arith.constant 0 : i32
    %dma_wait3A_77 = tpu.memref_slice %arg3[%dma_wait3A_76] : memref<800000xi32, #tpu.memory_space<hbm>> -> memref<1000xi32, #tpu.memory_space<hbm>>
    tpu.wait_dma2 semaphore(%arg14 : memref<!tpu.dma_semaphore, #tpu.memory_space<semaphore_mem>>) src(%dma_wait3A_77 : memref<1000xi32, #tpu.memory_space<hbm>>) dst(%arg8 : memref<1000xi32, #tpu.memory_space<vmem>>)
    %dma_wait3A_78 = arith.constant 0 : i32
    %dma_wait3A_79 = tpu.memref_slice %arg4[%dma_wait3A_78] : memref<800000xi32, #tpu.memory_space<hbm>> -> memref<1000xi32, #tpu.memory_space<hbm>>
    %dma_wait3A_80 = arith.constant 0 : i32
    %dma_wait3A_81 = tpu.memref_slice %arg4[%dma_wait3A_80] : memref<800000xi32, #tpu.memory_space<hbm>> -> memref<1000xi32, #tpu.memory_space<hbm>>
    tpu.wait_dma2 semaphore(%arg14 : memref<!tpu.dma_semaphore, #tpu.memory_space<semaphore_mem>>) src(%dma_wait3A_81 : memref<1000xi32, #tpu.memory_space<hbm>>) dst(%arg9 : memref<1000xi32, #tpu.memory_space<vmem>>)
    %barrier3A_82 = arith.constant 0 : index
    tpu.barrier barrier_id(%barrier3A_82)
    %add3A_83 = arith.addi %multiple_of3A, %mul3A_0 : i32
    "tpu.region"() ({
      %run_scoped3A = tpu.sem_alloc : memref<!tpu.dma_semaphore, #tpu.memory_space<semaphore_mem>>
      %dma_start3A_84 = arith.constant 0 : i32
      %dma_start3A_85 = tpu.memref_slice %arg5[%add3A_83, %dma_start3A_84] : memref<104000x16xf32, #tpu.memory_space<hbm>> -> memref<3128x16xf32, #tpu.memory_space<hbm>>
      %dma_start3A_86 = arith.constant 0 : i32
      %dma_start3A_87 = tpu.memref_slice %arg12[%mul3A_0, %dma_start3A_86] : memref<50048x16xf32, #tpu.memory_space<vmem_shared>> -> memref<3128x16xf32, #tpu.memory_space<vmem_shared>>
      tpu.enqueue_dma source(%dma_start3A_87 : memref<3128x16xf32, #tpu.memory_space<vmem_shared>>) target(%dma_start3A_85 : memref<3128x16xf32, #tpu.memory_space<hbm>>) target_semaphore(%run_scoped3A : memref<!tpu.dma_semaphore, #tpu.memory_space<semaphore_mem>>)
      %dma_wait3A_88 = arith.constant 0 : i32
      %dma_wait3A_89 = tpu.memref_slice %arg5[%add3A_83, %dma_wait3A_88] : memref<104000x16xf32, #tpu.memory_space<hbm>> -> memref<3128x16xf32, #tpu.memory_space<hbm>>
      %dma_wait3A_90 = arith.constant 0 : i32
      %dma_wait3A_91 = tpu.memref_slice %arg12[%mul3A_0, %dma_wait3A_90] : memref<50048x16xf32, #tpu.memory_space<vmem_shared>> -> memref<3128x16xf32, #tpu.memory_space<vmem_shared>>
      tpu.wait_dma2 semaphore(%run_scoped3A : memref<!tpu.dma_semaphore, #tpu.memory_space<semaphore_mem>>) src(%dma_wait3A_91 : memref<3128x16xf32, #tpu.memory_space<vmem_shared>>) dst(%dma_wait3A_89 : memref<3128x16xf32, #tpu.memory_space<hbm>>)
      tpu.yield
    }) : () -> ()
    return
  }
}

module attributes {stable_mosaic.version = 14 : i64} {
  func.func @body(%arg0: i32, %arg1: memref<2000x16xf32, #tpu.memory_space<vmem>>, %arg2: memref<2000x16xf32, #tpu.memory_space<vmem>>, %arg3: memref<2000x58xf32, #tpu.memory_space<vmem>>, %arg4: memref<2000x1xf32, #tpu.memory_space<vmem>>, %arg5: memref<2x2000x32xf32, #tpu.memory_space<vmem>>) attributes {dimension_semantics = [#tpu.dimension_semantics<arbitrary>], iteration_bounds = array<i64: 25>, scalar_prefetch = 0 : i64, scratch_operands = 0 : i64, tpu.core_type = #tpu.core_type<tc>, window_params = [{transform_indices = @transform_0, window_bounds = array<i64: 2000, 16>}, {transform_indices = @transform_1, window_bounds = array<i64: 2000, 16>}, {transform_indices = @transform_2, window_bounds = array<i64: 2000, 58>}, {transform_indices = @transform_3, window_bounds = array<i64: 2000, 1>}, {transform_indices = @transform_4, window_bounds = array<i64: 2, 2000, 32>}]} {
    %get3A = arith.constant 0 : index
    %get3A_0 = arith.constant 0 : index
    %get3A_1 = vector.load %arg1[%get3A, %get3A_0] : memref<2000x16xf32, #tpu.memory_space<vmem>>, vector<2000x1xf32>
    %get3A_2 = arith.constant 0 : index
    %get3A_3 = arith.constant 0 : index
    %get3A_4 = vector.load %arg2[%get3A_2, %get3A_3] : memref<2000x16xf32, #tpu.memory_space<vmem>>, vector<2000x1xf32>
    %add3A = arith.addf %get3A_1, %get3A_4 : vector<2000x1xf32>
    %add3A_5 = arith.constant 1.000000e+00 : f32
    %add3A_6 = vector.broadcast %add3A_5 : f32 to vector<2000x1xf32>
    %add3A_7 = arith.addf %add3A, %add3A_6 : vector<2000x1xf32>
    %rsqrt3A = math.rsqrt %add3A_7 : vector<2000x1xf32>
    %swap3A = arith.constant 0 : index
    %swap3A_8 = arith.constant 0 : index
    %swap3A_9 = vector.load %arg4[%swap3A, %swap3A_8] : memref<2000x1xf32, #tpu.memory_space<vmem>>, vector<2000x1xf32>
    tpu.vector_store %arg4[%swap3A, %swap3A_8], %rsqrt3A {strides = array<i32>} : memref<2000x1xf32, #tpu.memory_space<vmem>>, vector<2000x1xf32>,
    %get3A_10 = arith.constant 0 : index
    %get3A_11 = arith.constant 0 : index
    %get3A_12 = vector.load %arg3[%get3A_10, %get3A_11] : memref<2000x58xf32, #tpu.memory_space<vmem>>, vector<2000x58xf32>
    %mul3A = vector.broadcast %rsqrt3A : vector<2000x1xf32> to vector<2000x58xf32>
    %mul3A_13 = arith.mulf %get3A_12, %mul3A : vector<2000x58xf32>
    %slice3A = vector.extract_strided_slice %mul3A_13 {offsets = [0, 0], sizes = [2000, 32], strides = [1, 1]} : vector<2000x58xf32> to vector<2000x32xf32>
    %slice3A_14 = vector.extract_strided_slice %mul3A_13 {offsets = [0, 32], sizes = [2000, 26], strides = [1, 1]} : vector<2000x58xf32> to vector<2000x26xf32>
    %broadcast_in_dim3A = arith.constant 0.000000e+00 : f32
    %broadcast_in_dim3A_15 = vector.broadcast %broadcast_in_dim3A : f32 to vector<2000x6xf32>
    %concatenate3A = tpu.concatenate %slice3A_14, %broadcast_in_dim3A_15 in 1 : vector<2000x26xf32>, vector<2000x6xf32> -> vector<2000x32xf32>
    %stack3A = vector.shape_cast %slice3A : vector<2000x32xf32> to vector<1x2000x32xf32>
    %stack3A_16 = vector.shape_cast %concatenate3A : vector<2000x32xf32> to vector<1x2000x32xf32>
    %stack3A_17 = tpu.concatenate %stack3A, %stack3A_16 in 0 : vector<1x2000x32xf32>, vector<1x2000x32xf32> -> vector<2x2000x32xf32>
    %swap3A_18 = arith.constant 0 : index
    %swap3A_19 = arith.constant 0 : index
    %swap3A_20 = arith.constant 0 : index
    %swap3A_21 = vector.load %arg5[%swap3A_18, %swap3A_19, %swap3A_20] : memref<2x2000x32xf32, #tpu.memory_space<vmem>>, vector<2x2000x32xf32>
    tpu.vector_store %arg5[%swap3A_18, %swap3A_19, %swap3A_20], %stack3A_17 {strides = array<i32>} : memref<2x2000x32xf32, #tpu.memory_space<vmem>>, vector<2x2000x32xf32>,
    return
  }
  func.func @transform_0(%arg0: i32) -> (i32, i32) {
    %c0_i32 = arith.constant 0 : i32
    %c0_i32_0 = arith.constant 0 : i32
    return %arg0, %c0_i32 : i32, i32
  }
  func.func @transform_1(%arg0: i32) -> (i32, i32) {
    %add3A = arith.constant 26 : i32
    %add3A_0 = arith.addi %add3A, %arg0 : i32
    %c0_i32 = arith.constant 0 : i32
    %c0_i32_1 = arith.constant 0 : i32
    return %add3A_0, %c0_i32 : i32, i32
  }
  func.func @transform_2(%arg0: i32) -> (i32, i32) {
    %c0_i32 = arith.constant 0 : i32
    %c0_i32_0 = arith.constant 0 : i32
    return %arg0, %c0_i32 : i32, i32
  }
  func.func @transform_3(%arg0: i32) -> (i32, i32) {
    %c0_i32 = arith.constant 0 : i32
    %c0_i32_0 = arith.constant 0 : i32
    return %arg0, %c0_i32 : i32, i32
  }
  func.func @transform_4(%arg0: i32) -> (i32, i32, i32) {
    %c0_i32 = arith.constant 0 : i32
    %c0_i32_0 = arith.constant 0 : i32
    %c0_i32_1 = arith.constant 0 : i32
    return %c0_i32, %arg0, %c0_i32_0 : i32, i32, i32
  }
}

module attributes {stable_mosaic.version = 14 : i64} {
  func.func @body(%arg0: i32, %arg1: memref<2000x32xf32, #tpu.memory_space<vmem>>, %arg2: memref<2000x32xf32, #tpu.memory_space<vmem>>, %arg3: memref<2000x1xf32, #tpu.memory_space<vmem>>, %arg4: memref<64x384xf32, #tpu.memory_space<vmem>>, %arg5: memref<1x384xf32, #tpu.memory_space<vmem>>, %arg6: memref<384x128xf32, #tpu.memory_space<vmem>>, %arg7: memref<4x2000x32xf32, #tpu.memory_space<vmem>>) attributes {dimension_semantics = [#tpu.dimension_semantics<arbitrary>], iteration_bounds = array<i64: 25>, scalar_prefetch = 0 : i64, scratch_operands = 0 : i64, tpu.core_type = #tpu.core_type<tc>, window_params = [{transform_indices = @transform_0, window_bounds = array<i64: 2000, 32>}, {transform_indices = @transform_1, window_bounds = array<i64: 2000, 32>}, {transform_indices = @transform_2, window_bounds = array<i64: 2000, 1>}, {pipeline_mode = #tpu.pipeline_mode<synchronous>, transform_indices = @transform_3, window_bounds = array<i64: 64, 384>}, {pipeline_mode = #tpu.pipeline_mode<synchronous>, transform_indices = @transform_4, window_bounds = array<i64: 1, 384>}, {pipeline_mode = #tpu.pipeline_mode<synchronous>, transform_indices = @transform_5, window_bounds = array<i64: 384, 128>}, {transform_indices = @transform_6, window_bounds = array<i64: 4, 2000, 32>}]} {
    %get3A = arith.constant 0 : index
    %get3A_0 = arith.constant 0 : index
    %get3A_1 = vector.load %arg3[%get3A, %get3A_0] : memref<2000x1xf32, #tpu.memory_space<vmem>>, vector<2000x1xf32>
    %get3A_2 = arith.constant 0 : index
    %get3A_3 = arith.constant 0 : index
    %get3A_4 = vector.load %arg1[%get3A_2, %get3A_3] : memref<2000x32xf32, #tpu.memory_space<vmem>>, vector<2000x32xf32>
    %get3A_5 = arith.constant 0 : index
    %get3A_6 = arith.constant 0 : index
    %get3A_7 = vector.load %arg2[%get3A_5, %get3A_6] : memref<2000x32xf32, #tpu.memory_space<vmem>>, vector<2000x32xf32>
    %concatenate3A = tpu.concatenate %get3A_4, %get3A_7 in 1 : vector<2000x32xf32>, vector<2000x32xf32> -> vector<2000x64xf32>
    %mul3A = vector.broadcast %get3A_1 : vector<2000x1xf32> to vector<2000x64xf32>
    %mul3A_8 = arith.mulf %concatenate3A, %mul3A : vector<2000x64xf32>
    %get3A_9 = arith.constant 0 : index
    %get3A_10 = arith.constant 0 : index
    %get3A_11 = vector.load %arg4[%get3A_9, %get3A_10] : memref<64x384xf32, #tpu.memory_space<vmem>>, vector<64x384xf32>
    %dot_general3A = arith.constant dense<0.000000e+00> : vector<2000x384xf32>
    %dot_general3A_12 = tpu.matmul %mul3A_8, %get3A_11, %dot_general3A {dimension_numbers = #tpu.dot_dimension_numbers<[1], [0], [0], [1], [0, 0, 1, 1], [], []>, transpose_lhs_hint = false} : vector<2000x64xf32>, vector<64x384xf32>, vector<2000x384xf32> -> vector<2000x384xf32>
    %get3A_13 = arith.constant 0 : index
    %get3A_14 = arith.constant 0 : index
    %get3A_15 = vector.load %arg5[%get3A_13, %get3A_14] : memref<1x384xf32, #tpu.memory_space<vmem>>, vector<1x384xf32>
    %add3A = vector.broadcast %get3A_15 : vector<1x384xf32> to vector<2000x384xf32>
    %add3A_16 = arith.addf %dot_general3A_12, %add3A : vector<2000x384xf32>
    %max3A = arith.constant 0.000000e+00 : f32
    %max3A_17 = vector.broadcast %max3A : f32 to vector<2000x384xf32>
    %max3A_18 = arith.maximumf %add3A_16, %max3A_17 : vector<2000x384xf32>
    %get3A_19 = arith.constant 0 : index
    %get3A_20 = arith.constant 0 : index
    %get3A_21 = vector.load %arg6[%get3A_19, %get3A_20] : memref<384x128xf32, #tpu.memory_space<vmem>>, vector<384x128xf32>
    %dot_general3A_22 = arith.constant dense<0.000000e+00> : vector<2000x128xf32>
    %dot_general3A_23 = tpu.matmul %max3A_18, %get3A_21, %dot_general3A_22 {dimension_numbers = #tpu.dot_dimension_numbers<[1], [0], [0], [1], [0, 0, 1, 1], [], []>, transpose_lhs_hint = false} : vector<2000x384xf32>, vector<384x128xf32>, vector<2000x128xf32> -> vector<2000x128xf32>
    %mul3A_24 = vector.broadcast %get3A_1 : vector<2000x1xf32> to vector<2000x128xf32>
    %mul3A_25 = arith.mulf %dot_general3A_23, %mul3A_24 : vector<2000x128xf32>
    %slice3A = vector.extract_strided_slice %mul3A_25 {offsets = [0, 0], sizes = [2000, 32], strides = [1, 1]} : vector<2000x128xf32> to vector<2000x32xf32>
    %slice3A_26 = vector.extract_strided_slice %mul3A_25 {offsets = [0, 32], sizes = [2000, 32], strides = [1, 1]} : vector<2000x128xf32> to vector<2000x32xf32>
    %slice3A_27 = vector.extract_strided_slice %mul3A_25 {offsets = [0, 64], sizes = [2000, 32], strides = [1, 1]} : vector<2000x128xf32> to vector<2000x32xf32>
    %slice3A_28 = vector.extract_strided_slice %mul3A_25 {offsets = [0, 96], sizes = [2000, 32], strides = [1, 1]} : vector<2000x128xf32> to vector<2000x32xf32>
    %stack3A = vector.shape_cast %slice3A : vector<2000x32xf32> to vector<1x2000x32xf32>
    %stack3A_29 = vector.shape_cast %slice3A_26 : vector<2000x32xf32> to vector<1x2000x32xf32>
    %stack3A_30 = vector.shape_cast %slice3A_27 : vector<2000x32xf32> to vector<1x2000x32xf32>
    %stack3A_31 = vector.shape_cast %slice3A_28 : vector<2000x32xf32> to vector<1x2000x32xf32>
    %stack3A_32 = tpu.concatenate %stack3A, %stack3A_29, %stack3A_30, %stack3A_31 in 0 : vector<1x2000x32xf32>, vector<1x2000x32xf32>, vector<1x2000x32xf32>, vector<1x2000x32xf32> -> vector<4x2000x32xf32>
    %swap3A = arith.constant 0 : index
    %swap3A_33 = arith.constant 0 : index
    %swap3A_34 = arith.constant 0 : index
    %swap3A_35 = vector.load %arg7[%swap3A, %swap3A_33, %swap3A_34] : memref<4x2000x32xf32, #tpu.memory_space<vmem>>, vector<4x2000x32xf32>
    tpu.vector_store %arg7[%swap3A, %swap3A_33, %swap3A_34], %stack3A_32 {strides = array<i32>} : memref<4x2000x32xf32, #tpu.memory_space<vmem>>, vector<4x2000x32xf32>,
    return
  }
  func.func @transform_0(%arg0: i32) -> (i32, i32) {
    %c0_i32 = arith.constant 0 : i32
    %c0_i32_0 = arith.constant 0 : i32
    return %arg0, %c0_i32 : i32, i32
  }
  func.func @transform_1(%arg0: i32) -> (i32, i32) {
    %add3A = arith.constant 26 : i32
    %add3A_0 = arith.addi %add3A, %arg0 : i32
    %c0_i32 = arith.constant 0 : i32
    %c0_i32_1 = arith.constant 0 : i32
    return %add3A_0, %c0_i32 : i32, i32
  }
  func.func @transform_2(%arg0: i32) -> (i32, i32) {
    %c0_i32 = arith.constant 0 : i32
    %c0_i32_0 = arith.constant 0 : i32
    return %arg0, %c0_i32 : i32, i32
  }
  func.func @transform_3(%arg0: i32) -> (i32, i32) {
    %c0_i32 = arith.constant 0 : i32
    %c0_i32_0 = arith.constant 0 : i32
    %c0_i32_1 = arith.constant 0 : i32
    return %c0_i32, %c0_i32_0 : i32, i32
  }
  func.func @transform_4(%arg0: i32) -> (i32, i32) {
    %c0_i32 = arith.constant 0 : i32
    %c0_i32_0 = arith.constant 0 : i32
    %c0_i32_1 = arith.constant 0 : i32
    return %c0_i32, %c0_i32_0 : i32, i32
  }
  func.func @transform_5(%arg0: i32) -> (i32, i32) {
    %c0_i32 = arith.constant 0 : i32
    %c0_i32_0 = arith.constant 0 : i32
    %c0_i32_1 = arith.constant 0 : i32
    return %c0_i32, %c0_i32_0 : i32, i32
  }
  func.func @transform_6(%arg0: i32) -> (i32, i32, i32) {
    %c0_i32 = arith.constant 0 : i32
    %c0_i32_0 = arith.constant 0 : i32
    %c0_i32_1 = arith.constant 0 : i32
    return %c0_i32, %arg0, %c0_i32_0 : i32, i32, i32
  }
}

module attributes {stable_mosaic.version = 14 : i64} {
  func.func @body(%arg0: i32, %arg1: memref<2000x32xf32, #tpu.memory_space<vmem>>, %arg2: memref<2000x32xf32, #tpu.memory_space<vmem>>, %arg3: memref<2000x32xf32, #tpu.memory_space<vmem>>, %arg4: memref<2000x32xf32, #tpu.memory_space<vmem>>, %arg5: memref<2000x1xf32, #tpu.memory_space<vmem>>, %arg6: memref<1x128xf32, #tpu.memory_space<vmem>>, %arg7: memref<128x16xf32, #tpu.memory_space<vmem>>, %arg8: memref<2x2000x16xf32, #tpu.memory_space<vmem>>) attributes {dimension_semantics = [#tpu.dimension_semantics<arbitrary>], iteration_bounds = array<i64: 25>, scalar_prefetch = 0 : i64, scratch_operands = 0 : i64, tpu.core_type = #tpu.core_type<tc>, window_params = [{transform_indices = @transform_0, window_bounds = array<i64: 2000, 32>}, {transform_indices = @transform_1, window_bounds = array<i64: 2000, 32>}, {transform_indices = @transform_2, window_bounds = array<i64: 2000, 32>}, {transform_indices = @transform_3, window_bounds = array<i64: 2000, 32>}, {transform_indices = @transform_4, window_bounds = array<i64: 2000, 1>}, {pipeline_mode = #tpu.pipeline_mode<synchronous>, transform_indices = @transform_5, window_bounds = array<i64: 1, 128>}, {pipeline_mode = #tpu.pipeline_mode<synchronous>, transform_indices = @transform_6, window_bounds = array<i64: 128, 16>}, {transform_indices = @transform_7, window_bounds = array<i64: 2, 2000, 16>}]} {
    %get3A = arith.constant 0 : index
    %get3A_0 = arith.constant 0 : index
    %get3A_1 = vector.load %arg5[%get3A, %get3A_0] : memref<2000x1xf32, #tpu.memory_space<vmem>>, vector<2000x1xf32>
    %get3A_2 = arith.constant 0 : index
    %get3A_3 = arith.constant 0 : index
    %get3A_4 = vector.load %arg1[%get3A_2, %get3A_3] : memref<2000x32xf32, #tpu.memory_space<vmem>>, vector<2000x32xf32>
    %get3A_5 = arith.constant 0 : index
    %get3A_6 = arith.constant 0 : index
    %get3A_7 = vector.load %arg2[%get3A_5, %get3A_6] : memref<2000x32xf32, #tpu.memory_space<vmem>>, vector<2000x32xf32>
    %get3A_8 = arith.constant 0 : index
    %get3A_9 = arith.constant 0 : index
    %get3A_10 = vector.load %arg3[%get3A_8, %get3A_9] : memref<2000x32xf32, #tpu.memory_space<vmem>>, vector<2000x32xf32>
    %get3A_11 = arith.constant 0 : index
    %get3A_12 = arith.constant 0 : index
    %get3A_13 = vector.load %arg4[%get3A_11, %get3A_12] : memref<2000x32xf32, #tpu.memory_space<vmem>>, vector<2000x32xf32>
    %concatenate3A = tpu.concatenate %get3A_4, %get3A_7, %get3A_10, %get3A_13 in 1 : vector<2000x32xf32>, vector<2000x32xf32>, vector<2000x32xf32>, vector<2000x32xf32> -> vector<2000x128xf32>
    %mul3A = vector.broadcast %get3A_1 : vector<2000x1xf32> to vector<2000x128xf32>
    %mul3A_14 = arith.mulf %concatenate3A, %mul3A : vector<2000x128xf32>
    %get3A_15 = arith.constant 0 : index
    %get3A_16 = arith.constant 0 : index
    %get3A_17 = vector.load %arg6[%get3A_15, %get3A_16] : memref<1x128xf32, #tpu.memory_space<vmem>>, vector<1x128xf32>
    %add3A = vector.broadcast %get3A_17 : vector<1x128xf32> to vector<2000x128xf32>
    %add3A_18 = arith.addf %mul3A_14, %add3A : vector<2000x128xf32>
    %max3A = arith.constant 0.000000e+00 : f32
    %max3A_19 = vector.broadcast %max3A : f32 to vector<2000x128xf32>
    %max3A_20 = arith.maximumf %add3A_18, %max3A_19 : vector<2000x128xf32>
    %get3A_21 = arith.constant 0 : index
    %get3A_22 = arith.constant 0 : index
    %get3A_23 = vector.load %arg7[%get3A_21, %get3A_22] : memref<128x16xf32, #tpu.memory_space<vmem>>, vector<128x16xf32>
    %dot_general3A = arith.constant dense<0.000000e+00> : vector<2000x16xf32>
    %dot_general3A_24 = tpu.matmul %max3A_20, %get3A_23, %dot_general3A {dimension_numbers = #tpu.dot_dimension_numbers<[1], [0], [0], [1], [0, 0, 1, 1], [], []>, transpose_lhs_hint = false} : vector<2000x128xf32>, vector<128x16xf32>, vector<2000x16xf32> -> vector<2000x16xf32>
    %mul3A_25 = vector.broadcast %get3A_1 : vector<2000x1xf32> to vector<2000x16xf32>
    %mul3A_26 = arith.mulf %dot_general3A_24, %mul3A_25 : vector<2000x16xf32>
    %broadcast_in_dim3A = arith.constant 0.000000e+00 : f32
    %broadcast_in_dim3A_27 = vector.broadcast %broadcast_in_dim3A : f32 to vector<2000x16xf32>
    %stack3A = vector.shape_cast %mul3A_26 : vector<2000x16xf32> to vector<1x2000x16xf32>
    %stack3A_28 = vector.shape_cast %broadcast_in_dim3A_27 : vector<2000x16xf32> to vector<1x2000x16xf32>
    %stack3A_29 = tpu.concatenate %stack3A, %stack3A_28 in 0 : vector<1x2000x16xf32>, vector<1x2000x16xf32> -> vector<2x2000x16xf32>
    %swap3A = arith.constant 0 : index
    %swap3A_30 = arith.constant 0 : index
    %swap3A_31 = arith.constant 0 : index
    %swap3A_32 = vector.load %arg8[%swap3A, %swap3A_30, %swap3A_31] : memref<2x2000x16xf32, #tpu.memory_space<vmem>>, vector<2x2000x16xf32>
    tpu.vector_store %arg8[%swap3A, %swap3A_30, %swap3A_31], %stack3A_29 {strides = array<i32>} : memref<2x2000x16xf32, #tpu.memory_space<vmem>>, vector<2x2000x16xf32>,
    return
  }
  func.func @transform_0(%arg0: i32) -> (i32, i32) {
    %c0_i32 = arith.constant 0 : i32
    %c0_i32_0 = arith.constant 0 : i32
    return %arg0, %c0_i32 : i32, i32
  }
  func.func @transform_1(%arg0: i32) -> (i32, i32) {
    %add3A = arith.constant 26 : i32
    %add3A_0 = arith.addi %add3A, %arg0 : i32
    %c0_i32 = arith.constant 0 : i32
    %c0_i32_1 = arith.constant 0 : i32
    return %add3A_0, %c0_i32 : i32, i32
  }
  func.func @transform_2(%arg0: i32) -> (i32, i32) {
    %c0_i32 = arith.constant 0 : i32
    %c0_i32_0 = arith.constant 0 : i32
    return %arg0, %c0_i32 : i32, i32
  }
  func.func @transform_3(%arg0: i32) -> (i32, i32) {
    %add3A = arith.constant 26 : i32
    %add3A_0 = arith.addi %add3A, %arg0 : i32
    %c0_i32 = arith.constant 0 : i32
    %c0_i32_1 = arith.constant 0 : i32
    return %add3A_0, %c0_i32 : i32, i32
  }
  func.func @transform_4(%arg0: i32) -> (i32, i32) {
    %c0_i32 = arith.constant 0 : i32
    %c0_i32_0 = arith.constant 0 : i32
    return %arg0, %c0_i32 : i32, i32
  }
  func.func @transform_5(%arg0: i32) -> (i32, i32) {
    %c0_i32 = arith.constant 0 : i32
    %c0_i32_0 = arith.constant 0 : i32
    %c0_i32_1 = arith.constant 0 : i32
    return %c0_i32, %c0_i32_0 : i32, i32
  }
  func.func @transform_6(%arg0: i32) -> (i32, i32) {
    %c0_i32 = arith.constant 0 : i32
    %c0_i32_0 = arith.constant 0 : i32
    %c0_i32_1 = arith.constant 0 : i32
    return %c0_i32, %c0_i32_0 : i32, i32
  }
  func.func @transform_7(%arg0: i32) -> (i32, i32, i32) {
    %c0_i32 = arith.constant 0 : i32
    %c0_i32_0 = arith.constant 0 : i32
    %c0_i32_1 = arith.constant 0 : i32
    return %c0_i32, %arg0, %c0_i32_0 : i32, i32, i32
  }
}

module attributes {stable_mosaic.version = 14 : i64} {
  func.func @body(%arg0: i32, %arg1: memref<2000x16xf32, #tpu.memory_space<vmem>>, %arg2: memref<2000x16xf32, #tpu.memory_space<vmem>>, %arg3: memref<2000x1xf32, #tpu.memory_space<vmem>>, %arg4: memref<1x1xf32, #tpu.memory_space<vmem>>, %arg5: memref<2000x1xf32, #tpu.memory_space<vmem>>) attributes {dimension_semantics = [#tpu.dimension_semantics<arbitrary>], iteration_bounds = array<i64: 25>, scalar_prefetch = 0 : i64, scratch_operands = 0 : i64, tpu.core_type = #tpu.core_type<tc>, window_params = [{transform_indices = @transform_0, window_bounds = array<i64: 2000, 16>}, {transform_indices = @transform_1, window_bounds = array<i64: 2000, 16>}, {transform_indices = @transform_2, window_bounds = array<i64: 2000, 1>}, {pipeline_mode = #tpu.pipeline_mode<synchronous>, transform_indices = @transform_3, window_bounds = array<i64: 1, 1>}, {transform_indices = @transform_4, window_bounds = array<i64: 2000, 1>}]} {
    %get3A = arith.constant 0 : index
    %get3A_0 = arith.constant 0 : index
    %get3A_1 = vector.load %arg1[%get3A, %get3A_0] : memref<2000x16xf32, #tpu.memory_space<vmem>>, vector<2000x16xf32>
    %get3A_2 = arith.constant 0 : index
    %get3A_3 = arith.constant 0 : index
    %get3A_4 = vector.load %arg2[%get3A_2, %get3A_3] : memref<2000x16xf32, #tpu.memory_space<vmem>>, vector<2000x16xf32>
    %add3A = arith.addf %get3A_1, %get3A_4 : vector<2000x16xf32>
    %get3A_5 = arith.constant 0 : index
    %get3A_6 = arith.constant 0 : index
    %get3A_7 = vector.load %arg3[%get3A_5, %get3A_6] : memref<2000x1xf32, #tpu.memory_space<vmem>>, vector<2000x1xf32>
    %mul3A = vector.broadcast %get3A_7 : vector<2000x1xf32> to vector<2000x16xf32>
    %mul3A_8 = arith.mulf %add3A, %mul3A : vector<2000x16xf32>
    %slice3A = vector.extract_strided_slice %mul3A_8 {offsets = [0, 0], sizes = [2000, 1], strides = [1, 1]} : vector<2000x16xf32> to vector<2000x1xf32>
    %get3A_9 = arith.constant 0 : index
    %get3A_10 = arith.constant 0 : index
    %get3A_11 = vector.load %arg4[%get3A_9, %get3A_10] : memref<1x1xf32, #tpu.memory_space<vmem>>, vector<1x1xf32>
    %add3A_12 = vector.broadcast %get3A_11 : vector<1x1xf32> to vector<2000x1xf32>
    %add3A_13 = arith.addf %slice3A, %add3A_12 : vector<2000x1xf32>
    %swap3A = arith.constant 0 : index
    %swap3A_14 = arith.constant 0 : index
    %swap3A_15 = vector.load %arg5[%swap3A, %swap3A_14] : memref<2000x1xf32, #tpu.memory_space<vmem>>, vector<2000x1xf32>
    tpu.vector_store %arg5[%swap3A, %swap3A_14], %add3A_13 {strides = array<i32>} : memref<2000x1xf32, #tpu.memory_space<vmem>>, vector<2000x1xf32>,
    return
  }
  func.func @transform_0(%arg0: i32) -> (i32, i32) {
    %c0_i32 = arith.constant 0 : i32
    %c0_i32_0 = arith.constant 0 : i32
    return %arg0, %c0_i32 : i32, i32
  }
  func.func @transform_1(%arg0: i32) -> (i32, i32) {
    %add3A = arith.constant 26 : i32
    %add3A_0 = arith.addi %add3A, %arg0 : i32
    %c0_i32 = arith.constant 0 : i32
    %c0_i32_1 = arith.constant 0 : i32
    return %add3A_0, %c0_i32 : i32, i32
  }
  func.func @transform_2(%arg0: i32) -> (i32, i32) {
    %c0_i32 = arith.constant 0 : i32
    %c0_i32_0 = arith.constant 0 : i32
    return %arg0, %c0_i32 : i32, i32
  }
  func.func @transform_3(%arg0: i32) -> (i32, i32) {
    %c0_i32 = arith.constant 0 : i32
    %c0_i32_0 = arith.constant 0 : i32
    %c0_i32_1 = arith.constant 0 : i32
    return %c0_i32, %c0_i32_0 : i32, i32
  }
  func.func @transform_4(%arg0: i32) -> (i32, i32) {
    %c0_i32 = arith.constant 0 : i32
    %c0_i32_0 = arith.constant 0 : i32
    return %arg0, %c0_i32 : i32, i32
  }
}

</mosaic_0001>

<sc_bundles>
// kernel: kernel.11.cloned.1.call-start
scs
__scs_entry_jumppad:
0x0: {  	(pc) =	sbr.rel $0x88, $3  }
0x1: {  	(tag) =	ssettag $0x0;
	lr =	simm.s32 $0x1  }
0x2: {  	[smem:$0x3F99] =	sst lr;
	_ =	strace $0xD0000000  }
0x3: {  	_ = 	snop  }
0x4: {  	_ = 	snop  }
0x5: {  	_ = 	snop  }
0x6: {  	_ = 	snop  }
0x7: {  	_ = 	snop  }
__scs_overlays_trampoline_lowered:
0x8: {  	[smem:$0x3FA8] =	sst s0  }
0x9: {  	[smem:$0x3FA9] =	sst s1  }
0xa: {  	[smem:$0x3FAA] =	sst s2  }
0xb: {  	[smem:$0x3FAB] =	sst s3  }
0xc: {  	[smem:$0x3FAC] =	sst s4  }
0xd: {  	[smem:$0x3FAD] =	sst s5  }
0xe: {  	[smem:$0x3FAE] =	sst s6  }
0xf: {  	[smem:$0x3FAF] =	sst s7  }
0x10: {  	[smem:$0x3FB0] =	sst s8  }
0x11: {  	[smem:$0x3FB1] =	sst s9;
	s0 =	simm.s32 @!p0 $0x0  }
0x12: {  	s1 =	sld [smem:$0x3F97];
	s0 =	simm.s32 @p0 $0x1  }
0x13: {  	[smem:$0x3FB2] =	sst s0;
	s0 =	simm.s32 @!p1 $0x0  }
0x14: {  	s2 =	sld [smem:$0x3F96];
	s0 =	simm.s32 @p1 $0x1  }
0x15: {  	[smem:$0x3FB3] =	sst s0;
	s0 =	simm.s32 @!p2 $0x0  }
0x16: {  	s3 =	sld [smem:$0x3FDB];
	s0 =	simm.s32 @p2 $0x1  }
0x17: {  	s4 =	simm.s32 $0x1BF5;
	[smem:$0x3FB5] =	sst s0  }
0x18: {  	s0 =	sld [smem:$0x3F98];
	_ =	swait.ge [sflag:s4], $0x0  }
0x19: {  	s7 =	sld [smem:$0x3F99]  }
0x1a: {  	s8 =	sadd.s32 $0xFFFFE003, lr  }
0x1b: {  	s9 =	sadd.s32 $0xFFFFFEF7, lr;
	s5 =	simm.s32 $0xFFFFFFFF;
	p2 =	slt.u32 s8, $0xFFFFF086  }
0x1c: {  	p1 =	slt.u32 s9, $0xF7A;
	s5 =	simm.s32 @!p2 $0x0  }
0x1d: {  	s5 =	simm.s32 @p1 $0x1;
	p0 =	seq.s32 s7, s2  }
0x1e: {  	s7 =	smul.u32 @!p0 $0xF7A, s2;
	p2 =	seq.s32 @!p0 s5, $0x0  }
0x1f: {  	s9 =	smul.u32 $0xF7A, s1;
	s8 =	simm.s32 @!p0 $0x1BF5;
	p2 =	por !p2, p0  }
0x20: {  	[sflag:s8] =	ssyncset.s32 @!p0 $0xFFFFF086;
	s6 =	sadd.s32 @!p0 s3, s7;
	s7 =	simm.s32 @!p0 $0x108  }
0x21: {  	s3 =	sadd.s32 s3, s9;
	s6 =	sadd.s32 @!p0 $0x88, s6;
	s7 =	simm.s32 @p2 $0x1082  }
0x22: {  	[simem:s7], [sflag:s8] =	dma.local @!p0 [hbm:s6], $0xF7A  }
0x23: {  	s9 =	sor.u32 $0xD0000000, s2;
	s6 =	simm.s32 $0x108;
	_ =	swait.ge @!p0 [sflag:s8], $0x0  }
0x24: {  	s3 =	sadd.s32 $0x88, s3;
	s6 =	simm.s32 @!p1 $0x1082;
	[sflag:s4] =	ssyncset.s32 $0xFFFFF086  }
0x25: {  	[simem:s6], [sflag:s4] =	dma.local [hbm:s3], $0xF7A  }
0x26: {  	[smem:$0x3F99] =	sst s1;
	(tag) =	ssettag s2;
	_ =	strace s9  }
0x27: {  	s1 =	sld [smem:$0x3FA9]  }
0x28: {  	s2 =	sld [smem:$0x3FAA]  }
0x29: {  	s4 =	sld [smem:$0x3FAC]  }
0x2a: {  	p0 =	seq.s32 s5, $0x0;
	s5 =	sld [smem:$0x3FAD]  }
0x2b: {  	s6 =	sld [smem:$0x3FAE]  }
0x2c: {  	s7 =	sld [smem:$0x3FAF]  }
0x2d: {  	s3 =	simm.s32 $0x108;
	s8 =	sld [smem:$0x3FB0]  }
0x2e: {  	s3 =	simm.s32 @!p0 $0x1082;
	s9 =	sld [smem:$0x3FB1]  }
0x2f: {  	lr =	sadd.s32 s0, s3;
	s0 =	sld [smem:$0x3FA8]  }
0x30: {  	s3 =	sld [smem:$0x3FAB]  }
0x31: {  	[smem:$0x3FB4] =	sst s10  }
0x32: {  	s10 =	sld [smem:$0x3FB2];
	_ =	sdelay $0x3  }
0x33: {  	p0 =	seq.s32 s10, $0x1;
	s10 =	sld [smem:$0x3FB4];
	_ =	sdelay $0x3  }
0x34: {  	[smem:$0x3FB4] =	sst s10  }
0x35: {  	s10 =	sld [smem:$0x3FB3];
	_ =	sdelay $0x3  }
0x36: {  	p1 =	seq.s32 s10, $0x1;
	s10 =	sld [smem:$0x3FB4];
	_ =	sdelay $0x3  }
0x37: {  	[smem:$0x3FB4] =	sst s10  }
0x38: {  	s10 =	sld [smem:$0x3FB5]  }
0x39: {  	_ = 	snop;
	(pc) =	sbr.ind lr, $3  }
0x3a: {  	_ = 	snop  }
0x3b: {  	_ = 	snop  }
0x3c: {  	p2 =	seq.s32 s10, $0x1;
	s10 =	sld [smem:$0x3FB4]  }
0x3d: {  	_ =	shalt  }
0x3e: {  	_ =	shalt  }
0x3f: {  	_ =	shalt  }
0x40: {  	_ =	shalt  }
0x41: {  	_ =	shalt  }
0x42: {  	_ =	shalt  }
0x43: {  	_ =	shalt  }
0x44: {  	_ =	shalt  }
0x45: {  	_ =	shalt  }
0x46: {  	_ =	shalt  }
0x47: {  	_ =	shalt  }
0x48: {  	_ =	shalt  }
0x49: {  	_ =	shalt  }
0x4a: {  	_ =	shalt  }
0x4b: {  	_ =	shalt  }
0x4c: {  	_ =	shalt  }
0x4d: {  	_ =	shalt  }
0x4e: {  	_ =	shalt  }
0x4f: {  	_ =	shalt  }
0x50: {  	_ =	shalt  }
0x51: {  	_ =	shalt  }
0x52: {  	_ =	shalt  }
0x53: {  	_ =	shalt  }
0x54: {  	_ =	shalt  }
0x55: {  	_ =	shalt  }
0x56: {  	_ =	shalt  }
0x57: {  	_ =	shalt  }
0x58: {  	_ =	shalt  }
0x59: {  	_ =	shalt  }
0x5a: {  	_ =	shalt  }
0x5b: {  	_ =	shalt  }
0x5c: {  	_ =	shalt  }
0x5d: {  	_ =	shalt  }
0x5e: {  	_ =	shalt  }
0x5f: {  	_ =	shalt  }
0x60: {  	_ =	shalt  }
0x61: {  	_ =	shalt  }
0x62: {  	_ =	shalt  }
0x63: {  	_ =	shalt  }
0x64: {  	_ =	shalt  }
0x65: {  	_ =	shalt  }
0x66: {  	_ =	shalt  }
0x67: {  	_ =	shalt  }
0x68: {  	_ =	shalt  }
0x69: {  	_ =	shalt  }
0x6a: {  	_ =	shalt  }
0x6b: {  	_ =	shalt  }
0x6c: {  	_ =	shalt  }
0x6d: {  	_ =	shalt  }
0x6e: {  	_ =	shalt  }
0x6f: {  	_ =	shalt  }
0x70: {  	_ =	shalt  }
0x71: {  	_ =	shalt  }
0x72: {  	_ =	shalt  }
0x73: {  	_ =	shalt  }
0x74: {  	_ =	shalt  }
0x75: {  	_ =	shalt  }
0x76: {  	_ =	shalt  }
0x77: {  	_ =	shalt  }
0x78: {  	_ =	shalt  }
0x79: {  	_ =	shalt  }
0x7a: {  	_ =	shalt  }
0x7b: {  	_ =	shalt  }
0x7c: {  	_ =	shalt  }
0x7d: {  	_ =	shalt  }
0x7e: {  	_ =	shalt  }
0x7f: {  	_ =	shalt  }
0x80: {  	_ =	shalt  }
0x81: {  	_ =	shalt  }
0x82: {  	_ =	shalt  }
0x83: {  	_ =	shalt  }
0x84: {  	_ =	shalt  }
0x85: {  	_ =	shalt  }
0x86: {  	_ =	shalt  }
0x87: {  	_ =	shalt  }
.Lfunc_end0:
.L_simem_size_0:
called_computation_lowered:
.L_overlay_start_0:
0x88: {  	s2 =	sld [smem:$0x3FD9]  }
0x89: {  	s3 =	sld [smem:$0x3FFE];
	_ =	sdelay $0x1  }
0x8a: {  	s1 =	srdreg.scid  }
0x8b: {  	s0 =	sand.u32 $0x1, s1  }
0x8c: {  	s16 =	sshll.u32 s0, $0xA;
	s2 =	sadd.s32 s3, s2  }
0x8d: {  	s2 =	sadd.s32 s2, s16  }
0x8e: {  	[smem:$0x3FC0] =	sst s2  }
0x8f: {  	_ = 	snop  }
0x90: {  	(tm) =	ssettm $0x1  }
0x91: {  	s17 =	sld [smem:$0x3FFB];
	_ =	sdelay $0x3  }
0x92: {  	_ =	strace s17  }
0x93: {  	s2 =	sld [smem:$0x3FFC];
	_ =	sdelay $0x3  }
0x94: {  	_ =	strace s2  }
0x95: {  	s2 =	sld [smem:$0x3FFD];
	_ =	sdelay $0x3  }
0x96: {  	_ =	strace s2  }
0x97: {  	_ =	strace $0x8FFFFFFF  }
0x98: {  	s18 =	sld [smem:$0x3FDB];
	_ =	sdelay $0x1  }
0x99: {  	s19 =	simm.s32 $_scs_section_size  }
0x9a: {  	s4 =	simm.s32 $_size__tile_overlayer_lowered;
	s5 =	simm.s32 $_tile_overlayer_lowered  }
0x9b: {  	s22 =	simm.s32 $0x1BFF;
	s21 =	sshll.u32 s5, $0x1;
	s2 =	sadd.s32 s19, s18  }
0x9c: {  	s6 =	simm.s32 $0x0;
	s20 =	sshll.u32 s4, $0x1;
	s4 =	sadd.s32 s21, s2  }
0x9d: {  	[timem:s6], [sflag:s22] =	dma.local [hbm:s4], s20  }
0x9e: {  	_ =	swait.ge [sflag:s22], s20  }
0x9f: {  	s3 =	ssub.s32 $0x0, s20;
	[sflag:s22] =	ssyncset.done $0x0  }
0xa0: {  	[sflag:s22] =	ssyncadd.s32 s3;
	_ =	sdelay $0x1  }
0xa1: {  	s23 =	simm.s32 $0x1B8B  }
0xa2: {  	_ =	swait.ge [sflag:s23], $0x1  }
0xa3: {  	[sflag:s23] =	ssyncset.done $0x0  }
0xa4: {  	s25 =	simm.s32 $0x1B8E;
	s24 =	sld [smem:$0x3FFE];
	[sflag:s23] =	ssyncadd.s32 $0xFFFFFFFF  }
0xa5: {  	s26 =	simm.s32 $execute0_lowered;
	[smem:$0x3FD2] =	sst s25  }
0xa6: {  	s4 =	sshll.u32 s26, $0x1;
	_ =	strace $0x80000046;
	[dreg:$0x1] =	wrdreg $0xFFFFFFFF  }
0xa7: {  	s28 =	simm.s32 $_size_execute0_lowered;
	s2 =	sadd.s32 s2, s4;
	[dreg:$0x0] =	wrdreg $0x0  }
0xa8: {  	s4 =	sshll.u32 s28, $0x1;
	[dreg:$0x2] =	wrdreg s2  }
0xa9: {  	[dreg:$0x3] =	wrdreg s4  }
0xaa: {  	[dreg:$0x4] =	wrdreg $0xC0  }
0xab: {  	_ =	task [dreg:s6], $0x5FFFF  }
0xac: {  	[dreg:$0x1] =	wrdreg $0xFFFFFFFF  }
0xad: {  	[dreg:$0x0] =	wrdreg $0x60  }
0xae: {  	[dreg:$0x2] =	wrdreg s24  }
0xaf: {  	[dreg:$0x3] =	wrdreg $0x46680  }
0xb0: {  	[dreg:$0x4] =	wrdreg $0x9  }
0xb1: {  	_ =	task.clear_ibuf [dreg:s6], $0x5FFFF;
	_ =	strace $0x90000046  }
0xb2: {  	s29 =	simm.s32 $0x9;
	_ =	strace $0x80000048  }
0xb3: {  	_ =	swait.ge [sflag:s29], $0x1  }
0xb4: {  	[sflag:s29] =	ssyncadd.s32 $0xFFFFFFFF  }
0xb5: {  	_ =	strace $0x90000048  }
0xb6: {  	_ =	sfence  }
0xb7: {  	s30 =	sld [smem:$0x0];
	_ =	sdelay $0x2  }
0xb8: {  	s31 =	sshll.u32 s1, $0xD;
	s1 =	sshrl.u32 s1, $0x2  }
0xb9: {  	s3 =	sand.u32 $0x4000, s31;
	s1 =	sadd.s32 s1, s30  }
0xba: {  	s0 =	sor.u32 s3, s0;
	s1 =	sshll.u32 s1, $0x11  }
0xbb: {  	s0 =	sor.u32 s1, s0  }
0xbc: {  	s0 =	sadd.s32 $0x8F2B, s0  }
0xbd: {  	[sflag:s0] =	ssyncadd.remote.s32 $0x1  }
0xbe: {  	_ =	sfence.sel $0xFFFF  }
0xbf: {  	[dreg:$0x0] =	wrdreg $0xFFFFFFFF;
	(pc) =	sbr.abs _section_cstart, $3  }
0xc0: {  	[dreg:$0x1] =	wrdreg $0xFFFFFFFF  }
0xc1: {  	_ =	task.clear_ibuf [dreg:s6], $0x2FFFF;
	_ =	strace $0x9FFFFFFF  }
0xc2: {  	(tm) =	ssettm $0x7FFFFFFF  }
0xc3: {  	_ =	shalt  }
tec
execute0_lowered:
.L_overlay_start_1:
0x0: {  	(tag) =	ssettag $0x1  }
0x1: {  	s7 =	stileid.u32  }
0x2: {  	s5 =	smul.u32 $0x61A8, s7  }
0x3: {  	s0 =	srdreg.scid;
	s6 =	smul.u32 $0x1900, s7  }
0x4: {  	s1 =	rddreg [dreg:$0x0];
	s0 =	sand.u32 $0x1, s0;
	s7 =	smul.u32 $0x32000, s7  }
0x5: {  	s2 =	rddreg [dreg:$0x1];
	s4 =	smul.u32 $0x61A80, s0  }
0x6: {  	s3 =	simm.s32 $0x0;
	s13 =	smul.u32 $0x19640, s0;
	s0 =	ssub.s32 $0x2, s0  }
0x7: {  	[smem:$0x7FF] =	sst s3;
	s16 =	sshrl.u32 s0, $0x1;
	s4 =	sadd.s32 s5, s4  }
0x8: {  	s15 =	sshrl.u32 s7, $0x2;
	s0 =	ssub.s32 s0, s16;
	s4 =	sshrl.u32 s4, $0x3  }
0x9: {  	s0 =	smax.u32 s0, $0x1;
	s8 =	sadd.s32 s4, s1;
	s4 =	sadd.s32 s15, s2  }
0xa: {  	_ =	strace $0x80000047;
	[dreg:$0x16] =	wrdreg s0;
	s5 =	sadd.s32 $0x400, s4  }
0xb: {  	s17 =	sadd.s32 $0x800, s4;
	[dreg:$0x3] =	wrdreg s5  }
0xc: {  	s18 =	sadd.s32 $0xC00, s4;
	[dreg:$0x4] =	wrdreg s17  }
0xd: {  	s19 =	sadd.s32 $0x1000, s4;
	[dreg:$0x5] =	wrdreg s18  }
0xe: {  	s20 =	sadd.s32 $0x1400, s4;
	[dreg:$0x6] =	wrdreg s19  }
0xf: {  	s21 =	sadd.s32 $0x1800, s4;
	[dreg:$0x7] =	wrdreg s20  }
0x10: {  	s22 =	sadd.s32 $0x1C00, s4;
	[dreg:$0x8] =	wrdreg s21  }
0x11: {  	s23 =	sadd.s32 $0x2000, s4;
	[dreg:$0x9] =	wrdreg s22  }
0x12: {  	s24 =	sadd.s32 $0x2400, s4;
	[dreg:$0xa] =	wrdreg s23  }
0x13: {  	s25 =	sadd.s32 $0x2800, s4;
	[dreg:$0xb] =	wrdreg s24  }
0x14: {  	s26 =	sadd.s32 $0x2C00, s4;
	[dreg:$0xc] =	wrdreg s25  }
0x15: {  	s14 =	sadd.s32 s6, s13;
	s6 =	sadd.s32 $0x3000, s4;
	[dreg:$0xd] =	wrdreg s26  }
0x16: {  	s7 =	sadd.s32 $0x3400, s4;
	[dreg:$0xe] =	wrdreg s6  }
0x17: {  	s9 =	sadd.s32 $0x3800, s4;
	[dreg:$0xf] =	wrdreg s7  }
0x18: {  	s10 =	sadd.s32 $0x3C00, s4;
	[dreg:$0x10] =	wrdreg s9  }
0x19: {  	s11 =	sadd.s32 $0x4000, s4;
	[dreg:$0x11] =	wrdreg s10  }
0x1a: {  	s12 =	sadd.s32 $0x4400, s4;
	[dreg:$0x12] =	wrdreg s11  }
0x1b: {  	s1 =	sadd.s32 s14, s1;
	s13 =	sadd.s32 $0x4800, s4;
	[dreg:$0x13] =	wrdreg s12  }
0x1c: {  	s31 =	simm.s32 $0x4268;
	s1 =	sadd.s32 $0x32C00, s1;
	[dreg:$0x14] =	wrdreg s13  }
0x1d: {  	s0 =	simm.s32 $0x3E8;
	s14 =	sadd.s32 $0x4C00, s4;
	[dreg:$0x15] =	wrdreg s1  }
0x1e: {  	s15 =	sadd.s32 $0x5000, s4;
	s16 =	sadd.s32 $0x5400, s4;
	[dreg:$0x17] =	wrdreg s14  }
0x1f: {  	s28 =	sadd.s32 $0xBC00, s4;
	s29 =	sadd.s32 $0xC000, s4;
	[dreg:$0x18] =	wrdreg s15  }
0x20: {  	s30 =	sadd.s32 $0xC400, s4;
	[dreg:$0x19] =	wrdreg s16;
	s17 =	sadd.s32 $0x5800, s4  }
0x21: {  	s25 =	sadd.s32 $0x1A400, s8;
	s18 =	sadd.s32 $0x5C00, s4;
	[dreg:$0x1a] =	wrdreg s17  }
0x22: {  	s19 =	sadd.s32 $0x6000, s4;
	s20 =	sadd.s32 $0x6400, s4;
	[dreg:$0x1b] =	wrdreg s18  }
0x23: {  	s21 =	sadd.s32 $0x6800, s4;
	s22 =	sadd.s32 $0x6C00, s4;
	[dreg:$0x1c] =	wrdreg s19  }
0x24: {  	s23 =	sadd.s32 $0x7000, s4;
	s24 =	sadd.s32 $0x7400, s4;
	[dreg:$0x1d] =	wrdreg s20  }
0x25: {  	s26 =	sadd.s32 $0x7800, s4;
	s10 =	sadd.s32 $0x7C00, s4;
	[dreg:$0x1e] =	wrdreg s21  }
0x26: {  	s11 =	sadd.s32 $0x8000, s4;
	s12 =	sadd.s32 $0x8400, s4;
	[dreg:$0x1f] =	wrdreg s22  }
0x27: {  	s13 =	sadd.s32 $0x8800, s4;
	s14 =	sadd.s32 $0x8C00, s4;
	[smem:$0x7FB] =	sst s23  }
0x28: {  	s15 =	sadd.s32 $0x9000, s4;
	s16 =	sadd.s32 $0x9400, s4;
	[smem:$0x7FC] =	sst s24  }
0x29: {  	s1 =	simm.s32 $0x1;
	s5 =	simm.s32 $0x0;
	[smem:$0x7FD] =	sst s26  }
0x2a: {  	s17 =	sadd.s32 $0x9800, s4;
	s18 =	sadd.s32 $0x9C00, s4;
	s19 =	sadd.s32 $0xA000, s4  }
0x2b: {  	s20 =	sadd.s32 $0xA400, s4;
	s21 =	sadd.s32 $0xA800, s4;
	s22 =	sadd.s32 $0xAC00, s4  }
0x2c: {  	v0 =	vimm.f32 $0.0e+00;
	v1 =	vimm.f32 $1.000000000e+00;
	s23 =	sadd.s32 $0xB000, s4;
	s24 =	sadd.s32 $0xB400, s4;
	s26 =	sadd.s32 $0xB800, s4  }
.LBB2_1:
0x2d: {  	s6 =	simm.s32 $0x0  }
.LBB2_2:
0x2e: {  	p0 =	sne.s32 s6, $0xFC0  }
.Ltmp0:
0x2f: {  	_ = 	snop;
	(pc) =	sbr.rel @p0 .LBB2_2-.Ltmp0, $3  }
0x30: {  	_ =	sdelay $0x1  }
0x31: {  	s7 =	sshra.s32 s6, $0x2  }
0x32: {  	s6 =	sadd.s32 $0x40, s6;
	[tilespmem:s7+$0x4268] =	vst v0  }
0x33: {  	s6 =	simm.s32 $0x40;
	s7 =	simm.s32 $0x0  }
.LBB2_4:
0x34: {  	p0 =	sne.s32 s6, $0xF9C0;
	[tilespmem:s7+$0x3E8] =	vst v1;
	s7 =	smov.u32 s6;
	s6 =	sadd.s32 $0x40, s6  }
.Ltmp1:
0x35: {  	(pc) =	sbr.rel @p0 .LBB2_4-.Ltmp1, $2  }
0x36: {  	_ =	sdelay $0x2  }
0x37: {  	s7 =	sshra.s32 s7, $0x2  }
0x38: {  	[tilespmem:s7+$0x3E8] =	vst v1  }
0x39: {  	[spmem:s4] =	stream.linear.scatter [tilespmem:s31], [sflag:$0x1], $0x400, $0x38;
	[tilespmem:$0x10E68] =	vst v63  }
0x3a: {  	_ =	swait.ge [sflag:s1], $0x400  }
0x3b: {  	[sflag:s1] =	ssyncset.done $0x0  }
0x3c: {  	s6 =	rddreg [dreg:$0x3];
	[sflag:s1] =	ssyncadd.s32 $0xFFFFFC00  }
0x3d: {  	[spmem:s6] =	stream.linear.scatter [tilespmem:s31], [sflag:$0x1], $0x400, $0x38;
	[tilespmem:$0x10E68] =	vst v63  }
0x3e: {  	_ =	swait.ge [sflag:s1], $0x400  }
0x3f: {  	[sflag:s1] =	ssyncset.done $0x0  }
0x40: {  	s7 =	rddreg [dreg:$0x4];
	[sflag:s1] =	ssyncadd.s32 $0xFFFFFC00  }
0x41: {  	[spmem:s7] =	stream.linear.scatter [tilespmem:s31], [sflag:$0x1], $0x400, $0x38;
	[tilespmem:$0x10E68] =	vst v63  }
0x42: {  	_ =	swait.ge [sflag:s1], $0x400  }
0x43: {  	[sflag:s1] =	ssyncset.done $0x0  }
0x44: {  	s8 =	rddreg [dreg:$0x5];
	[sflag:s1] =	ssyncadd.s32 $0xFFFFFC00  }
0x45: {  	[spmem:s8] =	stream.linear.scatter [tilespmem:s31], [sflag:$0x1], $0x400, $0x38;
	[tilespmem:$0x10E68] =	vst v63  }
0x46: {  	_ =	swait.ge [sflag:s1], $0x400  }
0x47: {  	[sflag:s1] =	ssyncset.done $0x0  }
0x48: {  	s9 =	rddreg [dreg:$0x6];
	[sflag:s1] =	ssyncadd.s32 $0xFFFFFC00  }
0x49: {  	[spmem:s9] =	stream.linear.scatter [tilespmem:s31], [sflag:$0x1], $0x400, $0x38;
	[tilespmem:$0x10E68] =	vst v63  }
0x4a: {  	_ =	swait.ge [sflag:s1], $0x400  }
0x4b: {  	[sflag:s1] =	ssyncset.done $0x0  }
0x4c: {  	s7 =	rddreg [dreg:$0x7];
	[sflag:s1] =	ssyncadd.s32 $0xFFFFFC00  }
0x4d: {  	[spmem:s7] =	stream.linear.scatter [tilespmem:s31], [sflag:$0x1], $0x400, $0x38;
	[tilespmem:$0x10E68] =	vst v63  }
0x4e: {  	_ =	swait.ge [sflag:s1], $0x400  }
0x4f: {  	[sflag:s1] =	ssyncset.done $0x0  }
0x50: {  	s8 =	rddreg [dreg:$0x8];
	[sflag:s1] =	ssyncadd.s32 $0xFFFFFC00  }
0x51: {  	[spmem:s8] =	stream.linear.scatter [tilespmem:s31], [sflag:$0x1], $0x400, $0x38;
	[tilespmem:$0x10E68] =	vst v63  }
0x52: {  	_ =	swait.ge [sflag:s1], $0x400  }
0x53: {  	[sflag:s1] =	ssyncset.done $0x0  }
0x54: {  	s9 =	rddreg [dreg:$0x9];
	[sflag:s1] =	ssyncadd.s32 $0xFFFFFC00  }
0x55: {  	[spmem:s9] =	stream.linear.scatter [tilespmem:s31], [sflag:$0x1], $0x400, $0x38;
	[tilespmem:$0x10E68] =	vst v63  }
0x56: {  	_ =	swait.ge [sflag:s1], $0x400  }
0x57: {  	[sflag:s1] =	ssyncset.done $0x0  }
0x58: {  	s7 =	rddreg [dreg:$0xa];
	[sflag:s1] =	ssyncadd.s32 $0xFFFFFC00  }
0x59: {  	[spmem:s7] =	stream.linear.scatter [tilespmem:s31], [sflag:$0x1], $0x400, $0x38;
	[tilespmem:$0x10E68] =	vst v63  }
0x5a: {  	_ =	swait.ge [sflag:s1], $0x400  }
0x5b: {  	[sflag:s1] =	ssyncset.done $0x0  }
0x5c: {  	s8 =	rddreg [dreg:$0xb];
	[sflag:s1] =	ssyncadd.s32 $0xFFFFFC00  }
0x5d: {  	[spmem:s8] =	stream.linear.scatter [tilespmem:s31], [sflag:$0x1], $0x400, $0x38;
	[tilespmem:$0x10E68] =	vst v63  }
0x5e: {  	_ =	swait.ge [sflag:s1], $0x400  }
0x5f: {  	[sflag:s1] =	ssyncset.done $0x0  }
0x60: {  	s9 =	rddreg [dreg:$0xc];
	[sflag:s1] =	ssyncadd.s32 $0xFFFFFC00  }
0x61: {  	[spmem:s9] =	stream.linear.scatter [tilespmem:s31], [sflag:$0x1], $0x400, $0x38;
	[tilespmem:$0x10E68] =	vst v63  }
0x62: {  	_ =	swait.ge [sflag:s1], $0x400  }
0x63: {  	[sflag:s1] =	ssyncset.done $0x0  }
0x64: {  	s7 =	rddreg [dreg:$0xd];
	[sflag:s1] =	ssyncadd.s32 $0xFFFFFC00  }
0x65: {  	[spmem:s7] =	stream.linear.scatter [tilespmem:s31], [sflag:$0x1], $0x400, $0x38;
	[tilespmem:$0x10E68] =	vst v63  }
0x66: {  	_ =	swait.ge [sflag:s1], $0x400  }
0x67: {  	[sflag:s1] =	ssyncset.done $0x0  }
0x68: {  	s8 =	rddreg [dreg:$0xe];
	[sflag:s1] =	ssyncadd.s32 $0xFFFFFC00  }
0x69: {  	[spmem:s8] =	stream.linear.scatter [tilespmem:s31], [sflag:$0x1], $0x400, $0x38;
	[tilespmem:$0x10E68] =	vst v63  }
0x6a: {  	_ =	swait.ge [sflag:s1], $0x400  }
0x6b: {  	[sflag:s1] =	ssyncset.done $0x0  }
0x6c: {  	s9 =	rddreg [dreg:$0xf];
	[sflag:s1] =	ssyncadd.s32 $0xFFFFFC00  }
0x6d: {  	[spmem:s9] =	stream.linear.scatter [tilespmem:s31], [sflag:$0x1], $0x400, $0x38;
	[tilespmem:$0x10E68] =	vst v63  }
0x6e: {  	_ =	swait.ge [sflag:s1], $0x400  }
0x6f: {  	[sflag:s1] =	ssyncset.done $0x0  }
0x70: {  	s7 =	rddreg [dreg:$0x10];
	[sflag:s1] =	ssyncadd.s32 $0xFFFFFC00  }
0x71: {  	[spmem:s7] =	stream.linear.scatter [tilespmem:s31], [sflag:$0x1], $0x400, $0x38;
	[tilespmem:$0x10E68] =	vst v63  }
0x72: {  	_ =	swait.ge [sflag:s1], $0x400  }
0x73: {  	[sflag:s1] =	ssyncset.done $0x0  }
0x74: {  	s8 =	rddreg [dreg:$0x11];
	[sflag:s1] =	ssyncadd.s32 $0xFFFFFC00  }
0x75: {  	[spmem:s8] =	stream.linear.scatter [tilespmem:s31], [sflag:$0x1], $0x400, $0x38;
	[tilespmem:$0x10E68] =	vst v63  }
0x76: {  	_ =	swait.ge [sflag:s1], $0x400  }
0x77: {  	[sflag:s1] =	ssyncset.done $0x0  }
0x78: {  	s9 =	rddreg [dreg:$0x12];
	[sflag:s1] =	ssyncadd.s32 $0xFFFFFC00  }
0x79: {  	[spmem:s9] =	stream.linear.scatter [tilespmem:s31], [sflag:$0x1], $0x400, $0x38;
	[tilespmem:$0x10E68] =	vst v63  }
0x7a: {  	_ =	swait.ge [sflag:s1], $0x400  }
0x7b: {  	[sflag:s1] =	ssyncset.done $0x0  }
0x7c: {  	s7 =	rddreg [dreg:$0x13];
	[sflag:s1] =	ssyncadd.s32 $0xFFFFFC00  }
0x7d: {  	[spmem:s7] =	stream.linear.scatter [tilespmem:s31], [sflag:$0x1], $0x400, $0x38;
	[tilespmem:$0x10E68] =	vst v63  }
0x7e: {  	_ =	swait.ge [sflag:s1], $0x400  }
0x7f: {  	[sflag:s1] =	ssyncset.done $0x0  }
0x80: {  	s8 =	rddreg [dreg:$0x14];
	[sflag:s1] =	ssyncadd.s32 $0xFFFFFC00  }
0x81: {  	[spmem:s8] =	stream.linear.scatter [tilespmem:s31], [sflag:$0x1], $0x400, $0x38;
	[tilespmem:$0x10E68] =	vst v63  }
0x82: {  	_ =	swait.ge [sflag:s1], $0x400  }
0x83: {  	[sflag:s1] =	ssyncset.done $0x0  }
0x84: {  	s9 =	rddreg [dreg:$0x17];
	[sflag:s1] =	ssyncadd.s32 $0xFFFFFC00  }
0x85: {  	[spmem:s9] =	stream.linear.scatter [tilespmem:s31], [sflag:$0x1], $0x400, $0x38;
	[tilespmem:$0x10E68] =	vst v63  }
0x86: {  	_ =	swait.ge [sflag:s1], $0x400  }
0x87: {  	[sflag:s1] =	ssyncset.done $0x0  }
0x88: {  	s7 =	rddreg [dreg:$0x18];
	[sflag:s1] =	ssyncadd.s32 $0xFFFFFC00  }
0x89: {  	[spmem:s7] =	stream.linear.scatter [tilespmem:s31], [sflag:$0x1], $0x400, $0x38;
	[tilespmem:$0x10E68] =	vst v63  }
0x8a: {  	_ =	swait.ge [sflag:s1], $0x400  }
0x8b: {  	[sflag:s1] =	ssyncset.done $0x0  }
0x8c: {  	s8 =	rddreg [dreg:$0x19];
	[sflag:s1] =	ssyncadd.s32 $0xFFFFFC00  }
0x8d: {  	[spmem:s8] =	stream.linear.scatter [tilespmem:s31], [sflag:$0x1], $0x400, $0x38;
	[tilespmem:$0x10E68] =	vst v63  }
0x8e: {  	_ =	swait.ge [sflag:s1], $0x400  }
0x8f: {  	[sflag:s1] =	ssyncset.done $0x0  }
0x90: {  	s9 =	rddreg [dreg:$0x1a];
	[sflag:s1] =	ssyncadd.s32 $0xFFFFFC00  }
0x91: {  	[spmem:s9] =	stream.linear.scatter [tilespmem:s31], [sflag:$0x1], $0x400, $0x38;
	[tilespmem:$0x10E68] =	vst v63  }
0x92: {  	_ =	swait.ge [sflag:s1], $0x400  }
0x93: {  	[sflag:s1] =	ssyncset.done $0x0  }
0x94: {  	s7 =	rddreg [dreg:$0x1b];
	[sflag:s1] =	ssyncadd.s32 $0xFFFFFC00  }
0x95: {  	[spmem:s7] =	stream.linear.scatter [tilespmem:s31], [sflag:$0x1], $0x400, $0x38;
	[tilespmem:$0x10E68] =	vst v63  }
0x96: {  	_ =	swait.ge [sflag:s1], $0x400  }
0x97: {  	[sflag:s1] =	ssyncset.done $0x0  }
0x98: {  	s8 =	rddreg [dreg:$0x1c];
	[sflag:s1] =	ssyncadd.s32 $0xFFFFFC00  }
0x99: {  	[spmem:s8] =	stream.linear.scatter [tilespmem:s31], [sflag:$0x1], $0x400, $0x38;
	[tilespmem:$0x10E68] =	vst v63  }
0x9a: {  	_ =	swait.ge [sflag:s1], $0x400  }
0x9b: {  	[sflag:s1] =	ssyncset.done $0x0  }
0x9c: {  	s9 =	rddreg [dreg:$0x1d];
	[sflag:s1] =	ssyncadd.s32 $0xFFFFFC00  }
0x9d: {  	[spmem:s9] =	stream.linear.scatter [tilespmem:s31], [sflag:$0x1], $0x400, $0x38;
	[tilespmem:$0x10E68] =	vst v63  }
0x9e: {  	_ =	swait.ge [sflag:s1], $0x400  }
0x9f: {  	[sflag:s1] =	ssyncset.done $0x0  }
0xa0: {  	s7 =	rddreg [dreg:$0x1e];
	[sflag:s1] =	ssyncadd.s32 $0xFFFFFC00  }
0xa1: {  	[spmem:s7] =	stream.linear.scatter [tilespmem:s31], [sflag:$0x1], $0x400, $0x38;
	[tilespmem:$0x10E68] =	vst v63  }
0xa2: {  	_ =	swait.ge [sflag:s1], $0x400  }
0xa3: {  	[sflag:s1] =	ssyncset.done $0x0  }
0xa4: {  	s8 =	rddreg [dreg:$0x1f];
	[sflag:s1] =	ssyncadd.s32 $0xFFFFFC00  }
0xa5: {  	[spmem:s8] =	stream.linear.scatter [tilespmem:s31], [sflag:$0x1], $0x400, $0x38;
	[tilespmem:$0x10E68] =	vst v63  }
0xa6: {  	_ =	swait.ge [sflag:s1], $0x400  }
0xa7: {  	s9 =	sld [smem:$0x7FB]  }
0xa8: {  	[sflag:s1] =	ssyncset.done $0x0  }
0xa9: {  	[sflag:s1] =	ssyncadd.s32 $0xFFFFFC00  }
0xaa: {  	[spmem:s9] =	stream.linear.scatter [tilespmem:s31], [sflag:$0x1], $0x400, $0x38;
	[tilespmem:$0x10E68] =	vst v63  }
0xab: {  	_ =	swait.ge [sflag:s1], $0x400  }
0xac: {  	s7 =	sld [smem:$0x7FC]  }
0xad: {  	[sflag:s1] =	ssyncset.done $0x0  }
0xae: {  	[sflag:s1] =	ssyncadd.s32 $0xFFFFFC00  }
0xaf: {  	[spmem:s7] =	stream.linear.scatter [tilespmem:s31], [sflag:$0x1], $0x400, $0x38;
	[tilespmem:$0x10E68] =	vst v63  }
0xb0: {  	_ =	swait.ge [sflag:s1], $0x400  }
0xb1: {  	s8 =	sld [smem:$0x7FD]  }
0xb2: {  	[sflag:s1] =	ssyncset.done $0x0  }
0xb3: {  	[sflag:s1] =	ssyncadd.s32 $0xFFFFFC00  }
0xb4: {  	[spmem:s8] =	stream.linear.scatter [tilespmem:s31], [sflag:$0x1], $0x400, $0x38;
	[tilespmem:$0x10E68] =	vst v63  }
0xb5: {  	_ =	swait.ge [sflag:s1], $0x400  }
0xb6: {  	[sflag:s1] =	ssyncset.done $0x0  }
0xb7: {  	[sflag:s1] =	ssyncadd.s32 $0xFFFFFC00  }
0xb8: {  	[spmem:s10] =	stream.linear.scatter [tilespmem:s31], [sflag:$0x1], $0x400, $0x38;
	[tilespmem:$0x10E68] =	vst v63  }
0xb9: {  	_ =	swait.ge [sflag:s1], $0x400  }
0xba: {  	[sflag:s1] =	ssyncset.done $0x0  }
0xbb: {  	[sflag:s1] =	ssyncadd.s32 $0xFFFFFC00  }
0xbc: {  	[spmem:s11] =	stream.linear.scatter [tilespmem:s31], [sflag:$0x1], $0x400, $0x38;
	[tilespmem:$0x10E68] =	vst v63  }
0xbd: {  	_ =	swait.ge [sflag:s1], $0x400  }
0xbe: {  	[sflag:s1] =	ssyncset.done $0x0  }
0xbf: {  	[sflag:s1] =	ssyncadd.s32 $0xFFFFFC00  }
0xc0: {  	[spmem:s12] =	stream.linear.scatter [tilespmem:s31], [sflag:$0x1], $0x400, $0x38;
	[tilespmem:$0x10E68] =	vst v63  }
0xc1: {  	_ =	swait.ge [sflag:s1], $0x400  }
0xc2: {  	[sflag:s1] =	ssyncset.done $0x0  }
0xc3: {  	[sflag:s1] =	ssyncadd.s32 $0xFFFFFC00  }
0xc4: {  	[spmem:s13] =	stream.linear.scatter [tilespmem:s31], [sflag:$0x1], $0x400, $0x38;
	[tilespmem:$0x10E68] =	vst v63  }
0xc5: {  	_ =	swait.ge [sflag:s1], $0x400  }
0xc6: {  	[sflag:s1] =	ssyncset.done $0x0  }
0xc7: {  	[sflag:s1] =	ssyncadd.s32 $0xFFFFFC00  }
0xc8: {  	[spmem:s14] =	stream.linear.scatter [tilespmem:s31], [sflag:$0x1], $0x400, $0x38;
	[tilespmem:$0x10E68] =	vst v63  }
0xc9: {  	_ =	swait.ge [sflag:s1], $0x400  }
0xca: {  	[sflag:s1] =	ssyncset.done $0x0  }
0xcb: {  	[sflag:s1] =	ssyncadd.s32 $0xFFFFFC00  }
0xcc: {  	[spmem:s15] =	stream.linear.scatter [tilespmem:s31], [sflag:$0x1], $0x400, $0x38;
	[tilespmem:$0x10E68] =	vst v63  }
0xcd: {  	_ =	swait.ge [sflag:s1], $0x400  }
0xce: {  	[sflag:s1] =	ssyncset.done $0x0  }
0xcf: {  	[sflag:s1] =	ssyncadd.s32 $0xFFFFFC00  }
0xd0: {  	[spmem:s16] =	stream.linear.scatter [tilespmem:s31], [sflag:$0x1], $0x400, $0x38;
	[tilespmem:$0x10E68] =	vst v63  }
0xd1: {  	_ =	swait.ge [sflag:s1], $0x400  }
0xd2: {  	[sflag:s1] =	ssyncset.done $0x0  }
0xd3: {  	[sflag:s1] =	ssyncadd.s32 $0xFFFFFC00  }
0xd4: {  	[spmem:s17] =	stream.linear.scatter [tilespmem:s31], [sflag:$0x1], $0x400, $0x38;
	[tilespmem:$0x10E68] =	vst v63  }
0xd5: {  	_ =	swait.ge [sflag:s1], $0x400  }
0xd6: {  	[sflag:s1] =	ssyncset.done $0x0  }
0xd7: {  	[sflag:s1] =	ssyncadd.s32 $0xFFFFFC00  }
0xd8: {  	[spmem:s18] =	stream.linear.scatter [tilespmem:s31], [sflag:$0x1], $0x400, $0x38;
	[tilespmem:$0x10E68] =	vst v63  }
0xd9: {  	_ =	swait.ge [sflag:s1], $0x400  }
0xda: {  	[sflag:s1] =	ssyncset.done $0x0  }
0xdb: {  	[sflag:s1] =	ssyncadd.s32 $0xFFFFFC00  }
0xdc: {  	[spmem:s19] =	stream.linear.scatter [tilespmem:s31], [sflag:$0x1], $0x400, $0x38;
	[tilespmem:$0x10E68] =	vst v63  }
0xdd: {  	_ =	swait.ge [sflag:s1], $0x400  }
0xde: {  	[sflag:s1] =	ssyncset.done $0x0  }
0xdf: {  	[sflag:s1] =	ssyncadd.s32 $0xFFFFFC00  }
0xe0: {  	[spmem:s20] =	stream.linear.scatter [tilespmem:s31], [sflag:$0x1], $0x400, $0x38;
	[tilespmem:$0x10E68] =	vst v63  }
0xe1: {  	_ =	swait.ge [sflag:s1], $0x400  }
0xe2: {  	[sflag:s1] =	ssyncset.done $0x0  }
0xe3: {  	[sflag:s1] =	ssyncadd.s32 $0xFFFFFC00  }
0xe4: {  	[spmem:s21] =	stream.linear.scatter [tilespmem:s31], [sflag:$0x1], $0x400, $0x38;
	[tilespmem:$0x10E68] =	vst v63  }
0xe5: {  	_ =	swait.ge [sflag:s1], $0x400  }
0xe6: {  	[sflag:s1] =	ssyncset.done $0x0  }
0xe7: {  	[sflag:s1] =	ssyncadd.s32 $0xFFFFFC00  }
0xe8: {  	[spmem:s22] =	stream.linear.scatter [tilespmem:s31], [sflag:$0x1], $0x400, $0x38;
	[tilespmem:$0x10E68] =	vst v63  }
0xe9: {  	_ =	swait.ge [sflag:s1], $0x400  }
0xea: {  	[sflag:s1] =	ssyncset.done $0x0  }
0xeb: {  	[sflag:s1] =	ssyncadd.s32 $0xFFFFFC00  }
0xec: {  	[spmem:s23] =	stream.linear.scatter [tilespmem:s31], [sflag:$0x1], $0x400, $0x38;
	[tilespmem:$0x10E68] =	vst v63  }
0xed: {  	_ =	swait.ge [sflag:s1], $0x400  }
0xee: {  	[sflag:s1] =	ssyncset.done $0x0  }
0xef: {  	[sflag:s1] =	ssyncadd.s32 $0xFFFFFC00  }
0xf0: {  	[spmem:s24] =	stream.linear.scatter [tilespmem:s31], [sflag:$0x1], $0x400, $0x38;
	[tilespmem:$0x10E68] =	vst v63  }
0xf1: {  	_ =	swait.ge [sflag:s1], $0x400  }
0xf2: {  	[sflag:s1] =	ssyncset.done $0x0  }
0xf3: {  	[sflag:s1] =	ssyncadd.s32 $0xFFFFFC00  }
0xf4: {  	[spmem:s26] =	stream.linear.scatter [tilespmem:s31], [sflag:$0x1], $0x400, $0x38;
	[tilespmem:$0x10E68] =	vst v63  }
0xf5: {  	_ =	swait.ge [sflag:s1], $0x400  }
0xf6: {  	[sflag:s1] =	ssyncset.done $0x0  }
0xf7: {  	[sflag:s1] =	ssyncadd.s32 $0xFFFFFC00  }
0xf8: {  	[spmem:s28] =	stream.linear.scatter [tilespmem:s31], [sflag:$0x1], $0x400, $0x38;
	[tilespmem:$0x10E68] =	vst v63  }
0xf9: {  	_ =	swait.ge [sflag:s1], $0x400  }
0xfa: {  	[sflag:s1] =	ssyncset.done $0x0  }
0xfb: {  	[sflag:s1] =	ssyncadd.s32 $0xFFFFFC00  }
0xfc: {  	[spmem:s29] =	stream.linear.scatter [tilespmem:s31], [sflag:$0x1], $0x400, $0x38;
	[tilespmem:$0x10E68] =	vst v63  }
0xfd: {  	_ =	swait.ge [sflag:s1], $0x400  }
0xfe: {  	[sflag:s1] =	ssyncset.done $0x0  }
0xff: {  	[sflag:s1] =	ssyncadd.s32 $0xFFFFFC00  }
0x100: {  	[spmem:s30] =	stream.linear.scatter [tilespmem:s31], [sflag:$0x1], $0x400, $0x38;
	[tilespmem:$0x10E68] =	vst v63  }
0x101: {  	_ =	swait.ge [sflag:s1], $0x400  }
0x102: {  	[sflag:s1] =	ssyncset.done $0x0  }
0x103: {  	[sflag:s1] =	ssyncadd.s32 $0xFFFFFC00  }
0x104: {  	s9 =	sadd.s32 $0x0, s25;
	[bflag:$0x0] =	sbarrier.arrive $0xFFFF  }
0x105: {  	[tilespmem:s3], [sflag:$0x1] =	stream.linear.gather [hbm4b:s9+s3], $0x3E8, $0x38;
	[tilespmem:$0x10E68] =	vst v63  }
0x106: {  	_ =	swait.ge [sflag:s1], $0x3E8  }
0x107: {  	[sflag:s1] =	ssyncset.done $0x0  }
0x108: {  	[sflag:s1] =	ssyncadd.s32 $0xFFFFFC18  }
0x109: {  	[spmem:s2] =	stream.indirect.scatter.add.f32 [tilespmem:s0], [sflag:$0x1], $0x10, s3, s0, $0xb8;
	[tilespmem:$0x10E68] =	vst v63  }
0x10a: {  	_ =	swait.ge [sflag:s1], $0x3E80  }
0x10b: {  	s6 =	simm.s32 $0x7D;
	s7 =	simm.s32 $0xFA;
	[sflag:s1] =	ssyncset.done $0x0  }
.LBB2_6:
0x10c: {  	s8 =	sadd.s32 s6, s25  }
0x10d: {  	[sflag:s1] =	ssyncadd.s32 $0xFFFFC180;
	s6 =	smov.u32 s7;
	s9 =	sadd.s32 $0x7D, s7  }
0x10e: {  	[tilespmem:s3], [sflag:$0x1] =	stream.linear.gather [hbm4b:s8+s3], $0x3E8, $0x38;
	[tilespmem:$0x10E68] =	vst v63  }
0x10f: {  	p0 =	sne.s32 s7, $0xBB8;
	_ =	swait.ge [sflag:s1], $0x3E8  }
.Ltmp2:
0x110: {  	[sflag:s1] =	ssyncset.done $0x0;
	(pc) =	sbr.rel @p0 .LBB2_6-.Ltmp2, $4  }
0x111: {  	[sflag:s1] =	ssyncadd.s32 $0xFFFFFC18  }
0x112: {  	[spmem:s2] =	stream.indirect.scatter.add.f32 [tilespmem:s0], [sflag:$0x1], $0x10, s3, s0, $0xb8;
	[tilespmem:$0x10E68] =	vst v63  }
0x113: {  	_ =	swait.ge [sflag:s1], $0x3E80  }
0x114: {  	s7 =	smov.u32 s9;
	[sflag:s1] =	ssyncset.done $0x0  }
0x115: {  	s6 =	sadd.s32 s6, s25;
	[sflag:s1] =	ssyncadd.s32 $0xFFFFC180  }
0x116: {  	[tilespmem:s3], [sflag:$0x1] =	stream.linear.gather [hbm4b:s6+s3], $0x3E8, $0x38;
	[tilespmem:$0x10E68] =	vst v63  }
0x117: {  	_ =	swait.ge [sflag:s1], $0x3E8  }
0x118: {  	[sflag:s1] =	ssyncset.done $0x0  }
0x119: {  	[sflag:s1] =	ssyncadd.s32 $0xFFFFFC18  }
0x11a: {  	[spmem:s2] =	stream.indirect.scatter.add.f32 [tilespmem:s0], [sflag:$0x1], $0x10, s3, s0, $0xb8;
	[tilespmem:$0x10E68] =	vst v63  }
0x11b: {  	_ =	swait.ge [sflag:s1], $0x3E80  }
0x11c: {  	[sflag:s1] =	ssyncset.done $0x0  }
0x11d: {  	s8 =	stileid.u32;
	[sflag:s1] =	ssyncadd.s32 $0xFFFFC180  }
0x11e: {  	s6 =	sshll.u32 s8, $0x6;
	[bflag:$0x0] =	sbarrier.arrive $0xFFFF  }
0x11f: {  	s7 =	sshrl.u32 s4, $0x3;
	s6 =	sor.u32 $0x1C01, s6;
	s8 =	rddreg [dreg:$0x15]  }
0x120: {  	[hbm:s8], [sflag:s6] =	dma.local [spmem:s7], $0x1900  }
0x121: {  	_ =	swait.ge [sflag:s1], $0x1900  }
0x122: {  	s5 =	sadd.s32 $0x1, s5;
	s9 =	rddreg [dreg:$0x16]  }
0x123: {  	p0 =	sne.s32 s5, s9  }
.Ltmp3:
0x124: {  	_ = 	snop;
	(pc) =	sbr.rel @p0 .LBB2_1-.Ltmp3, $3  }
0x125: {  	_ =	sdelay $0x1  }
0x126: {  	[sflag:s1] =	ssyncset.done $0x0  }
0x127: {  	[sflag:s1] =	ssyncadd.s32 $0xFFFFE700  }
0x128: {  	_ =	sfence.sel $0x180000  }
0x129: {  	[bflag:$0x0] =	sbarrier.arrive $0xFFFF  }
0x12a: {  	_ =	strace $0x90000047  }
0x12b: {  	s0 =	stileid.u32;
	[bflag:$0x2] =	sbarrier.arrive $0xFFFF  }
0x12c: {  	p0 =	sne.s32 s0, $0x0;
	s0 =	rddreg [dreg:$0x2]  }
0x12d: {  	s0 =	sadd.s32 @!p0 $0x100000, s0  }
0x12e: {  	[sflag:s0] =	ssyncadd.tile.s32 @!p0 $0x1;
	_ =	shalt  }
.Lfunc_end2:
_tile_overlayer_lowered:
.L_overlay_start_2:
0x12f: {  	(tag) =	ssettag $0x2  }
0x130: {  	s0 =	rddreg [dreg:$0x0];
	s2 =	stileid.u32  }
0x131: {  	s1 =	rddreg [dreg:$0x1];
	p0 =	sne.s32 s2, $0x0  }
0x132: {  	s3 =	rddreg [dreg:$0x2];
	[bflag:$0x3] =	sbarrier.arrive $0xFFFF;
	s2 =	simm.s32 @!p0 $0x1C01  }
0x133: {  	[timem:s3], [sflag:s2] =	dma.local @!p0 [hbm:s0], s1  }
0x134: {  	s0 =	simm.s32 @!p0 $0x1  }
0x135: {  	_ =	swait.ge @!p0 [sflag:s0], s1  }
0x136: {  	s1 =	ssub.s32 @!p0 $0x0, s1;
	[sflag:s0] =	ssyncset.done @!p0 $0x0  }
0x137: {  	[sflag:s0] =	ssyncadd.s32 @!p0 s1  }
0x138: {  	[bflag:$0x3] =	sbarrier.arrive $0xFFFF  }
0x139: {  	_ =	shalt  }

// kernel: kernel.14.cloned.1.call-start
scs
__scs_entry_jumppad:
0x0: {  	(pc) =	sbr.rel $0x88, $3  }
0x1: {  	(tag) =	ssettag $0x0;
	lr =	simm.s32 $0x1  }
0x2: {  	[smem:$0x3F99] =	sst lr;
	_ =	strace $0xD0000000  }
0x3: {  	_ = 	snop  }
0x4: {  	_ = 	snop  }
0x5: {  	_ = 	snop  }
0x6: {  	_ = 	snop  }
0x7: {  	_ = 	snop  }
__scs_overlays_trampoline_lowered:
0x8: {  	[smem:$0x3FA8] =	sst s0  }
0x9: {  	[smem:$0x3FA9] =	sst s1  }
0xa: {  	[smem:$0x3FAA] =	sst s2  }
0xb: {  	[smem:$0x3FAB] =	sst s3  }
0xc: {  	[smem:$0x3FAC] =	sst s4  }
0xd: {  	[smem:$0x3FAD] =	sst s5  }
0xe: {  	[smem:$0x3FAE] =	sst s6  }
0xf: {  	[smem:$0x3FAF] =	sst s7  }
0x10: {  	[smem:$0x3FB0] =	sst s8  }
0x11: {  	[smem:$0x3FB1] =	sst s9;
	s0 =	simm.s32 @!p0 $0x0  }
0x12: {  	s1 =	sld [smem:$0x3F97];
	s0 =	simm.s32 @p0 $0x1  }
0x13: {  	[smem:$0x3FB2] =	sst s0;
	s0 =	simm.s32 @!p1 $0x0  }
0x14: {  	s2 =	sld [smem:$0x3F96];
	s0 =	simm.s32 @p1 $0x1  }
0x15: {  	[smem:$0x3FB3] =	sst s0;
	s0 =	simm.s32 @!p2 $0x0  }
0x16: {  	s3 =	sld [smem:$0x3FDB];
	s0 =	simm.s32 @p2 $0x1  }
0x17: {  	s4 =	simm.s32 $0x1BF5;
	[smem:$0x3FB5] =	sst s0  }
0x18: {  	s0 =	sld [smem:$0x3F98];
	_ =	swait.ge [sflag:s4], $0x0  }
0x19: {  	s7 =	sld [smem:$0x3F99]  }
0x1a: {  	s8 =	sadd.s32 $0xFFFFE003, lr  }
0x1b: {  	s9 =	sadd.s32 $0xFFFFFEF7, lr;
	s5 =	simm.s32 $0xFFFFFFFF;
	p2 =	slt.u32 s8, $0xFFFFF086  }
0x1c: {  	p1 =	slt.u32 s9, $0xF7A;
	s5 =	simm.s32 @!p2 $0x0  }
0x1d: {  	s5 =	simm.s32 @p1 $0x1;
	p0 =	seq.s32 s7, s2  }
0x1e: {  	s7 =	smul.u32 @!p0 $0xF7A, s2;
	p2 =	seq.s32 @!p0 s5, $0x0  }
0x1f: {  	s9 =	smul.u32 $0xF7A, s1;
	s8 =	simm.s32 @!p0 $0x1BF5;
	p2 =	por !p2, p0  }
0x20: {  	[sflag:s8] =	ssyncset.s32 @!p0 $0xFFFFF086;
	s6 =	sadd.s32 @!p0 s3, s7;
	s7 =	simm.s32 @!p0 $0x108  }
0x21: {  	s3 =	sadd.s32 s3, s9;
	s6 =	sadd.s32 @!p0 $0x88, s6;
	s7 =	simm.s32 @p2 $0x1082  }
0x22: {  	[simem:s7], [sflag:s8] =	dma.local @!p0 [hbm:s6], $0xF7A  }
0x23: {  	s9 =	sor.u32 $0xD0000000, s2;
	s6 =	simm.s32 $0x108;
	_ =	swait.ge @!p0 [sflag:s8], $0x0  }
0x24: {  	s3 =	sadd.s32 $0x88, s3;
	s6 =	simm.s32 @!p1 $0x1082;
	[sflag:s4] =	ssyncset.s32 $0xFFFFF086  }
0x25: {  	[simem:s6], [sflag:s4] =	dma.local [hbm:s3], $0xF7A  }
0x26: {  	[smem:$0x3F99] =	sst s1;
	(tag) =	ssettag s2;
	_ =	strace s9  }
0x27: {  	s1 =	sld [smem:$0x3FA9]  }
0x28: {  	s2 =	sld [smem:$0x3FAA]  }
0x29: {  	s4 =	sld [smem:$0x3FAC]  }
0x2a: {  	p0 =	seq.s32 s5, $0x0;
	s5 =	sld [smem:$0x3FAD]  }
0x2b: {  	s6 =	sld [smem:$0x3FAE]  }
0x2c: {  	s7 =	sld [smem:$0x3FAF]  }
0x2d: {  	s3 =	simm.s32 $0x108;
	s8 =	sld [smem:$0x3FB0]  }
0x2e: {  	s3 =	simm.s32 @!p0 $0x1082;
	s9 =	sld [smem:$0x3FB1]  }
0x2f: {  	lr =	sadd.s32 s0, s3;
	s0 =	sld [smem:$0x3FA8]  }
0x30: {  	s3 =	sld [smem:$0x3FAB]  }
0x31: {  	[smem:$0x3FB4] =	sst s10  }
0x32: {  	s10 =	sld [smem:$0x3FB2];
	_ =	sdelay $0x3  }
0x33: {  	p0 =	seq.s32 s10, $0x1;
	s10 =	sld [smem:$0x3FB4];
	_ =	sdelay $0x3  }
0x34: {  	[smem:$0x3FB4] =	sst s10  }
0x35: {  	s10 =	sld [smem:$0x3FB3];
	_ =	sdelay $0x3  }
0x36: {  	p1 =	seq.s32 s10, $0x1;
	s10 =	sld [smem:$0x3FB4];
	_ =	sdelay $0x3  }
0x37: {  	[smem:$0x3FB4] =	sst s10  }
0x38: {  	s10 =	sld [smem:$0x3FB5]  }
0x39: {  	_ = 	snop;
	(pc) =	sbr.ind lr, $3  }
0x3a: {  	_ = 	snop  }
0x3b: {  	_ = 	snop  }
0x3c: {  	p2 =	seq.s32 s10, $0x1;
	s10 =	sld [smem:$0x3FB4]  }
0x3d: {  	_ =	shalt  }
0x3e: {  	_ =	shalt  }
0x3f: {  	_ =	shalt  }
0x40: {  	_ =	shalt  }
0x41: {  	_ =	shalt  }
0x42: {  	_ =	shalt  }
0x43: {  	_ =	shalt  }
0x44: {  	_ =	shalt  }
0x45: {  	_ =	shalt  }
0x46: {  	_ =	shalt  }
0x47: {  	_ =	shalt  }
0x48: {  	_ =	shalt  }
0x49: {  	_ =	shalt  }
0x4a: {  	_ =	shalt  }
0x4b: {  	_ =	shalt  }
0x4c: {  	_ =	shalt  }
0x4d: {  	_ =	shalt  }
0x4e: {  	_ =	shalt  }
0x4f: {  	_ =	shalt  }
0x50: {  	_ =	shalt  }
0x51: {  	_ =	shalt  }
0x52: {  	_ =	shalt  }
0x53: {  	_ =	shalt  }
0x54: {  	_ =	shalt  }
0x55: {  	_ =	shalt  }
0x56: {  	_ =	shalt  }
0x57: {  	_ =	shalt  }
0x58: {  	_ =	shalt  }
0x59: {  	_ =	shalt  }
0x5a: {  	_ =	shalt  }
0x5b: {  	_ =	shalt  }
0x5c: {  	_ =	shalt  }
0x5d: {  	_ =	shalt  }
0x5e: {  	_ =	shalt  }
0x5f: {  	_ =	shalt  }
0x60: {  	_ =	shalt  }
0x61: {  	_ =	shalt  }
0x62: {  	_ =	shalt  }
0x63: {  	_ =	shalt  }
0x64: {  	_ =	shalt  }
0x65: {  	_ =	shalt  }
0x66: {  	_ =	shalt  }
0x67: {  	_ =	shalt  }
0x68: {  	_ =	shalt  }
0x69: {  	_ =	shalt  }
0x6a: {  	_ =	shalt  }
0x6b: {  	_ =	shalt  }
0x6c: {  	_ =	shalt  }
0x6d: {  	_ =	shalt  }
0x6e: {  	_ =	shalt  }
0x6f: {  	_ =	shalt  }
0x70: {  	_ =	shalt  }
0x71: {  	_ =	shalt  }
0x72: {  	_ =	shalt  }
0x73: {  	_ =	shalt  }
0x74: {  	_ =	shalt  }
0x75: {  	_ =	shalt  }
0x76: {  	_ =	shalt  }
0x77: {  	_ =	shalt  }
0x78: {  	_ =	shalt  }
0x79: {  	_ =	shalt  }
0x7a: {  	_ =	shalt  }
0x7b: {  	_ =	shalt  }
0x7c: {  	_ =	shalt  }
0x7d: {  	_ =	shalt  }
0x7e: {  	_ =	shalt  }
0x7f: {  	_ =	shalt  }
0x80: {  	_ =	shalt  }
0x81: {  	_ =	shalt  }
0x82: {  	_ =	shalt  }
0x83: {  	_ =	shalt  }
0x84: {  	_ =	shalt  }
0x85: {  	_ =	shalt  }
0x86: {  	_ =	shalt  }
0x87: {  	_ =	shalt  }
.Lfunc_end0:
.L_simem_size_0:
called_computation.1_lowered:
.L_overlay_start_0:
0x88: {  	s2 =	sld [smem:$0x3FD9]  }
0x89: {  	s3 =	sld [smem:$0x3FFE];
	_ =	sdelay $0x1  }
0x8a: {  	s1 =	srdreg.scid  }
0x8b: {  	s0 =	sand.u32 $0x1, s1  }
0x8c: {  	s16 =	sshll.u32 s0, $0xA;
	s2 =	sadd.s32 s3, s2  }
0x8d: {  	s2 =	sadd.s32 s2, s16  }
0x8e: {  	[smem:$0x3FC0] =	sst s2  }
0x8f: {  	_ = 	snop  }
0x90: {  	(tm) =	ssettm $0x1  }
0x91: {  	s17 =	sld [smem:$0x3FFB];
	_ =	sdelay $0x3  }
0x92: {  	_ =	strace s17  }
0x93: {  	s2 =	sld [smem:$0x3FFC];
	_ =	sdelay $0x3  }
0x94: {  	_ =	strace s2  }
0x95: {  	s2 =	sld [smem:$0x3FFD];
	_ =	sdelay $0x3  }
0x96: {  	_ =	strace s2  }
0x97: {  	_ =	strace $0x8FFFFFFF  }
0x98: {  	s18 =	sld [smem:$0x3FDB];
	_ =	sdelay $0x1  }
0x99: {  	s19 =	simm.s32 $_scs_section_size  }
0x9a: {  	s4 =	simm.s32 $_size__tile_overlayer_lowered;
	s5 =	simm.s32 $_tile_overlayer_lowered  }
0x9b: {  	s22 =	simm.s32 $0x1BFF;
	s21 =	sshll.u32 s5, $0x1;
	s2 =	sadd.s32 s19, s18  }
0x9c: {  	s6 =	simm.s32 $0x0;
	s20 =	sshll.u32 s4, $0x1;
	s4 =	sadd.s32 s21, s2  }
0x9d: {  	[timem:s6], [sflag:s22] =	dma.local [hbm:s4], s20  }
0x9e: {  	_ =	swait.ge [sflag:s22], s20  }
0x9f: {  	s3 =	ssub.s32 $0x0, s20;
	[sflag:s22] =	ssyncset.done $0x0  }
0xa0: {  	[sflag:s22] =	ssyncadd.s32 s3;
	_ =	sdelay $0x1  }
0xa1: {  	s23 =	simm.s32 $0x1B8B  }
0xa2: {  	_ =	swait.ge [sflag:s23], $0x1  }
0xa3: {  	[sflag:s23] =	ssyncset.done $0x0  }
0xa4: {  	s25 =	simm.s32 $0x1B8E;
	s24 =	sld [smem:$0x3FFE];
	[sflag:s23] =	ssyncadd.s32 $0xFFFFFFFF  }
0xa5: {  	s26 =	simm.s32 $execute0_lowered;
	[smem:$0x3FD2] =	sst s25  }
0xa6: {  	s4 =	sshll.u32 s26, $0x1;
	_ =	strace $0x80000049;
	[dreg:$0x1] =	wrdreg $0xFFFFFFFF  }
0xa7: {  	s28 =	simm.s32 $_size_execute0_lowered;
	s2 =	sadd.s32 s2, s4;
	[dreg:$0x0] =	wrdreg $0x0  }
0xa8: {  	s4 =	sshll.u32 s28, $0x1;
	[dreg:$0x2] =	wrdreg s2  }
0xa9: {  	[dreg:$0x3] =	wrdreg s4  }
0xaa: {  	[dreg:$0x4] =	wrdreg $0xC0  }
0xab: {  	_ =	task [dreg:s6], $0x5FFFF  }
0xac: {  	[dreg:$0x1] =	wrdreg $0xFFFFFFFF  }
0xad: {  	[dreg:$0x0] =	wrdreg $0x60  }
0xae: {  	[dreg:$0x2] =	wrdreg s24  }
0xaf: {  	[dreg:$0x3] =	wrdreg $0x6A400  }
0xb0: {  	[dreg:$0x4] =	wrdreg $0x9  }
0xb1: {  	_ =	task.clear_ibuf [dreg:s6], $0x5FFFF;
	_ =	strace $0x90000049  }
0xb2: {  	s29 =	simm.s32 $0x9;
	_ =	strace $0x8000004B  }
0xb3: {  	_ =	swait.ge [sflag:s29], $0x1  }
0xb4: {  	[sflag:s29] =	ssyncadd.s32 $0xFFFFFFFF  }
0xb5: {  	_ =	strace $0x9000004B  }
0xb6: {  	_ =	sfence  }
0xb7: {  	s30 =	sld [smem:$0x0];
	_ =	sdelay $0x2  }
0xb8: {  	s31 =	sshll.u32 s1, $0xD;
	s1 =	sshrl.u32 s1, $0x2  }
0xb9: {  	s3 =	sand.u32 $0x4000, s31;
	s1 =	sadd.s32 s1, s30  }
0xba: {  	s0 =	sor.u32 s3, s0;
	s1 =	sshll.u32 s1, $0x11  }
0xbb: {  	s0 =	sor.u32 s1, s0  }
0xbc: {  	s0 =	sadd.s32 $0x8F2B, s0  }
0xbd: {  	[sflag:s0] =	ssyncadd.remote.s32 $0x1  }
0xbe: {  	_ =	sfence.sel $0xFFFF  }
0xbf: {  	[dreg:$0x0] =	wrdreg $0xFFFFFFFF;
	(pc) =	sbr.abs _section_cstart, $3  }
0xc0: {  	[dreg:$0x1] =	wrdreg $0xFFFFFFFF  }
0xc1: {  	_ =	task.clear_ibuf [dreg:s6], $0x2FFFF;
	_ =	strace $0x9FFFFFFF  }
0xc2: {  	(tm) =	ssettm $0x7FFFFFFF  }
0xc3: {  	_ =	shalt  }
tec
execute0_lowered:
.L_overlay_start_1:
0x0: {  	(tag) =	ssettag $0x1  }
0x1: {  	s0 =	rddreg [dreg:$0x0]  }
0x2: {  	s1 =	rddreg [dreg:$0x1]  }
0x3: {  	s2 =	srdreg.scid;
	s3 =	simm.s32 $0x0;
	s11 =	stileid.u32  }
0x4: {  	s19 =	simm.s32 $0x190;
	s20 =	simm.s32 $0x1;
	s21 =	simm.s32 $0x320  }
0x5: {  	s28 =	simm.s32 $0x5;
	s29 =	simm.s32 $0x4;
	s30 =	simm.s32 $0x6  }
0x6: {  	s31 =	simm.s32 $0x0;
	s2 =	sand.u32 $0x1, s2;
	s5 =	smul.u32 $0xC38, s11  }
0x7: {  	[smem:$0x7FF] =	sst s3;
	s16 =	sadd.s32 $0x1C00, s0;
	s22 =	smul.u32 $0x18700, s11  }
0x8: {  	s15 =	sadd.s32 $0x1A400, s0;
	s7 =	smul.u32 $0xC350, s11;
	s24 =	sshll.u32 s11, $0x6  }
0x9: {  	s18 =	smul.u32 $0x186A, s11;
	s4 =	ssub.s32 $0x0, s2;
	_ =	strace $0x8000004A  }
0xa: {  	s2 =	ssub.s32 $0x2, s2;
	s6 =	sand.u32 $0x30E00, s4;
	s4 =	sand.u32 $0xCB20, s4  }
0xb: {  	s23 =	sshrl.u32 s2, $0x1;
	s17 =	sadd.s32 s22, s1;
	s13 =	sshrl.u32 s7, $0x3  }
0xc: {  	s6 =	sadd.s32 s6, s0;
	s4 =	sadd.s32 s5, s4;
	s2 =	ssub.s32 s2, s23  }
0xd: {  	s5 =	sshrl.u32 s22, $0x3;
	s25 =	sadd.s32 s16, s13;
	s8 =	sadd.s32 s15, s13  }
0xe: {  	s10 =	sadd.s32 $0x32, s13;
	s26 =	sadd.s32 $0x1838, s13;
	s17 =	sshrl.u32 s17, $0x3  }
0xf: {  	s22 =	simm.s32 $0x4B0;
	s23 =	simm.s32 $0x640;
	s4 =	sshll.u32 s4, $0x2  }
0x10: {  	[dreg:$0x4] =	wrdreg s25;
	s9 =	sadd.s32 s16, s10;
	s10 =	sadd.s32 s15, s10  }
0x11: {  	s12 =	smax.u32 s2, $0x1;
	s13 =	sadd.s32 s16, s26;
	s14 =	sadd.s32 s15, s26  }
0x12: {  	s15 =	sadd.s32 s18, s15;
	s16 =	sadd.s32 s18, s16;
	s18 =	simm.s32 $0x7  }
0x13: {  	s25 =	simm.s32 $0x2;
	s0 =	sadd.s32 s4, s0;
	s4 =	sadd.s32 $0x32C00, s6  }
0x14: {  	s26 =	simm.s32 $0x3840;
	s6 =	sor.u32 $0x1C07, s24;
	s5 =	sadd.s32 s5, s4  }
0x15: {  	s24 =	simm.s32 $0x3;
	s11 =	sadd.s32 $0x94800, s0;
	[dreg:$0x3] =	wrdreg s5  }
.LBB2_1:
0x16: {  	s0 =	rddreg [dreg:$0x3]  }
0x17: {  	[spmem:s17], [sflag:s6] =	dma.local [hbm:s0], $0x30E0  }
0x18: {  	_ =	swait.ge [sflag:s18], $0x30E0  }
0x19: {  	[sflag:s18] =	ssyncset.done $0x0  }
0x1a: {  	[sflag:s18] =	ssyncadd.s32 $0xFFFFCF20  }
0x1b: {  	[bflag:$0x0] =	sbarrier.arrive $0xFFFF  }
0x1c: {  	s5 =	rddreg [dreg:$0x4]  }
0x1d: {  	[tilespmem:s3], [sflag:$0x1] =	stream.linear.gather [hbm4b:s5+s3], $0x190, $0x38;
	[tilespmem:$0x1F140] =	vst v63  }
0x1e: {  	_ = 	snop  }
0x1f: {  	[tilespmem:s19], [sflag:$0x1] =	stream.linear.gather [hbm4b:s8+s3], $0x190, $0x38;
	[tilespmem:$0x1F140] =	vst v63  }
0x20: {  	_ =	swait.ge [sflag:s20], $0x190  }
0x21: {  	[sflag:s20] =	ssyncset.done $0x0  }
0x22: {  	[sflag:s20] =	ssyncadd.s32 $0xFFFFFE70  }
0x23: {  	_ =	swait.ge [sflag:s20], $0x190  }
0x24: {  	[sflag:s20] =	ssyncset.done $0x0  }
0x25: {  	[sflag:s20] =	ssyncadd.s32 $0xFFFFFE70  }
0x26: {  	[tilespmem:s21], [sflag:$0x2] =	stream.linear.gather [hbm4b:s9+s3], $0x190, $0x38;
	[tilespmem:$0x1F140] =	vst v63  }
0x27: {  	_ = 	snop  }
0x28: {  	[tilespmem:s22], [sflag:$0x2] =	stream.linear.gather [hbm4b:s10+s3], $0x190, $0x38;
	[tilespmem:$0x1F140] =	vst v63  }
0x29: {  	_ = 	snop  }
0x2a: {  	[tilespmem:s23], [sflag:$0x3] =	stream.indirect.gather [hbm4b:s4+s19], $0x20, s3, s19, $0xb8;
	[tilespmem:$0x1F140] =	vst v63  }
0x2b: {  	_ =	swait.ge [sflag:s24], $0x3200  }
0x2c: {  	[sflag:s24] =	ssyncset.done $0x0  }
0x2d: {  	[sflag:s24] =	ssyncadd.s32 $0xFFFFCE00  }
0x2e: {  	[spmem:s1] =	stream.indirect.scatter.add.f32 [tilespmem:s23], [sflag:$0x5], $0x20, s19, s19, $0xb8;
	[tilespmem:$0x1F140] =	vst v63  }
0x2f: {  	_ =	swait.ge [sflag:s25], $0x190  }
0x30: {  	[sflag:s25] =	ssyncset.done $0x0  }
0x31: {  	[sflag:s25] =	ssyncadd.s32 $0xFFFFFE70  }
0x32: {  	_ =	swait.ge [sflag:s25], $0x190  }
0x33: {  	[sflag:s25] =	ssyncset.done $0x0  }
0x34: {  	[sflag:s25] =	ssyncadd.s32 $0xFFFFFE70  }
0x35: {  	[tilespmem:s26], [sflag:$0x4] =	stream.indirect.gather [hbm4b:s4+s19], $0x20, s21, s19, $0xb8;
	[tilespmem:$0x1F140] =	vst v63  }
0x36: {  	_ =	swait.ge [sflag:s28], $0x3200  }
0x37: {  	s0 =	sadd.s32 $0xFFFFE82C, s16;
	[sflag:s28] =	ssyncset.done $0x0  }
0x38: {  	s2 =	sadd.s32 $0x1838, s0;
	s5 =	sadd.s32 $0xFFFFE82C, s15;
	[sflag:s28] =	ssyncadd.s32 $0xFFFFCE00  }
0x39: {  	[tilespmem:s3], [sflag:$0x1] =	stream.linear.gather [hbm4b:s2+s3], $0x190, $0x38;
	[tilespmem:$0x1F140] =	vst v63  }
0x3a: {  	s7 =	sadd.s32 $0x1838, s5  }
0x3b: {  	[tilespmem:s19], [sflag:$0x1] =	stream.linear.gather [hbm4b:s7+s3], $0x190, $0x38;
	[tilespmem:$0x1F140] =	vst v63  }
0x3c: {  	_ =	swait.ge [sflag:s29], $0x3200  }
0x3d: {  	[sflag:s29] =	ssyncset.done $0x0  }
0x3e: {  	[sflag:s29] =	ssyncadd.s32 $0xFFFFCE00  }
0x3f: {  	[spmem:s1] =	stream.indirect.scatter.add.f32 [tilespmem:s26], [sflag:$0x6], $0x20, s22, s19, $0xb8;
	[tilespmem:$0x1F140] =	vst v63  }
0x40: {  	_ =	swait.ge [sflag:s20], $0x190  }
0x41: {  	[sflag:s20] =	ssyncset.done $0x0  }
0x42: {  	[sflag:s20] =	ssyncadd.s32 $0xFFFFFE70  }
0x43: {  	_ =	swait.ge [sflag:s20], $0x190  }
0x44: {  	[sflag:s20] =	ssyncset.done $0x0  }
0x45: {  	[sflag:s20] =	ssyncadd.s32 $0xFFFFFE70  }
0x46: {  	[tilespmem:s23], [sflag:$0x3] =	stream.indirect.gather [hbm4b:s4+s19], $0x20, s3, s19, $0xb8;
	[tilespmem:$0x1F140] =	vst v63  }
0x47: {  	_ =	swait.ge [sflag:s30], $0x3200  }
0x48: {  	[sflag:s30] =	ssyncset.done $0x0  }
0x49: {  	s0 =	sadd.s32 $0x186A, s0;
	[sflag:s30] =	ssyncadd.s32 $0xFFFFCE00  }
0x4a: {  	[tilespmem:s21], [sflag:$0x2] =	stream.linear.gather [hbm4b:s0+s3], $0x190, $0x38;
	[tilespmem:$0x1F140] =	vst v63  }
0x4b: {  	s2 =	sadd.s32 $0x186A, s5;
	s0 =	simm.s32 $0xFFFFE890  }
.LBB2_2:
0x4c: {  	[tilespmem:s22], [sflag:$0x2] =	stream.linear.gather [hbm4b:s2+s3], $0x190, $0x38;
	[tilespmem:$0x1F140] =	vst v63  }
0x4d: {  	s2 =	smov.u32 s0  }
0x4e: {  	p0 =	sne.s32 s0, $0xFFFFFF9C;
	s0 =	sadd.s32 $0x64, s0;
	_ =	swait.ge [sflag:s24], $0x3200  }
0x4f: {  	[sflag:s24] =	ssyncset.done $0x0  }
0x50: {  	[sflag:s24] =	ssyncadd.s32 $0xFFFFCE00  }
0x51: {  	[spmem:s1] =	stream.indirect.scatter.add.f32 [tilespmem:s23], [sflag:$0x5], $0x20, s19, s19, $0xb8;
	[tilespmem:$0x1F140] =	vst v63  }
0x52: {  	_ =	swait.ge [sflag:s25], $0x190  }
0x53: {  	[sflag:s25] =	ssyncset.done $0x0  }
0x54: {  	[sflag:s25] =	ssyncadd.s32 $0xFFFFFE70  }
0x55: {  	_ =	swait.ge [sflag:s25], $0x190  }
0x56: {  	[sflag:s25] =	ssyncset.done $0x0  }
0x57: {  	[sflag:s25] =	ssyncadd.s32 $0xFFFFFE70  }
0x58: {  	[tilespmem:s26], [sflag:$0x4] =	stream.indirect.gather [hbm4b:s4+s19], $0x20, s21, s19, $0xb8;
	[tilespmem:$0x1F140] =	vst v63  }
0x59: {  	_ =	swait.ge [sflag:s28], $0x3200  }
0x5a: {  	s5 =	sadd.s32 s2, s16;
	[sflag:s28] =	ssyncset.done $0x0  }
0x5b: {  	s2 =	sadd.s32 s2, s15;
	s7 =	sadd.s32 $0x1838, s5;
	[sflag:s28] =	ssyncadd.s32 $0xFFFFCE00  }
0x5c: {  	[tilespmem:s3], [sflag:$0x1] =	stream.linear.gather [hbm4b:s7+s3], $0x190, $0x38;
	[tilespmem:$0x1F140] =	vst v63  }
0x5d: {  	s7 =	sadd.s32 $0x1838, s2  }
0x5e: {  	[tilespmem:s19], [sflag:$0x1] =	stream.linear.gather [hbm4b:s7+s3], $0x190, $0x38;
	[tilespmem:$0x1F140] =	vst v63  }
0x5f: {  	_ =	swait.ge [sflag:s29], $0x3200  }
0x60: {  	[sflag:s29] =	ssyncset.done $0x0  }
0x61: {  	[sflag:s29] =	ssyncadd.s32 $0xFFFFCE00  }
0x62: {  	[spmem:s1] =	stream.indirect.scatter.add.f32 [tilespmem:s26], [sflag:$0x6], $0x20, s22, s19, $0xb8;
	[tilespmem:$0x1F140] =	vst v63  }
0x63: {  	_ =	swait.ge [sflag:s20], $0x190  }
0x64: {  	[sflag:s20] =	ssyncset.done $0x0  }
0x65: {  	[sflag:s20] =	ssyncadd.s32 $0xFFFFFE70  }
0x66: {  	_ =	swait.ge [sflag:s20], $0x190  }
0x67: {  	[sflag:s20] =	ssyncset.done $0x0  }
0x68: {  	[sflag:s20] =	ssyncadd.s32 $0xFFFFFE70  }
0x69: {  	[tilespmem:s23], [sflag:$0x3] =	stream.indirect.gather [hbm4b:s4+s19], $0x20, s3, s19, $0xb8;
	[tilespmem:$0x1F140] =	vst v63  }
.Ltmp0:
0x6a: {  	_ =	swait.ge [sflag:s30], $0x3200;
	(pc) =	sbr.rel @p0 .LBB2_2-.Ltmp0, $4  }
0x6b: {  	[sflag:s30] =	ssyncset.done $0x0  }
0x6c: {  	s5 =	sadd.s32 $0x186A, s5;
	[sflag:s30] =	ssyncadd.s32 $0xFFFFCE00  }
0x6d: {  	[tilespmem:s21], [sflag:$0x2] =	stream.linear.gather [hbm4b:s5+s3], $0x190, $0x38;
	[tilespmem:$0x1F140] =	vst v63  }
0x6e: {  	s2 =	sadd.s32 $0x186A, s2  }
0x6f: {  	[tilespmem:s22], [sflag:$0x2] =	stream.linear.gather [hbm4b:s2+s3], $0x190, $0x38;
	[tilespmem:$0x1F140] =	vst v63  }
0x70: {  	_ =	swait.ge [sflag:s24], $0x3200  }
0x71: {  	[sflag:s24] =	ssyncset.done $0x0  }
0x72: {  	[sflag:s24] =	ssyncadd.s32 $0xFFFFCE00  }
0x73: {  	[spmem:s1] =	stream.indirect.scatter.add.f32 [tilespmem:s23], [sflag:$0x5], $0x20, s19, s19, $0xb8;
	[tilespmem:$0x1F140] =	vst v63  }
0x74: {  	_ =	swait.ge [sflag:s25], $0x190  }
0x75: {  	[sflag:s25] =	ssyncset.done $0x0  }
0x76: {  	[sflag:s25] =	ssyncadd.s32 $0xFFFFFE70  }
0x77: {  	_ =	swait.ge [sflag:s25], $0x190  }
0x78: {  	[sflag:s25] =	ssyncset.done $0x0  }
0x79: {  	[sflag:s25] =	ssyncadd.s32 $0xFFFFFE70  }
0x7a: {  	[tilespmem:s26], [sflag:$0x4] =	stream.indirect.gather [hbm4b:s4+s19], $0x20, s21, s19, $0xb8;
	[tilespmem:$0x1F140] =	vst v63  }
0x7b: {  	_ =	swait.ge [sflag:s28], $0x3200  }
0x7c: {  	[sflag:s28] =	ssyncset.done $0x0  }
0x7d: {  	[sflag:s28] =	ssyncadd.s32 $0xFFFFCE00  }
0x7e: {  	[tilespmem:s3], [sflag:$0x1] =	stream.linear.gather [hbm4b:s13+s3], $0x190, $0x38;
	[tilespmem:$0x1F140] =	vst v63  }
0x7f: {  	_ = 	snop  }
0x80: {  	[tilespmem:s19], [sflag:$0x1] =	stream.linear.gather [hbm4b:s14+s3], $0x190, $0x38;
	[tilespmem:$0x1F140] =	vst v63  }
0x81: {  	_ =	swait.ge [sflag:s29], $0x3200  }
0x82: {  	[sflag:s29] =	ssyncset.done $0x0  }
0x83: {  	[sflag:s29] =	ssyncadd.s32 $0xFFFFCE00  }
0x84: {  	[spmem:s1] =	stream.indirect.scatter.add.f32 [tilespmem:s26], [sflag:$0x6], $0x20, s22, s19, $0xb8;
	[tilespmem:$0x1F140] =	vst v63  }
0x85: {  	_ =	swait.ge [sflag:s20], $0x190  }
0x86: {  	[sflag:s20] =	ssyncset.done $0x0  }
0x87: {  	[sflag:s20] =	ssyncadd.s32 $0xFFFFFE70  }
0x88: {  	_ =	swait.ge [sflag:s20], $0x190  }
0x89: {  	[sflag:s20] =	ssyncset.done $0x0  }
0x8a: {  	[sflag:s20] =	ssyncadd.s32 $0xFFFFFE70  }
0x8b: {  	[tilespmem:s23], [sflag:$0x3] =	stream.indirect.gather [hbm4b:s4+s19], $0x20, s3, s19, $0xb8;
	[tilespmem:$0x1F140] =	vst v63  }
0x8c: {  	_ =	swait.ge [sflag:s30], $0x3200  }
0x8d: {  	[sflag:s30] =	ssyncset.done $0x0  }
0x8e: {  	[sflag:s30] =	ssyncadd.s32 $0xFFFFCE00  }
0x8f: {  	[tilespmem:s21], [sflag:$0x2] =	stream.linear.gather [hbm4b:s13+s3], $0x190, $0x38;
	[tilespmem:$0x1F140] =	vst v63  }
0x90: {  	_ = 	snop  }
0x91: {  	[tilespmem:s22], [sflag:$0x2] =	stream.linear.gather [hbm4b:s14+s3], $0x190, $0x38;
	[tilespmem:$0x1F140] =	vst v63  }
0x92: {  	_ =	swait.ge [sflag:s24], $0x3200  }
0x93: {  	[sflag:s24] =	ssyncset.done $0x0  }
0x94: {  	[sflag:s24] =	ssyncadd.s32 $0xFFFFCE00  }
0x95: {  	[spmem:s1] =	stream.indirect.scatter.add.f32 [tilespmem:s23], [sflag:$0x5], $0x20, s19, s19, $0xb8;
	[tilespmem:$0x1F140] =	vst v63  }
0x96: {  	_ =	swait.ge [sflag:s28], $0x3200  }
0x97: {  	[sflag:s28] =	ssyncset.done $0x0  }
0x98: {  	[sflag:s28] =	ssyncadd.s32 $0xFFFFCE00  }
0x99: {  	_ =	swait.ge [sflag:s25], $0x190  }
0x9a: {  	[sflag:s25] =	ssyncset.done $0x0  }
0x9b: {  	[sflag:s25] =	ssyncadd.s32 $0xFFFFFE70  }
0x9c: {  	_ =	swait.ge [sflag:s25], $0x190  }
0x9d: {  	s31 =	sadd.s32 $0x1, s31;
	[sflag:s25] =	ssyncset.done $0x0  }
0x9e: {  	p0 =	sne.s32 s31, s12;
	[sflag:s25] =	ssyncadd.s32 $0xFFFFFE70  }
.Ltmp1:
0x9f: {  	[bflag:$0x0] =	sbarrier.arrive $0xFFFF;
	(pc) =	sbr.rel @p0 .LBB2_1-.Ltmp1, $4  }
0xa0: {  	[hbm:s11], [sflag:s6] =	dma.local [spmem:s17], $0x30E0  }
0xa1: {  	_ =	swait.ge [sflag:s18], $0x30E0  }
0xa2: {  	[sflag:s18] =	ssyncset.done $0x0  }
0xa3: {  	[sflag:s18] =	ssyncadd.s32 $0xFFFFCF20  }
0xa4: {  	_ =	sfence.sel $0x180000  }
0xa5: {  	[bflag:$0x0] =	sbarrier.arrive $0xFFFF  }
0xa6: {  	_ =	strace $0x9000004A  }
0xa7: {  	s0 =	stileid.u32;
	[bflag:$0x2] =	sbarrier.arrive $0xFFFF  }
0xa8: {  	p0 =	sne.s32 s0, $0x0;
	s0 =	rddreg [dreg:$0x2]  }
0xa9: {  	s0 =	sadd.s32 @!p0 $0x100000, s0  }
0xaa: {  	[sflag:s0] =	ssyncadd.tile.s32 @!p0 $0x1;
	_ =	shalt  }
.Lfunc_end2:
_tile_overlayer_lowered:
.L_overlay_start_2:
0xab: {  	(tag) =	ssettag $0x2  }
0xac: {  	s0 =	rddreg [dreg:$0x0];
	s2 =	stileid.u32  }
0xad: {  	s1 =	rddreg [dreg:$0x1];
	p0 =	sne.s32 s2, $0x0  }
0xae: {  	s3 =	rddreg [dreg:$0x2];
	[bflag:$0x3] =	sbarrier.arrive $0xFFFF;
	s2 =	simm.s32 @!p0 $0x1C07  }
0xaf: {  	[timem:s3], [sflag:s2] =	dma.local @!p0 [hbm:s0], s1  }
0xb0: {  	s0 =	simm.s32 @!p0 $0x7  }
0xb1: {  	_ =	swait.ge @!p0 [sflag:s0], s1  }
0xb2: {  	s1 =	ssub.s32 @!p0 $0x0, s1;
	[sflag:s0] =	ssyncset.done @!p0 $0x0  }
0xb3: {  	[sflag:s0] =	ssyncadd.s32 @!p0 s1  }
0xb4: {  	[bflag:$0x3] =	sbarrier.arrive $0xFFFF  }
0xb5: {  	_ =	shalt  }

// kernel: kernel.17.cloned.1.call-start
scs
__scs_entry_jumppad:
0x0: {  	(pc) =	sbr.rel $0x88, $3  }
0x1: {  	(tag) =	ssettag $0x0;
	lr =	simm.s32 $0x1  }
0x2: {  	[smem:$0x3F99] =	sst lr;
	_ =	strace $0xD0000000  }
0x3: {  	_ = 	snop  }
0x4: {  	_ = 	snop  }
0x5: {  	_ = 	snop  }
0x6: {  	_ = 	snop  }
0x7: {  	_ = 	snop  }
__scs_overlays_trampoline_lowered:
0x8: {  	[smem:$0x3FA8] =	sst s0  }
0x9: {  	[smem:$0x3FA9] =	sst s1  }
0xa: {  	[smem:$0x3FAA] =	sst s2  }
0xb: {  	[smem:$0x3FAB] =	sst s3  }
0xc: {  	[smem:$0x3FAC] =	sst s4  }
0xd: {  	[smem:$0x3FAD] =	sst s5  }
0xe: {  	[smem:$0x3FAE] =	sst s6  }
0xf: {  	[smem:$0x3FAF] =	sst s7  }
0x10: {  	[smem:$0x3FB0] =	sst s8  }
0x11: {  	[smem:$0x3FB1] =	sst s9;
	s0 =	simm.s32 @!p0 $0x0  }
0x12: {  	s1 =	sld [smem:$0x3F97];
	s0 =	simm.s32 @p0 $0x1  }
0x13: {  	[smem:$0x3FB2] =	sst s0;
	s0 =	simm.s32 @!p1 $0x0  }
0x14: {  	s2 =	sld [smem:$0x3F96];
	s0 =	simm.s32 @p1 $0x1  }
0x15: {  	[smem:$0x3FB3] =	sst s0;
	s0 =	simm.s32 @!p2 $0x0  }
0x16: {  	s3 =	sld [smem:$0x3FDB];
	s0 =	simm.s32 @p2 $0x1  }
0x17: {  	s4 =	simm.s32 $0x1BF5;
	[smem:$0x3FB5] =	sst s0  }
0x18: {  	s0 =	sld [smem:$0x3F98];
	_ =	swait.ge [sflag:s4], $0x0  }
0x19: {  	s7 =	sld [smem:$0x3F99]  }
0x1a: {  	s8 =	sadd.s32 $0xFFFFE003, lr  }
0x1b: {  	s9 =	sadd.s32 $0xFFFFFEF7, lr;
	s5 =	simm.s32 $0xFFFFFFFF;
	p2 =	slt.u32 s8, $0xFFFFF086  }
0x1c: {  	p1 =	slt.u32 s9, $0xF7A;
	s5 =	simm.s32 @!p2 $0x0  }
0x1d: {  	s5 =	simm.s32 @p1 $0x1;
	p0 =	seq.s32 s7, s2  }
0x1e: {  	s7 =	smul.u32 @!p0 $0xF7A, s2;
	p2 =	seq.s32 @!p0 s5, $0x0  }
0x1f: {  	s9 =	smul.u32 $0xF7A, s1;
	s8 =	simm.s32 @!p0 $0x1BF5;
	p2 =	por !p2, p0  }
0x20: {  	[sflag:s8] =	ssyncset.s32 @!p0 $0xFFFFF086;
	s6 =	sadd.s32 @!p0 s3, s7;
	s7 =	simm.s32 @!p0 $0x108  }
0x21: {  	s3 =	sadd.s32 s3, s9;
	s6 =	sadd.s32 @!p0 $0x88, s6;
	s7 =	simm.s32 @p2 $0x1082  }
0x22: {  	[simem:s7], [sflag:s8] =	dma.local @!p0 [hbm:s6], $0xF7A  }
0x23: {  	s9 =	sor.u32 $0xD0000000, s2;
	s6 =	simm.s32 $0x108;
	_ =	swait.ge @!p0 [sflag:s8], $0x0  }
0x24: {  	s3 =	sadd.s32 $0x88, s3;
	s6 =	simm.s32 @!p1 $0x1082;
	[sflag:s4] =	ssyncset.s32 $0xFFFFF086  }
0x25: {  	[simem:s6], [sflag:s4] =	dma.local [hbm:s3], $0xF7A  }
0x26: {  	[smem:$0x3F99] =	sst s1;
	(tag) =	ssettag s2;
	_ =	strace s9  }
0x27: {  	s1 =	sld [smem:$0x3FA9]  }
0x28: {  	s2 =	sld [smem:$0x3FAA]  }
0x29: {  	s4 =	sld [smem:$0x3FAC]  }
0x2a: {  	p0 =	seq.s32 s5, $0x0;
	s5 =	sld [smem:$0x3FAD]  }
0x2b: {  	s6 =	sld [smem:$0x3FAE]  }
0x2c: {  	s7 =	sld [smem:$0x3FAF]  }
0x2d: {  	s3 =	simm.s32 $0x108;
	s8 =	sld [smem:$0x3FB0]  }
0x2e: {  	s3 =	simm.s32 @!p0 $0x1082;
	s9 =	sld [smem:$0x3FB1]  }
0x2f: {  	lr =	sadd.s32 s0, s3;
	s0 =	sld [smem:$0x3FA8]  }
0x30: {  	s3 =	sld [smem:$0x3FAB]  }
0x31: {  	[smem:$0x3FB4] =	sst s10  }
0x32: {  	s10 =	sld [smem:$0x3FB2];
	_ =	sdelay $0x3  }
0x33: {  	p0 =	seq.s32 s10, $0x1;
	s10 =	sld [smem:$0x3FB4];
	_ =	sdelay $0x3  }
0x34: {  	[smem:$0x3FB4] =	sst s10  }
0x35: {  	s10 =	sld [smem:$0x3FB3];
	_ =	sdelay $0x3  }
0x36: {  	p1 =	seq.s32 s10, $0x1;
	s10 =	sld [smem:$0x3FB4];
	_ =	sdelay $0x3  }
0x37: {  	[smem:$0x3FB4] =	sst s10  }
0x38: {  	s10 =	sld [smem:$0x3FB5]  }
0x39: {  	_ = 	snop;
	(pc) =	sbr.ind lr, $3  }
0x3a: {  	_ = 	snop  }
0x3b: {  	_ = 	snop  }
0x3c: {  	p2 =	seq.s32 s10, $0x1;
	s10 =	sld [smem:$0x3FB4]  }
0x3d: {  	_ =	shalt  }
0x3e: {  	_ =	shalt  }
0x3f: {  	_ =	shalt  }
0x40: {  	_ =	shalt  }
0x41: {  	_ =	shalt  }
0x42: {  	_ =	shalt  }
0x43: {  	_ =	shalt  }
0x44: {  	_ =	shalt  }
0x45: {  	_ =	shalt  }
0x46: {  	_ =	shalt  }
0x47: {  	_ =	shalt  }
0x48: {  	_ =	shalt  }
0x49: {  	_ =	shalt  }
0x4a: {  	_ =	shalt  }
0x4b: {  	_ =	shalt  }
0x4c: {  	_ =	shalt  }
0x4d: {  	_ =	shalt  }
0x4e: {  	_ =	shalt  }
0x4f: {  	_ =	shalt  }
0x50: {  	_ =	shalt  }
0x51: {  	_ =	shalt  }
0x52: {  	_ =	shalt  }
0x53: {  	_ =	shalt  }
0x54: {  	_ =	shalt  }
0x55: {  	_ =	shalt  }
0x56: {  	_ =	shalt  }
0x57: {  	_ =	shalt  }
0x58: {  	_ =	shalt  }
0x59: {  	_ =	shalt  }
0x5a: {  	_ =	shalt  }
0x5b: {  	_ =	shalt  }
0x5c: {  	_ =	shalt  }
0x5d: {  	_ =	shalt  }
0x5e: {  	_ =	shalt  }
0x5f: {  	_ =	shalt  }
0x60: {  	_ =	shalt  }
0x61: {  	_ =	shalt  }
0x62: {  	_ =	shalt  }
0x63: {  	_ =	shalt  }
0x64: {  	_ =	shalt  }
0x65: {  	_ =	shalt  }
0x66: {  	_ =	shalt  }
0x67: {  	_ =	shalt  }
0x68: {  	_ =	shalt  }
0x69: {  	_ =	shalt  }
0x6a: {  	_ =	shalt  }
0x6b: {  	_ =	shalt  }
0x6c: {  	_ =	shalt  }
0x6d: {  	_ =	shalt  }
0x6e: {  	_ =	shalt  }
0x6f: {  	_ =	shalt  }
0x70: {  	_ =	shalt  }
0x71: {  	_ =	shalt  }
0x72: {  	_ =	shalt  }
0x73: {  	_ =	shalt  }
0x74: {  	_ =	shalt  }
0x75: {  	_ =	shalt  }
0x76: {  	_ =	shalt  }
0x77: {  	_ =	shalt  }
0x78: {  	_ =	shalt  }
0x79: {  	_ =	shalt  }
0x7a: {  	_ =	shalt  }
0x7b: {  	_ =	shalt  }
0x7c: {  	_ =	shalt  }
0x7d: {  	_ =	shalt  }
0x7e: {  	_ =	shalt  }
0x7f: {  	_ =	shalt  }
0x80: {  	_ =	shalt  }
0x81: {  	_ =	shalt  }
0x82: {  	_ =	shalt  }
0x83: {  	_ =	shalt  }
0x84: {  	_ =	shalt  }
0x85: {  	_ =	shalt  }
0x86: {  	_ =	shalt  }
0x87: {  	_ =	shalt  }
.Lfunc_end0:
.L_simem_size_0:
called_computation.2_lowered:
.L_overlay_start_0:
0x88: {  	s2 =	sld [smem:$0x3FD9]  }
0x89: {  	s3 =	sld [smem:$0x3FFE];
	_ =	sdelay $0x1  }
0x8a: {  	s1 =	srdreg.scid  }
0x8b: {  	s0 =	sand.u32 $0x1, s1  }
0x8c: {  	s17 =	sshll.u32 s0, $0xA;
	s2 =	sadd.s32 s3, s2  }
0x8d: {  	s2 =	sadd.s32 s2, s17  }
0x8e: {  	[smem:$0x3FC0] =	sst s2  }
0x8f: {  	_ = 	snop  }
0x90: {  	(tm) =	ssettm $0x1  }
0x91: {  	s18 =	sld [smem:$0x3FFB];
	_ =	sdelay $0x3  }
0x92: {  	_ =	strace s18  }
0x93: {  	s2 =	sld [smem:$0x3FFC];
	_ =	sdelay $0x3  }
0x94: {  	_ =	strace s2  }
0x95: {  	s2 =	sld [smem:$0x3FFD];
	_ =	sdelay $0x3  }
0x96: {  	_ =	strace s2  }
0x97: {  	_ =	strace $0x8FFFFFFF  }
0x98: {  	s19 =	sld [smem:$0x3FDB];
	_ =	sdelay $0x1  }
0x99: {  	s20 =	simm.s32 $_scs_section_size  }
0x9a: {  	s4 =	simm.s32 $_size__tile_overlayer_lowered;
	s5 =	simm.s32 $_tile_overlayer_lowered  }
0x9b: {  	s6 =	simm.s32 $0x1BFF;
	s21 =	sshll.u32 s5, $0x1;
	s3 =	sadd.s32 s20, s19  }
0x9c: {  	s22 =	simm.s32 $0x0;
	s4 =	sshll.u32 s4, $0x1;
	s5 =	sadd.s32 s21, s3  }
0x9d: {  	[timem:s22], [sflag:s6] =	dma.local [hbm:s5], s4  }
0x9e: {  	_ =	swait.ge [sflag:s6], s4  }
0x9f: {  	s4 =	ssub.s32 $0x0, s4;
	[sflag:s6] =	ssyncset.done $0x0  }
0xa0: {  	[sflag:s6] =	ssyncadd.s32 s4;
	_ =	sdelay $0x1  }
0xa1: {  	s23 =	simm.s32 $0x1B8B  }
0xa2: {  	_ =	swait.ge [sflag:s23], $0x1  }
0xa3: {  	[sflag:s23] =	ssyncset.done $0x0  }
0xa4: {  	[sflag:s23] =	ssyncadd.s32 $0xFFFFFFFF  }
0xa5: {  	s4 =	sld [smem:$0x0]  }
0xa6: {  	s5 =	sand.u32 $0xFFFFFFFE, s1  }
0xa7: {  	p0 =	sne.s32 s1, s5  }
0xa8: {  	s5 =	sshll.u32 @p0 s5, $0xE  }
0xa9: {  	s5 =	sadd.s32 @p0 $0x11B8D, s5;
	s6 =	sshll.u32 @p0 s4, $0x11  }
0xaa: {  	s5 =	sor.u32 @p0 s6, s5  }
0xab: {  	[sflag:s5] =	ssyncadd.remote.s32 @p0 $0x1;
	_ =	sdelay $0x1  }
0xac: {  	s5 =	simm.s32 @p0 $0x1B8D  }
0xad: {  	_ =	swait.eq @p0 [sflag:s5], $0x1  }
0xae: {  	[sflag:s5] =	ssyncadd.s32 @p0 $0xFFFFFFFF  }
0xaf: {  	s6 =	sshll.u32 @!p0 s1, $0xE  }
0xb0: {  	s6 =	sor.u32 @!p0 $0x4000, s6;
	s5 =	simm.s32 @!p0 $0x1B8D  }
0xb1: {  	s4 =	sshll.u32 @!p0 s4, $0x11;
	s6 =	sadd.s32 @!p0 $0x11B8D, s6;
	_ =	swait.eq @!p0 [sflag:s5], $0x1  }
0xb2: {  	s4 =	sor.u32 @!p0 s4, s6;
	[sflag:s5] =	ssyncadd.s32 @!p0 $0xFFFFFFFF  }
0xb3: {  	s25 =	simm.s32 $0x1B8E;
	s24 =	sld [smem:$0x3FFE];
	[sflag:s4] =	ssyncadd.remote.s32 @!p0 $0x1  }
0xb4: {  	s26 =	simm.s32 $execute0_lowered;
	[smem:$0x3FD2] =	sst s25  }
0xb5: {  	s5 =	sshll.u32 s26, $0x1;
	_ =	strace $0x8000004F;
	[dreg:$0x1] =	wrdreg $0xFFFFFFFF  }
0xb6: {  	s28 =	simm.s32 $_size_execute0_lowered;
	s3 =	sadd.s32 s3, s5;
	[dreg:$0x0] =	wrdreg $0x0  }
0xb7: {  	s5 =	sshll.u32 s28, $0x1;
	[dreg:$0x2] =	wrdreg s3  }
0xb8: {  	[dreg:$0x3] =	wrdreg s5  }
0xb9: {  	[dreg:$0x4] =	wrdreg $0xC0  }
0xba: {  	_ =	task [dreg:s22], $0x5FFFF  }
0xbb: {  	[dreg:$0x1] =	wrdreg $0xFFFFFFFF  }
0xbc: {  	[dreg:$0x0] =	wrdreg $0x60  }
0xbd: {  	[dreg:$0x2] =	wrdreg s24  }
0xbe: {  	[dreg:$0x3] =	wrdreg $0x6A400  }
0xbf: {  	[dreg:$0x4] =	wrdreg $0x9  }
0xc0: {  	_ =	task.clear_ibuf [dreg:s22], $0x5FFFF;
	_ =	strace $0x9000004F  }
0xc1: {  	s29 =	simm.s32 $0x9;
	_ =	strace $0x80000051  }
0xc2: {  	_ =	swait.ge [sflag:s29], $0x1  }
0xc3: {  	[sflag:s29] =	ssyncadd.s32 $0xFFFFFFFF  }
0xc4: {  	_ =	strace $0x90000051  }
0xc5: {  	_ =	sfence  }
0xc6: {  	s30 =	sld [smem:$0x0];
	_ =	sdelay $0x2  }
0xc7: {  	s31 =	sshll.u32 s1, $0xD;
	s1 =	sshrl.u32 s1, $0x2  }
0xc8: {  	s4 =	sand.u32 $0x4000, s31;
	s1 =	sadd.s32 s1, s30  }
0xc9: {  	s0 =	sor.u32 s4, s0;
	s1 =	sshll.u32 s1, $0x11  }
0xca: {  	s0 =	sor.u32 s1, s0  }
0xcb: {  	s0 =	sadd.s32 $0x8F2B, s0  }
0xcc: {  	[sflag:s0] =	ssyncadd.remote.s32 $0x1  }
0xcd: {  	_ =	sfence.sel $0xFFFF  }
0xce: {  	[dreg:$0x0] =	wrdreg $0xFFFFFFFF;
	(pc) =	sbr.abs _section_cstart, $3  }
0xcf: {  	[dreg:$0x1] =	wrdreg $0xFFFFFFFF  }
0xd0: {  	_ =	task.clear_ibuf [dreg:s22], $0x2FFFF;
	_ =	strace $0x9FFFFFFF  }
0xd1: {  	(tm) =	ssettm $0x7FFFFFFF  }
tec
execute0_lowered:
.L_overlay_start_1:
0x0: {  	(tag) =	ssettag $0x1  }
0x1: {  	s0 =	rddreg [dreg:$0x0]  }
0x2: {  	s1 =	rddreg [dreg:$0x1]  }
0x3: {  	s2 =	srdreg.scid;
	s3 =	simm.s32 $0x0;
	s11 =	stileid.u32  }
0x4: {  	s19 =	simm.s32 $0x190;
	s20 =	simm.s32 $0x1;
	s21 =	simm.s32 $0x320  }
0x5: {  	s28 =	simm.s32 $0x5;
	s29 =	simm.s32 $0x4;
	s30 =	simm.s32 $0x6  }
0x6: {  	s31 =	simm.s32 $0x0;
	s2 =	sand.u32 $0x1, s2;
	s5 =	smul.u32 $0xC38, s11  }
0x7: {  	[smem:$0x7FF] =	sst s3;
	s16 =	sadd.s32 $0x1C00, s0;
	s22 =	smul.u32 $0x18700, s11  }
0x8: {  	s15 =	sadd.s32 $0x1A400, s0;
	s7 =	smul.u32 $0xC350, s11;
	s24 =	sshll.u32 s11, $0x6  }
0x9: {  	s18 =	smul.u32 $0x186A, s11;
	s4 =	ssub.s32 $0x0, s2;
	_ =	strace $0x80000050  }
0xa: {  	s2 =	ssub.s32 $0x2, s2;
	s6 =	sand.u32 $0x30E00, s4;
	s4 =	sand.u32 $0xCB20, s4  }
0xb: {  	s23 =	sshrl.u32 s2, $0x1;
	s17 =	sadd.s32 s22, s1;
	s13 =	sshrl.u32 s7, $0x3  }
0xc: {  	s6 =	sadd.s32 s6, s0;
	s4 =	sadd.s32 s5, s4;
	s2 =	ssub.s32 s2, s23  }
0xd: {  	s5 =	sshrl.u32 s22, $0x3;
	s25 =	sadd.s32 s16, s13;
	s8 =	sadd.s32 s15, s13  }
0xe: {  	s10 =	sadd.s32 $0x32, s13;
	s26 =	sadd.s32 $0x1838, s13;
	s17 =	sshrl.u32 s17, $0x3  }
0xf: {  	s22 =	simm.s32 $0x4B0;
	s23 =	simm.s32 $0x640;
	s4 =	sshll.u32 s4, $0x2  }
0x10: {  	[dreg:$0x4] =	wrdreg s25;
	s9 =	sadd.s32 s16, s10;
	s10 =	sadd.s32 s15, s10  }
0x11: {  	s12 =	smax.u32 s2, $0x1;
	s13 =	sadd.s32 s16, s26;
	s14 =	sadd.s32 s15, s26  }
0x12: {  	s15 =	sadd.s32 s18, s15;
	s16 =	sadd.s32 s18, s16;
	s18 =	simm.s32 $0x7  }
0x13: {  	s25 =	simm.s32 $0x2;
	s0 =	sadd.s32 s4, s0;
	s4 =	sadd.s32 $0x32C00, s6  }
0x14: {  	s26 =	simm.s32 $0x3840;
	s6 =	sor.u32 $0x1C07, s24;
	s5 =	sadd.s32 s5, s4  }
0x15: {  	s24 =	simm.s32 $0x3;
	s11 =	sadd.s32 $0x15BE00, s0;
	[dreg:$0x3] =	wrdreg s5  }
.LBB2_1:
0x16: {  	s0 =	rddreg [dreg:$0x3]  }
0x17: {  	[spmem:s17], [sflag:s6] =	dma.local [hbm:s0], $0x30E0  }
0x18: {  	_ =	swait.ge [sflag:s18], $0x30E0  }
0x19: {  	[sflag:s18] =	ssyncset.done $0x0  }
0x1a: {  	[sflag:s18] =	ssyncadd.s32 $0xFFFFCF20  }
0x1b: {  	[bflag:$0x0] =	sbarrier.arrive $0xFFFF  }
0x1c: {  	s5 =	rddreg [dreg:$0x4]  }
0x1d: {  	[tilespmem:s3], [sflag:$0x1] =	stream.linear.gather [hbm4b:s5+s3], $0x190, $0x38;
	[tilespmem:$0x1F140] =	vst v63  }
0x1e: {  	_ = 	snop  }
0x1f: {  	[tilespmem:s19], [sflag:$0x1] =	stream.linear.gather [hbm4b:s8+s3], $0x190, $0x38;
	[tilespmem:$0x1F140] =	vst v63  }
0x20: {  	_ =	swait.ge [sflag:s20], $0x190  }
0x21: {  	[sflag:s20] =	ssyncset.done $0x0  }
0x22: {  	[sflag:s20] =	ssyncadd.s32 $0xFFFFFE70  }
0x23: {  	_ =	swait.ge [sflag:s20], $0x190  }
0x24: {  	[sflag:s20] =	ssyncset.done $0x0  }
0x25: {  	[sflag:s20] =	ssyncadd.s32 $0xFFFFFE70  }
0x26: {  	[tilespmem:s21], [sflag:$0x2] =	stream.linear.gather [hbm4b:s9+s3], $0x190, $0x38;
	[tilespmem:$0x1F140] =	vst v63  }
0x27: {  	_ = 	snop  }
0x28: {  	[tilespmem:s22], [sflag:$0x2] =	stream.linear.gather [hbm4b:s10+s3], $0x190, $0x38;
	[tilespmem:$0x1F140] =	vst v63  }
0x29: {  	_ = 	snop  }
0x2a: {  	[tilespmem:s23], [sflag:$0x3] =	stream.indirect.gather [hbm4b:s4+s19], $0x20, s3, s19, $0xb8;
	[tilespmem:$0x1F140] =	vst v63  }
0x2b: {  	_ =	swait.ge [sflag:s24], $0x3200  }
0x2c: {  	[sflag:s24] =	ssyncset.done $0x0  }
0x2d: {  	[sflag:s24] =	ssyncadd.s32 $0xFFFFCE00  }
0x2e: {  	[spmem:s1] =	stream.indirect.scatter.add.f32 [tilespmem:s23], [sflag:$0x5], $0x20, s19, s19, $0xb8;
	[tilespmem:$0x1F140] =	vst v63  }
0x2f: {  	_ =	swait.ge [sflag:s25], $0x190  }
0x30: {  	[sflag:s25] =	ssyncset.done $0x0  }
0x31: {  	[sflag:s25] =	ssyncadd.s32 $0xFFFFFE70  }
0x32: {  	_ =	swait.ge [sflag:s25], $0x190  }
0x33: {  	[sflag:s25] =	ssyncset.done $0x0  }
0x34: {  	[sflag:s25] =	ssyncadd.s32 $0xFFFFFE70  }
0x35: {  	[tilespmem:s26], [sflag:$0x4] =	stream.indirect.gather [hbm4b:s4+s19], $0x20, s21, s19, $0xb8;
	[tilespmem:$0x1F140] =	vst v63  }
0x36: {  	_ =	swait.ge [sflag:s28], $0x3200  }
0x37: {  	s0 =	sadd.s32 $0xFFFFE82C, s16;
	[sflag:s28] =	ssyncset.done $0x0  }
0x38: {  	s2 =	sadd.s32 $0x1838, s0;
	s5 =	sadd.s32 $0xFFFFE82C, s15;
	[sflag:s28] =	ssyncadd.s32 $0xFFFFCE00  }
0x39: {  	[tilespmem:s3], [sflag:$0x1] =	stream.linear.gather [hbm4b:s2+s3], $0x190, $0x38;
	[tilespmem:$0x1F140] =	vst v63  }
0x3a: {  	s7 =	sadd.s32 $0x1838, s5  }
0x3b: {  	[tilespmem:s19], [sflag:$0x1] =	stream.linear.gather [hbm4b:s7+s3], $0x190, $0x38;
	[tilespmem:$0x1F140] =	vst v63  }
0x3c: {  	_ =	swait.ge [sflag:s29], $0x3200  }
0x3d: {  	[sflag:s29] =	ssyncset.done $0x0  }
0x3e: {  	[sflag:s29] =	ssyncadd.s32 $0xFFFFCE00  }
0x3f: {  	[spmem:s1] =	stream.indirect.scatter.add.f32 [tilespmem:s26], [sflag:$0x6], $0x20, s22, s19, $0xb8;
	[tilespmem:$0x1F140] =	vst v63  }
0x40: {  	_ =	swait.ge [sflag:s20], $0x190  }
0x41: {  	[sflag:s20] =	ssyncset.done $0x0  }
0x42: {  	[sflag:s20] =	ssyncadd.s32 $0xFFFFFE70  }
0x43: {  	_ =	swait.ge [sflag:s20], $0x190  }
0x44: {  	[sflag:s20] =	ssyncset.done $0x0  }
0x45: {  	[sflag:s20] =	ssyncadd.s32 $0xFFFFFE70  }
0x46: {  	[tilespmem:s23], [sflag:$0x3] =	stream.indirect.gather [hbm4b:s4+s19], $0x20, s3, s19, $0xb8;
	[tilespmem:$0x1F140] =	vst v63  }
0x47: {  	_ =	swait.ge [sflag:s30], $0x3200  }
0x48: {  	[sflag:s30] =	ssyncset.done $0x0  }
0x49: {  	s0 =	sadd.s32 $0x186A, s0;
	[sflag:s30] =	ssyncadd.s32 $0xFFFFCE00  }
0x4a: {  	[tilespmem:s21], [sflag:$0x2] =	stream.linear.gather [hbm4b:s0+s3], $0x190, $0x38;
	[tilespmem:$0x1F140] =	vst v63  }
0x4b: {  	s2 =	sadd.s32 $0x186A, s5;
	s0 =	simm.s32 $0xFFFFE890  }
.LBB2_2:
0x4c: {  	[tilespmem:s22], [sflag:$0x2] =	stream.linear.gather [hbm4b:s2+s3], $0x190, $0x38;
	[tilespmem:$0x1F140] =	vst v63  }
0x4d: {  	s2 =	smov.u32 s0  }
0x4e: {  	p0 =	sne.s32 s0, $0xFFFFFF9C;
	s0 =	sadd.s32 $0x64, s0;
	_ =	swait.ge [sflag:s24], $0x3200  }
0x4f: {  	[sflag:s24] =	ssyncset.done $0x0  }
0x50: {  	[sflag:s24] =	ssyncadd.s32 $0xFFFFCE00  }
0x51: {  	[spmem:s1] =	stream.indirect.scatter.add.f32 [tilespmem:s23], [sflag:$0x5], $0x20, s19, s19, $0xb8;
	[tilespmem:$0x1F140] =	vst v63  }
0x52: {  	_ =	swait.ge [sflag:s25], $0x190  }
0x53: {  	[sflag:s25] =	ssyncset.done $0x0  }
0x54: {  	[sflag:s25] =	ssyncadd.s32 $0xFFFFFE70  }
0x55: {  	_ =	swait.ge [sflag:s25], $0x190  }
0x56: {  	[sflag:s25] =	ssyncset.done $0x0  }
0x57: {  	[sflag:s25] =	ssyncadd.s32 $0xFFFFFE70  }
0x58: {  	[tilespmem:s26], [sflag:$0x4] =	stream.indirect.gather [hbm4b:s4+s19], $0x20, s21, s19, $0xb8;
	[tilespmem:$0x1F140] =	vst v63  }
0x59: {  	_ =	swait.ge [sflag:s28], $0x3200  }
0x5a: {  	s5 =	sadd.s32 s2, s16;
	[sflag:s28] =	ssyncset.done $0x0  }
0x5b: {  	s2 =	sadd.s32 s2, s15;
	s7 =	sadd.s32 $0x1838, s5;
	[sflag:s28] =	ssyncadd.s32 $0xFFFFCE00  }
0x5c: {  	[tilespmem:s3], [sflag:$0x1] =	stream.linear.gather [hbm4b:s7+s3], $0x190, $0x38;
	[tilespmem:$0x1F140] =	vst v63  }
0x5d: {  	s7 =	sadd.s32 $0x1838, s2  }
0x5e: {  	[tilespmem:s19], [sflag:$0x1] =	stream.linear.gather [hbm4b:s7+s3], $0x190, $0x38;
	[tilespmem:$0x1F140] =	vst v63  }
0x5f: {  	_ =	swait.ge [sflag:s29], $0x3200  }
0x60: {  	[sflag:s29] =	ssyncset.done $0x0  }
0x61: {  	[sflag:s29] =	ssyncadd.s32 $0xFFFFCE00  }
0x62: {  	[spmem:s1] =	stream.indirect.scatter.add.f32 [tilespmem:s26], [sflag:$0x6], $0x20, s22, s19, $0xb8;
	[tilespmem:$0x1F140] =	vst v63  }
0x63: {  	_ =	swait.ge [sflag:s20], $0x190  }
0x64: {  	[sflag:s20] =	ssyncset.done $0x0  }
0x65: {  	[sflag:s20] =	ssyncadd.s32 $0xFFFFFE70  }
0x66: {  	_ =	swait.ge [sflag:s20], $0x190  }
0x67: {  	[sflag:s20] =	ssyncset.done $0x0  }
0x68: {  	[sflag:s20] =	ssyncadd.s32 $0xFFFFFE70  }
0x69: {  	[tilespmem:s23], [sflag:$0x3] =	stream.indirect.gather [hbm4b:s4+s19], $0x20, s3, s19, $0xb8;
	[tilespmem:$0x1F140] =	vst v63  }
.Ltmp0:
0x6a: {  	_ =	swait.ge [sflag:s30], $0x3200;
	(pc) =	sbr.rel @p0 .LBB2_2-.Ltmp0, $4  }
0x6b: {  	[sflag:s30] =	ssyncset.done $0x0  }
0x6c: {  	s5 =	sadd.s32 $0x186A, s5;
	[sflag:s30] =	ssyncadd.s32 $0xFFFFCE00  }
0x6d: {  	[tilespmem:s21], [sflag:$0x2] =	stream.linear.gather [hbm4b:s5+s3], $0x190, $0x38;
	[tilespmem:$0x1F140] =	vst v63  }
0x6e: {  	s2 =	sadd.s32 $0x186A, s2  }
0x6f: {  	[tilespmem:s22], [sflag:$0x2] =	stream.linear.gather [hbm4b:s2+s3], $0x190, $0x38;
	[tilespmem:$0x1F140] =	vst v63  }
0x70: {  	_ =	swait.ge [sflag:s24], $0x3200  }
0x71: {  	[sflag:s24] =	ssyncset.done $0x0  }
0x72: {  	[sflag:s24] =	ssyncadd.s32 $0xFFFFCE00  }
0x73: {  	[spmem:s1] =	stream.indirect.scatter.add.f32 [tilespmem:s23], [sflag:$0x5], $0x20, s19, s19, $0xb8;
	[tilespmem:$0x1F140] =	vst v63  }
0x74: {  	_ =	swait.ge [sflag:s25], $0x190  }
0x75: {  	[sflag:s25] =	ssyncset.done $0x0  }
0x76: {  	[sflag:s25] =	ssyncadd.s32 $0xFFFFFE70  }
0x77: {  	_ =	swait.ge [sflag:s25], $0x190  }
0x78: {  	[sflag:s25] =	ssyncset.done $0x0  }
0x79: {  	[sflag:s25] =	ssyncadd.s32 $0xFFFFFE70  }
0x7a: {  	[tilespmem:s26], [sflag:$0x4] =	stream.indirect.gather [hbm4b:s4+s19], $0x20, s21, s19, $0xb8;
	[tilespmem:$0x1F140] =	vst v63  }
0x7b: {  	_ =	swait.ge [sflag:s28], $0x3200  }
0x7c: {  	[sflag:s28] =	ssyncset.done $0x0  }
0x7d: {  	[sflag:s28] =	ssyncadd.s32 $0xFFFFCE00  }
0x7e: {  	[tilespmem:s3], [sflag:$0x1] =	stream.linear.gather [hbm4b:s13+s3], $0x190, $0x38;
	[tilespmem:$0x1F140] =	vst v63  }
0x7f: {  	_ = 	snop  }
0x80: {  	[tilespmem:s19], [sflag:$0x1] =	stream.linear.gather [hbm4b:s14+s3], $0x190, $0x38;
	[tilespmem:$0x1F140] =	vst v63  }
0x81: {  	_ =	swait.ge [sflag:s29], $0x3200  }
0x82: {  	[sflag:s29] =	ssyncset.done $0x0  }
0x83: {  	[sflag:s29] =	ssyncadd.s32 $0xFFFFCE00  }
0x84: {  	[spmem:s1] =	stream.indirect.scatter.add.f32 [tilespmem:s26], [sflag:$0x6], $0x20, s22, s19, $0xb8;
	[tilespmem:$0x1F140] =	vst v63  }
0x85: {  	_ =	swait.ge [sflag:s20], $0x190  }
0x86: {  	[sflag:s20] =	ssyncset.done $0x0  }
0x87: {  	[sflag:s20] =	ssyncadd.s32 $0xFFFFFE70  }
0x88: {  	_ =	swait.ge [sflag:s20], $0x190  }
0x89: {  	[sflag:s20] =	ssyncset.done $0x0  }
0x8a: {  	[sflag:s20] =	ssyncadd.s32 $0xFFFFFE70  }
0x8b: {  	[tilespmem:s23], [sflag:$0x3] =	stream.indirect.gather [hbm4b:s4+s19], $0x20, s3, s19, $0xb8;
	[tilespmem:$0x1F140] =	vst v63  }
0x8c: {  	_ =	swait.ge [sflag:s30], $0x3200  }
0x8d: {  	[sflag:s30] =	ssyncset.done $0x0  }
0x8e: {  	[sflag:s30] =	ssyncadd.s32 $0xFFFFCE00  }
0x8f: {  	[tilespmem:s21], [sflag:$0x2] =	stream.linear.gather [hbm4b:s13+s3], $0x190, $0x38;
	[tilespmem:$0x1F140] =	vst v63  }
0x90: {  	_ = 	snop  }
0x91: {  	[tilespmem:s22], [sflag:$0x2] =	stream.linear.gather [hbm4b:s14+s3], $0x190, $0x38;
	[tilespmem:$0x1F140] =	vst v63  }
0x92: {  	_ =	swait.ge [sflag:s24], $0x3200  }
0x93: {  	[sflag:s24] =	ssyncset.done $0x0  }
0x94: {  	[sflag:s24] =	ssyncadd.s32 $0xFFFFCE00  }
0x95: {  	[spmem:s1] =	stream.indirect.scatter.add.f32 [tilespmem:s23], [sflag:$0x5], $0x20, s19, s19, $0xb8;
	[tilespmem:$0x1F140] =	vst v63  }
0x96: {  	_ =	swait.ge [sflag:s28], $0x3200  }
0x97: {  	[sflag:s28] =	ssyncset.done $0x0  }
0x98: {  	[sflag:s28] =	ssyncadd.s32 $0xFFFFCE00  }
0x99: {  	_ =	swait.ge [sflag:s25], $0x190  }
0x9a: {  	[sflag:s25] =	ssyncset.done $0x0  }
0x9b: {  	[sflag:s25] =	ssyncadd.s32 $0xFFFFFE70  }
0x9c: {  	_ =	swait.ge [sflag:s25], $0x190  }
0x9d: {  	s31 =	sadd.s32 $0x1, s31;
	[sflag:s25] =	ssyncset.done $0x0  }
0x9e: {  	p0 =	sne.s32 s31, s12;
	[sflag:s25] =	ssyncadd.s32 $0xFFFFFE70  }
.Ltmp1:
0x9f: {  	[bflag:$0x0] =	sbarrier.arrive $0xFFFF;
	(pc) =	sbr.rel @p0 .LBB2_1-.Ltmp1, $4  }
0xa0: {  	[hbm:s11], [sflag:s6] =	dma.local [spmem:s17], $0x30E0  }
0xa1: {  	_ =	swait.ge [sflag:s18], $0x30E0  }
0xa2: {  	[sflag:s18] =	ssyncset.done $0x0  }
0xa3: {  	[sflag:s18] =	ssyncadd.s32 $0xFFFFCF20  }
0xa4: {  	_ =	sfence.sel $0x180000  }
0xa5: {  	[bflag:$0x0] =	sbarrier.arrive $0xFFFF  }
0xa6: {  	_ =	strace $0x90000050  }
0xa7: {  	s0 =	stileid.u32;
	[bflag:$0x2] =	sbarrier.arrive $0xFFFF  }
0xa8: {  	p0 =	sne.s32 s0, $0x0;
	s0 =	rddreg [dreg:$0x2]  }
0xa9: {  	s0 =	sadd.s32 @!p0 $0x100000, s0  }
0xaa: {  	[sflag:s0] =	ssyncadd.tile.s32 @!p0 $0x1;
	_ =	shalt  }
.Lfunc_end2:
_tile_overlayer_lowered:
.L_overlay_start_2:
0xab: {  	(tag) =	ssettag $0x2  }
0xac: {  	s0 =	rddreg [dreg:$0x0];
	s2 =	stileid.u32  }
0xad: {  	s1 =	rddreg [dreg:$0x1];
	p0 =	sne.s32 s2, $0x0  }
0xae: {  	s3 =	rddreg [dreg:$0x2];
	[bflag:$0x3] =	sbarrier.arrive $0xFFFF;
	s2 =	simm.s32 @!p0 $0x1C07  }
0xaf: {  	[timem:s3], [sflag:s2] =	dma.local @!p0 [hbm:s0], s1  }
0xb0: {  	s0 =	simm.s32 @!p0 $0x7  }
0xb1: {  	_ =	swait.ge @!p0 [sflag:s0], s1  }
0xb2: {  	s1 =	ssub.s32 @!p0 $0x0, s1;
	[sflag:s0] =	ssyncset.done @!p0 $0x0  }
0xb3: {  	[sflag:s0] =	ssyncadd.s32 @!p0 s1  }
0xb4: {  	[bflag:$0x3] =	sbarrier.arrive $0xFFFF  }
0xb5: {  	_ =	shalt  }

// kernel: kernel.20.cloned.1.call-start
scs
__scs_entry_jumppad:
0x0: {  	(pc) =	sbr.rel $0x88, $3  }
0x1: {  	(tag) =	ssettag $0x0;
	lr =	simm.s32 $0x1  }
0x2: {  	[smem:$0x3F99] =	sst lr;
	_ =	strace $0xD0000000  }
0x3: {  	_ = 	snop  }
0x4: {  	_ = 	snop  }
0x5: {  	_ = 	snop  }
0x6: {  	_ = 	snop  }
0x7: {  	_ = 	snop  }
__scs_overlays_trampoline_lowered:
0x8: {  	[smem:$0x3FA8] =	sst s0  }
0x9: {  	[smem:$0x3FA9] =	sst s1  }
0xa: {  	[smem:$0x3FAA] =	sst s2  }
0xb: {  	[smem:$0x3FAB] =	sst s3  }
0xc: {  	[smem:$0x3FAC] =	sst s4  }
0xd: {  	[smem:$0x3FAD] =	sst s5  }
0xe: {  	[smem:$0x3FAE] =	sst s6  }
0xf: {  	[smem:$0x3FAF] =	sst s7  }
0x10: {  	[smem:$0x3FB0] =	sst s8  }
0x11: {  	[smem:$0x3FB1] =	sst s9;
	s0 =	simm.s32 @!p0 $0x0  }
0x12: {  	s1 =	sld [smem:$0x3F97];
	s0 =	simm.s32 @p0 $0x1  }
0x13: {  	[smem:$0x3FB2] =	sst s0;
	s0 =	simm.s32 @!p1 $0x0  }
0x14: {  	s2 =	sld [smem:$0x3F96];
	s0 =	simm.s32 @p1 $0x1  }
0x15: {  	[smem:$0x3FB3] =	sst s0;
	s0 =	simm.s32 @!p2 $0x0  }
0x16: {  	s3 =	sld [smem:$0x3FDB];
	s0 =	simm.s32 @p2 $0x1  }
0x17: {  	s4 =	simm.s32 $0x1BF5;
	[smem:$0x3FB5] =	sst s0  }
0x18: {  	s0 =	sld [smem:$0x3F98];
	_ =	swait.ge [sflag:s4], $0x0  }
0x19: {  	s7 =	sld [smem:$0x3F99]  }
0x1a: {  	s8 =	sadd.s32 $0xFFFFE003, lr  }
0x1b: {  	s9 =	sadd.s32 $0xFFFFFEF7, lr;
	s5 =	simm.s32 $0xFFFFFFFF;
	p2 =	slt.u32 s8, $0xFFFFF086  }
0x1c: {  	p1 =	slt.u32 s9, $0xF7A;
	s5 =	simm.s32 @!p2 $0x0  }
0x1d: {  	s5 =	simm.s32 @p1 $0x1;
	p0 =	seq.s32 s7, s2  }
0x1e: {  	s7 =	smul.u32 @!p0 $0xF7A, s2;
	p2 =	seq.s32 @!p0 s5, $0x0  }
0x1f: {  	s9 =	smul.u32 $0xF7A, s1;
	s8 =	simm.s32 @!p0 $0x1BF5;
	p2 =	por !p2, p0  }
0x20: {  	[sflag:s8] =	ssyncset.s32 @!p0 $0xFFFFF086;
	s6 =	sadd.s32 @!p0 s3, s7;
	s7 =	simm.s32 @!p0 $0x108  }
0x21: {  	s3 =	sadd.s32 s3, s9;
	s6 =	sadd.s32 @!p0 $0x88, s6;
	s7 =	simm.s32 @p2 $0x1082  }
0x22: {  	[simem:s7], [sflag:s8] =	dma.local @!p0 [hbm:s6], $0xF7A  }
0x23: {  	s9 =	sor.u32 $0xD0000000, s2;
	s6 =	simm.s32 $0x108;
	_ =	swait.ge @!p0 [sflag:s8], $0x0  }
0x24: {  	s3 =	sadd.s32 $0x88, s3;
	s6 =	simm.s32 @!p1 $0x1082;
	[sflag:s4] =	ssyncset.s32 $0xFFFFF086  }
0x25: {  	[simem:s6], [sflag:s4] =	dma.local [hbm:s3], $0xF7A  }
0x26: {  	[smem:$0x3F99] =	sst s1;
	(tag) =	ssettag s2;
	_ =	strace s9  }
0x27: {  	s1 =	sld [smem:$0x3FA9]  }
0x28: {  	s2 =	sld [smem:$0x3FAA]  }
0x29: {  	s4 =	sld [smem:$0x3FAC]  }
0x2a: {  	p0 =	seq.s32 s5, $0x0;
	s5 =	sld [smem:$0x3FAD]  }
0x2b: {  	s6 =	sld [smem:$0x3FAE]  }
0x2c: {  	s7 =	sld [smem:$0x3FAF]  }
0x2d: {  	s3 =	simm.s32 $0x108;
	s8 =	sld [smem:$0x3FB0]  }
0x2e: {  	s3 =	simm.s32 @!p0 $0x1082;
	s9 =	sld [smem:$0x3FB1]  }
0x2f: {  	lr =	sadd.s32 s0, s3;
	s0 =	sld [smem:$0x3FA8]  }
0x30: {  	s3 =	sld [smem:$0x3FAB]  }
0x31: {  	[smem:$0x3FB4] =	sst s10  }
0x32: {  	s10 =	sld [smem:$0x3FB2];
	_ =	sdelay $0x3  }
0x33: {  	p0 =	seq.s32 s10, $0x1;
	s10 =	sld [smem:$0x3FB4];
	_ =	sdelay $0x3  }
0x34: {  	[smem:$0x3FB4] =	sst s10  }
0x35: {  	s10 =	sld [smem:$0x3FB3];
	_ =	sdelay $0x3  }
0x36: {  	p1 =	seq.s32 s10, $0x1;
	s10 =	sld [smem:$0x3FB4];
	_ =	sdelay $0x3  }
0x37: {  	[smem:$0x3FB4] =	sst s10  }
0x38: {  	s10 =	sld [smem:$0x3FB5]  }
0x39: {  	_ = 	snop;
	(pc) =	sbr.ind lr, $3  }
0x3a: {  	_ = 	snop  }
0x3b: {  	_ = 	snop  }
0x3c: {  	p2 =	seq.s32 s10, $0x1;
	s10 =	sld [smem:$0x3FB4]  }
0x3d: {  	_ =	shalt  }
0x3e: {  	_ =	shalt  }
0x3f: {  	_ =	shalt  }
0x40: {  	_ =	shalt  }
0x41: {  	_ =	shalt  }
0x42: {  	_ =	shalt  }
0x43: {  	_ =	shalt  }
0x44: {  	_ =	shalt  }
0x45: {  	_ =	shalt  }
0x46: {  	_ =	shalt  }
0x47: {  	_ =	shalt  }
0x48: {  	_ =	shalt  }
0x49: {  	_ =	shalt  }
0x4a: {  	_ =	shalt  }
0x4b: {  	_ =	shalt  }
0x4c: {  	_ =	shalt  }
0x4d: {  	_ =	shalt  }
0x4e: {  	_ =	shalt  }
0x4f: {  	_ =	shalt  }
0x50: {  	_ =	shalt  }
0x51: {  	_ =	shalt  }
0x52: {  	_ =	shalt  }
0x53: {  	_ =	shalt  }
0x54: {  	_ =	shalt  }
0x55: {  	_ =	shalt  }
0x56: {  	_ =	shalt  }
0x57: {  	_ =	shalt  }
0x58: {  	_ =	shalt  }
0x59: {  	_ =	shalt  }
0x5a: {  	_ =	shalt  }
0x5b: {  	_ =	shalt  }
0x5c: {  	_ =	shalt  }
0x5d: {  	_ =	shalt  }
0x5e: {  	_ =	shalt  }
0x5f: {  	_ =	shalt  }
0x60: {  	_ =	shalt  }
0x61: {  	_ =	shalt  }
0x62: {  	_ =	shalt  }
0x63: {  	_ =	shalt  }
0x64: {  	_ =	shalt  }
0x65: {  	_ =	shalt  }
0x66: {  	_ =	shalt  }
0x67: {  	_ =	shalt  }
0x68: {  	_ =	shalt  }
0x69: {  	_ =	shalt  }
0x6a: {  	_ =	shalt  }
0x6b: {  	_ =	shalt  }
0x6c: {  	_ =	shalt  }
0x6d: {  	_ =	shalt  }
0x6e: {  	_ =	shalt  }
0x6f: {  	_ =	shalt  }
0x70: {  	_ =	shalt  }
0x71: {  	_ =	shalt  }
0x72: {  	_ =	shalt  }
0x73: {  	_ =	shalt  }
0x74: {  	_ =	shalt  }
0x75: {  	_ =	shalt  }
0x76: {  	_ =	shalt  }
0x77: {  	_ =	shalt  }
0x78: {  	_ =	shalt  }
0x79: {  	_ =	shalt  }
0x7a: {  	_ =	shalt  }
0x7b: {  	_ =	shalt  }
0x7c: {  	_ =	shalt  }
0x7d: {  	_ =	shalt  }
0x7e: {  	_ =	shalt  }
0x7f: {  	_ =	shalt  }
0x80: {  	_ =	shalt  }
0x81: {  	_ =	shalt  }
0x82: {  	_ =	shalt  }
0x83: {  	_ =	shalt  }
0x84: {  	_ =	shalt  }
0x85: {  	_ =	shalt  }
0x86: {  	_ =	shalt  }
0x87: {  	_ =	shalt  }
.Lfunc_end0:
.L_simem_size_0:
called_computation.3_lowered:
.L_overlay_start_0:
0x88: {  	s2 =	sld [smem:$0x3FD9]  }
0x89: {  	s3 =	sld [smem:$0x3FFE];
	_ =	sdelay $0x1  }
0x8a: {  	s1 =	srdreg.scid  }
0x8b: {  	s0 =	sand.u32 $0x1, s1  }
0x8c: {  	s16 =	sshll.u32 s0, $0xA;
	s2 =	sadd.s32 s3, s2  }
0x8d: {  	s2 =	sadd.s32 s2, s16  }
0x8e: {  	[smem:$0x3FC0] =	sst s2  }
0x8f: {  	_ = 	snop  }
0x90: {  	(tm) =	ssettm $0x1  }
0x91: {  	s17 =	sld [smem:$0x3FFB];
	_ =	sdelay $0x3  }
0x92: {  	_ =	strace s17  }
0x93: {  	s2 =	sld [smem:$0x3FFC];
	_ =	sdelay $0x3  }
0x94: {  	_ =	strace s2  }
0x95: {  	s2 =	sld [smem:$0x3FFD];
	_ =	sdelay $0x3  }
0x96: {  	_ =	strace s2  }
0x97: {  	_ =	strace $0x8FFFFFFF  }
0x98: {  	s18 =	sld [smem:$0x3FDB];
	_ =	sdelay $0x1  }
0x99: {  	s19 =	simm.s32 $_scs_section_size  }
0x9a: {  	s4 =	simm.s32 $_size__tile_overlayer_lowered;
	s5 =	simm.s32 $_tile_overlayer_lowered  }
0x9b: {  	s22 =	simm.s32 $0x1BFF;
	s21 =	sshll.u32 s5, $0x1;
	s2 =	sadd.s32 s19, s18  }
0x9c: {  	s6 =	simm.s32 $0x0;
	s20 =	sshll.u32 s4, $0x1;
	s4 =	sadd.s32 s21, s2  }
0x9d: {  	[timem:s6], [sflag:s22] =	dma.local [hbm:s4], s20  }
0x9e: {  	_ =	swait.ge [sflag:s22], s20  }
0x9f: {  	s3 =	ssub.s32 $0x0, s20;
	[sflag:s22] =	ssyncset.done $0x0  }
0xa0: {  	[sflag:s22] =	ssyncadd.s32 s3;
	_ =	sdelay $0x1  }
0xa1: {  	s23 =	simm.s32 $0x1B8B  }
0xa2: {  	_ =	swait.ge [sflag:s23], $0x1  }
0xa3: {  	[sflag:s23] =	ssyncset.done $0x0  }
0xa4: {  	s25 =	simm.s32 $0x1B8E;
	s24 =	sld [smem:$0x3FFE];
	[sflag:s23] =	ssyncadd.s32 $0xFFFFFFFF  }
0xa5: {  	s26 =	simm.s32 $execute0_lowered;
	[smem:$0x3FD2] =	sst s25  }
0xa6: {  	s4 =	sshll.u32 s26, $0x1;
	_ =	strace $0x8000004C;
	[dreg:$0x1] =	wrdreg $0xFFFFFFFF  }
0xa7: {  	s28 =	simm.s32 $_size_execute0_lowered;
	s2 =	sadd.s32 s2, s4;
	[dreg:$0x0] =	wrdreg $0x0  }
0xa8: {  	s4 =	sshll.u32 s28, $0x1;
	[dreg:$0x2] =	wrdreg s2  }
0xa9: {  	[dreg:$0x3] =	wrdreg s4  }
0xaa: {  	[dreg:$0x4] =	wrdreg $0xC0  }
0xab: {  	_ =	task [dreg:s6], $0x5FFFF  }
0xac: {  	[dreg:$0x1] =	wrdreg $0xFFFFFFFF  }
0xad: {  	[dreg:$0x0] =	wrdreg $0x60  }
0xae: {  	[dreg:$0x2] =	wrdreg s24  }
0xaf: {  	[dreg:$0x3] =	wrdreg $0x6A400  }
0xb0: {  	[dreg:$0x4] =	wrdreg $0xA  }
0xb1: {  	_ =	task.clear_ibuf [dreg:s6], $0x5FFFF;
	_ =	strace $0x9000004C  }
0xb2: {  	s29 =	simm.s32 $0xA;
	_ =	strace $0x8000004E  }
0xb3: {  	_ =	swait.ge [sflag:s29], $0x1  }
0xb4: {  	[sflag:s29] =	ssyncadd.s32 $0xFFFFFFFF  }
0xb5: {  	_ =	strace $0x9000004E  }
0xb6: {  	_ =	sfence  }
0xb7: {  	s30 =	sld [smem:$0x0];
	_ =	sdelay $0x2  }
0xb8: {  	s31 =	sshll.u32 s1, $0xD;
	s1 =	sshrl.u32 s1, $0x2  }
0xb9: {  	s3 =	sand.u32 $0x4000, s31;
	s1 =	sadd.s32 s1, s30  }
0xba: {  	s0 =	sor.u32 s3, s0;
	s1 =	sshll.u32 s1, $0x11  }
0xbb: {  	s0 =	sor.u32 s1, s0  }
0xbc: {  	s0 =	sadd.s32 $0x8F2B, s0  }
0xbd: {  	[sflag:s0] =	ssyncadd.remote.s32 $0x1  }
0xbe: {  	_ =	sfence.sel $0xFFFF  }
0xbf: {  	[dreg:$0x0] =	wrdreg $0xFFFFFFFF;
	(pc) =	sbr.abs _section_cstart, $3  }
0xc0: {  	[dreg:$0x1] =	wrdreg $0xFFFFFFFF  }
0xc1: {  	_ =	task.clear_ibuf [dreg:s6], $0x2FFFF;
	_ =	strace $0x9FFFFFFF  }
0xc2: {  	(tm) =	ssettm $0x7FFFFFFF  }
0xc3: {  	_ =	shalt  }
tec
execute0_lowered:
.L_overlay_start_1:
0x0: {  	(tag) =	ssettag $0x1  }
0x1: {  	s0 =	rddreg [dreg:$0x0]  }
0x2: {  	s1 =	rddreg [dreg:$0x1];
	s2 =	srdreg.scid;
	s3 =	simm.s32 $0x0  }
0x3: {  	s11 =	stileid.u32;
	s4 =	simm.s32 $0x61C00;
	s19 =	simm.s32 $0x190  }
0x4: {  	s20 =	simm.s32 $0x1;
	s28 =	simm.s32 $0x5;
	s29 =	simm.s32 $0x4  }
0x5: {  	s30 =	simm.s32 $0x6;
	s31 =	simm.s32 $0x0;
	s6 =	smul.u32 $0xC38, s11  }
0x6: {  	s2 =	sand.u32 $0x1, s2;
	[smem:$0x7FF] =	sst s3;
	s21 =	smul.u32 $0x18700, s11  }
0x7: {  	s16 =	sadd.s32 $0x1C00, s0;
	s15 =	sadd.s32 $0x1A400, s0;
	s7 =	smul.u32 $0xC350, s11  }
0x8: {  	s24 =	sshll.u32 s11, $0x6;
	s18 =	smul.u32 $0x186A, s11;
	p0 =	seq.s32 s2, $0x0  }
0x9: {  	s5 =	ssub.s32 $0x0, s2;
	_ =	strace $0x8000004D;
	s2 =	ssub.s32 $0x2, s2  }
0xa: {  	s4 =	simm.s32 @!p0 $0x92A00;
	s5 =	sand.u32 $0xCB20, s5;
	s22 =	sshrl.u32 s2, $0x1  }
0xb: {  	s17 =	sadd.s32 s21, s1;
	s23 =	sshrl.u32 s21, $0x3;
	s13 =	sshrl.u32 s7, $0x3  }
0xc: {  	s21 =	simm.s32 $0x320;
	s4 =	sadd.s32 s4, s0;
	s5 =	sadd.s32 s6, s5  }
0xd: {  	s2 =	ssub.s32 s2, s22;
	s6 =	sor.u32 $0x1C07, s24;
	s25 =	sadd.s32 s16, s13  }
0xe: {  	s8 =	sadd.s32 s15, s13;
	s10 =	sadd.s32 $0x32, s13;
	s26 =	sadd.s32 $0x1838, s13  }
0xf: {  	s17 =	sshrl.u32 s17, $0x3;
	s22 =	simm.s32 $0x4B0;
	s24 =	simm.s32 $0x3  }
0x10: {  	s5 =	sshll.u32 s5, $0x2;
	s4 =	sadd.s32 $0x32C00, s4;
	[dreg:$0x4] =	wrdreg s25  }
0x11: {  	s9 =	sadd.s32 s16, s10;
	s10 =	sadd.s32 s15, s10;
	s12 =	smax.u32 s2, $0x1  }
0x12: {  	s13 =	sadd.s32 s16, s26;
	s14 =	sadd.s32 s15, s26;
	s15 =	sadd.s32 s18, s15  }
0x13: {  	s16 =	sadd.s32 s18, s16;
	s18 =	simm.s32 $0x7;
	s25 =	simm.s32 $0x2  }
0x14: {  	s26 =	simm.s32 $0x3840;
	s0 =	sadd.s32 s5, s0;
	s5 =	sadd.s32 s23, s4  }
0x15: {  	s23 =	simm.s32 $0x640;
	[dreg:$0x3] =	wrdreg s5;
	s11 =	sadd.s32 $0xF6400, s0  }
.LBB2_1:
0x16: {  	s0 =	rddreg [dreg:$0x3]  }
0x17: {  	[spmem:s17], [sflag:s6] =	dma.local [hbm:s0], $0x30E0  }
0x18: {  	_ =	swait.ge [sflag:s18], $0x30E0  }
0x19: {  	[sflag:s18] =	ssyncset.done $0x0  }
0x1a: {  	[sflag:s18] =	ssyncadd.s32 $0xFFFFCF20  }
0x1b: {  	[bflag:$0x0] =	sbarrier.arrive $0xFFFF  }
0x1c: {  	s5 =	rddreg [dreg:$0x4]  }
0x1d: {  	[tilespmem:s3], [sflag:$0x1] =	stream.linear.gather [hbm4b:s5+s3], $0x190, $0x38;
	[tilespmem:$0x1F140] =	vst v63  }
0x1e: {  	_ = 	snop  }
0x1f: {  	[tilespmem:s19], [sflag:$0x1] =	stream.linear.gather [hbm4b:s8+s3], $0x190, $0x38;
	[tilespmem:$0x1F140] =	vst v63  }
0x20: {  	_ =	swait.ge [sflag:s20], $0x190  }
0x21: {  	[sflag:s20] =	ssyncset.done $0x0  }
0x22: {  	[sflag:s20] =	ssyncadd.s32 $0xFFFFFE70  }
0x23: {  	_ =	swait.ge [sflag:s20], $0x190  }
0x24: {  	[sflag:s20] =	ssyncset.done $0x0  }
0x25: {  	[sflag:s20] =	ssyncadd.s32 $0xFFFFFE70  }
0x26: {  	[tilespmem:s21], [sflag:$0x2] =	stream.linear.gather [hbm4b:s9+s3], $0x190, $0x38;
	[tilespmem:$0x1F140] =	vst v63  }
0x27: {  	_ = 	snop  }
0x28: {  	[tilespmem:s22], [sflag:$0x2] =	stream.linear.gather [hbm4b:s10+s3], $0x190, $0x38;
	[tilespmem:$0x1F140] =	vst v63  }
0x29: {  	_ = 	snop  }
0x2a: {  	[tilespmem:s23], [sflag:$0x3] =	stream.indirect.gather [hbm4b:s4+s19], $0x20, s3, s19, $0xb8;
	[tilespmem:$0x1F140] =	vst v63  }
0x2b: {  	_ =	swait.ge [sflag:s24], $0x3200  }
0x2c: {  	[sflag:s24] =	ssyncset.done $0x0  }
0x2d: {  	[sflag:s24] =	ssyncadd.s32 $0xFFFFCE00  }
0x2e: {  	[spmem:s1] =	stream.indirect.scatter.add.f32 [tilespmem:s23], [sflag:$0x5], $0x20, s19, s19, $0xb8;
	[tilespmem:$0x1F140] =	vst v63  }
0x2f: {  	_ =	swait.ge [sflag:s25], $0x190  }
0x30: {  	[sflag:s25] =	ssyncset.done $0x0  }
0x31: {  	[sflag:s25] =	ssyncadd.s32 $0xFFFFFE70  }
0x32: {  	_ =	swait.ge [sflag:s25], $0x190  }
0x33: {  	[sflag:s25] =	ssyncset.done $0x0  }
0x34: {  	[sflag:s25] =	ssyncadd.s32 $0xFFFFFE70  }
0x35: {  	[tilespmem:s26], [sflag:$0x4] =	stream.indirect.gather [hbm4b:s4+s19], $0x20, s21, s19, $0xb8;
	[tilespmem:$0x1F140] =	vst v63  }
0x36: {  	_ =	swait.ge [sflag:s28], $0x3200  }
0x37: {  	s0 =	sadd.s32 $0xFFFFE82C, s16;
	[sflag:s28] =	ssyncset.done $0x0  }
0x38: {  	s2 =	sadd.s32 $0x1838, s0;
	s5 =	sadd.s32 $0xFFFFE82C, s15;
	[sflag:s28] =	ssyncadd.s32 $0xFFFFCE00  }
0x39: {  	[tilespmem:s3], [sflag:$0x1] =	stream.linear.gather [hbm4b:s2+s3], $0x190, $0x38;
	[tilespmem:$0x1F140] =	vst v63  }
0x3a: {  	s7 =	sadd.s32 $0x1838, s5  }
0x3b: {  	[tilespmem:s19], [sflag:$0x1] =	stream.linear.gather [hbm4b:s7+s3], $0x190, $0x38;
	[tilespmem:$0x1F140] =	vst v63  }
0x3c: {  	_ =	swait.ge [sflag:s29], $0x3200  }
0x3d: {  	[sflag:s29] =	ssyncset.done $0x0  }
0x3e: {  	[sflag:s29] =	ssyncadd.s32 $0xFFFFCE00  }
0x3f: {  	[spmem:s1] =	stream.indirect.scatter.add.f32 [tilespmem:s26], [sflag:$0x6], $0x20, s22, s19, $0xb8;
	[tilespmem:$0x1F140] =	vst v63  }
0x40: {  	_ =	swait.ge [sflag:s20], $0x190  }
0x41: {  	[sflag:s20] =	ssyncset.done $0x0  }
0x42: {  	[sflag:s20] =	ssyncadd.s32 $0xFFFFFE70  }
0x43: {  	_ =	swait.ge [sflag:s20], $0x190  }
0x44: {  	[sflag:s20] =	ssyncset.done $0x0  }
0x45: {  	[sflag:s20] =	ssyncadd.s32 $0xFFFFFE70  }
0x46: {  	[tilespmem:s23], [sflag:$0x3] =	stream.indirect.gather [hbm4b:s4+s19], $0x20, s3, s19, $0xb8;
	[tilespmem:$0x1F140] =	vst v63  }
0x47: {  	_ =	swait.ge [sflag:s30], $0x3200  }
0x48: {  	[sflag:s30] =	ssyncset.done $0x0  }
0x49: {  	s0 =	sadd.s32 $0x186A, s0;
	[sflag:s30] =	ssyncadd.s32 $0xFFFFCE00  }
0x4a: {  	[tilespmem:s21], [sflag:$0x2] =	stream.linear.gather [hbm4b:s0+s3], $0x190, $0x38;
	[tilespmem:$0x1F140] =	vst v63  }
0x4b: {  	s2 =	sadd.s32 $0x186A, s5;
	s0 =	simm.s32 $0xFFFFE890  }
.LBB2_2:
0x4c: {  	[tilespmem:s22], [sflag:$0x2] =	stream.linear.gather [hbm4b:s2+s3], $0x190, $0x38;
	[tilespmem:$0x1F140] =	vst v63  }
0x4d: {  	s2 =	smov.u32 s0  }
0x4e: {  	p0 =	sne.s32 s0, $0xFFFFFF9C;
	s0 =	sadd.s32 $0x64, s0;
	_ =	swait.ge [sflag:s24], $0x3200  }
0x4f: {  	[sflag:s24] =	ssyncset.done $0x0  }
0x50: {  	[sflag:s24] =	ssyncadd.s32 $0xFFFFCE00  }
0x51: {  	[spmem:s1] =	stream.indirect.scatter.add.f32 [tilespmem:s23], [sflag:$0x5], $0x20, s19, s19, $0xb8;
	[tilespmem:$0x1F140] =	vst v63  }
0x52: {  	_ =	swait.ge [sflag:s25], $0x190  }
0x53: {  	[sflag:s25] =	ssyncset.done $0x0  }
0x54: {  	[sflag:s25] =	ssyncadd.s32 $0xFFFFFE70  }
0x55: {  	_ =	swait.ge [sflag:s25], $0x190  }
0x56: {  	[sflag:s25] =	ssyncset.done $0x0  }
0x57: {  	[sflag:s25] =	ssyncadd.s32 $0xFFFFFE70  }
0x58: {  	[tilespmem:s26], [sflag:$0x4] =	stream.indirect.gather [hbm4b:s4+s19], $0x20, s21, s19, $0xb8;
	[tilespmem:$0x1F140] =	vst v63  }
0x59: {  	_ =	swait.ge [sflag:s28], $0x3200  }
0x5a: {  	s5 =	sadd.s32 s2, s16;
	[sflag:s28] =	ssyncset.done $0x0  }
0x5b: {  	s2 =	sadd.s32 s2, s15;
	s7 =	sadd.s32 $0x1838, s5;
	[sflag:s28] =	ssyncadd.s32 $0xFFFFCE00  }
0x5c: {  	[tilespmem:s3], [sflag:$0x1] =	stream.linear.gather [hbm4b:s7+s3], $0x190, $0x38;
	[tilespmem:$0x1F140] =	vst v63  }
0x5d: {  	s7 =	sadd.s32 $0x1838, s2  }
0x5e: {  	[tilespmem:s19], [sflag:$0x1] =	stream.linear.gather [hbm4b:s7+s3], $0x190, $0x38;
	[tilespmem:$0x1F140] =	vst v63  }
0x5f: {  	_ =	swait.ge [sflag:s29], $0x3200  }
0x60: {  	[sflag:s29] =	ssyncset.done $0x0  }
0x61: {  	[sflag:s29] =	ssyncadd.s32 $0xFFFFCE00  }
0x62: {  	[spmem:s1] =	stream.indirect.scatter.add.f32 [tilespmem:s26], [sflag:$0x6], $0x20, s22, s19, $0xb8;
	[tilespmem:$0x1F140] =	vst v63  }
0x63: {  	_ =	swait.ge [sflag:s20], $0x190  }
0x64: {  	[sflag:s20] =	ssyncset.done $0x0  }
0x65: {  	[sflag:s20] =	ssyncadd.s32 $0xFFFFFE70  }
0x66: {  	_ =	swait.ge [sflag:s20], $0x190  }
0x67: {  	[sflag:s20] =	ssyncset.done $0x0  }
0x68: {  	[sflag:s20] =	ssyncadd.s32 $0xFFFFFE70  }
0x69: {  	[tilespmem:s23], [sflag:$0x3] =	stream.indirect.gather [hbm4b:s4+s19], $0x20, s3, s19, $0xb8;
	[tilespmem:$0x1F140] =	vst v63  }
.Ltmp0:
0x6a: {  	_ =	swait.ge [sflag:s30], $0x3200;
	(pc) =	sbr.rel @p0 .LBB2_2-.Ltmp0, $4  }
0x6b: {  	[sflag:s30] =	ssyncset.done $0x0  }
0x6c: {  	s5 =	sadd.s32 $0x186A, s5;
	[sflag:s30] =	ssyncadd.s32 $0xFFFFCE00  }
0x6d: {  	[tilespmem:s21], [sflag:$0x2] =	stream.linear.gather [hbm4b:s5+s3], $0x190, $0x38;
	[tilespmem:$0x1F140] =	vst v63  }
0x6e: {  	s2 =	sadd.s32 $0x186A, s2  }
0x6f: {  	[tilespmem:s22], [sflag:$0x2] =	stream.linear.gather [hbm4b:s2+s3], $0x190, $0x38;
	[tilespmem:$0x1F140] =	vst v63  }
0x70: {  	_ =	swait.ge [sflag:s24], $0x3200  }
0x71: {  	[sflag:s24] =	ssyncset.done $0x0  }
0x72: {  	[sflag:s24] =	ssyncadd.s32 $0xFFFFCE00  }
0x73: {  	[spmem:s1] =	stream.indirect.scatter.add.f32 [tilespmem:s23], [sflag:$0x5], $0x20, s19, s19, $0xb8;
	[tilespmem:$0x1F140] =	vst v63  }
0x74: {  	_ =	swait.ge [sflag:s25], $0x190  }
0x75: {  	[sflag:s25] =	ssyncset.done $0x0  }
0x76: {  	[sflag:s25] =	ssyncadd.s32 $0xFFFFFE70  }
0x77: {  	_ =	swait.ge [sflag:s25], $0x190  }
0x78: {  	[sflag:s25] =	ssyncset.done $0x0  }
0x79: {  	[sflag:s25] =	ssyncadd.s32 $0xFFFFFE70  }
0x7a: {  	[tilespmem:s26], [sflag:$0x4] =	stream.indirect.gather [hbm4b:s4+s19], $0x20, s21, s19, $0xb8;
	[tilespmem:$0x1F140] =	vst v63  }
0x7b: {  	_ =	swait.ge [sflag:s28], $0x3200  }
0x7c: {  	[sflag:s28] =	ssyncset.done $0x0  }
0x7d: {  	[sflag:s28] =	ssyncadd.s32 $0xFFFFCE00  }
0x7e: {  	[tilespmem:s3], [sflag:$0x1] =	stream.linear.gather [hbm4b:s13+s3], $0x190, $0x38;
	[tilespmem:$0x1F140] =	vst v63  }
0x7f: {  	_ = 	snop  }
0x80: {  	[tilespmem:s19], [sflag:$0x1] =	stream.linear.gather [hbm4b:s14+s3], $0x190, $0x38;
	[tilespmem:$0x1F140] =	vst v63  }
0x81: {  	_ =	swait.ge [sflag:s29], $0x3200  }
0x82: {  	[sflag:s29] =	ssyncset.done $0x0  }
0x83: {  	[sflag:s29] =	ssyncadd.s32 $0xFFFFCE00  }
0x84: {  	[spmem:s1] =	stream.indirect.scatter.add.f32 [tilespmem:s26], [sflag:$0x6], $0x20, s22, s19, $0xb8;
	[tilespmem:$0x1F140] =	vst v63  }
0x85: {  	_ =	swait.ge [sflag:s20], $0x190  }
0x86: {  	[sflag:s20] =	ssyncset.done $0x0  }
0x87: {  	[sflag:s20] =	ssyncadd.s32 $0xFFFFFE70  }
0x88: {  	_ =	swait.ge [sflag:s20], $0x190  }
0x89: {  	[sflag:s20] =	ssyncset.done $0x0  }
0x8a: {  	[sflag:s20] =	ssyncadd.s32 $0xFFFFFE70  }
0x8b: {  	[tilespmem:s23], [sflag:$0x3] =	stream.indirect.gather [hbm4b:s4+s19], $0x20, s3, s19, $0xb8;
	[tilespmem:$0x1F140] =	vst v63  }
0x8c: {  	_ =	swait.ge [sflag:s30], $0x3200  }
0x8d: {  	[sflag:s30] =	ssyncset.done $0x0  }
0x8e: {  	[sflag:s30] =	ssyncadd.s32 $0xFFFFCE00  }
0x8f: {  	[tilespmem:s21], [sflag:$0x2] =	stream.linear.gather [hbm4b:s13+s3], $0x190, $0x38;
	[tilespmem:$0x1F140] =	vst v63  }
0x90: {  	_ = 	snop  }
0x91: {  	[tilespmem:s22], [sflag:$0x2] =	stream.linear.gather [hbm4b:s14+s3], $0x190, $0x38;
	[tilespmem:$0x1F140] =	vst v63  }
0x92: {  	_ =	swait.ge [sflag:s24], $0x3200  }
0x93: {  	[sflag:s24] =	ssyncset.done $0x0  }
0x94: {  	[sflag:s24] =	ssyncadd.s32 $0xFFFFCE00  }
0x95: {  	[spmem:s1] =	stream.indirect.scatter.add.f32 [tilespmem:s23], [sflag:$0x5], $0x20, s19, s19, $0xb8;
	[tilespmem:$0x1F140] =	vst v63  }
0x96: {  	_ =	swait.ge [sflag:s28], $0x3200  }
0x97: {  	[sflag:s28] =	ssyncset.done $0x0  }
0x98: {  	[sflag:s28] =	ssyncadd.s32 $0xFFFFCE00  }
0x99: {  	_ =	swait.ge [sflag:s25], $0x190  }
0x9a: {  	[sflag:s25] =	ssyncset.done $0x0  }
0x9b: {  	[sflag:s25] =	ssyncadd.s32 $0xFFFFFE70  }
0x9c: {  	_ =	swait.ge [sflag:s25], $0x190  }
0x9d: {  	s31 =	sadd.s32 $0x1, s31;
	[sflag:s25] =	ssyncset.done $0x0  }
0x9e: {  	p0 =	sne.s32 s31, s12;
	[sflag:s25] =	ssyncadd.s32 $0xFFFFFE70  }
.Ltmp1:
0x9f: {  	[bflag:$0x0] =	sbarrier.arrive $0xFFFF;
	(pc) =	sbr.rel @p0 .LBB2_1-.Ltmp1, $4  }
0xa0: {  	[hbm:s11], [sflag:s6] =	dma.local [spmem:s17], $0x30E0  }
0xa1: {  	_ =	swait.ge [sflag:s18], $0x30E0  }
0xa2: {  	[sflag:s18] =	ssyncset.done $0x0  }
0xa3: {  	[sflag:s18] =	ssyncadd.s32 $0xFFFFCF20  }
0xa4: {  	_ =	sfence.sel $0x180000  }
0xa5: {  	[bflag:$0x0] =	sbarrier.arrive $0xFFFF  }
0xa6: {  	_ =	strace $0x9000004D  }
0xa7: {  	s0 =	stileid.u32;
	[bflag:$0x2] =	sbarrier.arrive $0xFFFF  }
0xa8: {  	p0 =	sne.s32 s0, $0x0;
	s0 =	rddreg [dreg:$0x2]  }
0xa9: {  	s0 =	sadd.s32 @!p0 $0x100000, s0  }
0xaa: {  	[sflag:s0] =	ssyncadd.tile.s32 @!p0 $0x1;
	_ =	shalt  }
.Lfunc_end2:
_tile_overlayer_lowered:
.L_overlay_start_2:
0xab: {  	(tag) =	ssettag $0x2  }
0xac: {  	s0 =	rddreg [dreg:$0x0];
	s2 =	stileid.u32  }
0xad: {  	s1 =	rddreg [dreg:$0x1];
	p0 =	sne.s32 s2, $0x0  }
0xae: {  	s3 =	rddreg [dreg:$0x2];
	[bflag:$0x3] =	sbarrier.arrive $0xFFFF;
	s2 =	simm.s32 @!p0 $0x1C07  }
0xaf: {  	[timem:s3], [sflag:s2] =	dma.local @!p0 [hbm:s0], s1  }
0xb0: {  	s0 =	simm.s32 @!p0 $0x7  }
0xb1: {  	_ =	swait.ge @!p0 [sflag:s0], s1  }
0xb2: {  	s1 =	ssub.s32 @!p0 $0x0, s1;
	[sflag:s0] =	ssyncset.done @!p0 $0x0  }
0xb3: {  	[sflag:s0] =	ssyncadd.s32 @!p0 s1  }
0xb4: {  	[bflag:$0x3] =	sbarrier.arrive $0xFFFF  }
0xb5: {  	_ =	shalt  }

// kernel: kernel.23.cloned.1.call-start
scs
__scs_entry_jumppad:
0x0: {  	(pc) =	sbr.rel $0x88, $3  }
0x1: {  	(tag) =	ssettag $0x0;
	lr =	simm.s32 $0x1  }
0x2: {  	[smem:$0x3F99] =	sst lr;
	_ =	strace $0xD0000000  }
0x3: {  	_ = 	snop  }
0x4: {  	_ = 	snop  }
0x5: {  	_ = 	snop  }
0x6: {  	_ = 	snop  }
0x7: {  	_ = 	snop  }
__scs_overlays_trampoline_lowered:
0x8: {  	[smem:$0x3FA8] =	sst s0  }
0x9: {  	[smem:$0x3FA9] =	sst s1  }
0xa: {  	[smem:$0x3FAA] =	sst s2  }
0xb: {  	[smem:$0x3FAB] =	sst s3  }
0xc: {  	[smem:$0x3FAC] =	sst s4  }
0xd: {  	[smem:$0x3FAD] =	sst s5  }
0xe: {  	[smem:$0x3FAE] =	sst s6  }
0xf: {  	[smem:$0x3FAF] =	sst s7  }
0x10: {  	[smem:$0x3FB0] =	sst s8  }
0x11: {  	[smem:$0x3FB1] =	sst s9;
	s0 =	simm.s32 @!p0 $0x0  }
0x12: {  	s1 =	sld [smem:$0x3F97];
	s0 =	simm.s32 @p0 $0x1  }
0x13: {  	[smem:$0x3FB2] =	sst s0;
	s0 =	simm.s32 @!p1 $0x0  }
0x14: {  	s2 =	sld [smem:$0x3F96];
	s0 =	simm.s32 @p1 $0x1  }
0x15: {  	[smem:$0x3FB3] =	sst s0;
	s0 =	simm.s32 @!p2 $0x0  }
0x16: {  	s3 =	sld [smem:$0x3FDB];
	s0 =	simm.s32 @p2 $0x1  }
0x17: {  	s4 =	simm.s32 $0x1BF5;
	[smem:$0x3FB5] =	sst s0  }
0x18: {  	s0 =	sld [smem:$0x3F98];
	_ =	swait.ge [sflag:s4], $0x0  }
0x19: {  	s7 =	sld [smem:$0x3F99]  }
0x1a: {  	s8 =	sadd.s32 $0xFFFFE003, lr  }
0x1b: {  	s9 =	sadd.s32 $0xFFFFFEF7, lr;
	s5 =	simm.s32 $0xFFFFFFFF;
	p2 =	slt.u32 s8, $0xFFFFF086  }
0x1c: {  	p1 =	slt.u32 s9, $0xF7A;
	s5 =	simm.s32 @!p2 $0x0  }
0x1d: {  	s5 =	simm.s32 @p1 $0x1;
	p0 =	seq.s32 s7, s2  }
0x1e: {  	s7 =	smul.u32 @!p0 $0xF7A, s2;
	p2 =	seq.s32 @!p0 s5, $0x0  }
0x1f: {  	s9 =	smul.u32 $0xF7A, s1;
	s8 =	simm.s32 @!p0 $0x1BF5;
	p2 =	por !p2, p0  }
0x20: {  	[sflag:s8] =	ssyncset.s32 @!p0 $0xFFFFF086;
	s6 =	sadd.s32 @!p0 s3, s7;
	s7 =	simm.s32 @!p0 $0x108  }
0x21: {  	s3 =	sadd.s32 s3, s9;
	s6 =	sadd.s32 @!p0 $0x88, s6;
	s7 =	simm.s32 @p2 $0x1082  }
0x22: {  	[simem:s7], [sflag:s8] =	dma.local @!p0 [hbm:s6], $0xF7A  }
0x23: {  	s9 =	sor.u32 $0xD0000000, s2;
	s6 =	simm.s32 $0x108;
	_ =	swait.ge @!p0 [sflag:s8], $0x0  }
0x24: {  	s3 =	sadd.s32 $0x88, s3;
	s6 =	simm.s32 @!p1 $0x1082;
	[sflag:s4] =	ssyncset.s32 $0xFFFFF086  }
0x25: {  	[simem:s6], [sflag:s4] =	dma.local [hbm:s3], $0xF7A  }
0x26: {  	[smem:$0x3F99] =	sst s1;
	(tag) =	ssettag s2;
	_ =	strace s9  }
0x27: {  	s1 =	sld [smem:$0x3FA9]  }
0x28: {  	s2 =	sld [smem:$0x3FAA]  }
0x29: {  	s4 =	sld [smem:$0x3FAC]  }
0x2a: {  	p0 =	seq.s32 s5, $0x0;
	s5 =	sld [smem:$0x3FAD]  }
0x2b: {  	s6 =	sld [smem:$0x3FAE]  }
0x2c: {  	s7 =	sld [smem:$0x3FAF]  }
0x2d: {  	s3 =	simm.s32 $0x108;
	s8 =	sld [smem:$0x3FB0]  }
0x2e: {  	s3 =	simm.s32 @!p0 $0x1082;
	s9 =	sld [smem:$0x3FB1]  }
0x2f: {  	lr =	sadd.s32 s0, s3;
	s0 =	sld [smem:$0x3FA8]  }
0x30: {  	s3 =	sld [smem:$0x3FAB]  }
0x31: {  	[smem:$0x3FB4] =	sst s10  }
0x32: {  	s10 =	sld [smem:$0x3FB2];
	_ =	sdelay $0x3  }
0x33: {  	p0 =	seq.s32 s10, $0x1;
	s10 =	sld [smem:$0x3FB4];
	_ =	sdelay $0x3  }
0x34: {  	[smem:$0x3FB4] =	sst s10  }
0x35: {  	s10 =	sld [smem:$0x3FB3];
	_ =	sdelay $0x3  }
0x36: {  	p1 =	seq.s32 s10, $0x1;
	s10 =	sld [smem:$0x3FB4];
	_ =	sdelay $0x3  }
0x37: {  	[smem:$0x3FB4] =	sst s10  }
0x38: {  	s10 =	sld [smem:$0x3FB5]  }
0x39: {  	_ = 	snop;
	(pc) =	sbr.ind lr, $3  }
0x3a: {  	_ = 	snop  }
0x3b: {  	_ = 	snop  }
0x3c: {  	p2 =	seq.s32 s10, $0x1;
	s10 =	sld [smem:$0x3FB4]  }
0x3d: {  	_ =	shalt  }
0x3e: {  	_ =	shalt  }
0x3f: {  	_ =	shalt  }
0x40: {  	_ =	shalt  }
0x41: {  	_ =	shalt  }
0x42: {  	_ =	shalt  }
0x43: {  	_ =	shalt  }
0x44: {  	_ =	shalt  }
0x45: {  	_ =	shalt  }
0x46: {  	_ =	shalt  }
0x47: {  	_ =	shalt  }
0x48: {  	_ =	shalt  }
0x49: {  	_ =	shalt  }
0x4a: {  	_ =	shalt  }
0x4b: {  	_ =	shalt  }
0x4c: {  	_ =	shalt  }
0x4d: {  	_ =	shalt  }
0x4e: {  	_ =	shalt  }
0x4f: {  	_ =	shalt  }
0x50: {  	_ =	shalt  }
0x51: {  	_ =	shalt  }
0x52: {  	_ =	shalt  }
0x53: {  	_ =	shalt  }
0x54: {  	_ =	shalt  }
0x55: {  	_ =	shalt  }
0x56: {  	_ =	shalt  }
0x57: {  	_ =	shalt  }
0x58: {  	_ =	shalt  }
0x59: {  	_ =	shalt  }
0x5a: {  	_ =	shalt  }
0x5b: {  	_ =	shalt  }
0x5c: {  	_ =	shalt  }
0x5d: {  	_ =	shalt  }
0x5e: {  	_ =	shalt  }
0x5f: {  	_ =	shalt  }
0x60: {  	_ =	shalt  }
0x61: {  	_ =	shalt  }
0x62: {  	_ =	shalt  }
0x63: {  	_ =	shalt  }
0x64: {  	_ =	shalt  }
0x65: {  	_ =	shalt  }
0x66: {  	_ =	shalt  }
0x67: {  	_ =	shalt  }
0x68: {  	_ =	shalt  }
0x69: {  	_ =	shalt  }
0x6a: {  	_ =	shalt  }
0x6b: {  	_ =	shalt  }
0x6c: {  	_ =	shalt  }
0x6d: {  	_ =	shalt  }
0x6e: {  	_ =	shalt  }
0x6f: {  	_ =	shalt  }
0x70: {  	_ =	shalt  }
0x71: {  	_ =	shalt  }
0x72: {  	_ =	shalt  }
0x73: {  	_ =	shalt  }
0x74: {  	_ =	shalt  }
0x75: {  	_ =	shalt  }
0x76: {  	_ =	shalt  }
0x77: {  	_ =	shalt  }
0x78: {  	_ =	shalt  }
0x79: {  	_ =	shalt  }
0x7a: {  	_ =	shalt  }
0x7b: {  	_ =	shalt  }
0x7c: {  	_ =	shalt  }
0x7d: {  	_ =	shalt  }
0x7e: {  	_ =	shalt  }
0x7f: {  	_ =	shalt  }
0x80: {  	_ =	shalt  }
0x81: {  	_ =	shalt  }
0x82: {  	_ =	shalt  }
0x83: {  	_ =	shalt  }
0x84: {  	_ =	shalt  }
0x85: {  	_ =	shalt  }
0x86: {  	_ =	shalt  }
0x87: {  	_ =	shalt  }
.Lfunc_end0:
.L_simem_size_0:
called_computation.4_lowered:
.L_overlay_start_0:
0x88: {  	s2 =	sld [smem:$0x3FD9]  }
0x89: {  	s3 =	sld [smem:$0x3FFE];
	_ =	sdelay $0x1  }
0x8a: {  	s1 =	srdreg.scid  }
0x8b: {  	s0 =	sand.u32 $0x1, s1  }
0x8c: {  	s16 =	sshll.u32 s0, $0xA;
	s2 =	sadd.s32 s3, s2  }
0x8d: {  	s2 =	sadd.s32 s2, s16  }
0x8e: {  	[smem:$0x3FC0] =	sst s2  }
0x8f: {  	_ = 	snop  }
0x90: {  	(tm) =	ssettm $0x1  }
0x91: {  	s17 =	sld [smem:$0x3FFB];
	_ =	sdelay $0x3  }
0x92: {  	_ =	strace s17  }
0x93: {  	s2 =	sld [smem:$0x3FFC];
	_ =	sdelay $0x3  }
0x94: {  	_ =	strace s2  }
0x95: {  	s2 =	sld [smem:$0x3FFD];
	_ =	sdelay $0x3  }
0x96: {  	_ =	strace s2  }
0x97: {  	_ =	strace $0x8FFFFFFF  }
0x98: {  	s18 =	sld [smem:$0x3FDB];
	_ =	sdelay $0x1  }
0x99: {  	s19 =	simm.s32 $_scs_section_size  }
0x9a: {  	s4 =	simm.s32 $_size__tile_overlayer_lowered;
	s5 =	simm.s32 $_tile_overlayer_lowered  }
0x9b: {  	s22 =	simm.s32 $0x1BFF;
	s21 =	sshll.u32 s5, $0x1;
	s2 =	sadd.s32 s19, s18  }
0x9c: {  	s6 =	simm.s32 $0x0;
	s20 =	sshll.u32 s4, $0x1;
	s4 =	sadd.s32 s21, s2  }
0x9d: {  	[timem:s6], [sflag:s22] =	dma.local [hbm:s4], s20  }
0x9e: {  	_ =	swait.ge [sflag:s22], s20  }
0x9f: {  	s3 =	ssub.s32 $0x0, s20;
	[sflag:s22] =	ssyncset.done $0x0  }
0xa0: {  	[sflag:s22] =	ssyncadd.s32 s3;
	_ =	sdelay $0x1  }
0xa1: {  	s23 =	simm.s32 $0x1B8B  }
0xa2: {  	_ =	swait.ge [sflag:s23], $0x1  }
0xa3: {  	[sflag:s23] =	ssyncset.done $0x0  }
0xa4: {  	s25 =	simm.s32 $0x1B8E;
	s24 =	sld [smem:$0x3FFE];
	[sflag:s23] =	ssyncadd.s32 $0xFFFFFFFF  }
0xa5: {  	s26 =	simm.s32 $execute0_lowered;
	[smem:$0x3FD2] =	sst s25  }
0xa6: {  	s4 =	sshll.u32 s26, $0x1;
	_ =	strace $0x80000052;
	[dreg:$0x1] =	wrdreg $0xFFFFFFFF  }
0xa7: {  	s28 =	simm.s32 $_size_execute0_lowered;
	s2 =	sadd.s32 s2, s4;
	[dreg:$0x0] =	wrdreg $0x0  }
0xa8: {  	s4 =	sshll.u32 s28, $0x1;
	[dreg:$0x2] =	wrdreg s2  }
0xa9: {  	[dreg:$0x3] =	wrdreg s4  }
0xaa: {  	[dreg:$0x4] =	wrdreg $0xC0  }
0xab: {  	_ =	task [dreg:s6], $0x5FFFF  }
0xac: {  	[dreg:$0x1] =	wrdreg $0xFFFFFFFF  }
0xad: {  	[dreg:$0x0] =	wrdreg $0x60  }
0xae: {  	[dreg:$0x2] =	wrdreg s24  }
0xaf: {  	[dreg:$0x3] =	wrdreg $0x8CA00  }
0xb0: {  	[dreg:$0x4] =	wrdreg $0x9  }
0xb1: {  	_ =	task.clear_ibuf [dreg:s6], $0x5FFFF;
	_ =	strace $0x90000052  }
0xb2: {  	s29 =	simm.s32 $0x9;
	_ =	strace $0x80000054  }
0xb3: {  	_ =	swait.ge [sflag:s29], $0x1  }
0xb4: {  	[sflag:s29] =	ssyncadd.s32 $0xFFFFFFFF  }
0xb5: {  	_ =	strace $0x90000054  }
0xb6: {  	_ =	sfence  }
0xb7: {  	s30 =	sld [smem:$0x0];
	_ =	sdelay $0x2  }
0xb8: {  	s31 =	sshll.u32 s1, $0xD;
	s1 =	sshrl.u32 s1, $0x2  }
0xb9: {  	s3 =	sand.u32 $0x4000, s31;
	s1 =	sadd.s32 s1, s30  }
0xba: {  	s0 =	sor.u32 s3, s0;
	s1 =	sshll.u32 s1, $0x11  }
0xbb: {  	s0 =	sor.u32 s1, s0  }
0xbc: {  	s0 =	sadd.s32 $0x8F2B, s0  }
0xbd: {  	[sflag:s0] =	ssyncadd.remote.s32 $0x1  }
0xbe: {  	_ =	sfence.sel $0xFFFF  }
0xbf: {  	[dreg:$0x0] =	wrdreg $0xFFFFFFFF;
	(pc) =	sbr.abs _section_cstart, $3  }
0xc0: {  	[dreg:$0x1] =	wrdreg $0xFFFFFFFF  }
0xc1: {  	_ =	task.clear_ibuf [dreg:s6], $0x2FFFF;
	_ =	strace $0x9FFFFFFF  }
0xc2: {  	(tm) =	ssettm $0x7FFFFFFF  }
0xc3: {  	_ =	shalt  }
tec
execute0_lowered:
.L_overlay_start_1:
0x0: {  	(tag) =	ssettag $0x1  }
0x1: {  	s0 =	rddreg [dreg:$0x0]  }
0x2: {  	s1 =	rddreg [dreg:$0x1]  }
0x3: {  	s3 =	simm.s32 $0x0;
	s2 =	srdreg.scid;
	s11 =	stileid.u32  }
0x4: {  	s28 =	simm.s32 $0x3;
	s29 =	simm.s32 $0x2;
	s30 =	simm.s32 $0x4E20  }
0x5: {  	s31 =	simm.s32 $0x5;
	[smem:$0x7FF] =	sst s3;
	s8 =	smul.u32 $0xC38, s11  }
0x6: {  	s2 =	sand.u32 $0x1, s2;
	s4 =	sadd.s32 $0x1B9C00, s0;
	s10 =	smul.u32 $0xC380, s11  }
0x7: {  	s5 =	sadd.s32 $0x1C00, s0;
	s6 =	sadd.s32 $0x1A400, s0;
	s17 =	smul.u32 $0x61A8, s11  }
0x8: {  	s19 =	sshll.u32 s11, $0x6;
	s7 =	ssub.s32 $0x0, s2;
	s2 =	ssub.s32 $0x2, s2  }
0x9: {  	_ =	strace $0x80000053;
	s9 =	sand.u32 $0xCB20, s7;
	s16 =	sshrl.u32 s2, $0x1  }
0xa: {  	s18 =	sand.u32 $0x61A80, s7;
	s12 =	sadd.s32 s10, s1;
	s7 =	sand.u32 $0x18700, s7  }
0xb: {  	s10 =	sshrl.u32 s10, $0x3;
	s8 =	sadd.s32 s8, s9;
	s2 =	ssub.s32 s2, s16  }
0xc: {  	[dreg:$0x3] =	wrdreg s12;
	s7 =	sadd.s32 s4, s7;
	s9 =	sor.u32 $0x1C07, s19  }
0xd: {  	s8 =	sshll.u32 s8, $0x1;
	s7 =	sadd.s32 s10, s7;
	s15 =	smax.u32 s2, $0x1  }
0xe: {  	s2 =	simm.s32 $0x6;
	s0 =	sadd.s32 s8, s0;
	s8 =	sadd.s32 s17, s18  }
0xf: {  	[dreg:$0x4] =	wrdreg s7;
	s7 =	simm.s32 $0x0;
	s20 =	sadd.s32 $0x3E8, s8  }
0x10: {  	s21 =	sshrl.u32 s8, $0x3;
	s0 =	sadd.s32 $0x32C00, s0;
	s25 =	sadd.s32 $0xBB8, s8  }
0x11: {  	s10 =	sshrl.u32 s20, $0x3;
	s22 =	sadd.s32 s5, s21;
	s23 =	sadd.s32 s6, s21  }
0x12: {  	[dreg:$0x9] =	wrdreg s0;
	s26 =	sadd.s32 $0xBB8, s21;
	s0 =	sshrl.u32 s25, $0x3  }
0x13: {  	s20 =	sadd.s32 $0x7D0, s8;
	s21 =	simm.s32 $0x7;
	[dreg:$0x5] =	wrdreg s22  }
0x14: {  	s25 =	simm.s32 $0xBB8;
	[dreg:$0x6] =	wrdreg s23;
	s24 =	sadd.s32 s5, s10  }
0x15: {  	s10 =	sadd.s32 s6, s10;
	s16 =	sadd.s32 s5, s26;
	s17 =	sadd.s32 s6, s26  }
0x16: {  	s18 =	sadd.s32 s0, s6;
	s19 =	sadd.s32 s0, s5;
	s22 =	simm.s32 $0x3E8  }
0x17: {  	s23 =	simm.s32 $0x1;
	s26 =	simm.s32 $0xFA0;
	[dreg:$0x7] =	wrdreg s24  }
0x18: {  	s0 =	simm.s32 $0x4;
	[dreg:$0x8] =	wrdreg s10;
	s24 =	simm.s32 $0x7D0  }
.LBB2_1:
0x19: {  	s8 =	rddreg [dreg:$0x3]  }
0x1a: {  	s10 =	rddreg [dreg:$0x4];
	s8 =	sshrl.u32 s8, $0x3  }
0x1b: {  	[spmem:s8], [sflag:s9] =	dma.local [hbm:s10], $0x1870  }
0x1c: {  	_ =	swait.ge [sflag:s21], $0x1870  }
0x1d: {  	[sflag:s21] =	ssyncset.done $0x0  }
0x1e: {  	[sflag:s21] =	ssyncadd.s32 $0xFFFFE790  }
0x1f: {  	[bflag:$0x0] =	sbarrier.arrive $0xFFFF  }
0x20: {  	s13 =	rddreg [dreg:$0x5]  }
0x21: {  	[tilespmem:s3], [sflag:$0x1] =	stream.linear.gather [hbm4b:s13+s3], $0x3E8, $0x38;
	[tilespmem:$0x15020] =	vst v63  }
0x22: {  	s14 =	rddreg [dreg:$0x6]  }
0x23: {  	[tilespmem:s22], [sflag:$0x1] =	stream.linear.gather [hbm4b:s14+s3], $0x3E8, $0x38;
	[tilespmem:$0x15020] =	vst v63  }
0x24: {  	_ =	swait.ge [sflag:s23], $0x3E8  }
0x25: {  	[sflag:s23] =	ssyncset.done $0x0  }
0x26: {  	[sflag:s23] =	ssyncadd.s32 $0xFFFFFC18  }
0x27: {  	_ =	swait.ge [sflag:s23], $0x3E8  }
0x28: {  	[sflag:s23] =	ssyncset.done $0x0  }
0x29: {  	s11 =	rddreg [dreg:$0x7];
	[sflag:s23] =	ssyncadd.s32 $0xFFFFFC18  }
0x2a: {  	[tilespmem:s24], [sflag:$0x2] =	stream.linear.gather [hbm4b:s11+s3], $0x3E8, $0x38;
	[tilespmem:$0x15020] =	vst v63  }
0x2b: {  	s12 =	rddreg [dreg:$0x8]  }
0x2c: {  	[tilespmem:s25], [sflag:$0x2] =	stream.linear.gather [hbm4b:s12+s3], $0x3E8, $0x38;
	[tilespmem:$0x15020] =	vst v63  }
0x2d: {  	_ = 	snop  }
0x2e: {  	[tilespmem:s26], [sflag:$0x3] =	stream.indirect.gather [hbm4b:s4+s22], $0x10, s3, s22, $0xb8;
	[tilespmem:$0x15020] =	vst v63  }
0x2f: {  	_ =	swait.ge [sflag:s28], $0x3E80  }
0x30: {  	[sflag:s28] =	ssyncset.done $0x0  }
0x31: {  	[sflag:s28] =	ssyncadd.s32 $0xFFFFC180  }
0x32: {  	[spmem:s1] =	stream.indirect.scatter.add.f32 [tilespmem:s26], [sflag:$0x5], $0x10, s22, s22, $0xb8;
	[tilespmem:$0x15020] =	vst v63  }
0x33: {  	_ =	swait.ge [sflag:s29], $0x3E8  }
0x34: {  	[sflag:s29] =	ssyncset.done $0x0  }
0x35: {  	[sflag:s29] =	ssyncadd.s32 $0xFFFFFC18  }
0x36: {  	_ =	swait.ge [sflag:s29], $0x3E8  }
0x37: {  	[sflag:s29] =	ssyncset.done $0x0  }
0x38: {  	[sflag:s29] =	ssyncadd.s32 $0xFFFFFC18  }
0x39: {  	[tilespmem:s30], [sflag:$0x4] =	stream.indirect.gather [hbm4b:s4+s22], $0x10, s24, s22, $0xb8;
	[tilespmem:$0x15020] =	vst v63  }
0x3a: {  	_ =	swait.ge [sflag:s31], $0x3E80  }
0x3b: {  	s13 =	sshrl.u32 s20, $0x3;
	[sflag:s31] =	ssyncset.done $0x0  }
0x3c: {  	s11 =	sadd.s32 s5, s13;
	[sflag:s31] =	ssyncadd.s32 $0xFFFFC180  }
0x3d: {  	[tilespmem:s3], [sflag:$0x1] =	stream.linear.gather [hbm4b:s11+s3], $0x3E8, $0x38;
	[tilespmem:$0x15020] =	vst v63  }
0x3e: {  	s10 =	sadd.s32 s6, s13  }
0x3f: {  	[tilespmem:s22], [sflag:$0x1] =	stream.linear.gather [hbm4b:s10+s3], $0x3E8, $0x38;
	[tilespmem:$0x15020] =	vst v63  }
0x40: {  	_ =	swait.ge [sflag:s0], $0x3E80  }
0x41: {  	[sflag:s0] =	ssyncset.done $0x0  }
0x42: {  	[sflag:s0] =	ssyncadd.s32 $0xFFFFC180  }
0x43: {  	[spmem:s1] =	stream.indirect.scatter.add.f32 [tilespmem:s30], [sflag:$0x6], $0x10, s25, s22, $0xb8;
	[tilespmem:$0x15020] =	vst v63  }
0x44: {  	_ =	swait.ge [sflag:s23], $0x3E8  }
0x45: {  	[sflag:s23] =	ssyncset.done $0x0  }
0x46: {  	[sflag:s23] =	ssyncadd.s32 $0xFFFFFC18  }
0x47: {  	_ =	swait.ge [sflag:s23], $0x3E8  }
0x48: {  	[sflag:s23] =	ssyncset.done $0x0  }
0x49: {  	[sflag:s23] =	ssyncadd.s32 $0xFFFFFC18  }
0x4a: {  	[tilespmem:s26], [sflag:$0x3] =	stream.indirect.gather [hbm4b:s4+s22], $0x10, s3, s22, $0xb8;
	[tilespmem:$0x15020] =	vst v63  }
0x4b: {  	_ =	swait.ge [sflag:s2], $0x3E80  }
0x4c: {  	s14 =	sadd.s32 $0x0, s19;
	s12 =	sadd.s32 $0x0, s18;
	[sflag:s2] =	ssyncset.done $0x0  }
0x4d: {  	s11 =	sadd.s32 $0x7D0, s20;
	s10 =	simm.s32 $0xFA;
	[sflag:s2] =	ssyncadd.s32 $0xFFFFC180  }
0x4e: {  	[tilespmem:s24], [sflag:$0x2] =	stream.linear.gather [hbm4b:s14+s3], $0x3E8, $0x38;
	[tilespmem:$0x15020] =	vst v63  }
.LBB2_2:
0x4f: {  	[tilespmem:s25], [sflag:$0x2] =	stream.linear.gather [hbm4b:s12+s3], $0x3E8, $0x38;
	[tilespmem:$0x15020] =	vst v63  }
0x50: {  	s12 =	smov.u32 s10  }
0x51: {  	p0 =	sne.s32 s10, $0x9C4;
	s10 =	sadd.s32 $0xFA, s10;
	_ =	swait.ge [sflag:s28], $0x3E80  }
0x52: {  	[sflag:s28] =	ssyncset.done $0x0  }
0x53: {  	[sflag:s28] =	ssyncadd.s32 $0xFFFFC180  }
0x54: {  	[spmem:s1] =	stream.indirect.scatter.add.f32 [tilespmem:s26], [sflag:$0x5], $0x10, s22, s22, $0xb8;
	[tilespmem:$0x15020] =	vst v63  }
0x55: {  	_ =	swait.ge [sflag:s29], $0x3E8  }
0x56: {  	[sflag:s29] =	ssyncset.done $0x0  }
0x57: {  	[sflag:s29] =	ssyncadd.s32 $0xFFFFFC18  }
0x58: {  	_ =	swait.ge [sflag:s29], $0x3E8  }
0x59: {  	[sflag:s29] =	ssyncset.done $0x0  }
0x5a: {  	[sflag:s29] =	ssyncadd.s32 $0xFFFFFC18  }
0x5b: {  	[tilespmem:s30], [sflag:$0x4] =	stream.indirect.gather [hbm4b:s4+s22], $0x10, s24, s22, $0xb8;
	[tilespmem:$0x15020] =	vst v63  }
0x5c: {  	_ =	swait.ge [sflag:s31], $0x3E80  }
0x5d: {  	s13 =	sshrl.u32 s11, $0x3;
	[sflag:s31] =	ssyncset.done $0x0  }
0x5e: {  	s14 =	sadd.s32 s5, s13;
	[sflag:s31] =	ssyncadd.s32 $0xFFFFC180  }
0x5f: {  	[tilespmem:s3], [sflag:$0x1] =	stream.linear.gather [hbm4b:s14+s3], $0x3E8, $0x38;
	[tilespmem:$0x15020] =	vst v63  }
0x60: {  	s13 =	sadd.s32 s6, s13  }
0x61: {  	[tilespmem:s22], [sflag:$0x1] =	stream.linear.gather [hbm4b:s13+s3], $0x3E8, $0x38;
	[tilespmem:$0x15020] =	vst v63  }
0x62: {  	_ =	swait.ge [sflag:s0], $0x3E80  }
0x63: {  	[sflag:s0] =	ssyncset.done $0x0  }
0x64: {  	[sflag:s0] =	ssyncadd.s32 $0xFFFFC180  }
0x65: {  	[spmem:s1] =	stream.indirect.scatter.add.f32 [tilespmem:s30], [sflag:$0x6], $0x10, s25, s22, $0xb8;
	[tilespmem:$0x15020] =	vst v63  }
0x66: {  	_ =	swait.ge [sflag:s23], $0x3E8  }
0x67: {  	[sflag:s23] =	ssyncset.done $0x0  }
0x68: {  	[sflag:s23] =	ssyncadd.s32 $0xFFFFFC18  }
0x69: {  	_ =	swait.ge [sflag:s23], $0x3E8  }
0x6a: {  	[sflag:s23] =	ssyncset.done $0x0  }
0x6b: {  	[sflag:s23] =	ssyncadd.s32 $0xFFFFFC18  }
0x6c: {  	[tilespmem:s26], [sflag:$0x3] =	stream.indirect.gather [hbm4b:s4+s22], $0x10, s3, s22, $0xb8;
	[tilespmem:$0x15020] =	vst v63  }
.Ltmp0:
0x6d: {  	_ =	swait.ge [sflag:s2], $0x3E80;
	(pc) =	sbr.rel @p0 .LBB2_2-.Ltmp0, $4  }
0x6e: {  	[sflag:s2] =	ssyncset.done $0x0  }
0x6f: {  	s13 =	sadd.s32 s12, s19;
	[sflag:s2] =	ssyncadd.s32 $0xFFFFC180  }
0x70: {  	[tilespmem:s24], [sflag:$0x2] =	stream.linear.gather [hbm4b:s13+s3], $0x3E8, $0x38;
	[tilespmem:$0x15020] =	vst v63  }
0x71: {  	s11 =	sadd.s32 $0x7D0, s11;
	s12 =	sadd.s32 s12, s18  }
0x72: {  	[tilespmem:s25], [sflag:$0x2] =	stream.linear.gather [hbm4b:s12+s3], $0x3E8, $0x38;
	[tilespmem:$0x15020] =	vst v63  }
0x73: {  	_ =	swait.ge [sflag:s28], $0x3E80  }
0x74: {  	[sflag:s28] =	ssyncset.done $0x0  }
0x75: {  	[sflag:s28] =	ssyncadd.s32 $0xFFFFC180  }
0x76: {  	[spmem:s1] =	stream.indirect.scatter.add.f32 [tilespmem:s26], [sflag:$0x5], $0x10, s22, s22, $0xb8;
	[tilespmem:$0x15020] =	vst v63  }
0x77: {  	_ =	swait.ge [sflag:s29], $0x3E8  }
0x78: {  	[sflag:s29] =	ssyncset.done $0x0  }
0x79: {  	[sflag:s29] =	ssyncadd.s32 $0xFFFFFC18  }
0x7a: {  	_ =	swait.ge [sflag:s29], $0x3E8  }
0x7b: {  	[sflag:s29] =	ssyncset.done $0x0  }
0x7c: {  	[sflag:s29] =	ssyncadd.s32 $0xFFFFFC18  }
0x7d: {  	[tilespmem:s30], [sflag:$0x4] =	stream.indirect.gather [hbm4b:s4+s22], $0x10, s24, s22, $0xb8;
	[tilespmem:$0x15020] =	vst v63  }
0x7e: {  	_ =	swait.ge [sflag:s31], $0x3E80  }
0x7f: {  	[sflag:s31] =	ssyncset.done $0x0  }
0x80: {  	[sflag:s31] =	ssyncadd.s32 $0xFFFFC180  }
0x81: {  	[tilespmem:s3], [sflag:$0x1] =	stream.linear.gather [hbm4b:s16+s3], $0x3E8, $0x38;
	[tilespmem:$0x15020] =	vst v63  }
0x82: {  	_ = 	snop  }
0x83: {  	[tilespmem:s22], [sflag:$0x1] =	stream.linear.gather [hbm4b:s17+s3], $0x3E8, $0x38;
	[tilespmem:$0x15020] =	vst v63  }
0x84: {  	_ =	swait.ge [sflag:s0], $0x3E80  }
0x85: {  	[sflag:s0] =	ssyncset.done $0x0  }
0x86: {  	[sflag:s0] =	ssyncadd.s32 $0xFFFFC180  }
0x87: {  	[spmem:s1] =	stream.indirect.scatter.add.f32 [tilespmem:s30], [sflag:$0x6], $0x10, s25, s22, $0xb8;
	[tilespmem:$0x15020] =	vst v63  }
0x88: {  	_ =	swait.ge [sflag:s23], $0x3E8  }
0x89: {  	[sflag:s23] =	ssyncset.done $0x0  }
0x8a: {  	[sflag:s23] =	ssyncadd.s32 $0xFFFFFC18  }
0x8b: {  	_ =	swait.ge [sflag:s23], $0x3E8  }
0x8c: {  	[sflag:s23] =	ssyncset.done $0x0  }
0x8d: {  	[sflag:s23] =	ssyncadd.s32 $0xFFFFFC18  }
0x8e: {  	[tilespmem:s26], [sflag:$0x3] =	stream.indirect.gather [hbm4b:s4+s22], $0x10, s3, s22, $0xb8;
	[tilespmem:$0x15020] =	vst v63  }
0x8f: {  	_ =	swait.ge [sflag:s2], $0x3E80  }
0x90: {  	[sflag:s2] =	ssyncset.done $0x0  }
0x91: {  	[sflag:s2] =	ssyncadd.s32 $0xFFFFC180  }
0x92: {  	[tilespmem:s24], [sflag:$0x2] =	stream.linear.gather [hbm4b:s16+s3], $0x3E8, $0x38;
	[tilespmem:$0x15020] =	vst v63  }
0x93: {  	_ = 	snop  }
0x94: {  	[tilespmem:s25], [sflag:$0x2] =	stream.linear.gather [hbm4b:s17+s3], $0x3E8, $0x38;
	[tilespmem:$0x15020] =	vst v63  }
0x95: {  	_ =	swait.ge [sflag:s28], $0x3E80  }
0x96: {  	[sflag:s28] =	ssyncset.done $0x0  }
0x97: {  	[sflag:s28] =	ssyncadd.s32 $0xFFFFC180  }
0x98: {  	[spmem:s1] =	stream.indirect.scatter.add.f32 [tilespmem:s26], [sflag:$0x5], $0x10, s22, s22, $0xb8;
	[tilespmem:$0x15020] =	vst v63  }
0x99: {  	_ =	swait.ge [sflag:s31], $0x3E80  }
0x9a: {  	[sflag:s31] =	ssyncset.done $0x0  }
0x9b: {  	[sflag:s31] =	ssyncadd.s32 $0xFFFFC180  }
0x9c: {  	_ =	swait.ge [sflag:s29], $0x3E8  }
0x9d: {  	[sflag:s29] =	ssyncset.done $0x0  }
0x9e: {  	[sflag:s29] =	ssyncadd.s32 $0xFFFFFC18  }
0x9f: {  	_ =	swait.ge [sflag:s29], $0x3E8  }
0xa0: {  	[sflag:s29] =	ssyncset.done $0x0  }
0xa1: {  	s7 =	sadd.s32 $0x1, s7;
	[sflag:s29] =	ssyncadd.s32 $0xFFFFFC18  }
0xa2: {  	p0 =	sne.s32 s7, s15;
	[bflag:$0x0] =	sbarrier.arrive $0xFFFF  }
.Ltmp1:
0xa3: {  	s10 =	rddreg [dreg:$0x9];
	(pc) =	sbr.rel @p0 .LBB2_1-.Ltmp1, $4  }
0xa4: {  	[hbm:s10], [sflag:s9] =	dma.local [spmem:s8], $0x1870  }
0xa5: {  	_ =	swait.ge [sflag:s21], $0x1870  }
0xa6: {  	[sflag:s21] =	ssyncset.done $0x0  }
0xa7: {  	[sflag:s21] =	ssyncadd.s32 $0xFFFFE790  }
0xa8: {  	_ =	sfence.sel $0x180000  }
0xa9: {  	[bflag:$0x0] =	sbarrier.arrive $0xFFFF  }
0xaa: {  	_ =	strace $0x90000053  }
0xab: {  	s0 =	stileid.u32;
	[bflag:$0x2] =	sbarrier.arrive $0xFFFF  }
0xac: {  	p0 =	sne.s32 s0, $0x0;
	s0 =	rddreg [dreg:$0x2]  }
0xad: {  	s0 =	sadd.s32 @!p0 $0x100000, s0  }
0xae: {  	[sflag:s0] =	ssyncadd.tile.s32 @!p0 $0x1;
	_ =	shalt  }
.Lfunc_end2:
_tile_overlayer_lowered:
.L_overlay_start_2:
0xaf: {  	(tag) =	ssettag $0x2  }
0xb0: {  	s0 =	rddreg [dreg:$0x0];
	s2 =	stileid.u32  }
0xb1: {  	s1 =	rddreg [dreg:$0x1];
	p0 =	sne.s32 s2, $0x0  }
0xb2: {  	s3 =	rddreg [dreg:$0x2];
	[bflag:$0x3] =	sbarrier.arrive $0xFFFF;
	s2 =	simm.s32 @!p0 $0x1C07  }
0xb3: {  	[timem:s3], [sflag:s2] =	dma.local @!p0 [hbm:s0], s1  }
0xb4: {  	s0 =	simm.s32 @!p0 $0x7  }
0xb5: {  	_ =	swait.ge @!p0 [sflag:s0], s1  }
0xb6: {  	s1 =	ssub.s32 @!p0 $0x0, s1;
	[sflag:s0] =	ssyncset.done @!p0 $0x0  }
0xb7: {  	[sflag:s0] =	ssyncadd.s32 @!p0 s1  }
0xb8: {  	[bflag:$0x3] =	sbarrier.arrive $0xFFFF  }
0xb9: {  	_ =	shalt  }

</sc_bundles>
